<compile_context>
chip_gen: v7x
topology: tpu7x:2x2x1
jax: 0.10.2.dev20260603
libtpu: 0.0.44.dev20260713+nightly
codegen_flags: <defaults>
</compile_context>

<pallas_src>
import dataclasses
import functools

import jax
import jax.numpy as jnp
from jax import lax
from jax.experimental import pallas as pl
from jax.experimental.pallas import tpu as pltpu
from jax.experimental.pallas import tpu_sc as plsc

NC = 2
NS = 16
NW = NC * NS
C = 64
NB = 4
DUMMY = 16


def _mesh():
    return plsc.VectorSubcoreMesh(
        core_axis_name="c", subcore_axis_name="s", num_cores=NC, num_subcores=NS
    )


def _deg_kernel(cols3, nacc, k):

    @functools.partial(
        pl.kernel,
        out_type=jax.ShapeDtypeStruct((NW * nacc,), jnp.float32),
        mesh=_mesh(),
        scratch_types=[
            pltpu.VMEM((k, C), jnp.int32),
            pltpu.VMEM((nacc,), jnp.float32),
        ],
        compiler_params=dataclasses.replace(
            pltpu.CompilerParams(), needs_layout_passes=False
        ),
    )
    def kern(cols_hbm, out_hbm, colv, hist):
        c = lax.axis_index("c")
        s = lax.axis_index("s")
        wid = s * NC + c
        pltpu.sync_copy(cols_hbm.at[wid], colv)

        @pl.loop(0, nacc // 64)
        def _(i):
            for u in range(4):
                hist[pl.ds(i * 64 + u * 16, 16)] = jnp.zeros((16,), jnp.float32)

        ones = jnp.ones((16,), jnp.float32)

        @pl.loop(0, k)
        def _(kk):
            for j in range(C // 16):
                idx = colv[kk, pl.ds(j * 16, 16)]
                plsc.addupdate_scatter(hist, [idx], ones)

        pltpu.sync_copy(hist, out_hbm.at[pl.ds(wid * nacc, nacc)])

    return kern(cols3)


def _agg_kernel(y, rows3, cols3, zeros, nacc, k, d):
    rpt = nacc // NS
    qk = k // 4

    @functools.partial(
        pl.kernel,
        out_type=jax.ShapeDtypeStruct((NC, nacc, d), jnp.float32),
        mesh=_mesh(),
        scratch_types=[
            pltpu.VMEM((qk, C), jnp.int32),
            pltpu.VMEM((qk, C), jnp.int32),
            [pltpu.VMEM((C, d), jnp.float32)] * NB,
            pltpu.VMEM_SHARED((nacc, d), jnp.float32),
            [pltpu.SemaphoreType.DMA] * NB,
        ],
    )
    def kern(y_hbm, rows_hbm, cols_hbm, zeros_hbm, out_hbm,
             rowv, colv, bufs, acc, sems):
        c = lax.axis_index("c")
        s = lax.axis_index("s")
        wid = s * NC + c
        pltpu.sync_copy(zeros_hbm, acc.at[pl.ds(s * rpt, rpt)])
        plsc.subcore_barrier()

        for q in range(4):
            pltpu.sync_copy(rows_hbm.at[wid, pl.ds(q * qk, qk)], rowv)
            pltpu.sync_copy(cols_hbm.at[wid, pl.ds(q * qk, qk)], colv)

            for j in range(NB - 1):
                pltpu.async_copy(y_hbm.at[rowv.at[j]], bufs[j], sems[j])

            @pl.loop(0, qk // NB)
            def _(g):
                for j in range(NB):
                    b = g * NB + j
                    m = (j + NB - 1) % NB
                    bn = jnp.minimum(b + NB - 1, qk - 1)
                    pltpu.async_copy(y_hbm.at[rowv.at[bn]], bufs[m], sems[m])
                    pltpu.make_async_copy(
                        y_hbm.at[rowv.at[b]], bufs[j], sems[j]
                    ).wait()
                    pltpu.sync_copy(bufs[j], acc.at[colv.at[b]], add=True)

            for m in range(NB - 1):
                pltpu.make_async_copy(
                    y_hbm.at[rowv.at[qk - 1]], bufs[m], sems[m]
                ).wait()

        plsc.subcore_barrier()
        pltpu.sync_copy(
            acc.at[pl.ds(s * rpt, rpt)], out_hbm.at[c, pl.ds(s * rpt, rpt)]
        )

    return kern(y, rows3, cols3, zeros)


def _tc_scale0(d2, x):
    n, d = x.shape

    def body(d_ref, x_ref, y_ref):
        deg = jnp.sum(d_ref[...], axis=0) + 1.0
        dis = lax.rsqrt(deg)
        y_ref[...] = x_ref[...] * dis[:, None]

    return pl.pallas_call(
        body, out_shape=jax.ShapeDtypeStruct((n, d), jnp.float32)
    )(d2, x)


def _tc_scale1(d2, sp, y0):
    n, d = y0.shape

    def body(d_ref, s_ref, y0_ref, out_ref):
        deg = jnp.sum(d_ref[...], axis=0) + 1.0
        t = s_ref[0, pl.ds(0, n), :] + s_ref[1, pl.ds(0, n), :] + y0_ref[...]
        out_ref[...] = t * (1.0 / deg)[:, None]

    return pl.pallas_call(
        body, out_shape=jax.ShapeDtypeStruct((n, d), jnp.float32)
    )(d2, sp, y0)


def _tc_final(d2, sp, y1, W, b):
    n, d = y1.shape

    def body(d_ref, s_ref, y1_ref, w_ref, b_ref, out_ref):
        deg = jnp.sum(d_ref[...], axis=0) + 1.0
        dis = lax.rsqrt(deg)
        t = s_ref[0, pl.ds(0, n), :] + s_ref[1, pl.ds(0, n), :] + y1_ref[...]
        t = t * dis[:, None]
        out_ref[...] = (
            lax.dot_general(
                t, w_ref[...], (((1,), (1,)), ((), ())),
                preferred_element_type=jnp.float32,
            )
            + b_ref[...][None, :]
        )

    return pl.pallas_call(
        body, out_shape=jax.ShapeDtypeStruct((n, W.shape[0]), jnp.float32)
    )(d2, sp, y1, W, b)


def kernel(x, edge_index, W, b):
    n, d = x.shape
    e = edge_index.shape[1]

    k = -(-e // (NW * C))
    k = -(-k // (4 * NB)) * (4 * NB)
    e_pad = NW * C * k
    pad = e_pad - e
    nacc = -(-(n + DUMMY) // (NS * 8)) * (NS * 8)
    rpt = nacc // NS

    row = edge_index[0].astype(jnp.int32)
    col = edge_index[1].astype(jnp.int32)
    ar = jnp.arange(pad, dtype=jnp.int32)
    rowp = jnp.concatenate([row, (ar * 37) % n])
    colp = jnp.concatenate([col, n + (ar % DUMMY)])
    rows3 = rowp.reshape(NW, k, C)
    cols3 = colp.reshape(NW, k, C)

    zerosd = jnp.zeros((rpt, d), jnp.float32)

    degp = _deg_kernel(cols3, nacc, k)
    d2 = degp.reshape(NW, nacc)[:, :n]

    y0 = _tc_scale0(d2, x)
    s1 = _agg_kernel(y0, rows3, cols3, zerosd, nacc, k, d)
    y1 = _tc_scale1(d2, s1, y0)
    s2 = _agg_kernel(y1, rows3, cols3, zerosd, nacc, k, d)
    return _tc_final(d2, s2, y1, W, b)

# --- scband reference (transcript-rebuilt; emitter-appended) ---
"""Pipeline reference for scband-sgc-gen-69286412419512 (READ-ONLY COPY).

The authoritative reference and input builder live on the scoring server;
editing this copy changes nothing except your own understanding.
"""

import jax, jax.numpy as jnp
import numpy as np

N_NODES = 10000
N_EDGES = 320000
D_IN = 128
D_OUT = 128
HOPS = 2

def setup_inputs(seed: int = 0) -> dict:
    key = jax.random.key(seed)
    k1, k2, k3, k4 = jax.random.split(key, 4)
    x = jax.random.normal(k1, (N_NODES, D_IN), dtype=jnp.float32)
    edge_index = jax.random.randint(k2, (2, N_EDGES), 0, N_NODES, dtype=jnp.int64)
    # SGConv has a single Linear(in_channels, out_channels) with bias
    W = jax.random.normal(k3, (D_OUT, D_IN), dtype=jnp.float32) * (1.0 / np.sqrt(D_IN))
    b = jax.random.normal(k4, (D_OUT,), dtype=jnp.float32) * 0.01
    return {"x": x, "edge_index": edge_index, "W": W, "b": b}

def reference(x, edge_index, W, b):
    # SGConv: (D^{-1/2} (A + I) D^{-1/2})^K x, then linear.
    N = x.shape[0]
    row = edge_index[0]
    col = edge_index[1]
    # gcn_norm with added self-loops
    loop = jnp.arange(N, dtype=edge_index.dtype)
    row = jnp.concatenate([row, loop])
    col = jnp.concatenate([col, loop])
    ew = jnp.ones(row.shape[0], dtype=x.dtype)
    deg = jnp.zeros((N,), dtype=x.dtype).at[col].add(ew)
    deg_inv_sqrt = jnp.where(deg > 0, jax.lax.rsqrt(jnp.where(deg > 0, deg, 1.0)), 0.0)
    norm = deg_inv_sqrt[row] * ew * deg_inv_sqrt[col]
    h = x
    for _ in range(HOPS):
        msg = h[row] * norm[:, None]          # gather from source nodes
        h = jnp.zeros_like(h).at[col].add(msg)  # scatter-add to target nodes
    return h @ W.T + b

if __name__ == "__main__":
    import jax
    _d = setup_inputs()
    print(jax.jit(kernel)(*tuple(_d.values())))

</pallas_src>

<mosaic_0001>
#map = affine_map<(d0, d1) -> (0, 0)>
#map1 = affine_map<(d0, d1) -> (0, 0, 0)>
module attributes {stable_mosaic.version = 14 : i64} {
  func.func @kern(%arg0: i32, %arg1: i32, %arg2: memref<10000x128xf32, #tpu.memory_space<hbm>>, %arg3: memref<32x160x64xi32, #tpu.memory_space<hbm>>, %arg4: memref<32x160x64xi32, #tpu.memory_space<hbm>>, %arg5: memref<632x128xf32, #tpu.memory_space<hbm>>, %arg6: memref<2x10112x128xf32, #tpu.memory_space<hbm>>, %arg7: memref<40x64xi32, #tpu.memory_space<vmem>>, %arg8: memref<40x64xi32, #tpu.memory_space<vmem>>, %arg9: memref<64x128xf32, #tpu.memory_space<vmem>>, %arg10: memref<64x128xf32, #tpu.memory_space<vmem>>, %arg11: memref<64x128xf32, #tpu.memory_space<vmem>>, %arg12: memref<64x128xf32, #tpu.memory_space<vmem>>, %arg13: memref<10112x128xf32, #tpu.memory_space<vmem_shared>>, %arg14: memref<!tpu.dma_semaphore, #tpu.memory_space<semaphore_mem>>, %arg15: memref<!tpu.dma_semaphore, #tpu.memory_space<semaphore_mem>>, %arg16: memref<!tpu.dma_semaphore, #tpu.memory_space<semaphore_mem>>, %arg17: memref<!tpu.dma_semaphore, #tpu.memory_space<semaphore_mem>>) attributes {dimension_semantics = [#tpu.dimension_semantics<core_parallel>, #tpu.dimension_semantics<subcore_parallel>], iteration_bounds = array<i64: 2, 16>, scalar_prefetch = 0 : i64, scratch_operands = 11 : i64, tpu.core_type = #tpu.core_type<sc_vector_subcore>, window_params = [{transform_indices = #map}, {transform_indices = #map1}, {transform_indices = #map1}, {transform_indices = #map}, {transform_indices = #map1}]} {
    %mul3A = arith.constant 2 : i32
    %mul3A_0 = arith.muli %arg1, %mul3A : i32
    %add3A = arith.addi %mul3A_0, %arg0 : i32
    %mul3A_1 = arith.constant 632 : i32
    %mul3A_2 = arith.muli %arg1, %mul3A_1 : i32
    "tpu.region"() ({
      %run_scoped3A = tpu.sem_alloc : memref<!tpu.dma_semaphore, #tpu.memory_space<semaphore_mem>>
      %dma_start3A_193 = arith.constant 0 : i32
      %dma_start3A_194 = tpu.memref_slice %arg13[%mul3A_2, %dma_start3A_193] : memref<10112x128xf32, #tpu.memory_space<vmem_shared>> -> memref<632x128xf32, #tpu.memory_space<vmem_shared>>
      tpu.enqueue_dma source(%arg5 : memref<632x128xf32, #tpu.memory_space<hbm>>) target(%dma_start3A_194 : memref<632x128xf32, #tpu.memory_space<vmem_shared>>) target_semaphore(%run_scoped3A : memref<!tpu.dma_semaphore, #tpu.memory_space<semaphore_mem>>)
      %dma_wait3A_195 = arith.constant 0 : i32
      %dma_wait3A_196 = tpu.memref_slice %arg13[%mul3A_2, %dma_wait3A_195] : memref<10112x128xf32, #tpu.memory_space<vmem_shared>> -> memref<632x128xf32, #tpu.memory_space<vmem_shared>>
      tpu.wait_dma2 semaphore(%run_scoped3A : memref<!tpu.dma_semaphore, #tpu.memory_space<semaphore_mem>>) src(%arg5 : memref<632x128xf32, #tpu.memory_space<hbm>>) dst(%dma_wait3A_196 : memref<632x128xf32, #tpu.memory_space<vmem_shared>>)
      tpu.yield
    }) : () -> ()
    %barrier3A = arith.constant 0 : index
    tpu.barrier barrier_id(%barrier3A)
    "tpu.region"() ({
      %run_scoped3A = tpu.sem_alloc : memref<!tpu.dma_semaphore, #tpu.memory_space<semaphore_mem>>
      %dma_start3A_193 = arith.constant 0 : i32
      %dma_start3A_194 = arith.constant 0 : i32
      %dma_start3A_195 = tpu.memref_slice %arg3[%add3A, %dma_start3A_193, %dma_start3A_194] : memref<32x160x64xi32, #tpu.memory_space<hbm>> -> memref<1x40x64xi32, #tpu.memory_space<hbm>>
      %dma_start3A_196 = tpu.memref_squeeze %dma_start3A_195 : memref<1x40x64xi32, #tpu.memory_space<hbm>> -> memref<40x64xi32, #tpu.memory_space<hbm>>
      %dma_start3A_197 = arith.constant 0 : i32
      %dma_start3A_198 = arith.constant 0 : i32
      %dma_start3A_199 = tpu.memref_slice %arg3[%add3A, %dma_start3A_197, %dma_start3A_198] : memref<32x160x64xi32, #tpu.memory_space<hbm>> -> memref<1x40x64xi32, #tpu.memory_space<hbm>>
      %dma_start3A_200 = tpu.memref_squeeze %dma_start3A_199 : memref<1x40x64xi32, #tpu.memory_space<hbm>> -> memref<40x64xi32, #tpu.memory_space<hbm>>
      tpu.enqueue_dma source(%dma_start3A_200 : memref<40x64xi32, #tpu.memory_space<hbm>>) target(%arg7 : memref<40x64xi32, #tpu.memory_space<vmem>>) target_semaphore(%run_scoped3A : memref<!tpu.dma_semaphore, #tpu.memory_space<semaphore_mem>>)
      %dma_wait3A_201 = arith.constant 0 : i32
      %dma_wait3A_202 = arith.constant 0 : i32
      %dma_wait3A_203 = tpu.memref_slice %arg3[%add3A, %dma_wait3A_201, %dma_wait3A_202] : memref<32x160x64xi32, #tpu.memory_space<hbm>> -> memref<1x40x64xi32, #tpu.memory_space<hbm>>
      %dma_wait3A_204 = tpu.memref_squeeze %dma_wait3A_203 : memref<1x40x64xi32, #tpu.memory_space<hbm>> -> memref<40x64xi32, #tpu.memory_space<hbm>>
      %dma_wait3A_205 = arith.constant 0 : i32
      %dma_wait3A_206 = arith.constant 0 : i32
      %dma_wait3A_207 = tpu.memref_slice %arg3[%add3A, %dma_wait3A_205, %dma_wait3A_206] : memref<32x160x64xi32, #tpu.memory_space<hbm>> -> memref<1x40x64xi32, #tpu.memory_space<hbm>>
      %dma_wait3A_208 = tpu.memref_squeeze %dma_wait3A_207 : memref<1x40x64xi32, #tpu.memory_space<hbm>> -> memref<40x64xi32, #tpu.memory_space<hbm>>
      tpu.wait_dma2 semaphore(%run_scoped3A : memref<!tpu.dma_semaphore, #tpu.memory_space<semaphore_mem>>) src(%dma_wait3A_208 : memref<40x64xi32, #tpu.memory_space<hbm>>) dst(%arg7 : memref<40x64xi32, #tpu.memory_space<vmem>>)
      tpu.yield
    }) : () -> ()
    "tpu.region"() ({
      %run_scoped3A = tpu.sem_alloc : memref<!tpu.dma_semaphore, #tpu.memory_space<semaphore_mem>>
      %dma_start3A_193 = arith.constant 0 : i32
      %dma_start3A_194 = arith.constant 0 : i32
      %dma_start3A_195 = tpu.memref_slice %arg4[%add3A, %dma_start3A_193, %dma_start3A_194] : memref<32x160x64xi32, #tpu.memory_space<hbm>> -> memref<1x40x64xi32, #tpu.memory_space<hbm>>
      %dma_start3A_196 = tpu.memref_squeeze %dma_start3A_195 : memref<1x40x64xi32, #tpu.memory_space<hbm>> -> memref<40x64xi32, #tpu.memory_space<hbm>>
      %dma_start3A_197 = arith.constant 0 : i32
      %dma_start3A_198 = arith.constant 0 : i32
      %dma_start3A_199 = tpu.memref_slice %arg4[%add3A, %dma_start3A_197, %dma_start3A_198] : memref<32x160x64xi32, #tpu.memory_space<hbm>> -> memref<1x40x64xi32, #tpu.memory_space<hbm>>
      %dma_start3A_200 = tpu.memref_squeeze %dma_start3A_199 : memref<1x40x64xi32, #tpu.memory_space<hbm>> -> memref<40x64xi32, #tpu.memory_space<hbm>>
      tpu.enqueue_dma source(%dma_start3A_200 : memref<40x64xi32, #tpu.memory_space<hbm>>) target(%arg8 : memref<40x64xi32, #tpu.memory_space<vmem>>) target_semaphore(%run_scoped3A : memref<!tpu.dma_semaphore, #tpu.memory_space<semaphore_mem>>)
      %dma_wait3A_201 = arith.constant 0 : i32
      %dma_wait3A_202 = arith.constant 0 : i32
      %dma_wait3A_203 = tpu.memref_slice %arg4[%add3A, %dma_wait3A_201, %dma_wait3A_202] : memref<32x160x64xi32, #tpu.memory_space<hbm>> -> memref<1x40x64xi32, #tpu.memory_space<hbm>>
      %dma_wait3A_204 = tpu.memref_squeeze %dma_wait3A_203 : memref<1x40x64xi32, #tpu.memory_space<hbm>> -> memref<40x64xi32, #tpu.memory_space<hbm>>
      %dma_wait3A_205 = arith.constant 0 : i32
      %dma_wait3A_206 = arith.constant 0 : i32
      %dma_wait3A_207 = tpu.memref_slice %arg4[%add3A, %dma_wait3A_205, %dma_wait3A_206] : memref<32x160x64xi32, #tpu.memory_space<hbm>> -> memref<1x40x64xi32, #tpu.memory_space<hbm>>
      %dma_wait3A_208 = tpu.memref_squeeze %dma_wait3A_207 : memref<1x40x64xi32, #tpu.memory_space<hbm>> -> memref<40x64xi32, #tpu.memory_space<hbm>>
      tpu.wait_dma2 semaphore(%run_scoped3A : memref<!tpu.dma_semaphore, #tpu.memory_space<semaphore_mem>>) src(%dma_wait3A_208 : memref<40x64xi32, #tpu.memory_space<hbm>>) dst(%arg8 : memref<40x64xi32, #tpu.memory_space<vmem>>)
      tpu.yield
    }) : () -> ()
    %dma_start3A = arith.constant 0 : i32
    %dma_start3A_3 = arith.constant 0 : i32
    %dma_start3A_4 = tpu.memref_slice %arg7[%dma_start3A, %dma_start3A_3] : memref<40x64xi32, #tpu.memory_space<vmem>> -> memref<1x64xi32, #tpu.memory_space<vmem>>
    %dma_start3A_5 = tpu.memref_squeeze %dma_start3A_4 : memref<1x64xi32, #tpu.memory_space<vmem>> -> memref<64xi32, #tpu.memory_space<vmem>>
    %dma_start3A_6 = arith.constant 0 : i32
    %dma_start3A_7 = arith.constant 0 : i32
    %dma_start3A_8 = tpu.memref_slice %arg2[%dma_start3A_6, %dma_start3A_7] : memref<10000x128xf32, #tpu.memory_space<hbm>> -> memref<10000x128xf32, #tpu.memory_space<hbm>>
    tpu.enqueue_indirect_dma source(%dma_start3A_8 : memref<10000x128xf32, #tpu.memory_space<hbm>>) target(%arg9 : memref<64x128xf32, #tpu.memory_space<vmem>>) offsets(%dma_start3A_5 : memref<64xi32, #tpu.memory_space<vmem>>) semaphore(%arg14 : memref<!tpu.dma_semaphore, #tpu.memory_space<semaphore_mem>>)
    %dma_start3A_9 = arith.constant 1 : i32
    %dma_start3A_10 = arith.constant 0 : i32
    %dma_start3A_11 = tpu.memref_slice %arg7[%dma_start3A_9, %dma_start3A_10] : memref<40x64xi32, #tpu.memory_space<vmem>> -> memref<1x64xi32, #tpu.memory_space<vmem>>
    %dma_start3A_12 = tpu.memref_squeeze %dma_start3A_11 : memref<1x64xi32, #tpu.memory_space<vmem>> -> memref<64xi32, #tpu.memory_space<vmem>>
    %dma_start3A_13 = arith.constant 0 : i32
    %dma_start3A_14 = arith.constant 0 : i32
    %dma_start3A_15 = tpu.memref_slice %arg2[%dma_start3A_13, %dma_start3A_14] : memref<10000x128xf32, #tpu.memory_space<hbm>> -> memref<10000x128xf32, #tpu.memory_space<hbm>>
    tpu.enqueue_indirect_dma source(%dma_start3A_15 : memref<10000x128xf32, #tpu.memory_space<hbm>>) target(%arg10 : memref<64x128xf32, #tpu.memory_space<vmem>>) offsets(%dma_start3A_12 : memref<64xi32, #tpu.memory_space<vmem>>) semaphore(%arg15 : memref<!tpu.dma_semaphore, #tpu.memory_space<semaphore_mem>>)
    %dma_start3A_16 = arith.constant 2 : i32
    %dma_start3A_17 = arith.constant 0 : i32
    %dma_start3A_18 = tpu.memref_slice %arg7[%dma_start3A_16, %dma_start3A_17] : memref<40x64xi32, #tpu.memory_space<vmem>> -> memref<1x64xi32, #tpu.memory_space<vmem>>
    %dma_start3A_19 = tpu.memref_squeeze %dma_start3A_18 : memref<1x64xi32, #tpu.memory_space<vmem>> -> memref<64xi32, #tpu.memory_space<vmem>>
    %dma_start3A_20 = arith.constant 0 : i32
    %dma_start3A_21 = arith.constant 0 : i32
    %dma_start3A_22 = tpu.memref_slice %arg2[%dma_start3A_20, %dma_start3A_21] : memref<10000x128xf32, #tpu.memory_space<hbm>> -> memref<10000x128xf32, #tpu.memory_space<hbm>>
    tpu.enqueue_indirect_dma source(%dma_start3A_22 : memref<10000x128xf32, #tpu.memory_space<hbm>>) target(%arg11 : memref<64x128xf32, #tpu.memory_space<vmem>>) offsets(%dma_start3A_19 : memref<64xi32, #tpu.memory_space<vmem>>) semaphore(%arg16 : memref<!tpu.dma_semaphore, #tpu.memory_space<semaphore_mem>>)
    %scan3A = arith.constant 0 : i32
    %scan3A_23 = arith.constant 10 : i32
    %scan3A_24 = arith.addi %scan3A, %scan3A_23 : i32
    %scan3A_25 = arith.constant 1 : i32
    scf.for %scan3A_193 = %scan3A to %scan3A_24 step %scan3A_25  : i32 {
      %mul3A_194 = arith.constant 1 : i32
      %mul3A_195 = arith.muli %scan3A_193, %mul3A_194 : i32
      %add3A_196 = arith.constant 0 : i32
      %add3A_197 = arith.addi %add3A_196, %mul3A_195 : i32
      %mul3A_198 = arith.constant 4 : i32
      %mul3A_199 = arith.muli %add3A_197, %mul3A_198 : i32
      %add3A_200 = arith.constant 0 : i32
      %add3A_201 = arith.addi %mul3A_199, %add3A_200 : i32
      %add3A_202 = arith.constant 4 : i32
      %add3A_203 = arith.addi %add3A_201, %add3A_202 : i32
      %sub3A = arith.constant 1 : i32
      %sub3A_204 = arith.subi %add3A_203, %sub3A : i32
      %min3A = arith.constant 39 : i32
      %min3A_205 = arith.minsi %sub3A_204, %min3A : i32
      %dma_start3A_206 = arith.constant 0 : i32
      %dma_start3A_207 = tpu.memref_slice %arg7[%min3A_205, %dma_start3A_206] : memref<40x64xi32, #tpu.memory_space<vmem>> -> memref<1x64xi32, #tpu.memory_space<vmem>>
      %dma_start3A_208 = tpu.memref_squeeze %dma_start3A_207 : memref<1x64xi32, #tpu.memory_space<vmem>> -> memref<64xi32, #tpu.memory_space<vmem>>
      %dma_start3A_209 = arith.constant 0 : i32
      %dma_start3A_210 = arith.constant 0 : i32
      %dma_start3A_211 = tpu.memref_slice %arg2[%dma_start3A_209, %dma_start3A_210] : memref<10000x128xf32, #tpu.memory_space<hbm>> -> memref<10000x128xf32, #tpu.memory_space<hbm>>
      tpu.enqueue_indirect_dma source(%dma_start3A_211 : memref<10000x128xf32, #tpu.memory_space<hbm>>) target(%arg12 : memref<64x128xf32, #tpu.memory_space<vmem>>) offsets(%dma_start3A_208 : memref<64xi32, #tpu.memory_space<vmem>>) semaphore(%arg17 : memref<!tpu.dma_semaphore, #tpu.memory_space<semaphore_mem>>)
      %dma_wait3A_212 = arith.constant 0 : i32
      %dma_wait3A_213 = tpu.memref_slice %arg7[%add3A_201, %dma_wait3A_212] : memref<40x64xi32, #tpu.memory_space<vmem>> -> memref<1x64xi32, #tpu.memory_space<vmem>>
      %dma_wait3A_214 = tpu.memref_squeeze %dma_wait3A_213 : memref<1x64xi32, #tpu.memory_space<vmem>> -> memref<64xi32, #tpu.memory_space<vmem>>
      %dma_wait3A_215 = arith.constant 0 : i32
      %dma_wait3A_216 = arith.constant 0 : i32
      %dma_wait3A_217 = tpu.memref_slice %arg2[%dma_wait3A_215, %dma_wait3A_216] : memref<10000x128xf32, #tpu.memory_space<hbm>> -> memref<10000x128xf32, #tpu.memory_space<hbm>>
      tpu.wait_indirect_dma semaphore(%arg14 : memref<!tpu.dma_semaphore, #tpu.memory_space<semaphore_mem>>) src(%dma_wait3A_217 : memref<10000x128xf32, #tpu.memory_space<hbm>>) dst(%arg9 : memref<64x128xf32, #tpu.memory_space<vmem>>)
      "tpu.region"() ({
        %run_scoped3A = tpu.sem_alloc : memref<!tpu.dma_semaphore, #tpu.memory_space<semaphore_mem>>
        %dma_start3A_284 = arith.constant 0 : i32
        %dma_start3A_285 = tpu.memref_slice %arg8[%add3A_201, %dma_start3A_284] : memref<40x64xi32, #tpu.memory_space<vmem>> -> memref<1x64xi32, #tpu.memory_space<vmem>>
        %dma_start3A_286 = tpu.memref_squeeze %dma_start3A_285 : memref<1x64xi32, #tpu.memory_space<vmem>> -> memref<64xi32, #tpu.memory_space<vmem>>
        %dma_start3A_287 = arith.constant 0 : i32
        %dma_start3A_288 = arith.constant 0 : i32
        %dma_start3A_289 = tpu.memref_slice %arg13[%dma_start3A_287, %dma_start3A_288] : memref<10112x128xf32, #tpu.memory_space<vmem_shared>> -> memref<10112x128xf32, #tpu.memory_space<vmem_shared>>
        tpu.enqueue_indirect_dma source(%arg9 : memref<64x128xf32, #tpu.memory_space<vmem>>) target(%dma_start3A_289 : memref<10112x128xf32, #tpu.memory_space<vmem_shared>>) offsets(%dma_start3A_286 : memref<64xi32, #tpu.memory_space<vmem>>) semaphore(%run_scoped3A : memref<!tpu.dma_semaphore, #tpu.memory_space<semaphore_mem>>) {add = true}
        %dma_wait3A_290 = arith.constant 0 : i32
        %dma_wait3A_291 = tpu.memref_slice %arg8[%add3A_201, %dma_wait3A_290] : memref<40x64xi32, #tpu.memory_space<vmem>> -> memref<1x64xi32, #tpu.memory_space<vmem>>
        %dma_wait3A_292 = tpu.memref_squeeze %dma_wait3A_291 : memref<1x64xi32, #tpu.memory_space<vmem>> -> memref<64xi32, #tpu.memory_space<vmem>>
        %dma_wait3A_293 = arith.constant 0 : i32
        %dma_wait3A_294 = arith.constant 0 : i32
        %dma_wait3A_295 = tpu.memref_slice %arg13[%dma_wait3A_293, %dma_wait3A_294] : memref<10112x128xf32, #tpu.memory_space<vmem_shared>> -> memref<10112x128xf32, #tpu.memory_space<vmem_shared>>
        tpu.wait_indirect_dma semaphore(%run_scoped3A : memref<!tpu.dma_semaphore, #tpu.memory_space<semaphore_mem>>) src(%arg9 : memref<64x128xf32, #tpu.memory_space<vmem>>) dst(%dma_wait3A_295 : memref<10112x128xf32, #tpu.memory_space<vmem_shared>>)
        tpu.yield
      }) : () -> ()
      %mul3A_218 = arith.constant 4 : i32
      %mul3A_219 = arith.muli %add3A_197, %mul3A_218 : i32
      %add3A_220 = arith.constant 1 : i32
      %add3A_221 = arith.addi %mul3A_219, %add3A_220 : i32
      %add3A_222 = arith.constant 4 : i32
      %add3A_223 = arith.addi %add3A_221, %add3A_222 : i32
      %sub3A_224 = arith.constant 1 : i32
      %sub3A_225 = arith.subi %add3A_223, %sub3A_224 : i32
      %min3A_226 = arith.constant 39 : i32
      %min3A_227 = arith.minsi %sub3A_225, %min3A_226 : i32
      %dma_start3A_228 = arith.constant 0 : i32
      %dma_start3A_229 = tpu.memref_slice %arg7[%min3A_227, %dma_start3A_228] : memref<40x64xi32, #tpu.memory_space<vmem>> -> memref<1x64xi32, #tpu.memory_space<vmem>>
      %dma_start3A_230 = tpu.memref_squeeze %dma_start3A_229 : memref<1x64xi32, #tpu.memory_space<vmem>> -> memref<64xi32, #tpu.memory_space<vmem>>
      %dma_start3A_231 = arith.constant 0 : i32
      %dma_start3A_232 = arith.constant 0 : i32
      %dma_start3A_233 = tpu.memref_slice %arg2[%dma_start3A_231, %dma_start3A_232] : memref<10000x128xf32, #tpu.memory_space<hbm>> -> memref<10000x128xf32, #tpu.memory_space<hbm>>
      tpu.enqueue_indirect_dma source(%dma_start3A_233 : memref<10000x128xf32, #tpu.memory_space<hbm>>) target(%arg9 : memref<64x128xf32, #tpu.memory_space<vmem>>) offsets(%dma_start3A_230 : memref<64xi32, #tpu.memory_space<vmem>>) semaphore(%arg14 : memref<!tpu.dma_semaphore, #tpu.memory_space<semaphore_mem>>)
      %dma_wait3A_234 = arith.constant 0 : i32
      %dma_wait3A_235 = tpu.memref_slice %arg7[%add3A_221, %dma_wait3A_234] : memref<40x64xi32, #tpu.memory_space<vmem>> -> memref<1x64xi32, #tpu.memory_space<vmem>>
      %dma_wait3A_236 = tpu.memref_squeeze %dma_wait3A_235 : memref<1x64xi32, #tpu.memory_space<vmem>> -> memref<64xi32, #tpu.memory_space<vmem>>
      %dma_wait3A_237 = arith.constant 0 : i32
      %dma_wait3A_238 = arith.constant 0 : i32
      %dma_wait3A_239 = tpu.memref_slice %arg2[%dma_wait3A_237, %dma_wait3A_238] : memref<10000x128xf32, #tpu.memory_space<hbm>> -> memref<10000x128xf32, #tpu.memory_space<hbm>>
      tpu.wait_indirect_dma semaphore(%arg15 : memref<!tpu.dma_semaphore, #tpu.memory_space<semaphore_mem>>) src(%dma_wait3A_239 : memref<10000x128xf32, #tpu.memory_space<hbm>>) dst(%arg10 : memref<64x128xf32, #tpu.memory_space<vmem>>)
      "tpu.region"() ({
        %run_scoped3A = tpu.sem_alloc : memref<!tpu.dma_semaphore, #tpu.memory_space<semaphore_mem>>
        %dma_start3A_284 = arith.constant 0 : i32
        %dma_start3A_285 = tpu.memref_slice %arg8[%add3A_221, %dma_start3A_284] : memref<40x64xi32, #tpu.memory_space<vmem>> -> memref<1x64xi32, #tpu.memory_space<vmem>>
        %dma_start3A_286 = tpu.memref_squeeze %dma_start3A_285 : memref<1x64xi32, #tpu.memory_space<vmem>> -> memref<64xi32, #tpu.memory_space<vmem>>
        %dma_start3A_287 = arith.constant 0 : i32
        %dma_start3A_288 = arith.constant 0 : i32
        %dma_start3A_289 = tpu.memref_slice %arg13[%dma_start3A_287, %dma_start3A_288] : memref<10112x128xf32, #tpu.memory_space<vmem_shared>> -> memref<10112x128xf32, #tpu.memory_space<vmem_shared>>
        tpu.enqueue_indirect_dma source(%arg10 : memref<64x128xf32, #tpu.memory_space<vmem>>) target(%dma_start3A_289 : memref<10112x128xf32, #tpu.memory_space<vmem_shared>>) offsets(%dma_start3A_286 : memref<64xi32, #tpu.memory_space<vmem>>) semaphore(%run_scoped3A : memref<!tpu.dma_semaphore, #tpu.memory_space<semaphore_mem>>) {add = true}
        %dma_wait3A_290 = arith.constant 0 : i32
        %dma_wait3A_291 = tpu.memref_slice %arg8[%add3A_221, %dma_wait3A_290] : memref<40x64xi32, #tpu.memory_space<vmem>> -> memref<1x64xi32, #tpu.memory_space<vmem>>
        %dma_wait3A_292 = tpu.memref_squeeze %dma_wait3A_291 : memref<1x64xi32, #tpu.memory_space<vmem>> -> memref<64xi32, #tpu.memory_space<vmem>>
        %dma_wait3A_293 = arith.constant 0 : i32
        %dma_wait3A_294 = arith.constant 0 : i32
        %dma_wait3A_295 = tpu.memref_slice %arg13[%dma_wait3A_293, %dma_wait3A_294] : memref<10112x128xf32, #tpu.memory_space<vmem_shared>> -> memref<10112x128xf32, #tpu.memory_space<vmem_shared>>
        tpu.wait_indirect_dma semaphore(%run_scoped3A : memref<!tpu.dma_semaphore, #tpu.memory_space<semaphore_mem>>) src(%arg10 : memref<64x128xf32, #tpu.memory_space<vmem>>) dst(%dma_wait3A_295 : memref<10112x128xf32, #tpu.memory_space<vmem_shared>>)
        tpu.yield
      }) : () -> ()
      %mul3A_240 = arith.constant 4 : i32
      %mul3A_241 = arith.muli %add3A_197, %mul3A_240 : i32
      %add3A_242 = arith.constant 2 : i32
      %add3A_243 = arith.addi %mul3A_241, %add3A_242 : i32
      %add3A_244 = arith.constant 4 : i32
      %add3A_245 = arith.addi %add3A_243, %add3A_244 : i32
      %sub3A_246 = arith.constant 1 : i32
      %sub3A_247 = arith.subi %add3A_245, %sub3A_246 : i32
      %min3A_248 = arith.constant 39 : i32
      %min3A_249 = arith.minsi %sub3A_247, %min3A_248 : i32
      %dma_start3A_250 = arith.constant 0 : i32
      %dma_start3A_251 = tpu.memref_slice %arg7[%min3A_249, %dma_start3A_250] : memref<40x64xi32, #tpu.memory_space<vmem>> -> memref<1x64xi32, #tpu.memory_space<vmem>>
      %dma_start3A_252 = tpu.memref_squeeze %dma_start3A_251 : memref<1x64xi32, #tpu.memory_space<vmem>> -> memref<64xi32, #tpu.memory_space<vmem>>
      %dma_start3A_253 = arith.constant 0 : i32
      %dma_start3A_254 = arith.constant 0 : i32
      %dma_start3A_255 = tpu.memref_slice %arg2[%dma_start3A_253, %dma_start3A_254] : memref<10000x128xf32, #tpu.memory_space<hbm>> -> memref<10000x128xf32, #tpu.memory_space<hbm>>
      tpu.enqueue_indirect_dma source(%dma_start3A_255 : memref<10000x128xf32, #tpu.memory_space<hbm>>) target(%arg10 : memref<64x128xf32, #tpu.memory_space<vmem>>) offsets(%dma_start3A_252 : memref<64xi32, #tpu.memory_space<vmem>>) semaphore(%arg15 : memref<!tpu.dma_semaphore, #tpu.memory_space<semaphore_mem>>)
      %dma_wait3A_256 = arith.constant 0 : i32
      %dma_wait3A_257 = tpu.memref_slice %arg7[%add3A_243, %dma_wait3A_256] : memref<40x64xi32, #tpu.memory_space<vmem>> -> memref<1x64xi32, #tpu.memory_space<vmem>>
      %dma_wait3A_258 = tpu.memref_squeeze %dma_wait3A_257 : memref<1x64xi32, #tpu.memory_space<vmem>> -> memref<64xi32, #tpu.memory_space<vmem>>
      %dma_wait3A_259 = arith.constant 0 : i32
      %dma_wait3A_260 = arith.constant 0 : i32
      %dma_wait3A_261 = tpu.memref_slice %arg2[%dma_wait3A_259, %dma_wait3A_260] : memref<10000x128xf32, #tpu.memory_space<hbm>> -> memref<10000x128xf32, #tpu.memory_space<hbm>>
      tpu.wait_indirect_dma semaphore(%arg16 : memref<!tpu.dma_semaphore, #tpu.memory_space<semaphore_mem>>) src(%dma_wait3A_261 : memref<10000x128xf32, #tpu.memory_space<hbm>>) dst(%arg11 : memref<64x128xf32, #tpu.memory_space<vmem>>)
      "tpu.region"() ({
        %run_scoped3A = tpu.sem_alloc : memref<!tpu.dma_semaphore, #tpu.memory_space<semaphore_mem>>
        %dma_start3A_284 = arith.constant 0 : i32
        %dma_start3A_285 = tpu.memref_slice %arg8[%add3A_243, %dma_start3A_284] : memref<40x64xi32, #tpu.memory_space<vmem>> -> memref<1x64xi32, #tpu.memory_space<vmem>>
        %dma_start3A_286 = tpu.memref_squeeze %dma_start3A_285 : memref<1x64xi32, #tpu.memory_space<vmem>> -> memref<64xi32, #tpu.memory_space<vmem>>
        %dma_start3A_287 = arith.constant 0 : i32
        %dma_start3A_288 = arith.constant 0 : i32
        %dma_start3A_289 = tpu.memref_slice %arg13[%dma_start3A_287, %dma_start3A_288] : memref<10112x128xf32, #tpu.memory_space<vmem_shared>> -> memref<10112x128xf32, #tpu.memory_space<vmem_shared>>
        tpu.enqueue_indirect_dma source(%arg11 : memref<64x128xf32, #tpu.memory_space<vmem>>) target(%dma_start3A_289 : memref<10112x128xf32, #tpu.memory_space<vmem_shared>>) offsets(%dma_start3A_286 : memref<64xi32, #tpu.memory_space<vmem>>) semaphore(%run_scoped3A : memref<!tpu.dma_semaphore, #tpu.memory_space<semaphore_mem>>) {add = true}
        %dma_wait3A_290 = arith.constant 0 : i32
        %dma_wait3A_291 = tpu.memref_slice %arg8[%add3A_243, %dma_wait3A_290] : memref<40x64xi32, #tpu.memory_space<vmem>> -> memref<1x64xi32, #tpu.memory_space<vmem>>
        %dma_wait3A_292 = tpu.memref_squeeze %dma_wait3A_291 : memref<1x64xi32, #tpu.memory_space<vmem>> -> memref<64xi32, #tpu.memory_space<vmem>>
        %dma_wait3A_293 = arith.constant 0 : i32
        %dma_wait3A_294 = arith.constant 0 : i32
        %dma_wait3A_295 = tpu.memref_slice %arg13[%dma_wait3A_293, %dma_wait3A_294] : memref<10112x128xf32, #tpu.memory_space<vmem_shared>> -> memref<10112x128xf32, #tpu.memory_space<vmem_shared>>
        tpu.wait_indirect_dma semaphore(%run_scoped3A : memref<!tpu.dma_semaphore, #tpu.memory_space<semaphore_mem>>) src(%arg11 : memref<64x128xf32, #tpu.memory_space<vmem>>) dst(%dma_wait3A_295 : memref<10112x128xf32, #tpu.memory_space<vmem_shared>>)
        tpu.yield
      }) : () -> ()
      %mul3A_262 = arith.constant 4 : i32
      %mul3A_263 = arith.muli %add3A_197, %mul3A_262 : i32
      %add3A_264 = arith.constant 3 : i32
      %add3A_265 = arith.addi %mul3A_263, %add3A_264 : i32
      %add3A_266 = arith.constant 4 : i32
      %add3A_267 = arith.addi %add3A_265, %add3A_266 : i32
      %sub3A_268 = arith.constant 1 : i32
      %sub3A_269 = arith.subi %add3A_267, %sub3A_268 : i32
      %min3A_270 = arith.constant 39 : i32
      %min3A_271 = arith.minsi %sub3A_269, %min3A_270 : i32
      %dma_start3A_272 = arith.constant 0 : i32
      %dma_start3A_273 = tpu.memref_slice %arg7[%min3A_271, %dma_start3A_272] : memref<40x64xi32, #tpu.memory_space<vmem>> -> memref<1x64xi32, #tpu.memory_space<vmem>>
      %dma_start3A_274 = tpu.memref_squeeze %dma_start3A_273 : memref<1x64xi32, #tpu.memory_space<vmem>> -> memref<64xi32, #tpu.memory_space<vmem>>
      %dma_start3A_275 = arith.constant 0 : i32
      %dma_start3A_276 = arith.constant 0 : i32
      %dma_start3A_277 = tpu.memref_slice %arg2[%dma_start3A_275, %dma_start3A_276] : memref<10000x128xf32, #tpu.memory_space<hbm>> -> memref<10000x128xf32, #tpu.memory_space<hbm>>
      tpu.enqueue_indirect_dma source(%dma_start3A_277 : memref<10000x128xf32, #tpu.memory_space<hbm>>) target(%arg11 : memref<64x128xf32, #tpu.memory_space<vmem>>) offsets(%dma_start3A_274 : memref<64xi32, #tpu.memory_space<vmem>>) semaphore(%arg16 : memref<!tpu.dma_semaphore, #tpu.memory_space<semaphore_mem>>)
      %dma_wait3A_278 = arith.constant 0 : i32
      %dma_wait3A_279 = tpu.memref_slice %arg7[%add3A_265, %dma_wait3A_278] : memref<40x64xi32, #tpu.memory_space<vmem>> -> memref<1x64xi32, #tpu.memory_space<vmem>>
      %dma_wait3A_280 = tpu.memref_squeeze %dma_wait3A_279 : memref<1x64xi32, #tpu.memory_space<vmem>> -> memref<64xi32, #tpu.memory_space<vmem>>
      %dma_wait3A_281 = arith.constant 0 : i32
      %dma_wait3A_282 = arith.constant 0 : i32
      %dma_wait3A_283 = tpu.memref_slice %arg2[%dma_wait3A_281, %dma_wait3A_282] : memref<10000x128xf32, #tpu.memory_space<hbm>> -> memref<10000x128xf32, #tpu.memory_space<hbm>>
      tpu.wait_indirect_dma semaphore(%arg17 : memref<!tpu.dma_semaphore, #tpu.memory_space<semaphore_mem>>) src(%dma_wait3A_283 : memref<10000x128xf32, #tpu.memory_space<hbm>>) dst(%arg12 : memref<64x128xf32, #tpu.memory_space<vmem>>)
      "tpu.region"() ({
        %run_scoped3A = tpu.sem_alloc : memref<!tpu.dma_semaphore, #tpu.memory_space<semaphore_mem>>
        %dma_start3A_284 = arith.constant 0 : i32
        %dma_start3A_285 = tpu.memref_slice %arg8[%add3A_265, %dma_start3A_284] : memref<40x64xi32, #tpu.memory_space<vmem>> -> memref<1x64xi32, #tpu.memory_space<vmem>>
        %dma_start3A_286 = tpu.memref_squeeze %dma_start3A_285 : memref<1x64xi32, #tpu.memory_space<vmem>> -> memref<64xi32, #tpu.memory_space<vmem>>
        %dma_start3A_287 = arith.constant 0 : i32
        %dma_start3A_288 = arith.constant 0 : i32
        %dma_start3A_289 = tpu.memref_slice %arg13[%dma_start3A_287, %dma_start3A_288] : memref<10112x128xf32, #tpu.memory_space<vmem_shared>> -> memref<10112x128xf32, #tpu.memory_space<vmem_shared>>
        tpu.enqueue_indirect_dma source(%arg12 : memref<64x128xf32, #tpu.memory_space<vmem>>) target(%dma_start3A_289 : memref<10112x128xf32, #tpu.memory_space<vmem_shared>>) offsets(%dma_start3A_286 : memref<64xi32, #tpu.memory_space<vmem>>) semaphore(%run_scoped3A : memref<!tpu.dma_semaphore, #tpu.memory_space<semaphore_mem>>) {add = true}
        %dma_wait3A_290 = arith.constant 0 : i32
        %dma_wait3A_291 = tpu.memref_slice %arg8[%add3A_265, %dma_wait3A_290] : memref<40x64xi32, #tpu.memory_space<vmem>> -> memref<1x64xi32, #tpu.memory_space<vmem>>
        %dma_wait3A_292 = tpu.memref_squeeze %dma_wait3A_291 : memref<1x64xi32, #tpu.memory_space<vmem>> -> memref<64xi32, #tpu.memory_space<vmem>>
        %dma_wait3A_293 = arith.constant 0 : i32
        %dma_wait3A_294 = arith.constant 0 : i32
        %dma_wait3A_295 = tpu.memref_slice %arg13[%dma_wait3A_293, %dma_wait3A_294] : memref<10112x128xf32, #tpu.memory_space<vmem_shared>> -> memref<10112x128xf32, #tpu.memory_space<vmem_shared>>
        tpu.wait_indirect_dma semaphore(%run_scoped3A : memref<!tpu.dma_semaphore, #tpu.memory_space<semaphore_mem>>) src(%arg12 : memref<64x128xf32, #tpu.memory_space<vmem>>) dst(%dma_wait3A_295 : memref<10112x128xf32, #tpu.memory_space<vmem_shared>>)
        tpu.yield
      }) : () -> ()
    }
    %scan3A_26 = arith.constant 10 : i32
    %dma_wait3A = arith.constant 39 : i32
    %dma_wait3A_27 = arith.constant 0 : i32
    %dma_wait3A_28 = tpu.memref_slice %arg7[%dma_wait3A, %dma_wait3A_27] : memref<40x64xi32, #tpu.memory_space<vmem>> -> memref<1x64xi32, #tpu.memory_space<vmem>>
    %dma_wait3A_29 = tpu.memref_squeeze %dma_wait3A_28 : memref<1x64xi32, #tpu.memory_space<vmem>> -> memref<64xi32, #tpu.memory_space<vmem>>
    %dma_wait3A_30 = arith.constant 0 : i32
    %dma_wait3A_31 = arith.constant 0 : i32
    %dma_wait3A_32 = tpu.memref_slice %arg2[%dma_wait3A_30, %dma_wait3A_31] : memref<10000x128xf32, #tpu.memory_space<hbm>> -> memref<10000x128xf32, #tpu.memory_space<hbm>>
    tpu.wait_indirect_dma semaphore(%arg14 : memref<!tpu.dma_semaphore, #tpu.memory_space<semaphore_mem>>) src(%dma_wait3A_32 : memref<10000x128xf32, #tpu.memory_space<hbm>>) dst(%arg9 : memref<64x128xf32, #tpu.memory_space<vmem>>)
    %dma_wait3A_33 = arith.constant 39 : i32
    %dma_wait3A_34 = arith.constant 0 : i32
    %dma_wait3A_35 = tpu.memref_slice %arg7[%dma_wait3A_33, %dma_wait3A_34] : memref<40x64xi32, #tpu.memory_space<vmem>> -> memref<1x64xi32, #tpu.memory_space<vmem>>
    %dma_wait3A_36 = tpu.memref_squeeze %dma_wait3A_35 : memref<1x64xi32, #tpu.memory_space<vmem>> -> memref<64xi32, #tpu.memory_space<vmem>>
    %dma_wait3A_37 = arith.constant 0 : i32
    %dma_wait3A_38 = arith.constant 0 : i32
    %dma_wait3A_39 = tpu.memref_slice %arg2[%dma_wait3A_37, %dma_wait3A_38] : memref<10000x128xf32, #tpu.memory_space<hbm>> -> memref<10000x128xf32, #tpu.memory_space<hbm>>
    tpu.wait_indirect_dma semaphore(%arg15 : memref<!tpu.dma_semaphore, #tpu.memory_space<semaphore_mem>>) src(%dma_wait3A_39 : memref<10000x128xf32, #tpu.memory_space<hbm>>) dst(%arg10 : memref<64x128xf32, #tpu.memory_space<vmem>>)
    %dma_wait3A_40 = arith.constant 39 : i32
    %dma_wait3A_41 = arith.constant 0 : i32
    %dma_wait3A_42 = tpu.memref_slice %arg7[%dma_wait3A_40, %dma_wait3A_41] : memref<40x64xi32, #tpu.memory_space<vmem>> -> memref<1x64xi32, #tpu.memory_space<vmem>>
    %dma_wait3A_43 = tpu.memref_squeeze %dma_wait3A_42 : memref<1x64xi32, #tpu.memory_space<vmem>> -> memref<64xi32, #tpu.memory_space<vmem>>
    %dma_wait3A_44 = arith.constant 0 : i32
    %dma_wait3A_45 = arith.constant 0 : i32
    %dma_wait3A_46 = tpu.memref_slice %arg2[%dma_wait3A_44, %dma_wait3A_45] : memref<10000x128xf32, #tpu.memory_space<hbm>> -> memref<10000x128xf32, #tpu.memory_space<hbm>>
    tpu.wait_indirect_dma semaphore(%arg16 : memref<!tpu.dma_semaphore, #tpu.memory_space<semaphore_mem>>) src(%dma_wait3A_46 : memref<10000x128xf32, #tpu.memory_space<hbm>>) dst(%arg11 : memref<64x128xf32, #tpu.memory_space<vmem>>)
    "tpu.region"() ({
      %run_scoped3A = tpu.sem_alloc : memref<!tpu.dma_semaphore, #tpu.memory_space<semaphore_mem>>
      %dma_start3A_193 = arith.constant 40 : i32
      %dma_start3A_194 = arith.constant 0 : i32
      %dma_start3A_195 = tpu.memref_slice %arg3[%add3A, %dma_start3A_193, %dma_start3A_194] : memref<32x160x64xi32, #tpu.memory_space<hbm>> -> memref<1x40x64xi32, #tpu.memory_space<hbm>>
      %dma_start3A_196 = tpu.memref_squeeze %dma_start3A_195 : memref<1x40x64xi32, #tpu.memory_space<hbm>> -> memref<40x64xi32, #tpu.memory_space<hbm>>
      %dma_start3A_197 = arith.constant 40 : i32
      %dma_start3A_198 = arith.constant 0 : i32
      %dma_start3A_199 = tpu.memref_slice %arg3[%add3A, %dma_start3A_197, %dma_start3A_198] : memref<32x160x64xi32, #tpu.memory_space<hbm>> -> memref<1x40x64xi32, #tpu.memory_space<hbm>>
      %dma_start3A_200 = tpu.memref_squeeze %dma_start3A_199 : memref<1x40x64xi32, #tpu.memory_space<hbm>> -> memref<40x64xi32, #tpu.memory_space<hbm>>
      tpu.enqueue_dma source(%dma_start3A_200 : memref<40x64xi32, #tpu.memory_space<hbm>>) target(%arg7 : memref<40x64xi32, #tpu.memory_space<vmem>>) target_semaphore(%run_scoped3A : memref<!tpu.dma_semaphore, #tpu.memory_space<semaphore_mem>>)
      %dma_wait3A_201 = arith.constant 40 : i32
      %dma_wait3A_202 = arith.constant 0 : i32
      %dma_wait3A_203 = tpu.memref_slice %arg3[%add3A, %dma_wait3A_201, %dma_wait3A_202] : memref<32x160x64xi32, #tpu.memory_space<hbm>> -> memref<1x40x64xi32, #tpu.memory_space<hbm>>
      %dma_wait3A_204 = tpu.memref_squeeze %dma_wait3A_203 : memref<1x40x64xi32, #tpu.memory_space<hbm>> -> memref<40x64xi32, #tpu.memory_space<hbm>>
      %dma_wait3A_205 = arith.constant 40 : i32
      %dma_wait3A_206 = arith.constant 0 : i32
      %dma_wait3A_207 = tpu.memref_slice %arg3[%add3A, %dma_wait3A_205, %dma_wait3A_206] : memref<32x160x64xi32, #tpu.memory_space<hbm>> -> memref<1x40x64xi32, #tpu.memory_space<hbm>>
      %dma_wait3A_208 = tpu.memref_squeeze %dma_wait3A_207 : memref<1x40x64xi32, #tpu.memory_space<hbm>> -> memref<40x64xi32, #tpu.memory_space<hbm>>
      tpu.wait_dma2 semaphore(%run_scoped3A : memref<!tpu.dma_semaphore, #tpu.memory_space<semaphore_mem>>) src(%dma_wait3A_208 : memref<40x64xi32, #tpu.memory_space<hbm>>) dst(%arg7 : memref<40x64xi32, #tpu.memory_space<vmem>>)
      tpu.yield
    }) : () -> ()
    "tpu.region"() ({
      %run_scoped3A = tpu.sem_alloc : memref<!tpu.dma_semaphore, #tpu.memory_space<semaphore_mem>>
      %dma_start3A_193 = arith.constant 40 : i32
      %dma_start3A_194 = arith.constant 0 : i32
      %dma_start3A_195 = tpu.memref_slice %arg4[%add3A, %dma_start3A_193, %dma_start3A_194] : memref<32x160x64xi32, #tpu.memory_space<hbm>> -> memref<1x40x64xi32, #tpu.memory_space<hbm>>
      %dma_start3A_196 = tpu.memref_squeeze %dma_start3A_195 : memref<1x40x64xi32, #tpu.memory_space<hbm>> -> memref<40x64xi32, #tpu.memory_space<hbm>>
      %dma_start3A_197 = arith.constant 40 : i32
      %dma_start3A_198 = arith.constant 0 : i32
      %dma_start3A_199 = tpu.memref_slice %arg4[%add3A, %dma_start3A_197, %dma_start3A_198] : memref<32x160x64xi32, #tpu.memory_space<hbm>> -> memref<1x40x64xi32, #tpu.memory_space<hbm>>
      %dma_start3A_200 = tpu.memref_squeeze %dma_start3A_199 : memref<1x40x64xi32, #tpu.memory_space<hbm>> -> memref<40x64xi32, #tpu.memory_space<hbm>>
      tpu.enqueue_dma source(%dma_start3A_200 : memref<40x64xi32, #tpu.memory_space<hbm>>) target(%arg8 : memref<40x64xi32, #tpu.memory_space<vmem>>) target_semaphore(%run_scoped3A : memref<!tpu.dma_semaphore, #tpu.memory_space<semaphore_mem>>)
      %dma_wait3A_201 = arith.constant 40 : i32
      %dma_wait3A_202 = arith.constant 0 : i32
      %dma_wait3A_203 = tpu.memref_slice %arg4[%add3A, %dma_wait3A_201, %dma_wait3A_202] : memref<32x160x64xi32, #tpu.memory_space<hbm>> -> memref<1x40x64xi32, #tpu.memory_space<hbm>>
      %dma_wait3A_204 = tpu.memref_squeeze %dma_wait3A_203 : memref<1x40x64xi32, #tpu.memory_space<hbm>> -> memref<40x64xi32, #tpu.memory_space<hbm>>
      %dma_wait3A_205 = arith.constant 40 : i32
      %dma_wait3A_206 = arith.constant 0 : i32
      %dma_wait3A_207 = tpu.memref_slice %arg4[%add3A, %dma_wait3A_205, %dma_wait3A_206] : memref<32x160x64xi32, #tpu.memory_space<hbm>> -> memref<1x40x64xi32, #tpu.memory_space<hbm>>
      %dma_wait3A_208 = tpu.memref_squeeze %dma_wait3A_207 : memref<1x40x64xi32, #tpu.memory_space<hbm>> -> memref<40x64xi32, #tpu.memory_space<hbm>>
      tpu.wait_dma2 semaphore(%run_scoped3A : memref<!tpu.dma_semaphore, #tpu.memory_space<semaphore_mem>>) src(%dma_wait3A_208 : memref<40x64xi32, #tpu.memory_space<hbm>>) dst(%arg8 : memref<40x64xi32, #tpu.memory_space<vmem>>)
      tpu.yield
    }) : () -> ()
    %dma_start3A_47 = arith.constant 0 : i32
    %dma_start3A_48 = arith.constant 0 : i32
    %dma_start3A_49 = tpu.memref_slice %arg7[%dma_start3A_47, %dma_start3A_48] : memref<40x64xi32, #tpu.memory_space<vmem>> -> memref<1x64xi32, #tpu.memory_space<vmem>>
    %dma_start3A_50 = tpu.memref_squeeze %dma_start3A_49 : memref<1x64xi32, #tpu.memory_space<vmem>> -> memref<64xi32, #tpu.memory_space<vmem>>
    %dma_start3A_51 = arith.constant 0 : i32
    %dma_start3A_52 = arith.constant 0 : i32
    %dma_start3A_53 = tpu.memref_slice %arg2[%dma_start3A_51, %dma_start3A_52] : memref<10000x128xf32, #tpu.memory_space<hbm>> -> memref<10000x128xf32, #tpu.memory_space<hbm>>
    tpu.enqueue_indirect_dma source(%dma_start3A_53 : memref<10000x128xf32, #tpu.memory_space<hbm>>) target(%arg9 : memref<64x128xf32, #tpu.memory_space<vmem>>) offsets(%dma_start3A_50 : memref<64xi32, #tpu.memory_space<vmem>>) semaphore(%arg14 : memref<!tpu.dma_semaphore, #tpu.memory_space<semaphore_mem>>)
    %dma_start3A_54 = arith.constant 1 : i32
    %dma_start3A_55 = arith.constant 0 : i32
    %dma_start3A_56 = tpu.memref_slice %arg7[%dma_start3A_54, %dma_start3A_55] : memref<40x64xi32, #tpu.memory_space<vmem>> -> memref<1x64xi32, #tpu.memory_space<vmem>>
    %dma_start3A_57 = tpu.memref_squeeze %dma_start3A_56 : memref<1x64xi32, #tpu.memory_space<vmem>> -> memref<64xi32, #tpu.memory_space<vmem>>
    %dma_start3A_58 = arith.constant 0 : i32
    %dma_start3A_59 = arith.constant 0 : i32
    %dma_start3A_60 = tpu.memref_slice %arg2[%dma_start3A_58, %dma_start3A_59] : memref<10000x128xf32, #tpu.memory_space<hbm>> -> memref<10000x128xf32, #tpu.memory_space<hbm>>
    tpu.enqueue_indirect_dma source(%dma_start3A_60 : memref<10000x128xf32, #tpu.memory_space<hbm>>) target(%arg10 : memref<64x128xf32, #tpu.memory_space<vmem>>) offsets(%dma_start3A_57 : memref<64xi32, #tpu.memory_space<vmem>>) semaphore(%arg15 : memref<!tpu.dma_semaphore, #tpu.memory_space<semaphore_mem>>)
    %dma_start3A_61 = arith.constant 2 : i32
    %dma_start3A_62 = arith.constant 0 : i32
    %dma_start3A_63 = tpu.memref_slice %arg7[%dma_start3A_61, %dma_start3A_62] : memref<40x64xi32, #tpu.memory_space<vmem>> -> memref<1x64xi32, #tpu.memory_space<vmem>>
    %dma_start3A_64 = tpu.memref_squeeze %dma_start3A_63 : memref<1x64xi32, #tpu.memory_space<vmem>> -> memref<64xi32, #tpu.memory_space<vmem>>
    %dma_start3A_65 = arith.constant 0 : i32
    %dma_start3A_66 = arith.constant 0 : i32
    %dma_start3A_67 = tpu.memref_slice %arg2[%dma_start3A_65, %dma_start3A_66] : memref<10000x128xf32, #tpu.memory_space<hbm>> -> memref<10000x128xf32, #tpu.memory_space<hbm>>
    tpu.enqueue_indirect_dma source(%dma_start3A_67 : memref<10000x128xf32, #tpu.memory_space<hbm>>) target(%arg11 : memref<64x128xf32, #tpu.memory_space<vmem>>) offsets(%dma_start3A_64 : memref<64xi32, #tpu.memory_space<vmem>>) semaphore(%arg16 : memref<!tpu.dma_semaphore, #tpu.memory_space<semaphore_mem>>)
    %scan3A_68 = arith.constant 0 : i32
    %scan3A_69 = arith.constant 10 : i32
    %scan3A_70 = arith.addi %scan3A_68, %scan3A_69 : i32
    %scan3A_71 = arith.constant 1 : i32
    scf.for %scan3A_193 = %scan3A_68 to %scan3A_70 step %scan3A_71  : i32 {
      %mul3A_194 = arith.constant 1 : i32
      %mul3A_195 = arith.muli %scan3A_193, %mul3A_194 : i32
      %add3A_196 = arith.constant 0 : i32
      %add3A_197 = arith.addi %add3A_196, %mul3A_195 : i32
      %mul3A_198 = arith.constant 4 : i32
      %mul3A_199 = arith.muli %add3A_197, %mul3A_198 : i32
      %add3A_200 = arith.constant 0 : i32
      %add3A_201 = arith.addi %mul3A_199, %add3A_200 : i32
      %add3A_202 = arith.constant 4 : i32
      %add3A_203 = arith.addi %add3A_201, %add3A_202 : i32
      %sub3A = arith.constant 1 : i32
      %sub3A_204 = arith.subi %add3A_203, %sub3A : i32
      %min3A = arith.constant 39 : i32
      %min3A_205 = arith.minsi %sub3A_204, %min3A : i32
      %dma_start3A_206 = arith.constant 0 : i32
      %dma_start3A_207 = tpu.memref_slice %arg7[%min3A_205, %dma_start3A_206] : memref<40x64xi32, #tpu.memory_space<vmem>> -> memref<1x64xi32, #tpu.memory_space<vmem>>
      %dma_start3A_208 = tpu.memref_squeeze %dma_start3A_207 : memref<1x64xi32, #tpu.memory_space<vmem>> -> memref<64xi32, #tpu.memory_space<vmem>>
      %dma_start3A_209 = arith.constant 0 : i32
      %dma_start3A_210 = arith.constant 0 : i32
      %dma_start3A_211 = tpu.memref_slice %arg2[%dma_start3A_209, %dma_start3A_210] : memref<10000x128xf32, #tpu.memory_space<hbm>> -> memref<10000x128xf32, #tpu.memory_space<hbm>>
      tpu.enqueue_indirect_dma source(%dma_start3A_211 : memref<10000x128xf32, #tpu.memory_space<hbm>>) target(%arg12 : memref<64x128xf32, #tpu.memory_space<vmem>>) offsets(%dma_start3A_208 : memref<64xi32, #tpu.memory_space<vmem>>) semaphore(%arg17 : memref<!tpu.dma_semaphore, #tpu.memory_space<semaphore_mem>>)
      %dma_wait3A_212 = arith.constant 0 : i32
      %dma_wait3A_213 = tpu.memref_slice %arg7[%add3A_201, %dma_wait3A_212] : memref<40x64xi32, #tpu.memory_space<vmem>> -> memref<1x64xi32, #tpu.memory_space<vmem>>
      %dma_wait3A_214 = tpu.memref_squeeze %dma_wait3A_213 : memref<1x64xi32, #tpu.memory_space<vmem>> -> memref<64xi32, #tpu.memory_space<vmem>>
      %dma_wait3A_215 = arith.constant 0 : i32
      %dma_wait3A_216 = arith.constant 0 : i32
      %dma_wait3A_217 = tpu.memref_slice %arg2[%dma_wait3A_215, %dma_wait3A_216] : memref<10000x128xf32, #tpu.memory_space<hbm>> -> memref<10000x128xf32, #tpu.memory_space<hbm>>
      tpu.wait_indirect_dma semaphore(%arg14 : memref<!tpu.dma_semaphore, #tpu.memory_space<semaphore_mem>>) src(%dma_wait3A_217 : memref<10000x128xf32, #tpu.memory_space<hbm>>) dst(%arg9 : memref<64x128xf32, #tpu.memory_space<vmem>>)
      "tpu.region"() ({
        %run_scoped3A = tpu.sem_alloc : memref<!tpu.dma_semaphore, #tpu.memory_space<semaphore_mem>>
        %dma_start3A_284 = arith.constant 0 : i32
        %dma_start3A_285 = tpu.memref_slice %arg8[%add3A_201, %dma_start3A_284] : memref<40x64xi32, #tpu.memory_space<vmem>> -> memref<1x64xi32, #tpu.memory_space<vmem>>
        %dma_start3A_286 = tpu.memref_squeeze %dma_start3A_285 : memref<1x64xi32, #tpu.memory_space<vmem>> -> memref<64xi32, #tpu.memory_space<vmem>>
        %dma_start3A_287 = arith.constant 0 : i32
        %dma_start3A_288 = arith.constant 0 : i32
        %dma_start3A_289 = tpu.memref_slice %arg13[%dma_start3A_287, %dma_start3A_288] : memref<10112x128xf32, #tpu.memory_space<vmem_shared>> -> memref<10112x128xf32, #tpu.memory_space<vmem_shared>>
        tpu.enqueue_indirect_dma source(%arg9 : memref<64x128xf32, #tpu.memory_space<vmem>>) target(%dma_start3A_289 : memref<10112x128xf32, #tpu.memory_space<vmem_shared>>) offsets(%dma_start3A_286 : memref<64xi32, #tpu.memory_space<vmem>>) semaphore(%run_scoped3A : memref<!tpu.dma_semaphore, #tpu.memory_space<semaphore_mem>>) {add = true}
        %dma_wait3A_290 = arith.constant 0 : i32
        %dma_wait3A_291 = tpu.memref_slice %arg8[%add3A_201, %dma_wait3A_290] : memref<40x64xi32, #tpu.memory_space<vmem>> -> memref<1x64xi32, #tpu.memory_space<vmem>>
        %dma_wait3A_292 = tpu.memref_squeeze %dma_wait3A_291 : memref<1x64xi32, #tpu.memory_space<vmem>> -> memref<64xi32, #tpu.memory_space<vmem>>
        %dma_wait3A_293 = arith.constant 0 : i32
        %dma_wait3A_294 = arith.constant 0 : i32
        %dma_wait3A_295 = tpu.memref_slice %arg13[%dma_wait3A_293, %dma_wait3A_294] : memref<10112x128xf32, #tpu.memory_space<vmem_shared>> -> memref<10112x128xf32, #tpu.memory_space<vmem_shared>>
        tpu.wait_indirect_dma semaphore(%run_scoped3A : memref<!tpu.dma_semaphore, #tpu.memory_space<semaphore_mem>>) src(%arg9 : memref<64x128xf32, #tpu.memory_space<vmem>>) dst(%dma_wait3A_295 : memref<10112x128xf32, #tpu.memory_space<vmem_shared>>)
        tpu.yield
      }) : () -> ()
      %mul3A_218 = arith.constant 4 : i32
      %mul3A_219 = arith.muli %add3A_197, %mul3A_218 : i32
      %add3A_220 = arith.constant 1 : i32
      %add3A_221 = arith.addi %mul3A_219, %add3A_220 : i32
      %add3A_222 = arith.constant 4 : i32
      %add3A_223 = arith.addi %add3A_221, %add3A_222 : i32
      %sub3A_224 = arith.constant 1 : i32
      %sub3A_225 = arith.subi %add3A_223, %sub3A_224 : i32
      %min3A_226 = arith.constant 39 : i32
      %min3A_227 = arith.minsi %sub3A_225, %min3A_226 : i32
      %dma_start3A_228 = arith.constant 0 : i32
      %dma_start3A_229 = tpu.memref_slice %arg7[%min3A_227, %dma_start3A_228] : memref<40x64xi32, #tpu.memory_space<vmem>> -> memref<1x64xi32, #tpu.memory_space<vmem>>
      %dma_start3A_230 = tpu.memref_squeeze %dma_start3A_229 : memref<1x64xi32, #tpu.memory_space<vmem>> -> memref<64xi32, #tpu.memory_space<vmem>>
      %dma_start3A_231 = arith.constant 0 : i32
      %dma_start3A_232 = arith.constant 0 : i32
      %dma_start3A_233 = tpu.memref_slice %arg2[%dma_start3A_231, %dma_start3A_232] : memref<10000x128xf32, #tpu.memory_space<hbm>> -> memref<10000x128xf32, #tpu.memory_space<hbm>>
      tpu.enqueue_indirect_dma source(%dma_start3A_233 : memref<10000x128xf32, #tpu.memory_space<hbm>>) target(%arg9 : memref<64x128xf32, #tpu.memory_space<vmem>>) offsets(%dma_start3A_230 : memref<64xi32, #tpu.memory_space<vmem>>) semaphore(%arg14 : memref<!tpu.dma_semaphore, #tpu.memory_space<semaphore_mem>>)
      %dma_wait3A_234 = arith.constant 0 : i32
      %dma_wait3A_235 = tpu.memref_slice %arg7[%add3A_221, %dma_wait3A_234] : memref<40x64xi32, #tpu.memory_space<vmem>> -> memref<1x64xi32, #tpu.memory_space<vmem>>
      %dma_wait3A_236 = tpu.memref_squeeze %dma_wait3A_235 : memref<1x64xi32, #tpu.memory_space<vmem>> -> memref<64xi32, #tpu.memory_space<vmem>>
      %dma_wait3A_237 = arith.constant 0 : i32
      %dma_wait3A_238 = arith.constant 0 : i32
      %dma_wait3A_239 = tpu.memref_slice %arg2[%dma_wait3A_237, %dma_wait3A_238] : memref<10000x128xf32, #tpu.memory_space<hbm>> -> memref<10000x128xf32, #tpu.memory_space<hbm>>
      tpu.wait_indirect_dma semaphore(%arg15 : memref<!tpu.dma_semaphore, #tpu.memory_space<semaphore_mem>>) src(%dma_wait3A_239 : memref<10000x128xf32, #tpu.memory_space<hbm>>) dst(%arg10 : memref<64x128xf32, #tpu.memory_space<vmem>>)
      "tpu.region"() ({
        %run_scoped3A = tpu.sem_alloc : memref<!tpu.dma_semaphore, #tpu.memory_space<semaphore_mem>>
        %dma_start3A_284 = arith.constant 0 : i32
        %dma_start3A_285 = tpu.memref_slice %arg8[%add3A_221, %dma_start3A_284] : memref<40x64xi32, #tpu.memory_space<vmem>> -> memref<1x64xi32, #tpu.memory_space<vmem>>
        %dma_start3A_286 = tpu.memref_squeeze %dma_start3A_285 : memref<1x64xi32, #tpu.memory_space<vmem>> -> memref<64xi32, #tpu.memory_space<vmem>>
        %dma_start3A_287 = arith.constant 0 : i32
        %dma_start3A_288 = arith.constant 0 : i32
        %dma_start3A_289 = tpu.memref_slice %arg13[%dma_start3A_287, %dma_start3A_288] : memref<10112x128xf32, #tpu.memory_space<vmem_shared>> -> memref<10112x128xf32, #tpu.memory_space<vmem_shared>>
        tpu.enqueue_indirect_dma source(%arg10 : memref<64x128xf32, #tpu.memory_space<vmem>>) target(%dma_start3A_289 : memref<10112x128xf32, #tpu.memory_space<vmem_shared>>) offsets(%dma_start3A_286 : memref<64xi32, #tpu.memory_space<vmem>>) semaphore(%run_scoped3A : memref<!tpu.dma_semaphore, #tpu.memory_space<semaphore_mem>>) {add = true}
        %dma_wait3A_290 = arith.constant 0 : i32
        %dma_wait3A_291 = tpu.memref_slice %arg8[%add3A_221, %dma_wait3A_290] : memref<40x64xi32, #tpu.memory_space<vmem>> -> memref<1x64xi32, #tpu.memory_space<vmem>>
        %dma_wait3A_292 = tpu.memref_squeeze %dma_wait3A_291 : memref<1x64xi32, #tpu.memory_space<vmem>> -> memref<64xi32, #tpu.memory_space<vmem>>
        %dma_wait3A_293 = arith.constant 0 : i32
        %dma_wait3A_294 = arith.constant 0 : i32
        %dma_wait3A_295 = tpu.memref_slice %arg13[%dma_wait3A_293, %dma_wait3A_294] : memref<10112x128xf32, #tpu.memory_space<vmem_shared>> -> memref<10112x128xf32, #tpu.memory_space<vmem_shared>>
        tpu.wait_indirect_dma semaphore(%run_scoped3A : memref<!tpu.dma_semaphore, #tpu.memory_space<semaphore_mem>>) src(%arg10 : memref<64x128xf32, #tpu.memory_space<vmem>>) dst(%dma_wait3A_295 : memref<10112x128xf32, #tpu.memory_space<vmem_shared>>)
        tpu.yield
      }) : () -> ()
      %mul3A_240 = arith.constant 4 : i32
      %mul3A_241 = arith.muli %add3A_197, %mul3A_240 : i32
      %add3A_242 = arith.constant 2 : i32
      %add3A_243 = arith.addi %mul3A_241, %add3A_242 : i32
      %add3A_244 = arith.constant 4 : i32
      %add3A_245 = arith.addi %add3A_243, %add3A_244 : i32
      %sub3A_246 = arith.constant 1 : i32
      %sub3A_247 = arith.subi %add3A_245, %sub3A_246 : i32
      %min3A_248 = arith.constant 39 : i32
      %min3A_249 = arith.minsi %sub3A_247, %min3A_248 : i32
      %dma_start3A_250 = arith.constant 0 : i32
      %dma_start3A_251 = tpu.memref_slice %arg7[%min3A_249, %dma_start3A_250] : memref<40x64xi32, #tpu.memory_space<vmem>> -> memref<1x64xi32, #tpu.memory_space<vmem>>
      %dma_start3A_252 = tpu.memref_squeeze %dma_start3A_251 : memref<1x64xi32, #tpu.memory_space<vmem>> -> memref<64xi32, #tpu.memory_space<vmem>>
      %dma_start3A_253 = arith.constant 0 : i32
      %dma_start3A_254 = arith.constant 0 : i32
      %dma_start3A_255 = tpu.memref_slice %arg2[%dma_start3A_253, %dma_start3A_254] : memref<10000x128xf32, #tpu.memory_space<hbm>> -> memref<10000x128xf32, #tpu.memory_space<hbm>>
      tpu.enqueue_indirect_dma source(%dma_start3A_255 : memref<10000x128xf32, #tpu.memory_space<hbm>>) target(%arg10 : memref<64x128xf32, #tpu.memory_space<vmem>>) offsets(%dma_start3A_252 : memref<64xi32, #tpu.memory_space<vmem>>) semaphore(%arg15 : memref<!tpu.dma_semaphore, #tpu.memory_space<semaphore_mem>>)
      %dma_wait3A_256 = arith.constant 0 : i32
      %dma_wait3A_257 = tpu.memref_slice %arg7[%add3A_243, %dma_wait3A_256] : memref<40x64xi32, #tpu.memory_space<vmem>> -> memref<1x64xi32, #tpu.memory_space<vmem>>
      %dma_wait3A_258 = tpu.memref_squeeze %dma_wait3A_257 : memref<1x64xi32, #tpu.memory_space<vmem>> -> memref<64xi32, #tpu.memory_space<vmem>>
      %dma_wait3A_259 = arith.constant 0 : i32
      %dma_wait3A_260 = arith.constant 0 : i32
      %dma_wait3A_261 = tpu.memref_slice %arg2[%dma_wait3A_259, %dma_wait3A_260] : memref<10000x128xf32, #tpu.memory_space<hbm>> -> memref<10000x128xf32, #tpu.memory_space<hbm>>
      tpu.wait_indirect_dma semaphore(%arg16 : memref<!tpu.dma_semaphore, #tpu.memory_space<semaphore_mem>>) src(%dma_wait3A_261 : memref<10000x128xf32, #tpu.memory_space<hbm>>) dst(%arg11 : memref<64x128xf32, #tpu.memory_space<vmem>>)
      "tpu.region"() ({
        %run_scoped3A = tpu.sem_alloc : memref<!tpu.dma_semaphore, #tpu.memory_space<semaphore_mem>>
        %dma_start3A_284 = arith.constant 0 : i32
        %dma_start3A_285 = tpu.memref_slice %arg8[%add3A_243, %dma_start3A_284] : memref<40x64xi32, #tpu.memory_space<vmem>> -> memref<1x64xi32, #tpu.memory_space<vmem>>
        %dma_start3A_286 = tpu.memref_squeeze %dma_start3A_285 : memref<1x64xi32, #tpu.memory_space<vmem>> -> memref<64xi32, #tpu.memory_space<vmem>>
        %dma_start3A_287 = arith.constant 0 : i32
        %dma_start3A_288 = arith.constant 0 : i32
        %dma_start3A_289 = tpu.memref_slice %arg13[%dma_start3A_287, %dma_start3A_288] : memref<10112x128xf32, #tpu.memory_space<vmem_shared>> -> memref<10112x128xf32, #tpu.memory_space<vmem_shared>>
        tpu.enqueue_indirect_dma source(%arg11 : memref<64x128xf32, #tpu.memory_space<vmem>>) target(%dma_start3A_289 : memref<10112x128xf32, #tpu.memory_space<vmem_shared>>) offsets(%dma_start3A_286 : memref<64xi32, #tpu.memory_space<vmem>>) semaphore(%run_scoped3A : memref<!tpu.dma_semaphore, #tpu.memory_space<semaphore_mem>>) {add = true}
        %dma_wait3A_290 = arith.constant 0 : i32
        %dma_wait3A_291 = tpu.memref_slice %arg8[%add3A_243, %dma_wait3A_290] : memref<40x64xi32, #tpu.memory_space<vmem>> -> memref<1x64xi32, #tpu.memory_space<vmem>>
        %dma_wait3A_292 = tpu.memref_squeeze %dma_wait3A_291 : memref<1x64xi32, #tpu.memory_space<vmem>> -> memref<64xi32, #tpu.memory_space<vmem>>
        %dma_wait3A_293 = arith.constant 0 : i32
        %dma_wait3A_294 = arith.constant 0 : i32
        %dma_wait3A_295 = tpu.memref_slice %arg13[%dma_wait3A_293, %dma_wait3A_294] : memref<10112x128xf32, #tpu.memory_space<vmem_shared>> -> memref<10112x128xf32, #tpu.memory_space<vmem_shared>>
        tpu.wait_indirect_dma semaphore(%run_scoped3A : memref<!tpu.dma_semaphore, #tpu.memory_space<semaphore_mem>>) src(%arg11 : memref<64x128xf32, #tpu.memory_space<vmem>>) dst(%dma_wait3A_295 : memref<10112x128xf32, #tpu.memory_space<vmem_shared>>)
        tpu.yield
      }) : () -> ()
      %mul3A_262 = arith.constant 4 : i32
      %mul3A_263 = arith.muli %add3A_197, %mul3A_262 : i32
      %add3A_264 = arith.constant 3 : i32
      %add3A_265 = arith.addi %mul3A_263, %add3A_264 : i32
      %add3A_266 = arith.constant 4 : i32
      %add3A_267 = arith.addi %add3A_265, %add3A_266 : i32
      %sub3A_268 = arith.constant 1 : i32
      %sub3A_269 = arith.subi %add3A_267, %sub3A_268 : i32
      %min3A_270 = arith.constant 39 : i32
      %min3A_271 = arith.minsi %sub3A_269, %min3A_270 : i32
      %dma_start3A_272 = arith.constant 0 : i32
      %dma_start3A_273 = tpu.memref_slice %arg7[%min3A_271, %dma_start3A_272] : memref<40x64xi32, #tpu.memory_space<vmem>> -> memref<1x64xi32, #tpu.memory_space<vmem>>
      %dma_start3A_274 = tpu.memref_squeeze %dma_start3A_273 : memref<1x64xi32, #tpu.memory_space<vmem>> -> memref<64xi32, #tpu.memory_space<vmem>>
      %dma_start3A_275 = arith.constant 0 : i32
      %dma_start3A_276 = arith.constant 0 : i32
      %dma_start3A_277 = tpu.memref_slice %arg2[%dma_start3A_275, %dma_start3A_276] : memref<10000x128xf32, #tpu.memory_space<hbm>> -> memref<10000x128xf32, #tpu.memory_space<hbm>>
      tpu.enqueue_indirect_dma source(%dma_start3A_277 : memref<10000x128xf32, #tpu.memory_space<hbm>>) target(%arg11 : memref<64x128xf32, #tpu.memory_space<vmem>>) offsets(%dma_start3A_274 : memref<64xi32, #tpu.memory_space<vmem>>) semaphore(%arg16 : memref<!tpu.dma_semaphore, #tpu.memory_space<semaphore_mem>>)
      %dma_wait3A_278 = arith.constant 0 : i32
      %dma_wait3A_279 = tpu.memref_slice %arg7[%add3A_265, %dma_wait3A_278] : memref<40x64xi32, #tpu.memory_space<vmem>> -> memref<1x64xi32, #tpu.memory_space<vmem>>
      %dma_wait3A_280 = tpu.memref_squeeze %dma_wait3A_279 : memref<1x64xi32, #tpu.memory_space<vmem>> -> memref<64xi32, #tpu.memory_space<vmem>>
      %dma_wait3A_281 = arith.constant 0 : i32
      %dma_wait3A_282 = arith.constant 0 : i32
      %dma_wait3A_283 = tpu.memref_slice %arg2[%dma_wait3A_281, %dma_wait3A_282] : memref<10000x128xf32, #tpu.memory_space<hbm>> -> memref<10000x128xf32, #tpu.memory_space<hbm>>
      tpu.wait_indirect_dma semaphore(%arg17 : memref<!tpu.dma_semaphore, #tpu.memory_space<semaphore_mem>>) src(%dma_wait3A_283 : memref<10000x128xf32, #tpu.memory_space<hbm>>) dst(%arg12 : memref<64x128xf32, #tpu.memory_space<vmem>>)
      "tpu.region"() ({
        %run_scoped3A = tpu.sem_alloc : memref<!tpu.dma_semaphore, #tpu.memory_space<semaphore_mem>>
        %dma_start3A_284 = arith.constant 0 : i32
        %dma_start3A_285 = tpu.memref_slice %arg8[%add3A_265, %dma_start3A_284] : memref<40x64xi32, #tpu.memory_space<vmem>> -> memref<1x64xi32, #tpu.memory_space<vmem>>
        %dma_start3A_286 = tpu.memref_squeeze %dma_start3A_285 : memref<1x64xi32, #tpu.memory_space<vmem>> -> memref<64xi32, #tpu.memory_space<vmem>>
        %dma_start3A_287 = arith.constant 0 : i32
        %dma_start3A_288 = arith.constant 0 : i32
        %dma_start3A_289 = tpu.memref_slice %arg13[%dma_start3A_287, %dma_start3A_288] : memref<10112x128xf32, #tpu.memory_space<vmem_shared>> -> memref<10112x128xf32, #tpu.memory_space<vmem_shared>>
        tpu.enqueue_indirect_dma source(%arg12 : memref<64x128xf32, #tpu.memory_space<vmem>>) target(%dma_start3A_289 : memref<10112x128xf32, #tpu.memory_space<vmem_shared>>) offsets(%dma_start3A_286 : memref<64xi32, #tpu.memory_space<vmem>>) semaphore(%run_scoped3A : memref<!tpu.dma_semaphore, #tpu.memory_space<semaphore_mem>>) {add = true}
        %dma_wait3A_290 = arith.constant 0 : i32
        %dma_wait3A_291 = tpu.memref_slice %arg8[%add3A_265, %dma_wait3A_290] : memref<40x64xi32, #tpu.memory_space<vmem>> -> memref<1x64xi32, #tpu.memory_space<vmem>>
        %dma_wait3A_292 = tpu.memref_squeeze %dma_wait3A_291 : memref<1x64xi32, #tpu.memory_space<vmem>> -> memref<64xi32, #tpu.memory_space<vmem>>
        %dma_wait3A_293 = arith.constant 0 : i32
        %dma_wait3A_294 = arith.constant 0 : i32
        %dma_wait3A_295 = tpu.memref_slice %arg13[%dma_wait3A_293, %dma_wait3A_294] : memref<10112x128xf32, #tpu.memory_space<vmem_shared>> -> memref<10112x128xf32, #tpu.memory_space<vmem_shared>>
        tpu.wait_indirect_dma semaphore(%run_scoped3A : memref<!tpu.dma_semaphore, #tpu.memory_space<semaphore_mem>>) src(%arg12 : memref<64x128xf32, #tpu.memory_space<vmem>>) dst(%dma_wait3A_295 : memref<10112x128xf32, #tpu.memory_space<vmem_shared>>)
        tpu.yield
      }) : () -> ()
    }
    %scan3A_72 = arith.constant 10 : i32
    %dma_wait3A_73 = arith.constant 39 : i32
    %dma_wait3A_74 = arith.constant 0 : i32
    %dma_wait3A_75 = tpu.memref_slice %arg7[%dma_wait3A_73, %dma_wait3A_74] : memref<40x64xi32, #tpu.memory_space<vmem>> -> memref<1x64xi32, #tpu.memory_space<vmem>>
    %dma_wait3A_76 = tpu.memref_squeeze %dma_wait3A_75 : memref<1x64xi32, #tpu.memory_space<vmem>> -> memref<64xi32, #tpu.memory_space<vmem>>
    %dma_wait3A_77 = arith.constant 0 : i32
    %dma_wait3A_78 = arith.constant 0 : i32
    %dma_wait3A_79 = tpu.memref_slice %arg2[%dma_wait3A_77, %dma_wait3A_78] : memref<10000x128xf32, #tpu.memory_space<hbm>> -> memref<10000x128xf32, #tpu.memory_space<hbm>>
    tpu.wait_indirect_dma semaphore(%arg14 : memref<!tpu.dma_semaphore, #tpu.memory_space<semaphore_mem>>) src(%dma_wait3A_79 : memref<10000x128xf32, #tpu.memory_space<hbm>>) dst(%arg9 : memref<64x128xf32, #tpu.memory_space<vmem>>)
    %dma_wait3A_80 = arith.constant 39 : i32
    %dma_wait3A_81 = arith.constant 0 : i32
    %dma_wait3A_82 = tpu.memref_slice %arg7[%dma_wait3A_80, %dma_wait3A_81] : memref<40x64xi32, #tpu.memory_space<vmem>> -> memref<1x64xi32, #tpu.memory_space<vmem>>
    %dma_wait3A_83 = tpu.memref_squeeze %dma_wait3A_82 : memref<1x64xi32, #tpu.memory_space<vmem>> -> memref<64xi32, #tpu.memory_space<vmem>>
    %dma_wait3A_84 = arith.constant 0 : i32
    %dma_wait3A_85 = arith.constant 0 : i32
    %dma_wait3A_86 = tpu.memref_slice %arg2[%dma_wait3A_84, %dma_wait3A_85] : memref<10000x128xf32, #tpu.memory_space<hbm>> -> memref<10000x128xf32, #tpu.memory_space<hbm>>
    tpu.wait_indirect_dma semaphore(%arg15 : memref<!tpu.dma_semaphore, #tpu.memory_space<semaphore_mem>>) src(%dma_wait3A_86 : memref<10000x128xf32, #tpu.memory_space<hbm>>) dst(%arg10 : memref<64x128xf32, #tpu.memory_space<vmem>>)
    %dma_wait3A_87 = arith.constant 39 : i32
    %dma_wait3A_88 = arith.constant 0 : i32
    %dma_wait3A_89 = tpu.memref_slice %arg7[%dma_wait3A_87, %dma_wait3A_88] : memref<40x64xi32, #tpu.memory_space<vmem>> -> memref<1x64xi32, #tpu.memory_space<vmem>>
    %dma_wait3A_90 = tpu.memref_squeeze %dma_wait3A_89 : memref<1x64xi32, #tpu.memory_space<vmem>> -> memref<64xi32, #tpu.memory_space<vmem>>
    %dma_wait3A_91 = arith.constant 0 : i32
    %dma_wait3A_92 = arith.constant 0 : i32
    %dma_wait3A_93 = tpu.memref_slice %arg2[%dma_wait3A_91, %dma_wait3A_92] : memref<10000x128xf32, #tpu.memory_space<hbm>> -> memref<10000x128xf32, #tpu.memory_space<hbm>>
    tpu.wait_indirect_dma semaphore(%arg16 : memref<!tpu.dma_semaphore, #tpu.memory_space<semaphore_mem>>) src(%dma_wait3A_93 : memref<10000x128xf32, #tpu.memory_space<hbm>>) dst(%arg11 : memref<64x128xf32, #tpu.memory_space<vmem>>)
    "tpu.region"() ({
      %run_scoped3A = tpu.sem_alloc : memref<!tpu.dma_semaphore, #tpu.memory_space<semaphore_mem>>
      %dma_start3A_193 = arith.constant 80 : i32
      %dma_start3A_194 = arith.constant 0 : i32
      %dma_start3A_195 = tpu.memref_slice %arg3[%add3A, %dma_start3A_193, %dma_start3A_194] : memref<32x160x64xi32, #tpu.memory_space<hbm>> -> memref<1x40x64xi32, #tpu.memory_space<hbm>>
      %dma_start3A_196 = tpu.memref_squeeze %dma_start3A_195 : memref<1x40x64xi32, #tpu.memory_space<hbm>> -> memref<40x64xi32, #tpu.memory_space<hbm>>
      %dma_start3A_197 = arith.constant 80 : i32
      %dma_start3A_198 = arith.constant 0 : i32
      %dma_start3A_199 = tpu.memref_slice %arg3[%add3A, %dma_start3A_197, %dma_start3A_198] : memref<32x160x64xi32, #tpu.memory_space<hbm>> -> memref<1x40x64xi32, #tpu.memory_space<hbm>>
      %dma_start3A_200 = tpu.memref_squeeze %dma_start3A_199 : memref<1x40x64xi32, #tpu.memory_space<hbm>> -> memref<40x64xi32, #tpu.memory_space<hbm>>
      tpu.enqueue_dma source(%dma_start3A_200 : memref<40x64xi32, #tpu.memory_space<hbm>>) target(%arg7 : memref<40x64xi32, #tpu.memory_space<vmem>>) target_semaphore(%run_scoped3A : memref<!tpu.dma_semaphore, #tpu.memory_space<semaphore_mem>>)
      %dma_wait3A_201 = arith.constant 80 : i32
      %dma_wait3A_202 = arith.constant 0 : i32
      %dma_wait3A_203 = tpu.memref_slice %arg3[%add3A, %dma_wait3A_201, %dma_wait3A_202] : memref<32x160x64xi32, #tpu.memory_space<hbm>> -> memref<1x40x64xi32, #tpu.memory_space<hbm>>
      %dma_wait3A_204 = tpu.memref_squeeze %dma_wait3A_203 : memref<1x40x64xi32, #tpu.memory_space<hbm>> -> memref<40x64xi32, #tpu.memory_space<hbm>>
      %dma_wait3A_205 = arith.constant 80 : i32
      %dma_wait3A_206 = arith.constant 0 : i32
      %dma_wait3A_207 = tpu.memref_slice %arg3[%add3A, %dma_wait3A_205, %dma_wait3A_206] : memref<32x160x64xi32, #tpu.memory_space<hbm>> -> memref<1x40x64xi32, #tpu.memory_space<hbm>>
      %dma_wait3A_208 = tpu.memref_squeeze %dma_wait3A_207 : memref<1x40x64xi32, #tpu.memory_space<hbm>> -> memref<40x64xi32, #tpu.memory_space<hbm>>
      tpu.wait_dma2 semaphore(%run_scoped3A : memref<!tpu.dma_semaphore, #tpu.memory_space<semaphore_mem>>) src(%dma_wait3A_208 : memref<40x64xi32, #tpu.memory_space<hbm>>) dst(%arg7 : memref<40x64xi32, #tpu.memory_space<vmem>>)
      tpu.yield
    }) : () -> ()
    "tpu.region"() ({
      %run_scoped3A = tpu.sem_alloc : memref<!tpu.dma_semaphore, #tpu.memory_space<semaphore_mem>>
      %dma_start3A_193 = arith.constant 80 : i32
      %dma_start3A_194 = arith.constant 0 : i32
      %dma_start3A_195 = tpu.memref_slice %arg4[%add3A, %dma_start3A_193, %dma_start3A_194] : memref<32x160x64xi32, #tpu.memory_space<hbm>> -> memref<1x40x64xi32, #tpu.memory_space<hbm>>
      %dma_start3A_196 = tpu.memref_squeeze %dma_start3A_195 : memref<1x40x64xi32, #tpu.memory_space<hbm>> -> memref<40x64xi32, #tpu.memory_space<hbm>>
      %dma_start3A_197 = arith.constant 80 : i32
      %dma_start3A_198 = arith.constant 0 : i32
      %dma_start3A_199 = tpu.memref_slice %arg4[%add3A, %dma_start3A_197, %dma_start3A_198] : memref<32x160x64xi32, #tpu.memory_space<hbm>> -> memref<1x40x64xi32, #tpu.memory_space<hbm>>
      %dma_start3A_200 = tpu.memref_squeeze %dma_start3A_199 : memref<1x40x64xi32, #tpu.memory_space<hbm>> -> memref<40x64xi32, #tpu.memory_space<hbm>>
      tpu.enqueue_dma source(%dma_start3A_200 : memref<40x64xi32, #tpu.memory_space<hbm>>) target(%arg8 : memref<40x64xi32, #tpu.memory_space<vmem>>) target_semaphore(%run_scoped3A : memref<!tpu.dma_semaphore, #tpu.memory_space<semaphore_mem>>)
      %dma_wait3A_201 = arith.constant 80 : i32
      %dma_wait3A_202 = arith.constant 0 : i32
      %dma_wait3A_203 = tpu.memref_slice %arg4[%add3A, %dma_wait3A_201, %dma_wait3A_202] : memref<32x160x64xi32, #tpu.memory_space<hbm>> -> memref<1x40x64xi32, #tpu.memory_space<hbm>>
      %dma_wait3A_204 = tpu.memref_squeeze %dma_wait3A_203 : memref<1x40x64xi32, #tpu.memory_space<hbm>> -> memref<40x64xi32, #tpu.memory_space<hbm>>
      %dma_wait3A_205 = arith.constant 80 : i32
      %dma_wait3A_206 = arith.constant 0 : i32
      %dma_wait3A_207 = tpu.memref_slice %arg4[%add3A, %dma_wait3A_205, %dma_wait3A_206] : memref<32x160x64xi32, #tpu.memory_space<hbm>> -> memref<1x40x64xi32, #tpu.memory_space<hbm>>
      %dma_wait3A_208 = tpu.memref_squeeze %dma_wait3A_207 : memref<1x40x64xi32, #tpu.memory_space<hbm>> -> memref<40x64xi32, #tpu.memory_space<hbm>>
      tpu.wait_dma2 semaphore(%run_scoped3A : memref<!tpu.dma_semaphore, #tpu.memory_space<semaphore_mem>>) src(%dma_wait3A_208 : memref<40x64xi32, #tpu.memory_space<hbm>>) dst(%arg8 : memref<40x64xi32, #tpu.memory_space<vmem>>)
      tpu.yield
    }) : () -> ()
    %dma_start3A_94 = arith.constant 0 : i32
    %dma_start3A_95 = arith.constant 0 : i32
    %dma_start3A_96 = tpu.memref_slice %arg7[%dma_start3A_94, %dma_start3A_95] : memref<40x64xi32, #tpu.memory_space<vmem>> -> memref<1x64xi32, #tpu.memory_space<vmem>>
    %dma_start3A_97 = tpu.memref_squeeze %dma_start3A_96 : memref<1x64xi32, #tpu.memory_space<vmem>> -> memref<64xi32, #tpu.memory_space<vmem>>
    %dma_start3A_98 = arith.constant 0 : i32
    %dma_start3A_99 = arith.constant 0 : i32
    %dma_start3A_100 = tpu.memref_slice %arg2[%dma_start3A_98, %dma_start3A_99] : memref<10000x128xf32, #tpu.memory_space<hbm>> -> memref<10000x128xf32, #tpu.memory_space<hbm>>
    tpu.enqueue_indirect_dma source(%dma_start3A_100 : memref<10000x128xf32, #tpu.memory_space<hbm>>) target(%arg9 : memref<64x128xf32, #tpu.memory_space<vmem>>) offsets(%dma_start3A_97 : memref<64xi32, #tpu.memory_space<vmem>>) semaphore(%arg14 : memref<!tpu.dma_semaphore, #tpu.memory_space<semaphore_mem>>)
    %dma_start3A_101 = arith.constant 1 : i32
    %dma_start3A_102 = arith.constant 0 : i32
    %dma_start3A_103 = tpu.memref_slice %arg7[%dma_start3A_101, %dma_start3A_102] : memref<40x64xi32, #tpu.memory_space<vmem>> -> memref<1x64xi32, #tpu.memory_space<vmem>>
    %dma_start3A_104 = tpu.memref_squeeze %dma_start3A_103 : memref<1x64xi32, #tpu.memory_space<vmem>> -> memref<64xi32, #tpu.memory_space<vmem>>
    %dma_start3A_105 = arith.constant 0 : i32
    %dma_start3A_106 = arith.constant 0 : i32
    %dma_start3A_107 = tpu.memref_slice %arg2[%dma_start3A_105, %dma_start3A_106] : memref<10000x128xf32, #tpu.memory_space<hbm>> -> memref<10000x128xf32, #tpu.memory_space<hbm>>
    tpu.enqueue_indirect_dma source(%dma_start3A_107 : memref<10000x128xf32, #tpu.memory_space<hbm>>) target(%arg10 : memref<64x128xf32, #tpu.memory_space<vmem>>) offsets(%dma_start3A_104 : memref<64xi32, #tpu.memory_space<vmem>>) semaphore(%arg15 : memref<!tpu.dma_semaphore, #tpu.memory_space<semaphore_mem>>)
    %dma_start3A_108 = arith.constant 2 : i32
    %dma_start3A_109 = arith.constant 0 : i32
    %dma_start3A_110 = tpu.memref_slice %arg7[%dma_start3A_108, %dma_start3A_109] : memref<40x64xi32, #tpu.memory_space<vmem>> -> memref<1x64xi32, #tpu.memory_space<vmem>>
    %dma_start3A_111 = tpu.memref_squeeze %dma_start3A_110 : memref<1x64xi32, #tpu.memory_space<vmem>> -> memref<64xi32, #tpu.memory_space<vmem>>
    %dma_start3A_112 = arith.constant 0 : i32
    %dma_start3A_113 = arith.constant 0 : i32
    %dma_start3A_114 = tpu.memref_slice %arg2[%dma_start3A_112, %dma_start3A_113] : memref<10000x128xf32, #tpu.memory_space<hbm>> -> memref<10000x128xf32, #tpu.memory_space<hbm>>
    tpu.enqueue_indirect_dma source(%dma_start3A_114 : memref<10000x128xf32, #tpu.memory_space<hbm>>) target(%arg11 : memref<64x128xf32, #tpu.memory_space<vmem>>) offsets(%dma_start3A_111 : memref<64xi32, #tpu.memory_space<vmem>>) semaphore(%arg16 : memref<!tpu.dma_semaphore, #tpu.memory_space<semaphore_mem>>)
    %scan3A_115 = arith.constant 0 : i32
    %scan3A_116 = arith.constant 10 : i32
    %scan3A_117 = arith.addi %scan3A_115, %scan3A_116 : i32
    %scan3A_118 = arith.constant 1 : i32
    scf.for %scan3A_193 = %scan3A_115 to %scan3A_117 step %scan3A_118  : i32 {
      %mul3A_194 = arith.constant 1 : i32
      %mul3A_195 = arith.muli %scan3A_193, %mul3A_194 : i32
      %add3A_196 = arith.constant 0 : i32
      %add3A_197 = arith.addi %add3A_196, %mul3A_195 : i32
      %mul3A_198 = arith.constant 4 : i32
      %mul3A_199 = arith.muli %add3A_197, %mul3A_198 : i32
      %add3A_200 = arith.constant 0 : i32
      %add3A_201 = arith.addi %mul3A_199, %add3A_200 : i32
      %add3A_202 = arith.constant 4 : i32
      %add3A_203 = arith.addi %add3A_201, %add3A_202 : i32
      %sub3A = arith.constant 1 : i32
      %sub3A_204 = arith.subi %add3A_203, %sub3A : i32
      %min3A = arith.constant 39 : i32
      %min3A_205 = arith.minsi %sub3A_204, %min3A : i32
      %dma_start3A_206 = arith.constant 0 : i32
      %dma_start3A_207 = tpu.memref_slice %arg7[%min3A_205, %dma_start3A_206] : memref<40x64xi32, #tpu.memory_space<vmem>> -> memref<1x64xi32, #tpu.memory_space<vmem>>
      %dma_start3A_208 = tpu.memref_squeeze %dma_start3A_207 : memref<1x64xi32, #tpu.memory_space<vmem>> -> memref<64xi32, #tpu.memory_space<vmem>>
      %dma_start3A_209 = arith.constant 0 : i32
      %dma_start3A_210 = arith.constant 0 : i32
      %dma_start3A_211 = tpu.memref_slice %arg2[%dma_start3A_209, %dma_start3A_210] : memref<10000x128xf32, #tpu.memory_space<hbm>> -> memref<10000x128xf32, #tpu.memory_space<hbm>>
      tpu.enqueue_indirect_dma source(%dma_start3A_211 : memref<10000x128xf32, #tpu.memory_space<hbm>>) target(%arg12 : memref<64x128xf32, #tpu.memory_space<vmem>>) offsets(%dma_start3A_208 : memref<64xi32, #tpu.memory_space<vmem>>) semaphore(%arg17 : memref<!tpu.dma_semaphore, #tpu.memory_space<semaphore_mem>>)
      %dma_wait3A_212 = arith.constant 0 : i32
      %dma_wait3A_213 = tpu.memref_slice %arg7[%add3A_201, %dma_wait3A_212] : memref<40x64xi32, #tpu.memory_space<vmem>> -> memref<1x64xi32, #tpu.memory_space<vmem>>
      %dma_wait3A_214 = tpu.memref_squeeze %dma_wait3A_213 : memref<1x64xi32, #tpu.memory_space<vmem>> -> memref<64xi32, #tpu.memory_space<vmem>>
      %dma_wait3A_215 = arith.constant 0 : i32
      %dma_wait3A_216 = arith.constant 0 : i32
      %dma_wait3A_217 = tpu.memref_slice %arg2[%dma_wait3A_215, %dma_wait3A_216] : memref<10000x128xf32, #tpu.memory_space<hbm>> -> memref<10000x128xf32, #tpu.memory_space<hbm>>
      tpu.wait_indirect_dma semaphore(%arg14 : memref<!tpu.dma_semaphore, #tpu.memory_space<semaphore_mem>>) src(%dma_wait3A_217 : memref<10000x128xf32, #tpu.memory_space<hbm>>) dst(%arg9 : memref<64x128xf32, #tpu.memory_space<vmem>>)
      "tpu.region"() ({
        %run_scoped3A = tpu.sem_alloc : memref<!tpu.dma_semaphore, #tpu.memory_space<semaphore_mem>>
        %dma_start3A_284 = arith.constant 0 : i32
        %dma_start3A_285 = tpu.memref_slice %arg8[%add3A_201, %dma_start3A_284] : memref<40x64xi32, #tpu.memory_space<vmem>> -> memref<1x64xi32, #tpu.memory_space<vmem>>
        %dma_start3A_286 = tpu.memref_squeeze %dma_start3A_285 : memref<1x64xi32, #tpu.memory_space<vmem>> -> memref<64xi32, #tpu.memory_space<vmem>>
        %dma_start3A_287 = arith.constant 0 : i32
        %dma_start3A_288 = arith.constant 0 : i32
        %dma_start3A_289 = tpu.memref_slice %arg13[%dma_start3A_287, %dma_start3A_288] : memref<10112x128xf32, #tpu.memory_space<vmem_shared>> -> memref<10112x128xf32, #tpu.memory_space<vmem_shared>>
        tpu.enqueue_indirect_dma source(%arg9 : memref<64x128xf32, #tpu.memory_space<vmem>>) target(%dma_start3A_289 : memref<10112x128xf32, #tpu.memory_space<vmem_shared>>) offsets(%dma_start3A_286 : memref<64xi32, #tpu.memory_space<vmem>>) semaphore(%run_scoped3A : memref<!tpu.dma_semaphore, #tpu.memory_space<semaphore_mem>>) {add = true}
        %dma_wait3A_290 = arith.constant 0 : i32
        %dma_wait3A_291 = tpu.memref_slice %arg8[%add3A_201, %dma_wait3A_290] : memref<40x64xi32, #tpu.memory_space<vmem>> -> memref<1x64xi32, #tpu.memory_space<vmem>>
        %dma_wait3A_292 = tpu.memref_squeeze %dma_wait3A_291 : memref<1x64xi32, #tpu.memory_space<vmem>> -> memref<64xi32, #tpu.memory_space<vmem>>
        %dma_wait3A_293 = arith.constant 0 : i32
        %dma_wait3A_294 = arith.constant 0 : i32
        %dma_wait3A_295 = tpu.memref_slice %arg13[%dma_wait3A_293, %dma_wait3A_294] : memref<10112x128xf32, #tpu.memory_space<vmem_shared>> -> memref<10112x128xf32, #tpu.memory_space<vmem_shared>>
        tpu.wait_indirect_dma semaphore(%run_scoped3A : memref<!tpu.dma_semaphore, #tpu.memory_space<semaphore_mem>>) src(%arg9 : memref<64x128xf32, #tpu.memory_space<vmem>>) dst(%dma_wait3A_295 : memref<10112x128xf32, #tpu.memory_space<vmem_shared>>)
        tpu.yield
      }) : () -> ()
      %mul3A_218 = arith.constant 4 : i32
      %mul3A_219 = arith.muli %add3A_197, %mul3A_218 : i32
      %add3A_220 = arith.constant 1 : i32
      %add3A_221 = arith.addi %mul3A_219, %add3A_220 : i32
      %add3A_222 = arith.constant 4 : i32
      %add3A_223 = arith.addi %add3A_221, %add3A_222 : i32
      %sub3A_224 = arith.constant 1 : i32
      %sub3A_225 = arith.subi %add3A_223, %sub3A_224 : i32
      %min3A_226 = arith.constant 39 : i32
      %min3A_227 = arith.minsi %sub3A_225, %min3A_226 : i32
      %dma_start3A_228 = arith.constant 0 : i32
      %dma_start3A_229 = tpu.memref_slice %arg7[%min3A_227, %dma_start3A_228] : memref<40x64xi32, #tpu.memory_space<vmem>> -> memref<1x64xi32, #tpu.memory_space<vmem>>
      %dma_start3A_230 = tpu.memref_squeeze %dma_start3A_229 : memref<1x64xi32, #tpu.memory_space<vmem>> -> memref<64xi32, #tpu.memory_space<vmem>>
      %dma_start3A_231 = arith.constant 0 : i32
      %dma_start3A_232 = arith.constant 0 : i32
      %dma_start3A_233 = tpu.memref_slice %arg2[%dma_start3A_231, %dma_start3A_232] : memref<10000x128xf32, #tpu.memory_space<hbm>> -> memref<10000x128xf32, #tpu.memory_space<hbm>>
      tpu.enqueue_indirect_dma source(%dma_start3A_233 : memref<10000x128xf32, #tpu.memory_space<hbm>>) target(%arg9 : memref<64x128xf32, #tpu.memory_space<vmem>>) offsets(%dma_start3A_230 : memref<64xi32, #tpu.memory_space<vmem>>) semaphore(%arg14 : memref<!tpu.dma_semaphore, #tpu.memory_space<semaphore_mem>>)
      %dma_wait3A_234 = arith.constant 0 : i32
      %dma_wait3A_235 = tpu.memref_slice %arg7[%add3A_221, %dma_wait3A_234] : memref<40x64xi32, #tpu.memory_space<vmem>> -> memref<1x64xi32, #tpu.memory_space<vmem>>
      %dma_wait3A_236 = tpu.memref_squeeze %dma_wait3A_235 : memref<1x64xi32, #tpu.memory_space<vmem>> -> memref<64xi32, #tpu.memory_space<vmem>>
      %dma_wait3A_237 = arith.constant 0 : i32
      %dma_wait3A_238 = arith.constant 0 : i32
      %dma_wait3A_239 = tpu.memref_slice %arg2[%dma_wait3A_237, %dma_wait3A_238] : memref<10000x128xf32, #tpu.memory_space<hbm>> -> memref<10000x128xf32, #tpu.memory_space<hbm>>
      tpu.wait_indirect_dma semaphore(%arg15 : memref<!tpu.dma_semaphore, #tpu.memory_space<semaphore_mem>>) src(%dma_wait3A_239 : memref<10000x128xf32, #tpu.memory_space<hbm>>) dst(%arg10 : memref<64x128xf32, #tpu.memory_space<vmem>>)
      "tpu.region"() ({
        %run_scoped3A = tpu.sem_alloc : memref<!tpu.dma_semaphore, #tpu.memory_space<semaphore_mem>>
        %dma_start3A_284 = arith.constant 0 : i32
        %dma_start3A_285 = tpu.memref_slice %arg8[%add3A_221, %dma_start3A_284] : memref<40x64xi32, #tpu.memory_space<vmem>> -> memref<1x64xi32, #tpu.memory_space<vmem>>
        %dma_start3A_286 = tpu.memref_squeeze %dma_start3A_285 : memref<1x64xi32, #tpu.memory_space<vmem>> -> memref<64xi32, #tpu.memory_space<vmem>>
        %dma_start3A_287 = arith.constant 0 : i32
        %dma_start3A_288 = arith.constant 0 : i32
        %dma_start3A_289 = tpu.memref_slice %arg13[%dma_start3A_287, %dma_start3A_288] : memref<10112x128xf32, #tpu.memory_space<vmem_shared>> -> memref<10112x128xf32, #tpu.memory_space<vmem_shared>>
        tpu.enqueue_indirect_dma source(%arg10 : memref<64x128xf32, #tpu.memory_space<vmem>>) target(%dma_start3A_289 : memref<10112x128xf32, #tpu.memory_space<vmem_shared>>) offsets(%dma_start3A_286 : memref<64xi32, #tpu.memory_space<vmem>>) semaphore(%run_scoped3A : memref<!tpu.dma_semaphore, #tpu.memory_space<semaphore_mem>>) {add = true}
        %dma_wait3A_290 = arith.constant 0 : i32
        %dma_wait3A_291 = tpu.memref_slice %arg8[%add3A_221, %dma_wait3A_290] : memref<40x64xi32, #tpu.memory_space<vmem>> -> memref<1x64xi32, #tpu.memory_space<vmem>>
        %dma_wait3A_292 = tpu.memref_squeeze %dma_wait3A_291 : memref<1x64xi32, #tpu.memory_space<vmem>> -> memref<64xi32, #tpu.memory_space<vmem>>
        %dma_wait3A_293 = arith.constant 0 : i32
        %dma_wait3A_294 = arith.constant 0 : i32
        %dma_wait3A_295 = tpu.memref_slice %arg13[%dma_wait3A_293, %dma_wait3A_294] : memref<10112x128xf32, #tpu.memory_space<vmem_shared>> -> memref<10112x128xf32, #tpu.memory_space<vmem_shared>>
        tpu.wait_indirect_dma semaphore(%run_scoped3A : memref<!tpu.dma_semaphore, #tpu.memory_space<semaphore_mem>>) src(%arg10 : memref<64x128xf32, #tpu.memory_space<vmem>>) dst(%dma_wait3A_295 : memref<10112x128xf32, #tpu.memory_space<vmem_shared>>)
        tpu.yield
      }) : () -> ()
      %mul3A_240 = arith.constant 4 : i32
      %mul3A_241 = arith.muli %add3A_197, %mul3A_240 : i32
      %add3A_242 = arith.constant 2 : i32
      %add3A_243 = arith.addi %mul3A_241, %add3A_242 : i32
      %add3A_244 = arith.constant 4 : i32
      %add3A_245 = arith.addi %add3A_243, %add3A_244 : i32
      %sub3A_246 = arith.constant 1 : i32
      %sub3A_247 = arith.subi %add3A_245, %sub3A_246 : i32
      %min3A_248 = arith.constant 39 : i32
      %min3A_249 = arith.minsi %sub3A_247, %min3A_248 : i32
      %dma_start3A_250 = arith.constant 0 : i32
      %dma_start3A_251 = tpu.memref_slice %arg7[%min3A_249, %dma_start3A_250] : memref<40x64xi32, #tpu.memory_space<vmem>> -> memref<1x64xi32, #tpu.memory_space<vmem>>
      %dma_start3A_252 = tpu.memref_squeeze %dma_start3A_251 : memref<1x64xi32, #tpu.memory_space<vmem>> -> memref<64xi32, #tpu.memory_space<vmem>>
      %dma_start3A_253 = arith.constant 0 : i32
      %dma_start3A_254 = arith.constant 0 : i32
      %dma_start3A_255 = tpu.memref_slice %arg2[%dma_start3A_253, %dma_start3A_254] : memref<10000x128xf32, #tpu.memory_space<hbm>> -> memref<10000x128xf32, #tpu.memory_space<hbm>>
      tpu.enqueue_indirect_dma source(%dma_start3A_255 : memref<10000x128xf32, #tpu.memory_space<hbm>>) target(%arg10 : memref<64x128xf32, #tpu.memory_space<vmem>>) offsets(%dma_start3A_252 : memref<64xi32, #tpu.memory_space<vmem>>) semaphore(%arg15 : memref<!tpu.dma_semaphore, #tpu.memory_space<semaphore_mem>>)
      %dma_wait3A_256 = arith.constant 0 : i32
      %dma_wait3A_257 = tpu.memref_slice %arg7[%add3A_243, %dma_wait3A_256] : memref<40x64xi32, #tpu.memory_space<vmem>> -> memref<1x64xi32, #tpu.memory_space<vmem>>
      %dma_wait3A_258 = tpu.memref_squeeze %dma_wait3A_257 : memref<1x64xi32, #tpu.memory_space<vmem>> -> memref<64xi32, #tpu.memory_space<vmem>>
      %dma_wait3A_259 = arith.constant 0 : i32
      %dma_wait3A_260 = arith.constant 0 : i32
      %dma_wait3A_261 = tpu.memref_slice %arg2[%dma_wait3A_259, %dma_wait3A_260] : memref<10000x128xf32, #tpu.memory_space<hbm>> -> memref<10000x128xf32, #tpu.memory_space<hbm>>
      tpu.wait_indirect_dma semaphore(%arg16 : memref<!tpu.dma_semaphore, #tpu.memory_space<semaphore_mem>>) src(%dma_wait3A_261 : memref<10000x128xf32, #tpu.memory_space<hbm>>) dst(%arg11 : memref<64x128xf32, #tpu.memory_space<vmem>>)
      "tpu.region"() ({
        %run_scoped3A = tpu.sem_alloc : memref<!tpu.dma_semaphore, #tpu.memory_space<semaphore_mem>>
        %dma_start3A_284 = arith.constant 0 : i32
        %dma_start3A_285 = tpu.memref_slice %arg8[%add3A_243, %dma_start3A_284] : memref<40x64xi32, #tpu.memory_space<vmem>> -> memref<1x64xi32, #tpu.memory_space<vmem>>
        %dma_start3A_286 = tpu.memref_squeeze %dma_start3A_285 : memref<1x64xi32, #tpu.memory_space<vmem>> -> memref<64xi32, #tpu.memory_space<vmem>>
        %dma_start3A_287 = arith.constant 0 : i32
        %dma_start3A_288 = arith.constant 0 : i32
        %dma_start3A_289 = tpu.memref_slice %arg13[%dma_start3A_287, %dma_start3A_288] : memref<10112x128xf32, #tpu.memory_space<vmem_shared>> -> memref<10112x128xf32, #tpu.memory_space<vmem_shared>>
        tpu.enqueue_indirect_dma source(%arg11 : memref<64x128xf32, #tpu.memory_space<vmem>>) target(%dma_start3A_289 : memref<10112x128xf32, #tpu.memory_space<vmem_shared>>) offsets(%dma_start3A_286 : memref<64xi32, #tpu.memory_space<vmem>>) semaphore(%run_scoped3A : memref<!tpu.dma_semaphore, #tpu.memory_space<semaphore_mem>>) {add = true}
        %dma_wait3A_290 = arith.constant 0 : i32
        %dma_wait3A_291 = tpu.memref_slice %arg8[%add3A_243, %dma_wait3A_290] : memref<40x64xi32, #tpu.memory_space<vmem>> -> memref<1x64xi32, #tpu.memory_space<vmem>>
        %dma_wait3A_292 = tpu.memref_squeeze %dma_wait3A_291 : memref<1x64xi32, #tpu.memory_space<vmem>> -> memref<64xi32, #tpu.memory_space<vmem>>
        %dma_wait3A_293 = arith.constant 0 : i32
        %dma_wait3A_294 = arith.constant 0 : i32
        %dma_wait3A_295 = tpu.memref_slice %arg13[%dma_wait3A_293, %dma_wait3A_294] : memref<10112x128xf32, #tpu.memory_space<vmem_shared>> -> memref<10112x128xf32, #tpu.memory_space<vmem_shared>>
        tpu.wait_indirect_dma semaphore(%run_scoped3A : memref<!tpu.dma_semaphore, #tpu.memory_space<semaphore_mem>>) src(%arg11 : memref<64x128xf32, #tpu.memory_space<vmem>>) dst(%dma_wait3A_295 : memref<10112x128xf32, #tpu.memory_space<vmem_shared>>)
        tpu.yield
      }) : () -> ()
      %mul3A_262 = arith.constant 4 : i32
      %mul3A_263 = arith.muli %add3A_197, %mul3A_262 : i32
      %add3A_264 = arith.constant 3 : i32
      %add3A_265 = arith.addi %mul3A_263, %add3A_264 : i32
      %add3A_266 = arith.constant 4 : i32
      %add3A_267 = arith.addi %add3A_265, %add3A_266 : i32
      %sub3A_268 = arith.constant 1 : i32
      %sub3A_269 = arith.subi %add3A_267, %sub3A_268 : i32
      %min3A_270 = arith.constant 39 : i32
      %min3A_271 = arith.minsi %sub3A_269, %min3A_270 : i32
      %dma_start3A_272 = arith.constant 0 : i32
      %dma_start3A_273 = tpu.memref_slice %arg7[%min3A_271, %dma_start3A_272] : memref<40x64xi32, #tpu.memory_space<vmem>> -> memref<1x64xi32, #tpu.memory_space<vmem>>
      %dma_start3A_274 = tpu.memref_squeeze %dma_start3A_273 : memref<1x64xi32, #tpu.memory_space<vmem>> -> memref<64xi32, #tpu.memory_space<vmem>>
      %dma_start3A_275 = arith.constant 0 : i32
      %dma_start3A_276 = arith.constant 0 : i32
      %dma_start3A_277 = tpu.memref_slice %arg2[%dma_start3A_275, %dma_start3A_276] : memref<10000x128xf32, #tpu.memory_space<hbm>> -> memref<10000x128xf32, #tpu.memory_space<hbm>>
      tpu.enqueue_indirect_dma source(%dma_start3A_277 : memref<10000x128xf32, #tpu.memory_space<hbm>>) target(%arg11 : memref<64x128xf32, #tpu.memory_space<vmem>>) offsets(%dma_start3A_274 : memref<64xi32, #tpu.memory_space<vmem>>) semaphore(%arg16 : memref<!tpu.dma_semaphore, #tpu.memory_space<semaphore_mem>>)
      %dma_wait3A_278 = arith.constant 0 : i32
      %dma_wait3A_279 = tpu.memref_slice %arg7[%add3A_265, %dma_wait3A_278] : memref<40x64xi32, #tpu.memory_space<vmem>> -> memref<1x64xi32, #tpu.memory_space<vmem>>
      %dma_wait3A_280 = tpu.memref_squeeze %dma_wait3A_279 : memref<1x64xi32, #tpu.memory_space<vmem>> -> memref<64xi32, #tpu.memory_space<vmem>>
      %dma_wait3A_281 = arith.constant 0 : i32
      %dma_wait3A_282 = arith.constant 0 : i32
      %dma_wait3A_283 = tpu.memref_slice %arg2[%dma_wait3A_281, %dma_wait3A_282] : memref<10000x128xf32, #tpu.memory_space<hbm>> -> memref<10000x128xf32, #tpu.memory_space<hbm>>
      tpu.wait_indirect_dma semaphore(%arg17 : memref<!tpu.dma_semaphore, #tpu.memory_space<semaphore_mem>>) src(%dma_wait3A_283 : memref<10000x128xf32, #tpu.memory_space<hbm>>) dst(%arg12 : memref<64x128xf32, #tpu.memory_space<vmem>>)
      "tpu.region"() ({
        %run_scoped3A = tpu.sem_alloc : memref<!tpu.dma_semaphore, #tpu.memory_space<semaphore_mem>>
        %dma_start3A_284 = arith.constant 0 : i32
        %dma_start3A_285 = tpu.memref_slice %arg8[%add3A_265, %dma_start3A_284] : memref<40x64xi32, #tpu.memory_space<vmem>> -> memref<1x64xi32, #tpu.memory_space<vmem>>
        %dma_start3A_286 = tpu.memref_squeeze %dma_start3A_285 : memref<1x64xi32, #tpu.memory_space<vmem>> -> memref<64xi32, #tpu.memory_space<vmem>>
        %dma_start3A_287 = arith.constant 0 : i32
        %dma_start3A_288 = arith.constant 0 : i32
        %dma_start3A_289 = tpu.memref_slice %arg13[%dma_start3A_287, %dma_start3A_288] : memref<10112x128xf32, #tpu.memory_space<vmem_shared>> -> memref<10112x128xf32, #tpu.memory_space<vmem_shared>>
        tpu.enqueue_indirect_dma source(%arg12 : memref<64x128xf32, #tpu.memory_space<vmem>>) target(%dma_start3A_289 : memref<10112x128xf32, #tpu.memory_space<vmem_shared>>) offsets(%dma_start3A_286 : memref<64xi32, #tpu.memory_space<vmem>>) semaphore(%run_scoped3A : memref<!tpu.dma_semaphore, #tpu.memory_space<semaphore_mem>>) {add = true}
        %dma_wait3A_290 = arith.constant 0 : i32
        %dma_wait3A_291 = tpu.memref_slice %arg8[%add3A_265, %dma_wait3A_290] : memref<40x64xi32, #tpu.memory_space<vmem>> -> memref<1x64xi32, #tpu.memory_space<vmem>>
        %dma_wait3A_292 = tpu.memref_squeeze %dma_wait3A_291 : memref<1x64xi32, #tpu.memory_space<vmem>> -> memref<64xi32, #tpu.memory_space<vmem>>
        %dma_wait3A_293 = arith.constant 0 : i32
        %dma_wait3A_294 = arith.constant 0 : i32
        %dma_wait3A_295 = tpu.memref_slice %arg13[%dma_wait3A_293, %dma_wait3A_294] : memref<10112x128xf32, #tpu.memory_space<vmem_shared>> -> memref<10112x128xf32, #tpu.memory_space<vmem_shared>>
        tpu.wait_indirect_dma semaphore(%run_scoped3A : memref<!tpu.dma_semaphore, #tpu.memory_space<semaphore_mem>>) src(%arg12 : memref<64x128xf32, #tpu.memory_space<vmem>>) dst(%dma_wait3A_295 : memref<10112x128xf32, #tpu.memory_space<vmem_shared>>)
        tpu.yield
      }) : () -> ()
    }
    %scan3A_119 = arith.constant 10 : i32
    %dma_wait3A_120 = arith.constant 39 : i32
    %dma_wait3A_121 = arith.constant 0 : i32
    %dma_wait3A_122 = tpu.memref_slice %arg7[%dma_wait3A_120, %dma_wait3A_121] : memref<40x64xi32, #tpu.memory_space<vmem>> -> memref<1x64xi32, #tpu.memory_space<vmem>>
    %dma_wait3A_123 = tpu.memref_squeeze %dma_wait3A_122 : memref<1x64xi32, #tpu.memory_space<vmem>> -> memref<64xi32, #tpu.memory_space<vmem>>
    %dma_wait3A_124 = arith.constant 0 : i32
    %dma_wait3A_125 = arith.constant 0 : i32
    %dma_wait3A_126 = tpu.memref_slice %arg2[%dma_wait3A_124, %dma_wait3A_125] : memref<10000x128xf32, #tpu.memory_space<hbm>> -> memref<10000x128xf32, #tpu.memory_space<hbm>>
    tpu.wait_indirect_dma semaphore(%arg14 : memref<!tpu.dma_semaphore, #tpu.memory_space<semaphore_mem>>) src(%dma_wait3A_126 : memref<10000x128xf32, #tpu.memory_space<hbm>>) dst(%arg9 : memref<64x128xf32, #tpu.memory_space<vmem>>)
    %dma_wait3A_127 = arith.constant 39 : i32
    %dma_wait3A_128 = arith.constant 0 : i32
    %dma_wait3A_129 = tpu.memref_slice %arg7[%dma_wait3A_127, %dma_wait3A_128] : memref<40x64xi32, #tpu.memory_space<vmem>> -> memref<1x64xi32, #tpu.memory_space<vmem>>
    %dma_wait3A_130 = tpu.memref_squeeze %dma_wait3A_129 : memref<1x64xi32, #tpu.memory_space<vmem>> -> memref<64xi32, #tpu.memory_space<vmem>>
    %dma_wait3A_131 = arith.constant 0 : i32
    %dma_wait3A_132 = arith.constant 0 : i32
    %dma_wait3A_133 = tpu.memref_slice %arg2[%dma_wait3A_131, %dma_wait3A_132] : memref<10000x128xf32, #tpu.memory_space<hbm>> -> memref<10000x128xf32, #tpu.memory_space<hbm>>
    tpu.wait_indirect_dma semaphore(%arg15 : memref<!tpu.dma_semaphore, #tpu.memory_space<semaphore_mem>>) src(%dma_wait3A_133 : memref<10000x128xf32, #tpu.memory_space<hbm>>) dst(%arg10 : memref<64x128xf32, #tpu.memory_space<vmem>>)
    %dma_wait3A_134 = arith.constant 39 : i32
    %dma_wait3A_135 = arith.constant 0 : i32
    %dma_wait3A_136 = tpu.memref_slice %arg7[%dma_wait3A_134, %dma_wait3A_135] : memref<40x64xi32, #tpu.memory_space<vmem>> -> memref<1x64xi32, #tpu.memory_space<vmem>>
    %dma_wait3A_137 = tpu.memref_squeeze %dma_wait3A_136 : memref<1x64xi32, #tpu.memory_space<vmem>> -> memref<64xi32, #tpu.memory_space<vmem>>
    %dma_wait3A_138 = arith.constant 0 : i32
    %dma_wait3A_139 = arith.constant 0 : i32
    %dma_wait3A_140 = tpu.memref_slice %arg2[%dma_wait3A_138, %dma_wait3A_139] : memref<10000x128xf32, #tpu.memory_space<hbm>> -> memref<10000x128xf32, #tpu.memory_space<hbm>>
    tpu.wait_indirect_dma semaphore(%arg16 : memref<!tpu.dma_semaphore, #tpu.memory_space<semaphore_mem>>) src(%dma_wait3A_140 : memref<10000x128xf32, #tpu.memory_space<hbm>>) dst(%arg11 : memref<64x128xf32, #tpu.memory_space<vmem>>)
    "tpu.region"() ({
      %run_scoped3A = tpu.sem_alloc : memref<!tpu.dma_semaphore, #tpu.memory_space<semaphore_mem>>
      %dma_start3A_193 = arith.constant 120 : i32
      %dma_start3A_194 = arith.constant 0 : i32
      %dma_start3A_195 = tpu.memref_slice %arg3[%add3A, %dma_start3A_193, %dma_start3A_194] : memref<32x160x64xi32, #tpu.memory_space<hbm>> -> memref<1x40x64xi32, #tpu.memory_space<hbm>>
      %dma_start3A_196 = tpu.memref_squeeze %dma_start3A_195 : memref<1x40x64xi32, #tpu.memory_space<hbm>> -> memref<40x64xi32, #tpu.memory_space<hbm>>
      %dma_start3A_197 = arith.constant 120 : i32
      %dma_start3A_198 = arith.constant 0 : i32
      %dma_start3A_199 = tpu.memref_slice %arg3[%add3A, %dma_start3A_197, %dma_start3A_198] : memref<32x160x64xi32, #tpu.memory_space<hbm>> -> memref<1x40x64xi32, #tpu.memory_space<hbm>>
      %dma_start3A_200 = tpu.memref_squeeze %dma_start3A_199 : memref<1x40x64xi32, #tpu.memory_space<hbm>> -> memref<40x64xi32, #tpu.memory_space<hbm>>
      tpu.enqueue_dma source(%dma_start3A_200 : memref<40x64xi32, #tpu.memory_space<hbm>>) target(%arg7 : memref<40x64xi32, #tpu.memory_space<vmem>>) target_semaphore(%run_scoped3A : memref<!tpu.dma_semaphore, #tpu.memory_space<semaphore_mem>>)
      %dma_wait3A_201 = arith.constant 120 : i32
      %dma_wait3A_202 = arith.constant 0 : i32
      %dma_wait3A_203 = tpu.memref_slice %arg3[%add3A, %dma_wait3A_201, %dma_wait3A_202] : memref<32x160x64xi32, #tpu.memory_space<hbm>> -> memref<1x40x64xi32, #tpu.memory_space<hbm>>
      %dma_wait3A_204 = tpu.memref_squeeze %dma_wait3A_203 : memref<1x40x64xi32, #tpu.memory_space<hbm>> -> memref<40x64xi32, #tpu.memory_space<hbm>>
      %dma_wait3A_205 = arith.constant 120 : i32
      %dma_wait3A_206 = arith.constant 0 : i32
      %dma_wait3A_207 = tpu.memref_slice %arg3[%add3A, %dma_wait3A_205, %dma_wait3A_206] : memref<32x160x64xi32, #tpu.memory_space<hbm>> -> memref<1x40x64xi32, #tpu.memory_space<hbm>>
      %dma_wait3A_208 = tpu.memref_squeeze %dma_wait3A_207 : memref<1x40x64xi32, #tpu.memory_space<hbm>> -> memref<40x64xi32, #tpu.memory_space<hbm>>
      tpu.wait_dma2 semaphore(%run_scoped3A : memref<!tpu.dma_semaphore, #tpu.memory_space<semaphore_mem>>) src(%dma_wait3A_208 : memref<40x64xi32, #tpu.memory_space<hbm>>) dst(%arg7 : memref<40x64xi32, #tpu.memory_space<vmem>>)
      tpu.yield
    }) : () -> ()
    "tpu.region"() ({
      %run_scoped3A = tpu.sem_alloc : memref<!tpu.dma_semaphore, #tpu.memory_space<semaphore_mem>>
      %dma_start3A_193 = arith.constant 120 : i32
      %dma_start3A_194 = arith.constant 0 : i32
      %dma_start3A_195 = tpu.memref_slice %arg4[%add3A, %dma_start3A_193, %dma_start3A_194] : memref<32x160x64xi32, #tpu.memory_space<hbm>> -> memref<1x40x64xi32, #tpu.memory_space<hbm>>
      %dma_start3A_196 = tpu.memref_squeeze %dma_start3A_195 : memref<1x40x64xi32, #tpu.memory_space<hbm>> -> memref<40x64xi32, #tpu.memory_space<hbm>>
      %dma_start3A_197 = arith.constant 120 : i32
      %dma_start3A_198 = arith.constant 0 : i32
      %dma_start3A_199 = tpu.memref_slice %arg4[%add3A, %dma_start3A_197, %dma_start3A_198] : memref<32x160x64xi32, #tpu.memory_space<hbm>> -> memref<1x40x64xi32, #tpu.memory_space<hbm>>
      %dma_start3A_200 = tpu.memref_squeeze %dma_start3A_199 : memref<1x40x64xi32, #tpu.memory_space<hbm>> -> memref<40x64xi32, #tpu.memory_space<hbm>>
      tpu.enqueue_dma source(%dma_start3A_200 : memref<40x64xi32, #tpu.memory_space<hbm>>) target(%arg8 : memref<40x64xi32, #tpu.memory_space<vmem>>) target_semaphore(%run_scoped3A : memref<!tpu.dma_semaphore, #tpu.memory_space<semaphore_mem>>)
      %dma_wait3A_201 = arith.constant 120 : i32
      %dma_wait3A_202 = arith.constant 0 : i32
      %dma_wait3A_203 = tpu.memref_slice %arg4[%add3A, %dma_wait3A_201, %dma_wait3A_202] : memref<32x160x64xi32, #tpu.memory_space<hbm>> -> memref<1x40x64xi32, #tpu.memory_space<hbm>>
      %dma_wait3A_204 = tpu.memref_squeeze %dma_wait3A_203 : memref<1x40x64xi32, #tpu.memory_space<hbm>> -> memref<40x64xi32, #tpu.memory_space<hbm>>
      %dma_wait3A_205 = arith.constant 120 : i32
      %dma_wait3A_206 = arith.constant 0 : i32
      %dma_wait3A_207 = tpu.memref_slice %arg4[%add3A, %dma_wait3A_205, %dma_wait3A_206] : memref<32x160x64xi32, #tpu.memory_space<hbm>> -> memref<1x40x64xi32, #tpu.memory_space<hbm>>
      %dma_wait3A_208 = tpu.memref_squeeze %dma_wait3A_207 : memref<1x40x64xi32, #tpu.memory_space<hbm>> -> memref<40x64xi32, #tpu.memory_space<hbm>>
      tpu.wait_dma2 semaphore(%run_scoped3A : memref<!tpu.dma_semaphore, #tpu.memory_space<semaphore_mem>>) src(%dma_wait3A_208 : memref<40x64xi32, #tpu.memory_space<hbm>>) dst(%arg8 : memref<40x64xi32, #tpu.memory_space<vmem>>)
      tpu.yield
    }) : () -> ()
    %dma_start3A_141 = arith.constant 0 : i32
    %dma_start3A_142 = arith.constant 0 : i32
    %dma_start3A_143 = tpu.memref_slice %arg7[%dma_start3A_141, %dma_start3A_142] : memref<40x64xi32, #tpu.memory_space<vmem>> -> memref<1x64xi32, #tpu.memory_space<vmem>>
    %dma_start3A_144 = tpu.memref_squeeze %dma_start3A_143 : memref<1x64xi32, #tpu.memory_space<vmem>> -> memref<64xi32, #tpu.memory_space<vmem>>
    %dma_start3A_145 = arith.constant 0 : i32
    %dma_start3A_146 = arith.constant 0 : i32
    %dma_start3A_147 = tpu.memref_slice %arg2[%dma_start3A_145, %dma_start3A_146] : memref<10000x128xf32, #tpu.memory_space<hbm>> -> memref<10000x128xf32, #tpu.memory_space<hbm>>
    tpu.enqueue_indirect_dma source(%dma_start3A_147 : memref<10000x128xf32, #tpu.memory_space<hbm>>) target(%arg9 : memref<64x128xf32, #tpu.memory_space<vmem>>) offsets(%dma_start3A_144 : memref<64xi32, #tpu.memory_space<vmem>>) semaphore(%arg14 : memref<!tpu.dma_semaphore, #tpu.memory_space<semaphore_mem>>)
    %dma_start3A_148 = arith.constant 1 : i32
    %dma_start3A_149 = arith.constant 0 : i32
    %dma_start3A_150 = tpu.memref_slice %arg7[%dma_start3A_148, %dma_start3A_149] : memref<40x64xi32, #tpu.memory_space<vmem>> -> memref<1x64xi32, #tpu.memory_space<vmem>>
    %dma_start3A_151 = tpu.memref_squeeze %dma_start3A_150 : memref<1x64xi32, #tpu.memory_space<vmem>> -> memref<64xi32, #tpu.memory_space<vmem>>
    %dma_start3A_152 = arith.constant 0 : i32
    %dma_start3A_153 = arith.constant 0 : i32
    %dma_start3A_154 = tpu.memref_slice %arg2[%dma_start3A_152, %dma_start3A_153] : memref<10000x128xf32, #tpu.memory_space<hbm>> -> memref<10000x128xf32, #tpu.memory_space<hbm>>
    tpu.enqueue_indirect_dma source(%dma_start3A_154 : memref<10000x128xf32, #tpu.memory_space<hbm>>) target(%arg10 : memref<64x128xf32, #tpu.memory_space<vmem>>) offsets(%dma_start3A_151 : memref<64xi32, #tpu.memory_space<vmem>>) semaphore(%arg15 : memref<!tpu.dma_semaphore, #tpu.memory_space<semaphore_mem>>)
    %dma_start3A_155 = arith.constant 2 : i32
    %dma_start3A_156 = arith.constant 0 : i32
    %dma_start3A_157 = tpu.memref_slice %arg7[%dma_start3A_155, %dma_start3A_156] : memref<40x64xi32, #tpu.memory_space<vmem>> -> memref<1x64xi32, #tpu.memory_space<vmem>>
    %dma_start3A_158 = tpu.memref_squeeze %dma_start3A_157 : memref<1x64xi32, #tpu.memory_space<vmem>> -> memref<64xi32, #tpu.memory_space<vmem>>
    %dma_start3A_159 = arith.constant 0 : i32
    %dma_start3A_160 = arith.constant 0 : i32
    %dma_start3A_161 = tpu.memref_slice %arg2[%dma_start3A_159, %dma_start3A_160] : memref<10000x128xf32, #tpu.memory_space<hbm>> -> memref<10000x128xf32, #tpu.memory_space<hbm>>
    tpu.enqueue_indirect_dma source(%dma_start3A_161 : memref<10000x128xf32, #tpu.memory_space<hbm>>) target(%arg11 : memref<64x128xf32, #tpu.memory_space<vmem>>) offsets(%dma_start3A_158 : memref<64xi32, #tpu.memory_space<vmem>>) semaphore(%arg16 : memref<!tpu.dma_semaphore, #tpu.memory_space<semaphore_mem>>)
    %scan3A_162 = arith.constant 0 : i32
    %scan3A_163 = arith.constant 10 : i32
    %scan3A_164 = arith.addi %scan3A_162, %scan3A_163 : i32
    %scan3A_165 = arith.constant 1 : i32
    scf.for %scan3A_193 = %scan3A_162 to %scan3A_164 step %scan3A_165  : i32 {
      %mul3A_194 = arith.constant 1 : i32
      %mul3A_195 = arith.muli %scan3A_193, %mul3A_194 : i32
      %add3A_196 = arith.constant 0 : i32
      %add3A_197 = arith.addi %add3A_196, %mul3A_195 : i32
      %mul3A_198 = arith.constant 4 : i32
      %mul3A_199 = arith.muli %add3A_197, %mul3A_198 : i32
      %add3A_200 = arith.constant 0 : i32
      %add3A_201 = arith.addi %mul3A_199, %add3A_200 : i32
      %add3A_202 = arith.constant 4 : i32
      %add3A_203 = arith.addi %add3A_201, %add3A_202 : i32
      %sub3A = arith.constant 1 : i32
      %sub3A_204 = arith.subi %add3A_203, %sub3A : i32
      %min3A = arith.constant 39 : i32
      %min3A_205 = arith.minsi %sub3A_204, %min3A : i32
      %dma_start3A_206 = arith.constant 0 : i32
      %dma_start3A_207 = tpu.memref_slice %arg7[%min3A_205, %dma_start3A_206] : memref<40x64xi32, #tpu.memory_space<vmem>> -> memref<1x64xi32, #tpu.memory_space<vmem>>
      %dma_start3A_208 = tpu.memref_squeeze %dma_start3A_207 : memref<1x64xi32, #tpu.memory_space<vmem>> -> memref<64xi32, #tpu.memory_space<vmem>>
      %dma_start3A_209 = arith.constant 0 : i32
      %dma_start3A_210 = arith.constant 0 : i32
      %dma_start3A_211 = tpu.memref_slice %arg2[%dma_start3A_209, %dma_start3A_210] : memref<10000x128xf32, #tpu.memory_space<hbm>> -> memref<10000x128xf32, #tpu.memory_space<hbm>>
      tpu.enqueue_indirect_dma source(%dma_start3A_211 : memref<10000x128xf32, #tpu.memory_space<hbm>>) target(%arg12 : memref<64x128xf32, #tpu.memory_space<vmem>>) offsets(%dma_start3A_208 : memref<64xi32, #tpu.memory_space<vmem>>) semaphore(%arg17 : memref<!tpu.dma_semaphore, #tpu.memory_space<semaphore_mem>>)
      %dma_wait3A_212 = arith.constant 0 : i32
      %dma_wait3A_213 = tpu.memref_slice %arg7[%add3A_201, %dma_wait3A_212] : memref<40x64xi32, #tpu.memory_space<vmem>> -> memref<1x64xi32, #tpu.memory_space<vmem>>
      %dma_wait3A_214 = tpu.memref_squeeze %dma_wait3A_213 : memref<1x64xi32, #tpu.memory_space<vmem>> -> memref<64xi32, #tpu.memory_space<vmem>>
      %dma_wait3A_215 = arith.constant 0 : i32
      %dma_wait3A_216 = arith.constant 0 : i32
      %dma_wait3A_217 = tpu.memref_slice %arg2[%dma_wait3A_215, %dma_wait3A_216] : memref<10000x128xf32, #tpu.memory_space<hbm>> -> memref<10000x128xf32, #tpu.memory_space<hbm>>
      tpu.wait_indirect_dma semaphore(%arg14 : memref<!tpu.dma_semaphore, #tpu.memory_space<semaphore_mem>>) src(%dma_wait3A_217 : memref<10000x128xf32, #tpu.memory_space<hbm>>) dst(%arg9 : memref<64x128xf32, #tpu.memory_space<vmem>>)
      "tpu.region"() ({
        %run_scoped3A = tpu.sem_alloc : memref<!tpu.dma_semaphore, #tpu.memory_space<semaphore_mem>>
        %dma_start3A_284 = arith.constant 0 : i32
        %dma_start3A_285 = tpu.memref_slice %arg8[%add3A_201, %dma_start3A_284] : memref<40x64xi32, #tpu.memory_space<vmem>> -> memref<1x64xi32, #tpu.memory_space<vmem>>
        %dma_start3A_286 = tpu.memref_squeeze %dma_start3A_285 : memref<1x64xi32, #tpu.memory_space<vmem>> -> memref<64xi32, #tpu.memory_space<vmem>>
        %dma_start3A_287 = arith.constant 0 : i32
        %dma_start3A_288 = arith.constant 0 : i32
        %dma_start3A_289 = tpu.memref_slice %arg13[%dma_start3A_287, %dma_start3A_288] : memref<10112x128xf32, #tpu.memory_space<vmem_shared>> -> memref<10112x128xf32, #tpu.memory_space<vmem_shared>>
        tpu.enqueue_indirect_dma source(%arg9 : memref<64x128xf32, #tpu.memory_space<vmem>>) target(%dma_start3A_289 : memref<10112x128xf32, #tpu.memory_space<vmem_shared>>) offsets(%dma_start3A_286 : memref<64xi32, #tpu.memory_space<vmem>>) semaphore(%run_scoped3A : memref<!tpu.dma_semaphore, #tpu.memory_space<semaphore_mem>>) {add = true}
        %dma_wait3A_290 = arith.constant 0 : i32
        %dma_wait3A_291 = tpu.memref_slice %arg8[%add3A_201, %dma_wait3A_290] : memref<40x64xi32, #tpu.memory_space<vmem>> -> memref<1x64xi32, #tpu.memory_space<vmem>>
        %dma_wait3A_292 = tpu.memref_squeeze %dma_wait3A_291 : memref<1x64xi32, #tpu.memory_space<vmem>> -> memref<64xi32, #tpu.memory_space<vmem>>
        %dma_wait3A_293 = arith.constant 0 : i32
        %dma_wait3A_294 = arith.constant 0 : i32
        %dma_wait3A_295 = tpu.memref_slice %arg13[%dma_wait3A_293, %dma_wait3A_294] : memref<10112x128xf32, #tpu.memory_space<vmem_shared>> -> memref<10112x128xf32, #tpu.memory_space<vmem_shared>>
        tpu.wait_indirect_dma semaphore(%run_scoped3A : memref<!tpu.dma_semaphore, #tpu.memory_space<semaphore_mem>>) src(%arg9 : memref<64x128xf32, #tpu.memory_space<vmem>>) dst(%dma_wait3A_295 : memref<10112x128xf32, #tpu.memory_space<vmem_shared>>)
        tpu.yield
      }) : () -> ()
      %mul3A_218 = arith.constant 4 : i32
      %mul3A_219 = arith.muli %add3A_197, %mul3A_218 : i32
      %add3A_220 = arith.constant 1 : i32
      %add3A_221 = arith.addi %mul3A_219, %add3A_220 : i32
      %add3A_222 = arith.constant 4 : i32
      %add3A_223 = arith.addi %add3A_221, %add3A_222 : i32
      %sub3A_224 = arith.constant 1 : i32
      %sub3A_225 = arith.subi %add3A_223, %sub3A_224 : i32
      %min3A_226 = arith.constant 39 : i32
      %min3A_227 = arith.minsi %sub3A_225, %min3A_226 : i32
      %dma_start3A_228 = arith.constant 0 : i32
      %dma_start3A_229 = tpu.memref_slice %arg7[%min3A_227, %dma_start3A_228] : memref<40x64xi32, #tpu.memory_space<vmem>> -> memref<1x64xi32, #tpu.memory_space<vmem>>
      %dma_start3A_230 = tpu.memref_squeeze %dma_start3A_229 : memref<1x64xi32, #tpu.memory_space<vmem>> -> memref<64xi32, #tpu.memory_space<vmem>>
      %dma_start3A_231 = arith.constant 0 : i32
      %dma_start3A_232 = arith.constant 0 : i32
      %dma_start3A_233 = tpu.memref_slice %arg2[%dma_start3A_231, %dma_start3A_232] : memref<10000x128xf32, #tpu.memory_space<hbm>> -> memref<10000x128xf32, #tpu.memory_space<hbm>>
      tpu.enqueue_indirect_dma source(%dma_start3A_233 : memref<10000x128xf32, #tpu.memory_space<hbm>>) target(%arg9 : memref<64x128xf32, #tpu.memory_space<vmem>>) offsets(%dma_start3A_230 : memref<64xi32, #tpu.memory_space<vmem>>) semaphore(%arg14 : memref<!tpu.dma_semaphore, #tpu.memory_space<semaphore_mem>>)
      %dma_wait3A_234 = arith.constant 0 : i32
      %dma_wait3A_235 = tpu.memref_slice %arg7[%add3A_221, %dma_wait3A_234] : memref<40x64xi32, #tpu.memory_space<vmem>> -> memref<1x64xi32, #tpu.memory_space<vmem>>
      %dma_wait3A_236 = tpu.memref_squeeze %dma_wait3A_235 : memref<1x64xi32, #tpu.memory_space<vmem>> -> memref<64xi32, #tpu.memory_space<vmem>>
      %dma_wait3A_237 = arith.constant 0 : i32
      %dma_wait3A_238 = arith.constant 0 : i32
      %dma_wait3A_239 = tpu.memref_slice %arg2[%dma_wait3A_237, %dma_wait3A_238] : memref<10000x128xf32, #tpu.memory_space<hbm>> -> memref<10000x128xf32, #tpu.memory_space<hbm>>
      tpu.wait_indirect_dma semaphore(%arg15 : memref<!tpu.dma_semaphore, #tpu.memory_space<semaphore_mem>>) src(%dma_wait3A_239 : memref<10000x128xf32, #tpu.memory_space<hbm>>) dst(%arg10 : memref<64x128xf32, #tpu.memory_space<vmem>>)
      "tpu.region"() ({
        %run_scoped3A = tpu.sem_alloc : memref<!tpu.dma_semaphore, #tpu.memory_space<semaphore_mem>>
        %dma_start3A_284 = arith.constant 0 : i32
        %dma_start3A_285 = tpu.memref_slice %arg8[%add3A_221, %dma_start3A_284] : memref<40x64xi32, #tpu.memory_space<vmem>> -> memref<1x64xi32, #tpu.memory_space<vmem>>
        %dma_start3A_286 = tpu.memref_squeeze %dma_start3A_285 : memref<1x64xi32, #tpu.memory_space<vmem>> -> memref<64xi32, #tpu.memory_space<vmem>>
        %dma_start3A_287 = arith.constant 0 : i32
        %dma_start3A_288 = arith.constant 0 : i32
        %dma_start3A_289 = tpu.memref_slice %arg13[%dma_start3A_287, %dma_start3A_288] : memref<10112x128xf32, #tpu.memory_space<vmem_shared>> -> memref<10112x128xf32, #tpu.memory_space<vmem_shared>>
        tpu.enqueue_indirect_dma source(%arg10 : memref<64x128xf32, #tpu.memory_space<vmem>>) target(%dma_start3A_289 : memref<10112x128xf32, #tpu.memory_space<vmem_shared>>) offsets(%dma_start3A_286 : memref<64xi32, #tpu.memory_space<vmem>>) semaphore(%run_scoped3A : memref<!tpu.dma_semaphore, #tpu.memory_space<semaphore_mem>>) {add = true}
        %dma_wait3A_290 = arith.constant 0 : i32
        %dma_wait3A_291 = tpu.memref_slice %arg8[%add3A_221, %dma_wait3A_290] : memref<40x64xi32, #tpu.memory_space<vmem>> -> memref<1x64xi32, #tpu.memory_space<vmem>>
        %dma_wait3A_292 = tpu.memref_squeeze %dma_wait3A_291 : memref<1x64xi32, #tpu.memory_space<vmem>> -> memref<64xi32, #tpu.memory_space<vmem>>
        %dma_wait3A_293 = arith.constant 0 : i32
        %dma_wait3A_294 = arith.constant 0 : i32
        %dma_wait3A_295 = tpu.memref_slice %arg13[%dma_wait3A_293, %dma_wait3A_294] : memref<10112x128xf32, #tpu.memory_space<vmem_shared>> -> memref<10112x128xf32, #tpu.memory_space<vmem_shared>>
        tpu.wait_indirect_dma semaphore(%run_scoped3A : memref<!tpu.dma_semaphore, #tpu.memory_space<semaphore_mem>>) src(%arg10 : memref<64x128xf32, #tpu.memory_space<vmem>>) dst(%dma_wait3A_295 : memref<10112x128xf32, #tpu.memory_space<vmem_shared>>)
        tpu.yield
      }) : () -> ()
      %mul3A_240 = arith.constant 4 : i32
      %mul3A_241 = arith.muli %add3A_197, %mul3A_240 : i32
      %add3A_242 = arith.constant 2 : i32
      %add3A_243 = arith.addi %mul3A_241, %add3A_242 : i32
      %add3A_244 = arith.constant 4 : i32
      %add3A_245 = arith.addi %add3A_243, %add3A_244 : i32
      %sub3A_246 = arith.constant 1 : i32
      %sub3A_247 = arith.subi %add3A_245, %sub3A_246 : i32
      %min3A_248 = arith.constant 39 : i32
      %min3A_249 = arith.minsi %sub3A_247, %min3A_248 : i32
      %dma_start3A_250 = arith.constant 0 : i32
      %dma_start3A_251 = tpu.memref_slice %arg7[%min3A_249, %dma_start3A_250] : memref<40x64xi32, #tpu.memory_space<vmem>> -> memref<1x64xi32, #tpu.memory_space<vmem>>
      %dma_start3A_252 = tpu.memref_squeeze %dma_start3A_251 : memref<1x64xi32, #tpu.memory_space<vmem>> -> memref<64xi32, #tpu.memory_space<vmem>>
      %dma_start3A_253 = arith.constant 0 : i32
      %dma_start3A_254 = arith.constant 0 : i32
      %dma_start3A_255 = tpu.memref_slice %arg2[%dma_start3A_253, %dma_start3A_254] : memref<10000x128xf32, #tpu.memory_space<hbm>> -> memref<10000x128xf32, #tpu.memory_space<hbm>>
      tpu.enqueue_indirect_dma source(%dma_start3A_255 : memref<10000x128xf32, #tpu.memory_space<hbm>>) target(%arg10 : memref<64x128xf32, #tpu.memory_space<vmem>>) offsets(%dma_start3A_252 : memref<64xi32, #tpu.memory_space<vmem>>) semaphore(%arg15 : memref<!tpu.dma_semaphore, #tpu.memory_space<semaphore_mem>>)
      %dma_wait3A_256 = arith.constant 0 : i32
      %dma_wait3A_257 = tpu.memref_slice %arg7[%add3A_243, %dma_wait3A_256] : memref<40x64xi32, #tpu.memory_space<vmem>> -> memref<1x64xi32, #tpu.memory_space<vmem>>
      %dma_wait3A_258 = tpu.memref_squeeze %dma_wait3A_257 : memref<1x64xi32, #tpu.memory_space<vmem>> -> memref<64xi32, #tpu.memory_space<vmem>>
      %dma_wait3A_259 = arith.constant 0 : i32
      %dma_wait3A_260 = arith.constant 0 : i32
      %dma_wait3A_261 = tpu.memref_slice %arg2[%dma_wait3A_259, %dma_wait3A_260] : memref<10000x128xf32, #tpu.memory_space<hbm>> -> memref<10000x128xf32, #tpu.memory_space<hbm>>
      tpu.wait_indirect_dma semaphore(%arg16 : memref<!tpu.dma_semaphore, #tpu.memory_space<semaphore_mem>>) src(%dma_wait3A_261 : memref<10000x128xf32, #tpu.memory_space<hbm>>) dst(%arg11 : memref<64x128xf32, #tpu.memory_space<vmem>>)
      "tpu.region"() ({
        %run_scoped3A = tpu.sem_alloc : memref<!tpu.dma_semaphore, #tpu.memory_space<semaphore_mem>>
        %dma_start3A_284 = arith.constant 0 : i32
        %dma_start3A_285 = tpu.memref_slice %arg8[%add3A_243, %dma_start3A_284] : memref<40x64xi32, #tpu.memory_space<vmem>> -> memref<1x64xi32, #tpu.memory_space<vmem>>
        %dma_start3A_286 = tpu.memref_squeeze %dma_start3A_285 : memref<1x64xi32, #tpu.memory_space<vmem>> -> memref<64xi32, #tpu.memory_space<vmem>>
        %dma_start3A_287 = arith.constant 0 : i32
        %dma_start3A_288 = arith.constant 0 : i32
        %dma_start3A_289 = tpu.memref_slice %arg13[%dma_start3A_287, %dma_start3A_288] : memref<10112x128xf32, #tpu.memory_space<vmem_shared>> -> memref<10112x128xf32, #tpu.memory_space<vmem_shared>>
        tpu.enqueue_indirect_dma source(%arg11 : memref<64x128xf32, #tpu.memory_space<vmem>>) target(%dma_start3A_289 : memref<10112x128xf32, #tpu.memory_space<vmem_shared>>) offsets(%dma_start3A_286 : memref<64xi32, #tpu.memory_space<vmem>>) semaphore(%run_scoped3A : memref<!tpu.dma_semaphore, #tpu.memory_space<semaphore_mem>>) {add = true}
        %dma_wait3A_290 = arith.constant 0 : i32
        %dma_wait3A_291 = tpu.memref_slice %arg8[%add3A_243, %dma_wait3A_290] : memref<40x64xi32, #tpu.memory_space<vmem>> -> memref<1x64xi32, #tpu.memory_space<vmem>>
        %dma_wait3A_292 = tpu.memref_squeeze %dma_wait3A_291 : memref<1x64xi32, #tpu.memory_space<vmem>> -> memref<64xi32, #tpu.memory_space<vmem>>
        %dma_wait3A_293 = arith.constant 0 : i32
        %dma_wait3A_294 = arith.constant 0 : i32
        %dma_wait3A_295 = tpu.memref_slice %arg13[%dma_wait3A_293, %dma_wait3A_294] : memref<10112x128xf32, #tpu.memory_space<vmem_shared>> -> memref<10112x128xf32, #tpu.memory_space<vmem_shared>>
        tpu.wait_indirect_dma semaphore(%run_scoped3A : memref<!tpu.dma_semaphore, #tpu.memory_space<semaphore_mem>>) src(%arg11 : memref<64x128xf32, #tpu.memory_space<vmem>>) dst(%dma_wait3A_295 : memref<10112x128xf32, #tpu.memory_space<vmem_shared>>)
        tpu.yield
      }) : () -> ()
      %mul3A_262 = arith.constant 4 : i32
      %mul3A_263 = arith.muli %add3A_197, %mul3A_262 : i32
      %add3A_264 = arith.constant 3 : i32
      %add3A_265 = arith.addi %mul3A_263, %add3A_264 : i32
      %add3A_266 = arith.constant 4 : i32
      %add3A_267 = arith.addi %add3A_265, %add3A_266 : i32
      %sub3A_268 = arith.constant 1 : i32
      %sub3A_269 = arith.subi %add3A_267, %sub3A_268 : i32
      %min3A_270 = arith.constant 39 : i32
      %min3A_271 = arith.minsi %sub3A_269, %min3A_270 : i32
      %dma_start3A_272 = arith.constant 0 : i32
      %dma_start3A_273 = tpu.memref_slice %arg7[%min3A_271, %dma_start3A_272] : memref<40x64xi32, #tpu.memory_space<vmem>> -> memref<1x64xi32, #tpu.memory_space<vmem>>
      %dma_start3A_274 = tpu.memref_squeeze %dma_start3A_273 : memref<1x64xi32, #tpu.memory_space<vmem>> -> memref<64xi32, #tpu.memory_space<vmem>>
      %dma_start3A_275 = arith.constant 0 : i32
      %dma_start3A_276 = arith.constant 0 : i32
      %dma_start3A_277 = tpu.memref_slice %arg2[%dma_start3A_275, %dma_start3A_276] : memref<10000x128xf32, #tpu.memory_space<hbm>> -> memref<10000x128xf32, #tpu.memory_space<hbm>>
      tpu.enqueue_indirect_dma source(%dma_start3A_277 : memref<10000x128xf32, #tpu.memory_space<hbm>>) target(%arg11 : memref<64x128xf32, #tpu.memory_space<vmem>>) offsets(%dma_start3A_274 : memref<64xi32, #tpu.memory_space<vmem>>) semaphore(%arg16 : memref<!tpu.dma_semaphore, #tpu.memory_space<semaphore_mem>>)
      %dma_wait3A_278 = arith.constant 0 : i32
      %dma_wait3A_279 = tpu.memref_slice %arg7[%add3A_265, %dma_wait3A_278] : memref<40x64xi32, #tpu.memory_space<vmem>> -> memref<1x64xi32, #tpu.memory_space<vmem>>
      %dma_wait3A_280 = tpu.memref_squeeze %dma_wait3A_279 : memref<1x64xi32, #tpu.memory_space<vmem>> -> memref<64xi32, #tpu.memory_space<vmem>>
      %dma_wait3A_281 = arith.constant 0 : i32
      %dma_wait3A_282 = arith.constant 0 : i32
      %dma_wait3A_283 = tpu.memref_slice %arg2[%dma_wait3A_281, %dma_wait3A_282] : memref<10000x128xf32, #tpu.memory_space<hbm>> -> memref<10000x128xf32, #tpu.memory_space<hbm>>
      tpu.wait_indirect_dma semaphore(%arg17 : memref<!tpu.dma_semaphore, #tpu.memory_space<semaphore_mem>>) src(%dma_wait3A_283 : memref<10000x128xf32, #tpu.memory_space<hbm>>) dst(%arg12 : memref<64x128xf32, #tpu.memory_space<vmem>>)
      "tpu.region"() ({
        %run_scoped3A = tpu.sem_alloc : memref<!tpu.dma_semaphore, #tpu.memory_space<semaphore_mem>>
        %dma_start3A_284 = arith.constant 0 : i32
        %dma_start3A_285 = tpu.memref_slice %arg8[%add3A_265, %dma_start3A_284] : memref<40x64xi32, #tpu.memory_space<vmem>> -> memref<1x64xi32, #tpu.memory_space<vmem>>
        %dma_start3A_286 = tpu.memref_squeeze %dma_start3A_285 : memref<1x64xi32, #tpu.memory_space<vmem>> -> memref<64xi32, #tpu.memory_space<vmem>>
        %dma_start3A_287 = arith.constant 0 : i32
        %dma_start3A_288 = arith.constant 0 : i32
        %dma_start3A_289 = tpu.memref_slice %arg13[%dma_start3A_287, %dma_start3A_288] : memref<10112x128xf32, #tpu.memory_space<vmem_shared>> -> memref<10112x128xf32, #tpu.memory_space<vmem_shared>>
        tpu.enqueue_indirect_dma source(%arg12 : memref<64x128xf32, #tpu.memory_space<vmem>>) target(%dma_start3A_289 : memref<10112x128xf32, #tpu.memory_space<vmem_shared>>) offsets(%dma_start3A_286 : memref<64xi32, #tpu.memory_space<vmem>>) semaphore(%run_scoped3A : memref<!tpu.dma_semaphore, #tpu.memory_space<semaphore_mem>>) {add = true}
        %dma_wait3A_290 = arith.constant 0 : i32
        %dma_wait3A_291 = tpu.memref_slice %arg8[%add3A_265, %dma_wait3A_290] : memref<40x64xi32, #tpu.memory_space<vmem>> -> memref<1x64xi32, #tpu.memory_space<vmem>>
        %dma_wait3A_292 = tpu.memref_squeeze %dma_wait3A_291 : memref<1x64xi32, #tpu.memory_space<vmem>> -> memref<64xi32, #tpu.memory_space<vmem>>
        %dma_wait3A_293 = arith.constant 0 : i32
        %dma_wait3A_294 = arith.constant 0 : i32
        %dma_wait3A_295 = tpu.memref_slice %arg13[%dma_wait3A_293, %dma_wait3A_294] : memref<10112x128xf32, #tpu.memory_space<vmem_shared>> -> memref<10112x128xf32, #tpu.memory_space<vmem_shared>>
        tpu.wait_indirect_dma semaphore(%run_scoped3A : memref<!tpu.dma_semaphore, #tpu.memory_space<semaphore_mem>>) src(%arg12 : memref<64x128xf32, #tpu.memory_space<vmem>>) dst(%dma_wait3A_295 : memref<10112x128xf32, #tpu.memory_space<vmem_shared>>)
        tpu.yield
      }) : () -> ()
    }
    %scan3A_166 = arith.constant 10 : i32
    %dma_wait3A_167 = arith.constant 39 : i32
    %dma_wait3A_168 = arith.constant 0 : i32
    %dma_wait3A_169 = tpu.memref_slice %arg7[%dma_wait3A_167, %dma_wait3A_168] : memref<40x64xi32, #tpu.memory_space<vmem>> -> memref<1x64xi32, #tpu.memory_space<vmem>>
    %dma_wait3A_170 = tpu.memref_squeeze %dma_wait3A_169 : memref<1x64xi32, #tpu.memory_space<vmem>> -> memref<64xi32, #tpu.memory_space<vmem>>
    %dma_wait3A_171 = arith.constant 0 : i32
    %dma_wait3A_172 = arith.constant 0 : i32
    %dma_wait3A_173 = tpu.memref_slice %arg2[%dma_wait3A_171, %dma_wait3A_172] : memref<10000x128xf32, #tpu.memory_space<hbm>> -> memref<10000x128xf32, #tpu.memory_space<hbm>>
    tpu.wait_indirect_dma semaphore(%arg14 : memref<!tpu.dma_semaphore, #tpu.memory_space<semaphore_mem>>) src(%dma_wait3A_173 : memref<10000x128xf32, #tpu.memory_space<hbm>>) dst(%arg9 : memref<64x128xf32, #tpu.memory_space<vmem>>)
    %dma_wait3A_174 = arith.constant 39 : i32
    %dma_wait3A_175 = arith.constant 0 : i32
    %dma_wait3A_176 = tpu.memref_slice %arg7[%dma_wait3A_174, %dma_wait3A_175] : memref<40x64xi32, #tpu.memory_space<vmem>> -> memref<1x64xi32, #tpu.memory_space<vmem>>
    %dma_wait3A_177 = tpu.memref_squeeze %dma_wait3A_176 : memref<1x64xi32, #tpu.memory_space<vmem>> -> memref<64xi32, #tpu.memory_space<vmem>>
    %dma_wait3A_178 = arith.constant 0 : i32
    %dma_wait3A_179 = arith.constant 0 : i32
    %dma_wait3A_180 = tpu.memref_slice %arg2[%dma_wait3A_178, %dma_wait3A_179] : memref<10000x128xf32, #tpu.memory_space<hbm>> -> memref<10000x128xf32, #tpu.memory_space<hbm>>
    tpu.wait_indirect_dma semaphore(%arg15 : memref<!tpu.dma_semaphore, #tpu.memory_space<semaphore_mem>>) src(%dma_wait3A_180 : memref<10000x128xf32, #tpu.memory_space<hbm>>) dst(%arg10 : memref<64x128xf32, #tpu.memory_space<vmem>>)
    %dma_wait3A_181 = arith.constant 39 : i32
    %dma_wait3A_182 = arith.constant 0 : i32
    %dma_wait3A_183 = tpu.memref_slice %arg7[%dma_wait3A_181, %dma_wait3A_182] : memref<40x64xi32, #tpu.memory_space<vmem>> -> memref<1x64xi32, #tpu.memory_space<vmem>>
    %dma_wait3A_184 = tpu.memref_squeeze %dma_wait3A_183 : memref<1x64xi32, #tpu.memory_space<vmem>> -> memref<64xi32, #tpu.memory_space<vmem>>
    %dma_wait3A_185 = arith.constant 0 : i32
    %dma_wait3A_186 = arith.constant 0 : i32
    %dma_wait3A_187 = tpu.memref_slice %arg2[%dma_wait3A_185, %dma_wait3A_186] : memref<10000x128xf32, #tpu.memory_space<hbm>> -> memref<10000x128xf32, #tpu.memory_space<hbm>>
    tpu.wait_indirect_dma semaphore(%arg16 : memref<!tpu.dma_semaphore, #tpu.memory_space<semaphore_mem>>) src(%dma_wait3A_187 : memref<10000x128xf32, #tpu.memory_space<hbm>>) dst(%arg11 : memref<64x128xf32, #tpu.memory_space<vmem>>)
    %barrier3A_188 = arith.constant 0 : index
    tpu.barrier barrier_id(%barrier3A_188)
    %mul3A_189 = arith.constant 632 : i32
    %mul3A_190 = arith.muli %arg1, %mul3A_189 : i32
    %mul3A_191 = arith.constant 632 : i32
    %mul3A_192 = arith.muli %arg1, %mul3A_191 : i32
    "tpu.region"() ({
      %run_scoped3A = tpu.sem_alloc : memref<!tpu.dma_semaphore, #tpu.memory_space<semaphore_mem>>
      %dma_start3A_193 = arith.constant 0 : i32
      %dma_start3A_194 = tpu.memref_slice %arg6[%arg0, %mul3A_192, %dma_start3A_193] : memref<2x10112x128xf32, #tpu.memory_space<hbm>> -> memref<1x632x128xf32, #tpu.memory_space<hbm>>
      %dma_start3A_195 = tpu.memref_squeeze %dma_start3A_194 : memref<1x632x128xf32, #tpu.memory_space<hbm>> -> memref<632x128xf32, #tpu.memory_space<hbm>>
      %dma_start3A_196 = arith.constant 0 : i32
      %dma_start3A_197 = tpu.memref_slice %arg13[%mul3A_190, %dma_start3A_196] : memref<10112x128xf32, #tpu.memory_space<vmem_shared>> -> memref<632x128xf32, #tpu.memory_space<vmem_shared>>
      tpu.enqueue_dma source(%dma_start3A_197 : memref<632x128xf32, #tpu.memory_space<vmem_shared>>) target(%dma_start3A_195 : memref<632x128xf32, #tpu.memory_space<hbm>>) target_semaphore(%run_scoped3A : memref<!tpu.dma_semaphore, #tpu.memory_space<semaphore_mem>>)
      %dma_wait3A_198 = arith.constant 0 : i32
      %dma_wait3A_199 = tpu.memref_slice %arg6[%arg0, %mul3A_192, %dma_wait3A_198] : memref<2x10112x128xf32, #tpu.memory_space<hbm>> -> memref<1x632x128xf32, #tpu.memory_space<hbm>>
      %dma_wait3A_200 = tpu.memref_squeeze %dma_wait3A_199 : memref<1x632x128xf32, #tpu.memory_space<hbm>> -> memref<632x128xf32, #tpu.memory_space<hbm>>
      %dma_wait3A_201 = arith.constant 0 : i32
      %dma_wait3A_202 = tpu.memref_slice %arg13[%mul3A_190, %dma_wait3A_201] : memref<10112x128xf32, #tpu.memory_space<vmem_shared>> -> memref<632x128xf32, #tpu.memory_space<vmem_shared>>
      tpu.wait_dma2 semaphore(%run_scoped3A : memref<!tpu.dma_semaphore, #tpu.memory_space<semaphore_mem>>) src(%dma_wait3A_202 : memref<632x128xf32, #tpu.memory_space<vmem_shared>>) dst(%dma_wait3A_200 : memref<632x128xf32, #tpu.memory_space<hbm>>)
      tpu.yield
    }) : () -> ()
    return
  }
}

#map = affine_map<(d0, d1) -> (0, 0, 0)>
#map1 = affine_map<(d0, d1) -> (0)>
module attributes {stable_mosaic.version = 14 : i64} {
  func.func @kern(%arg0: i32, %arg1: i32, %arg2: memref<32x160x64xi32, #tpu.memory_space<hbm>>, %arg3: memref<323584xf32, #tpu.memory_space<hbm>>, %arg4: memref<160x64xi32, #tpu.memory_space<vmem>>, %arg5: memref<10112xf32, #tpu.memory_space<vmem>>) attributes {dimension_semantics = [#tpu.dimension_semantics<core_parallel>, #tpu.dimension_semantics<subcore_parallel>], iteration_bounds = array<i64: 2, 16>, scalar_prefetch = 0 : i64, scratch_operands = 2 : i64, tpu.core_type = #tpu.core_type<sc_vector_subcore>, window_params = [{transform_indices = #map}, {transform_indices = #map1}]} {
    %mul3A = arith.constant 2 : i32
    %mul3A_0 = arith.muli %arg1, %mul3A : i32
    %add3A = arith.addi %mul3A_0, %arg0 : i32
    "tpu.region"() ({
      %run_scoped3A = tpu.sem_alloc : memref<!tpu.dma_semaphore, #tpu.memory_space<semaphore_mem>>
      %dma_start3A = arith.constant 0 : i32
      %dma_start3A_13 = arith.constant 0 : i32
      %dma_start3A_14 = tpu.memref_slice %arg2[%add3A, %dma_start3A, %dma_start3A_13] : memref<32x160x64xi32, #tpu.memory_space<hbm>> -> memref<1x160x64xi32, #tpu.memory_space<hbm>>
      %dma_start3A_15 = tpu.memref_squeeze %dma_start3A_14 : memref<1x160x64xi32, #tpu.memory_space<hbm>> -> memref<160x64xi32, #tpu.memory_space<hbm>>
      %dma_start3A_16 = arith.constant 0 : i32
      %dma_start3A_17 = arith.constant 0 : i32
      %dma_start3A_18 = tpu.memref_slice %arg2[%add3A, %dma_start3A_16, %dma_start3A_17] : memref<32x160x64xi32, #tpu.memory_space<hbm>> -> memref<1x160x64xi32, #tpu.memory_space<hbm>>
      %dma_start3A_19 = tpu.memref_squeeze %dma_start3A_18 : memref<1x160x64xi32, #tpu.memory_space<hbm>> -> memref<160x64xi32, #tpu.memory_space<hbm>>
      tpu.enqueue_dma source(%dma_start3A_19 : memref<160x64xi32, #tpu.memory_space<hbm>>) target(%arg4 : memref<160x64xi32, #tpu.memory_space<vmem>>) target_semaphore(%run_scoped3A : memref<!tpu.dma_semaphore, #tpu.memory_space<semaphore_mem>>)
      %dma_wait3A = arith.constant 0 : i32
      %dma_wait3A_20 = arith.constant 0 : i32
      %dma_wait3A_21 = tpu.memref_slice %arg2[%add3A, %dma_wait3A, %dma_wait3A_20] : memref<32x160x64xi32, #tpu.memory_space<hbm>> -> memref<1x160x64xi32, #tpu.memory_space<hbm>>
      %dma_wait3A_22 = tpu.memref_squeeze %dma_wait3A_21 : memref<1x160x64xi32, #tpu.memory_space<hbm>> -> memref<160x64xi32, #tpu.memory_space<hbm>>
      %dma_wait3A_23 = arith.constant 0 : i32
      %dma_wait3A_24 = arith.constant 0 : i32
      %dma_wait3A_25 = tpu.memref_slice %arg2[%add3A, %dma_wait3A_23, %dma_wait3A_24] : memref<32x160x64xi32, #tpu.memory_space<hbm>> -> memref<1x160x64xi32, #tpu.memory_space<hbm>>
      %dma_wait3A_26 = tpu.memref_squeeze %dma_wait3A_25 : memref<1x160x64xi32, #tpu.memory_space<hbm>> -> memref<160x64xi32, #tpu.memory_space<hbm>>
      tpu.wait_dma2 semaphore(%run_scoped3A : memref<!tpu.dma_semaphore, #tpu.memory_space<semaphore_mem>>) src(%dma_wait3A_26 : memref<160x64xi32, #tpu.memory_space<hbm>>) dst(%arg4 : memref<160x64xi32, #tpu.memory_space<vmem>>)
      tpu.yield
    }) : () -> ()
    %scan3A = arith.constant 0 : i32
    %scan3A_1 = arith.constant 158 : i32
    %scan3A_2 = arith.addi %scan3A, %scan3A_1 : i32
    %scan3A_3 = arith.constant 1 : i32
    scf.for %scan3A_13 = %scan3A to %scan3A_2 step %scan3A_3  : i32 {
      %mul3A_14 = arith.constant 1 : i32
      %mul3A_15 = arith.muli %scan3A_13, %mul3A_14 : i32
      %add3A_16 = arith.constant 0 : i32
      %add3A_17 = arith.addi %add3A_16, %mul3A_15 : i32
      %broadcast_in_dim3A_18 = arith.constant 0.000000e+00 : f32
      %broadcast_in_dim3A_19 = vector.broadcast %broadcast_in_dim3A_18 : f32 to vector<16xf32>
      %mul3A_20 = arith.constant 64 : i32
      %mul3A_21 = arith.muli %add3A_17, %mul3A_20 : i32
      %add3A_22 = arith.constant 0 : i32
      %add3A_23 = arith.addi %mul3A_21, %add3A_22 : i32
      %swap3A = arith.index_cast %add3A_23 : i32 to index
      %swap3A_24 = tpu.vector_load %arg5[%swap3A] {strides = array<i32>} : memref<10112xf32, #tpu.memory_space<vmem>>, vector<16xf32>,
      tpu.vector_store %arg5[%swap3A], %broadcast_in_dim3A_19 {strides = array<i32>} : memref<10112xf32, #tpu.memory_space<vmem>>, vector<16xf32>,
      %broadcast_in_dim3A_25 = arith.constant 0.000000e+00 : f32
      %broadcast_in_dim3A_26 = vector.broadcast %broadcast_in_dim3A_25 : f32 to vector<16xf32>
      %mul3A_27 = arith.constant 64 : i32
      %mul3A_28 = arith.muli %add3A_17, %mul3A_27 : i32
      %add3A_29 = arith.constant 16 : i32
      %add3A_30 = arith.addi %mul3A_28, %add3A_29 : i32
      %swap3A_31 = arith.index_cast %add3A_30 : i32 to index
      %swap3A_32 = tpu.vector_load %arg5[%swap3A_31] {strides = array<i32>} : memref<10112xf32, #tpu.memory_space<vmem>>, vector<16xf32>,
      tpu.vector_store %arg5[%swap3A_31], %broadcast_in_dim3A_26 {strides = array<i32>} : memref<10112xf32, #tpu.memory_space<vmem>>, vector<16xf32>,
      %broadcast_in_dim3A_33 = arith.constant 0.000000e+00 : f32
      %broadcast_in_dim3A_34 = vector.broadcast %broadcast_in_dim3A_33 : f32 to vector<16xf32>
      %mul3A_35 = arith.constant 64 : i32
      %mul3A_36 = arith.muli %add3A_17, %mul3A_35 : i32
      %add3A_37 = arith.constant 32 : i32
      %add3A_38 = arith.addi %mul3A_36, %add3A_37 : i32
      %swap3A_39 = arith.index_cast %add3A_38 : i32 to index
      %swap3A_40 = tpu.vector_load %arg5[%swap3A_39] {strides = array<i32>} : memref<10112xf32, #tpu.memory_space<vmem>>, vector<16xf32>,
      tpu.vector_store %arg5[%swap3A_39], %broadcast_in_dim3A_34 {strides = array<i32>} : memref<10112xf32, #tpu.memory_space<vmem>>, vector<16xf32>,
      %broadcast_in_dim3A_41 = arith.constant 0.000000e+00 : f32
      %broadcast_in_dim3A_42 = vector.broadcast %broadcast_in_dim3A_41 : f32 to vector<16xf32>
      %mul3A_43 = arith.constant 64 : i32
      %mul3A_44 = arith.muli %add3A_17, %mul3A_43 : i32
      %add3A_45 = arith.constant 48 : i32
      %add3A_46 = arith.addi %mul3A_44, %add3A_45 : i32
      %swap3A_47 = arith.index_cast %add3A_46 : i32 to index
      %swap3A_48 = tpu.vector_load %arg5[%swap3A_47] {strides = array<i32>} : memref<10112xf32, #tpu.memory_space<vmem>>, vector<16xf32>,
      tpu.vector_store %arg5[%swap3A_47], %broadcast_in_dim3A_42 {strides = array<i32>} : memref<10112xf32, #tpu.memory_space<vmem>>, vector<16xf32>,
    }
    %scan3A_4 = arith.constant 158 : i32
    %broadcast_in_dim3A = arith.constant 1.000000e+00 : f32
    %broadcast_in_dim3A_5 = vector.broadcast %broadcast_in_dim3A : f32 to vector<16xf32>
    %scan3A_6 = arith.constant 0 : i32
    %scan3A_7 = arith.constant 160 : i32
    %scan3A_8 = arith.addi %scan3A_6, %scan3A_7 : i32
    %scan3A_9 = arith.constant 1 : i32
    scf.for %scan3A_13 = %scan3A_6 to %scan3A_8 step %scan3A_9  : i32 {
      %mul3A_14 = arith.constant 1 : i32
      %mul3A_15 = arith.muli %scan3A_13, %mul3A_14 : i32
      %add3A_16 = arith.constant 0 : i32
      %add3A_17 = arith.addi %add3A_16, %mul3A_15 : i32
      %get3A = arith.index_cast %add3A_17 : i32 to index
      %get3A_18 = arith.constant 0 : index
      %get3A_19 = tpu.vector_load %arg4[%get3A, %get3A_18] {strides = array<i32>} : memref<160x64xi32, #tpu.memory_space<vmem>>, vector<16xi32>,
      tpu.vector_store_idx %arg5[%get3A_19], %broadcast_in_dim3A_5 {add = true} : memref<10112xf32, #tpu.memory_space<vmem>>[vector<16xi32>], vector<16xf32>,
      %get3A_20 = arith.index_cast %add3A_17 : i32 to index
      %get3A_21 = arith.constant 16 : index
      %get3A_22 = tpu.vector_load %arg4[%get3A_20, %get3A_21] {strides = array<i32>} : memref<160x64xi32, #tpu.memory_space<vmem>>, vector<16xi32>,
      tpu.vector_store_idx %arg5[%get3A_22], %broadcast_in_dim3A_5 {add = true} : memref<10112xf32, #tpu.memory_space<vmem>>[vector<16xi32>], vector<16xf32>,
      %get3A_23 = arith.index_cast %add3A_17 : i32 to index
      %get3A_24 = arith.constant 32 : index
      %get3A_25 = tpu.vector_load %arg4[%get3A_23, %get3A_24] {strides = array<i32>} : memref<160x64xi32, #tpu.memory_space<vmem>>, vector<16xi32>,
      tpu.vector_store_idx %arg5[%get3A_25], %broadcast_in_dim3A_5 {add = true} : memref<10112xf32, #tpu.memory_space<vmem>>[vector<16xi32>], vector<16xf32>,
      %get3A_26 = arith.index_cast %add3A_17 : i32 to index
      %get3A_27 = arith.constant 48 : index
      %get3A_28 = tpu.vector_load %arg4[%get3A_26, %get3A_27] {strides = array<i32>} : memref<160x64xi32, #tpu.memory_space<vmem>>, vector<16xi32>,
      tpu.vector_store_idx %arg5[%get3A_28], %broadcast_in_dim3A_5 {add = true} : memref<10112xf32, #tpu.memory_space<vmem>>[vector<16xi32>], vector<16xf32>,
    }
    %scan3A_10 = arith.constant 160 : i32
    %mul3A_11 = arith.constant 10112 : i32
    %mul3A_12 = arith.muli %add3A, %mul3A_11 : i32
    "tpu.region"() ({
      %run_scoped3A = tpu.sem_alloc : memref<!tpu.dma_semaphore, #tpu.memory_space<semaphore_mem>>
      %dma_start3A = tpu.memref_slice %arg3[%mul3A_12] : memref<323584xf32, #tpu.memory_space<hbm>> -> memref<10112xf32, #tpu.memory_space<hbm>>
      %dma_start3A_13 = tpu.memref_slice %arg3[%mul3A_12] : memref<323584xf32, #tpu.memory_space<hbm>> -> memref<10112xf32, #tpu.memory_space<hbm>>
      tpu.enqueue_dma source(%arg5 : memref<10112xf32, #tpu.memory_space<vmem>>) target(%dma_start3A_13 : memref<10112xf32, #tpu.memory_space<hbm>>) target_semaphore(%run_scoped3A : memref<!tpu.dma_semaphore, #tpu.memory_space<semaphore_mem>>)
      %dma_wait3A = tpu.memref_slice %arg3[%mul3A_12] : memref<323584xf32, #tpu.memory_space<hbm>> -> memref<10112xf32, #tpu.memory_space<hbm>>
      %dma_wait3A_14 = tpu.memref_slice %arg3[%mul3A_12] : memref<323584xf32, #tpu.memory_space<hbm>> -> memref<10112xf32, #tpu.memory_space<hbm>>
      tpu.wait_dma2 semaphore(%run_scoped3A : memref<!tpu.dma_semaphore, #tpu.memory_space<semaphore_mem>>) src(%arg5 : memref<10112xf32, #tpu.memory_space<vmem>>) dst(%dma_wait3A_14 : memref<10112xf32, #tpu.memory_space<hbm>>)
      tpu.yield
    }) : () -> ()
    return
  }
}

#map = affine_map<(d0, d1) -> (0, 0)>
#map1 = affine_map<(d0, d1) -> (0, 0, 0)>
module attributes {stable_mosaic.version = 14 : i64} {
  func.func @kern(%arg0: i32, %arg1: i32, %arg2: memref<10000x128xf32, #tpu.memory_space<hbm>>, %arg3: memref<32x160x64xi32, #tpu.memory_space<hbm>>, %arg4: memref<32x160x64xi32, #tpu.memory_space<hbm>>, %arg5: memref<632x128xf32, #tpu.memory_space<hbm>>, %arg6: memref<2x10112x128xf32, #tpu.memory_space<hbm>>, %arg7: memref<40x64xi32, #tpu.memory_space<vmem>>, %arg8: memref<40x64xi32, #tpu.memory_space<vmem>>, %arg9: memref<64x128xf32, #tpu.memory_space<vmem>>, %arg10: memref<64x128xf32, #tpu.memory_space<vmem>>, %arg11: memref<64x128xf32, #tpu.memory_space<vmem>>, %arg12: memref<64x128xf32, #tpu.memory_space<vmem>>, %arg13: memref<10112x128xf32, #tpu.memory_space<vmem_shared>>, %arg14: memref<!tpu.dma_semaphore, #tpu.memory_space<semaphore_mem>>, %arg15: memref<!tpu.dma_semaphore, #tpu.memory_space<semaphore_mem>>, %arg16: memref<!tpu.dma_semaphore, #tpu.memory_space<semaphore_mem>>, %arg17: memref<!tpu.dma_semaphore, #tpu.memory_space<semaphore_mem>>) attributes {dimension_semantics = [#tpu.dimension_semantics<core_parallel>, #tpu.dimension_semantics<subcore_parallel>], iteration_bounds = array<i64: 2, 16>, scalar_prefetch = 0 : i64, scratch_operands = 11 : i64, tpu.core_type = #tpu.core_type<sc_vector_subcore>, window_params = [{transform_indices = #map}, {transform_indices = #map1}, {transform_indices = #map1}, {transform_indices = #map}, {transform_indices = #map1}]} {
    %mul3A = arith.constant 2 : i32
    %mul3A_0 = arith.muli %arg1, %mul3A : i32
    %add3A = arith.addi %mul3A_0, %arg0 : i32
    %mul3A_1 = arith.constant 632 : i32
    %mul3A_2 = arith.muli %arg1, %mul3A_1 : i32
    "tpu.region"() ({
      %run_scoped3A = tpu.sem_alloc : memref<!tpu.dma_semaphore, #tpu.memory_space<semaphore_mem>>
      %dma_start3A_193 = arith.constant 0 : i32
      %dma_start3A_194 = tpu.memref_slice %arg13[%mul3A_2, %dma_start3A_193] : memref<10112x128xf32, #tpu.memory_space<vmem_shared>> -> memref<632x128xf32, #tpu.memory_space<vmem_shared>>
      tpu.enqueue_dma source(%arg5 : memref<632x128xf32, #tpu.memory_space<hbm>>) target(%dma_start3A_194 : memref<632x128xf32, #tpu.memory_space<vmem_shared>>) target_semaphore(%run_scoped3A : memref<!tpu.dma_semaphore, #tpu.memory_space<semaphore_mem>>)
      %dma_wait3A_195 = arith.constant 0 : i32
      %dma_wait3A_196 = tpu.memref_slice %arg13[%mul3A_2, %dma_wait3A_195] : memref<10112x128xf32, #tpu.memory_space<vmem_shared>> -> memref<632x128xf32, #tpu.memory_space<vmem_shared>>
      tpu.wait_dma2 semaphore(%run_scoped3A : memref<!tpu.dma_semaphore, #tpu.memory_space<semaphore_mem>>) src(%arg5 : memref<632x128xf32, #tpu.memory_space<hbm>>) dst(%dma_wait3A_196 : memref<632x128xf32, #tpu.memory_space<vmem_shared>>)
      tpu.yield
    }) : () -> ()
    %barrier3A = arith.constant 0 : index
    tpu.barrier barrier_id(%barrier3A)
    "tpu.region"() ({
      %run_scoped3A = tpu.sem_alloc : memref<!tpu.dma_semaphore, #tpu.memory_space<semaphore_mem>>
      %dma_start3A_193 = arith.constant 0 : i32
      %dma_start3A_194 = arith.constant 0 : i32
      %dma_start3A_195 = tpu.memref_slice %arg3[%add3A, %dma_start3A_193, %dma_start3A_194] : memref<32x160x64xi32, #tpu.memory_space<hbm>> -> memref<1x40x64xi32, #tpu.memory_space<hbm>>
      %dma_start3A_196 = tpu.memref_squeeze %dma_start3A_195 : memref<1x40x64xi32, #tpu.memory_space<hbm>> -> memref<40x64xi32, #tpu.memory_space<hbm>>
      %dma_start3A_197 = arith.constant 0 : i32
      %dma_start3A_198 = arith.constant 0 : i32
      %dma_start3A_199 = tpu.memref_slice %arg3[%add3A, %dma_start3A_197, %dma_start3A_198] : memref<32x160x64xi32, #tpu.memory_space<hbm>> -> memref<1x40x64xi32, #tpu.memory_space<hbm>>
      %dma_start3A_200 = tpu.memref_squeeze %dma_start3A_199 : memref<1x40x64xi32, #tpu.memory_space<hbm>> -> memref<40x64xi32, #tpu.memory_space<hbm>>
      tpu.enqueue_dma source(%dma_start3A_200 : memref<40x64xi32, #tpu.memory_space<hbm>>) target(%arg7 : memref<40x64xi32, #tpu.memory_space<vmem>>) target_semaphore(%run_scoped3A : memref<!tpu.dma_semaphore, #tpu.memory_space<semaphore_mem>>)
      %dma_wait3A_201 = arith.constant 0 : i32
      %dma_wait3A_202 = arith.constant 0 : i32
      %dma_wait3A_203 = tpu.memref_slice %arg3[%add3A, %dma_wait3A_201, %dma_wait3A_202] : memref<32x160x64xi32, #tpu.memory_space<hbm>> -> memref<1x40x64xi32, #tpu.memory_space<hbm>>
      %dma_wait3A_204 = tpu.memref_squeeze %dma_wait3A_203 : memref<1x40x64xi32, #tpu.memory_space<hbm>> -> memref<40x64xi32, #tpu.memory_space<hbm>>
      %dma_wait3A_205 = arith.constant 0 : i32
      %dma_wait3A_206 = arith.constant 0 : i32
      %dma_wait3A_207 = tpu.memref_slice %arg3[%add3A, %dma_wait3A_205, %dma_wait3A_206] : memref<32x160x64xi32, #tpu.memory_space<hbm>> -> memref<1x40x64xi32, #tpu.memory_space<hbm>>
      %dma_wait3A_208 = tpu.memref_squeeze %dma_wait3A_207 : memref<1x40x64xi32, #tpu.memory_space<hbm>> -> memref<40x64xi32, #tpu.memory_space<hbm>>
      tpu.wait_dma2 semaphore(%run_scoped3A : memref<!tpu.dma_semaphore, #tpu.memory_space<semaphore_mem>>) src(%dma_wait3A_208 : memref<40x64xi32, #tpu.memory_space<hbm>>) dst(%arg7 : memref<40x64xi32, #tpu.memory_space<vmem>>)
      tpu.yield
    }) : () -> ()
    "tpu.region"() ({
      %run_scoped3A = tpu.sem_alloc : memref<!tpu.dma_semaphore, #tpu.memory_space<semaphore_mem>>
      %dma_start3A_193 = arith.constant 0 : i32
      %dma_start3A_194 = arith.constant 0 : i32
      %dma_start3A_195 = tpu.memref_slice %arg4[%add3A, %dma_start3A_193, %dma_start3A_194] : memref<32x160x64xi32, #tpu.memory_space<hbm>> -> memref<1x40x64xi32, #tpu.memory_space<hbm>>
      %dma_start3A_196 = tpu.memref_squeeze %dma_start3A_195 : memref<1x40x64xi32, #tpu.memory_space<hbm>> -> memref<40x64xi32, #tpu.memory_space<hbm>>
      %dma_start3A_197 = arith.constant 0 : i32
      %dma_start3A_198 = arith.constant 0 : i32
      %dma_start3A_199 = tpu.memref_slice %arg4[%add3A, %dma_start3A_197, %dma_start3A_198] : memref<32x160x64xi32, #tpu.memory_space<hbm>> -> memref<1x40x64xi32, #tpu.memory_space<hbm>>
      %dma_start3A_200 = tpu.memref_squeeze %dma_start3A_199 : memref<1x40x64xi32, #tpu.memory_space<hbm>> -> memref<40x64xi32, #tpu.memory_space<hbm>>
      tpu.enqueue_dma source(%dma_start3A_200 : memref<40x64xi32, #tpu.memory_space<hbm>>) target(%arg8 : memref<40x64xi32, #tpu.memory_space<vmem>>) target_semaphore(%run_scoped3A : memref<!tpu.dma_semaphore, #tpu.memory_space<semaphore_mem>>)
      %dma_wait3A_201 = arith.constant 0 : i32
      %dma_wait3A_202 = arith.constant 0 : i32
      %dma_wait3A_203 = tpu.memref_slice %arg4[%add3A, %dma_wait3A_201, %dma_wait3A_202] : memref<32x160x64xi32, #tpu.memory_space<hbm>> -> memref<1x40x64xi32, #tpu.memory_space<hbm>>
      %dma_wait3A_204 = tpu.memref_squeeze %dma_wait3A_203 : memref<1x40x64xi32, #tpu.memory_space<hbm>> -> memref<40x64xi32, #tpu.memory_space<hbm>>
      %dma_wait3A_205 = arith.constant 0 : i32
      %dma_wait3A_206 = arith.constant 0 : i32
      %dma_wait3A_207 = tpu.memref_slice %arg4[%add3A, %dma_wait3A_205, %dma_wait3A_206] : memref<32x160x64xi32, #tpu.memory_space<hbm>> -> memref<1x40x64xi32, #tpu.memory_space<hbm>>
      %dma_wait3A_208 = tpu.memref_squeeze %dma_wait3A_207 : memref<1x40x64xi32, #tpu.memory_space<hbm>> -> memref<40x64xi32, #tpu.memory_space<hbm>>
      tpu.wait_dma2 semaphore(%run_scoped3A : memref<!tpu.dma_semaphore, #tpu.memory_space<semaphore_mem>>) src(%dma_wait3A_208 : memref<40x64xi32, #tpu.memory_space<hbm>>) dst(%arg8 : memref<40x64xi32, #tpu.memory_space<vmem>>)
      tpu.yield
    }) : () -> ()
    %dma_start3A = arith.constant 0 : i32
    %dma_start3A_3 = arith.constant 0 : i32
    %dma_start3A_4 = tpu.memref_slice %arg7[%dma_start3A, %dma_start3A_3] : memref<40x64xi32, #tpu.memory_space<vmem>> -> memref<1x64xi32, #tpu.memory_space<vmem>>
    %dma_start3A_5 = tpu.memref_squeeze %dma_start3A_4 : memref<1x64xi32, #tpu.memory_space<vmem>> -> memref<64xi32, #tpu.memory_space<vmem>>
    %dma_start3A_6 = arith.constant 0 : i32
    %dma_start3A_7 = arith.constant 0 : i32
    %dma_start3A_8 = tpu.memref_slice %arg2[%dma_start3A_6, %dma_start3A_7] : memref<10000x128xf32, #tpu.memory_space<hbm>> -> memref<10000x128xf32, #tpu.memory_space<hbm>>
    tpu.enqueue_indirect_dma source(%dma_start3A_8 : memref<10000x128xf32, #tpu.memory_space<hbm>>) target(%arg9 : memref<64x128xf32, #tpu.memory_space<vmem>>) offsets(%dma_start3A_5 : memref<64xi32, #tpu.memory_space<vmem>>) semaphore(%arg14 : memref<!tpu.dma_semaphore, #tpu.memory_space<semaphore_mem>>)
    %dma_start3A_9 = arith.constant 1 : i32
    %dma_start3A_10 = arith.constant 0 : i32
    %dma_start3A_11 = tpu.memref_slice %arg7[%dma_start3A_9, %dma_start3A_10] : memref<40x64xi32, #tpu.memory_space<vmem>> -> memref<1x64xi32, #tpu.memory_space<vmem>>
    %dma_start3A_12 = tpu.memref_squeeze %dma_start3A_11 : memref<1x64xi32, #tpu.memory_space<vmem>> -> memref<64xi32, #tpu.memory_space<vmem>>
    %dma_start3A_13 = arith.constant 0 : i32
    %dma_start3A_14 = arith.constant 0 : i32
    %dma_start3A_15 = tpu.memref_slice %arg2[%dma_start3A_13, %dma_start3A_14] : memref<10000x128xf32, #tpu.memory_space<hbm>> -> memref<10000x128xf32, #tpu.memory_space<hbm>>
    tpu.enqueue_indirect_dma source(%dma_start3A_15 : memref<10000x128xf32, #tpu.memory_space<hbm>>) target(%arg10 : memref<64x128xf32, #tpu.memory_space<vmem>>) offsets(%dma_start3A_12 : memref<64xi32, #tpu.memory_space<vmem>>) semaphore(%arg15 : memref<!tpu.dma_semaphore, #tpu.memory_space<semaphore_mem>>)
    %dma_start3A_16 = arith.constant 2 : i32
    %dma_start3A_17 = arith.constant 0 : i32
    %dma_start3A_18 = tpu.memref_slice %arg7[%dma_start3A_16, %dma_start3A_17] : memref<40x64xi32, #tpu.memory_space<vmem>> -> memref<1x64xi32, #tpu.memory_space<vmem>>
    %dma_start3A_19 = tpu.memref_squeeze %dma_start3A_18 : memref<1x64xi32, #tpu.memory_space<vmem>> -> memref<64xi32, #tpu.memory_space<vmem>>
    %dma_start3A_20 = arith.constant 0 : i32
    %dma_start3A_21 = arith.constant 0 : i32
    %dma_start3A_22 = tpu.memref_slice %arg2[%dma_start3A_20, %dma_start3A_21] : memref<10000x128xf32, #tpu.memory_space<hbm>> -> memref<10000x128xf32, #tpu.memory_space<hbm>>
    tpu.enqueue_indirect_dma source(%dma_start3A_22 : memref<10000x128xf32, #tpu.memory_space<hbm>>) target(%arg11 : memref<64x128xf32, #tpu.memory_space<vmem>>) offsets(%dma_start3A_19 : memref<64xi32, #tpu.memory_space<vmem>>) semaphore(%arg16 : memref<!tpu.dma_semaphore, #tpu.memory_space<semaphore_mem>>)
    %scan3A = arith.constant 0 : i32
    %scan3A_23 = arith.constant 10 : i32
    %scan3A_24 = arith.addi %scan3A, %scan3A_23 : i32
    %scan3A_25 = arith.constant 1 : i32
    scf.for %scan3A_193 = %scan3A to %scan3A_24 step %scan3A_25  : i32 {
      %mul3A_194 = arith.constant 1 : i32
      %mul3A_195 = arith.muli %scan3A_193, %mul3A_194 : i32
      %add3A_196 = arith.constant 0 : i32
      %add3A_197 = arith.addi %add3A_196, %mul3A_195 : i32
      %mul3A_198 = arith.constant 4 : i32
      %mul3A_199 = arith.muli %add3A_197, %mul3A_198 : i32
      %add3A_200 = arith.constant 0 : i32
      %add3A_201 = arith.addi %mul3A_199, %add3A_200 : i32
      %add3A_202 = arith.constant 4 : i32
      %add3A_203 = arith.addi %add3A_201, %add3A_202 : i32
      %sub3A = arith.constant 1 : i32
      %sub3A_204 = arith.subi %add3A_203, %sub3A : i32
      %min3A = arith.constant 39 : i32
      %min3A_205 = arith.minsi %sub3A_204, %min3A : i32
      %dma_start3A_206 = arith.constant 0 : i32
      %dma_start3A_207 = tpu.memref_slice %arg7[%min3A_205, %dma_start3A_206] : memref<40x64xi32, #tpu.memory_space<vmem>> -> memref<1x64xi32, #tpu.memory_space<vmem>>
      %dma_start3A_208 = tpu.memref_squeeze %dma_start3A_207 : memref<1x64xi32, #tpu.memory_space<vmem>> -> memref<64xi32, #tpu.memory_space<vmem>>
      %dma_start3A_209 = arith.constant 0 : i32
      %dma_start3A_210 = arith.constant 0 : i32
      %dma_start3A_211 = tpu.memref_slice %arg2[%dma_start3A_209, %dma_start3A_210] : memref<10000x128xf32, #tpu.memory_space<hbm>> -> memref<10000x128xf32, #tpu.memory_space<hbm>>
      tpu.enqueue_indirect_dma source(%dma_start3A_211 : memref<10000x128xf32, #tpu.memory_space<hbm>>) target(%arg12 : memref<64x128xf32, #tpu.memory_space<vmem>>) offsets(%dma_start3A_208 : memref<64xi32, #tpu.memory_space<vmem>>) semaphore(%arg17 : memref<!tpu.dma_semaphore, #tpu.memory_space<semaphore_mem>>)
      %dma_wait3A_212 = arith.constant 0 : i32
      %dma_wait3A_213 = tpu.memref_slice %arg7[%add3A_201, %dma_wait3A_212] : memref<40x64xi32, #tpu.memory_space<vmem>> -> memref<1x64xi32, #tpu.memory_space<vmem>>
      %dma_wait3A_214 = tpu.memref_squeeze %dma_wait3A_213 : memref<1x64xi32, #tpu.memory_space<vmem>> -> memref<64xi32, #tpu.memory_space<vmem>>
      %dma_wait3A_215 = arith.constant 0 : i32
      %dma_wait3A_216 = arith.constant 0 : i32
      %dma_wait3A_217 = tpu.memref_slice %arg2[%dma_wait3A_215, %dma_wait3A_216] : memref<10000x128xf32, #tpu.memory_space<hbm>> -> memref<10000x128xf32, #tpu.memory_space<hbm>>
      tpu.wait_indirect_dma semaphore(%arg14 : memref<!tpu.dma_semaphore, #tpu.memory_space<semaphore_mem>>) src(%dma_wait3A_217 : memref<10000x128xf32, #tpu.memory_space<hbm>>) dst(%arg9 : memref<64x128xf32, #tpu.memory_space<vmem>>)
      "tpu.region"() ({
        %run_scoped3A = tpu.sem_alloc : memref<!tpu.dma_semaphore, #tpu.memory_space<semaphore_mem>>
        %dma_start3A_284 = arith.constant 0 : i32
        %dma_start3A_285 = tpu.memref_slice %arg8[%add3A_201, %dma_start3A_284] : memref<40x64xi32, #tpu.memory_space<vmem>> -> memref<1x64xi32, #tpu.memory_space<vmem>>
        %dma_start3A_286 = tpu.memref_squeeze %dma_start3A_285 : memref<1x64xi32, #tpu.memory_space<vmem>> -> memref<64xi32, #tpu.memory_space<vmem>>
        %dma_start3A_287 = arith.constant 0 : i32
        %dma_start3A_288 = arith.constant 0 : i32
        %dma_start3A_289 = tpu.memref_slice %arg13[%dma_start3A_287, %dma_start3A_288] : memref<10112x128xf32, #tpu.memory_space<vmem_shared>> -> memref<10112x128xf32, #tpu.memory_space<vmem_shared>>
        tpu.enqueue_indirect_dma source(%arg9 : memref<64x128xf32, #tpu.memory_space<vmem>>) target(%dma_start3A_289 : memref<10112x128xf32, #tpu.memory_space<vmem_shared>>) offsets(%dma_start3A_286 : memref<64xi32, #tpu.memory_space<vmem>>) semaphore(%run_scoped3A : memref<!tpu.dma_semaphore, #tpu.memory_space<semaphore_mem>>) {add = true}
        %dma_wait3A_290 = arith.constant 0 : i32
        %dma_wait3A_291 = tpu.memref_slice %arg8[%add3A_201, %dma_wait3A_290] : memref<40x64xi32, #tpu.memory_space<vmem>> -> memref<1x64xi32, #tpu.memory_space<vmem>>
        %dma_wait3A_292 = tpu.memref_squeeze %dma_wait3A_291 : memref<1x64xi32, #tpu.memory_space<vmem>> -> memref<64xi32, #tpu.memory_space<vmem>>
        %dma_wait3A_293 = arith.constant 0 : i32
        %dma_wait3A_294 = arith.constant 0 : i32
        %dma_wait3A_295 = tpu.memref_slice %arg13[%dma_wait3A_293, %dma_wait3A_294] : memref<10112x128xf32, #tpu.memory_space<vmem_shared>> -> memref<10112x128xf32, #tpu.memory_space<vmem_shared>>
        tpu.wait_indirect_dma semaphore(%run_scoped3A : memref<!tpu.dma_semaphore, #tpu.memory_space<semaphore_mem>>) src(%arg9 : memref<64x128xf32, #tpu.memory_space<vmem>>) dst(%dma_wait3A_295 : memref<10112x128xf32, #tpu.memory_space<vmem_shared>>)
        tpu.yield
      }) : () -> ()
      %mul3A_218 = arith.constant 4 : i32
      %mul3A_219 = arith.muli %add3A_197, %mul3A_218 : i32
      %add3A_220 = arith.constant 1 : i32
      %add3A_221 = arith.addi %mul3A_219, %add3A_220 : i32
      %add3A_222 = arith.constant 4 : i32
      %add3A_223 = arith.addi %add3A_221, %add3A_222 : i32
      %sub3A_224 = arith.constant 1 : i32
      %sub3A_225 = arith.subi %add3A_223, %sub3A_224 : i32
      %min3A_226 = arith.constant 39 : i32
      %min3A_227 = arith.minsi %sub3A_225, %min3A_226 : i32
      %dma_start3A_228 = arith.constant 0 : i32
      %dma_start3A_229 = tpu.memref_slice %arg7[%min3A_227, %dma_start3A_228] : memref<40x64xi32, #tpu.memory_space<vmem>> -> memref<1x64xi32, #tpu.memory_space<vmem>>
      %dma_start3A_230 = tpu.memref_squeeze %dma_start3A_229 : memref<1x64xi32, #tpu.memory_space<vmem>> -> memref<64xi32, #tpu.memory_space<vmem>>
      %dma_start3A_231 = arith.constant 0 : i32
      %dma_start3A_232 = arith.constant 0 : i32
      %dma_start3A_233 = tpu.memref_slice %arg2[%dma_start3A_231, %dma_start3A_232] : memref<10000x128xf32, #tpu.memory_space<hbm>> -> memref<10000x128xf32, #tpu.memory_space<hbm>>
      tpu.enqueue_indirect_dma source(%dma_start3A_233 : memref<10000x128xf32, #tpu.memory_space<hbm>>) target(%arg9 : memref<64x128xf32, #tpu.memory_space<vmem>>) offsets(%dma_start3A_230 : memref<64xi32, #tpu.memory_space<vmem>>) semaphore(%arg14 : memref<!tpu.dma_semaphore, #tpu.memory_space<semaphore_mem>>)
      %dma_wait3A_234 = arith.constant 0 : i32
      %dma_wait3A_235 = tpu.memref_slice %arg7[%add3A_221, %dma_wait3A_234] : memref<40x64xi32, #tpu.memory_space<vmem>> -> memref<1x64xi32, #tpu.memory_space<vmem>>
      %dma_wait3A_236 = tpu.memref_squeeze %dma_wait3A_235 : memref<1x64xi32, #tpu.memory_space<vmem>> -> memref<64xi32, #tpu.memory_space<vmem>>
      %dma_wait3A_237 = arith.constant 0 : i32
      %dma_wait3A_238 = arith.constant 0 : i32
      %dma_wait3A_239 = tpu.memref_slice %arg2[%dma_wait3A_237, %dma_wait3A_238] : memref<10000x128xf32, #tpu.memory_space<hbm>> -> memref<10000x128xf32, #tpu.memory_space<hbm>>
      tpu.wait_indirect_dma semaphore(%arg15 : memref<!tpu.dma_semaphore, #tpu.memory_space<semaphore_mem>>) src(%dma_wait3A_239 : memref<10000x128xf32, #tpu.memory_space<hbm>>) dst(%arg10 : memref<64x128xf32, #tpu.memory_space<vmem>>)
      "tpu.region"() ({
        %run_scoped3A = tpu.sem_alloc : memref<!tpu.dma_semaphore, #tpu.memory_space<semaphore_mem>>
        %dma_start3A_284 = arith.constant 0 : i32
        %dma_start3A_285 = tpu.memref_slice %arg8[%add3A_221, %dma_start3A_284] : memref<40x64xi32, #tpu.memory_space<vmem>> -> memref<1x64xi32, #tpu.memory_space<vmem>>
        %dma_start3A_286 = tpu.memref_squeeze %dma_start3A_285 : memref<1x64xi32, #tpu.memory_space<vmem>> -> memref<64xi32, #tpu.memory_space<vmem>>
        %dma_start3A_287 = arith.constant 0 : i32
        %dma_start3A_288 = arith.constant 0 : i32
        %dma_start3A_289 = tpu.memref_slice %arg13[%dma_start3A_287, %dma_start3A_288] : memref<10112x128xf32, #tpu.memory_space<vmem_shared>> -> memref<10112x128xf32, #tpu.memory_space<vmem_shared>>
        tpu.enqueue_indirect_dma source(%arg10 : memref<64x128xf32, #tpu.memory_space<vmem>>) target(%dma_start3A_289 : memref<10112x128xf32, #tpu.memory_space<vmem_shared>>) offsets(%dma_start3A_286 : memref<64xi32, #tpu.memory_space<vmem>>) semaphore(%run_scoped3A : memref<!tpu.dma_semaphore, #tpu.memory_space<semaphore_mem>>) {add = true}
        %dma_wait3A_290 = arith.constant 0 : i32
        %dma_wait3A_291 = tpu.memref_slice %arg8[%add3A_221, %dma_wait3A_290] : memref<40x64xi32, #tpu.memory_space<vmem>> -> memref<1x64xi32, #tpu.memory_space<vmem>>
        %dma_wait3A_292 = tpu.memref_squeeze %dma_wait3A_291 : memref<1x64xi32, #tpu.memory_space<vmem>> -> memref<64xi32, #tpu.memory_space<vmem>>
        %dma_wait3A_293 = arith.constant 0 : i32
        %dma_wait3A_294 = arith.constant 0 : i32
        %dma_wait3A_295 = tpu.memref_slice %arg13[%dma_wait3A_293, %dma_wait3A_294] : memref<10112x128xf32, #tpu.memory_space<vmem_shared>> -> memref<10112x128xf32, #tpu.memory_space<vmem_shared>>
        tpu.wait_indirect_dma semaphore(%run_scoped3A : memref<!tpu.dma_semaphore, #tpu.memory_space<semaphore_mem>>) src(%arg10 : memref<64x128xf32, #tpu.memory_space<vmem>>) dst(%dma_wait3A_295 : memref<10112x128xf32, #tpu.memory_space<vmem_shared>>)
        tpu.yield
      }) : () -> ()
      %mul3A_240 = arith.constant 4 : i32
      %mul3A_241 = arith.muli %add3A_197, %mul3A_240 : i32
      %add3A_242 = arith.constant 2 : i32
      %add3A_243 = arith.addi %mul3A_241, %add3A_242 : i32
      %add3A_244 = arith.constant 4 : i32
      %add3A_245 = arith.addi %add3A_243, %add3A_244 : i32
      %sub3A_246 = arith.constant 1 : i32
      %sub3A_247 = arith.subi %add3A_245, %sub3A_246 : i32
      %min3A_248 = arith.constant 39 : i32
      %min3A_249 = arith.minsi %sub3A_247, %min3A_248 : i32
      %dma_start3A_250 = arith.constant 0 : i32
      %dma_start3A_251 = tpu.memref_slice %arg7[%min3A_249, %dma_start3A_250] : memref<40x64xi32, #tpu.memory_space<vmem>> -> memref<1x64xi32, #tpu.memory_space<vmem>>
      %dma_start3A_252 = tpu.memref_squeeze %dma_start3A_251 : memref<1x64xi32, #tpu.memory_space<vmem>> -> memref<64xi32, #tpu.memory_space<vmem>>
      %dma_start3A_253 = arith.constant 0 : i32
      %dma_start3A_254 = arith.constant 0 : i32
      %dma_start3A_255 = tpu.memref_slice %arg2[%dma_start3A_253, %dma_start3A_254] : memref<10000x128xf32, #tpu.memory_space<hbm>> -> memref<10000x128xf32, #tpu.memory_space<hbm>>
      tpu.enqueue_indirect_dma source(%dma_start3A_255 : memref<10000x128xf32, #tpu.memory_space<hbm>>) target(%arg10 : memref<64x128xf32, #tpu.memory_space<vmem>>) offsets(%dma_start3A_252 : memref<64xi32, #tpu.memory_space<vmem>>) semaphore(%arg15 : memref<!tpu.dma_semaphore, #tpu.memory_space<semaphore_mem>>)
      %dma_wait3A_256 = arith.constant 0 : i32
      %dma_wait3A_257 = tpu.memref_slice %arg7[%add3A_243, %dma_wait3A_256] : memref<40x64xi32, #tpu.memory_space<vmem>> -> memref<1x64xi32, #tpu.memory_space<vmem>>
      %dma_wait3A_258 = tpu.memref_squeeze %dma_wait3A_257 : memref<1x64xi32, #tpu.memory_space<vmem>> -> memref<64xi32, #tpu.memory_space<vmem>>
      %dma_wait3A_259 = arith.constant 0 : i32
      %dma_wait3A_260 = arith.constant 0 : i32
      %dma_wait3A_261 = tpu.memref_slice %arg2[%dma_wait3A_259, %dma_wait3A_260] : memref<10000x128xf32, #tpu.memory_space<hbm>> -> memref<10000x128xf32, #tpu.memory_space<hbm>>
      tpu.wait_indirect_dma semaphore(%arg16 : memref<!tpu.dma_semaphore, #tpu.memory_space<semaphore_mem>>) src(%dma_wait3A_261 : memref<10000x128xf32, #tpu.memory_space<hbm>>) dst(%arg11 : memref<64x128xf32, #tpu.memory_space<vmem>>)
      "tpu.region"() ({
        %run_scoped3A = tpu.sem_alloc : memref<!tpu.dma_semaphore, #tpu.memory_space<semaphore_mem>>
        %dma_start3A_284 = arith.constant 0 : i32
        %dma_start3A_285 = tpu.memref_slice %arg8[%add3A_243, %dma_start3A_284] : memref<40x64xi32, #tpu.memory_space<vmem>> -> memref<1x64xi32, #tpu.memory_space<vmem>>
        %dma_start3A_286 = tpu.memref_squeeze %dma_start3A_285 : memref<1x64xi32, #tpu.memory_space<vmem>> -> memref<64xi32, #tpu.memory_space<vmem>>
        %dma_start3A_287 = arith.constant 0 : i32
        %dma_start3A_288 = arith.constant 0 : i32
        %dma_start3A_289 = tpu.memref_slice %arg13[%dma_start3A_287, %dma_start3A_288] : memref<10112x128xf32, #tpu.memory_space<vmem_shared>> -> memref<10112x128xf32, #tpu.memory_space<vmem_shared>>
        tpu.enqueue_indirect_dma source(%arg11 : memref<64x128xf32, #tpu.memory_space<vmem>>) target(%dma_start3A_289 : memref<10112x128xf32, #tpu.memory_space<vmem_shared>>) offsets(%dma_start3A_286 : memref<64xi32, #tpu.memory_space<vmem>>) semaphore(%run_scoped3A : memref<!tpu.dma_semaphore, #tpu.memory_space<semaphore_mem>>) {add = true}
        %dma_wait3A_290 = arith.constant 0 : i32
        %dma_wait3A_291 = tpu.memref_slice %arg8[%add3A_243, %dma_wait3A_290] : memref<40x64xi32, #tpu.memory_space<vmem>> -> memref<1x64xi32, #tpu.memory_space<vmem>>
        %dma_wait3A_292 = tpu.memref_squeeze %dma_wait3A_291 : memref<1x64xi32, #tpu.memory_space<vmem>> -> memref<64xi32, #tpu.memory_space<vmem>>
        %dma_wait3A_293 = arith.constant 0 : i32
        %dma_wait3A_294 = arith.constant 0 : i32
        %dma_wait3A_295 = tpu.memref_slice %arg13[%dma_wait3A_293, %dma_wait3A_294] : memref<10112x128xf32, #tpu.memory_space<vmem_shared>> -> memref<10112x128xf32, #tpu.memory_space<vmem_shared>>
        tpu.wait_indirect_dma semaphore(%run_scoped3A : memref<!tpu.dma_semaphore, #tpu.memory_space<semaphore_mem>>) src(%arg11 : memref<64x128xf32, #tpu.memory_space<vmem>>) dst(%dma_wait3A_295 : memref<10112x128xf32, #tpu.memory_space<vmem_shared>>)
        tpu.yield
      }) : () -> ()
      %mul3A_262 = arith.constant 4 : i32
      %mul3A_263 = arith.muli %add3A_197, %mul3A_262 : i32
      %add3A_264 = arith.constant 3 : i32
      %add3A_265 = arith.addi %mul3A_263, %add3A_264 : i32
      %add3A_266 = arith.constant 4 : i32
      %add3A_267 = arith.addi %add3A_265, %add3A_266 : i32
      %sub3A_268 = arith.constant 1 : i32
      %sub3A_269 = arith.subi %add3A_267, %sub3A_268 : i32
      %min3A_270 = arith.constant 39 : i32
      %min3A_271 = arith.minsi %sub3A_269, %min3A_270 : i32
      %dma_start3A_272 = arith.constant 0 : i32
      %dma_start3A_273 = tpu.memref_slice %arg7[%min3A_271, %dma_start3A_272] : memref<40x64xi32, #tpu.memory_space<vmem>> -> memref<1x64xi32, #tpu.memory_space<vmem>>
      %dma_start3A_274 = tpu.memref_squeeze %dma_start3A_273 : memref<1x64xi32, #tpu.memory_space<vmem>> -> memref<64xi32, #tpu.memory_space<vmem>>
      %dma_start3A_275 = arith.constant 0 : i32
      %dma_start3A_276 = arith.constant 0 : i32
      %dma_start3A_277 = tpu.memref_slice %arg2[%dma_start3A_275, %dma_start3A_276] : memref<10000x128xf32, #tpu.memory_space<hbm>> -> memref<10000x128xf32, #tpu.memory_space<hbm>>
      tpu.enqueue_indirect_dma source(%dma_start3A_277 : memref<10000x128xf32, #tpu.memory_space<hbm>>) target(%arg11 : memref<64x128xf32, #tpu.memory_space<vmem>>) offsets(%dma_start3A_274 : memref<64xi32, #tpu.memory_space<vmem>>) semaphore(%arg16 : memref<!tpu.dma_semaphore, #tpu.memory_space<semaphore_mem>>)
      %dma_wait3A_278 = arith.constant 0 : i32
      %dma_wait3A_279 = tpu.memref_slice %arg7[%add3A_265, %dma_wait3A_278] : memref<40x64xi32, #tpu.memory_space<vmem>> -> memref<1x64xi32, #tpu.memory_space<vmem>>
      %dma_wait3A_280 = tpu.memref_squeeze %dma_wait3A_279 : memref<1x64xi32, #tpu.memory_space<vmem>> -> memref<64xi32, #tpu.memory_space<vmem>>
      %dma_wait3A_281 = arith.constant 0 : i32
      %dma_wait3A_282 = arith.constant 0 : i32
      %dma_wait3A_283 = tpu.memref_slice %arg2[%dma_wait3A_281, %dma_wait3A_282] : memref<10000x128xf32, #tpu.memory_space<hbm>> -> memref<10000x128xf32, #tpu.memory_space<hbm>>
      tpu.wait_indirect_dma semaphore(%arg17 : memref<!tpu.dma_semaphore, #tpu.memory_space<semaphore_mem>>) src(%dma_wait3A_283 : memref<10000x128xf32, #tpu.memory_space<hbm>>) dst(%arg12 : memref<64x128xf32, #tpu.memory_space<vmem>>)
      "tpu.region"() ({
        %run_scoped3A = tpu.sem_alloc : memref<!tpu.dma_semaphore, #tpu.memory_space<semaphore_mem>>
        %dma_start3A_284 = arith.constant 0 : i32
        %dma_start3A_285 = tpu.memref_slice %arg8[%add3A_265, %dma_start3A_284] : memref<40x64xi32, #tpu.memory_space<vmem>> -> memref<1x64xi32, #tpu.memory_space<vmem>>
        %dma_start3A_286 = tpu.memref_squeeze %dma_start3A_285 : memref<1x64xi32, #tpu.memory_space<vmem>> -> memref<64xi32, #tpu.memory_space<vmem>>
        %dma_start3A_287 = arith.constant 0 : i32
        %dma_start3A_288 = arith.constant 0 : i32
        %dma_start3A_289 = tpu.memref_slice %arg13[%dma_start3A_287, %dma_start3A_288] : memref<10112x128xf32, #tpu.memory_space<vmem_shared>> -> memref<10112x128xf32, #tpu.memory_space<vmem_shared>>
        tpu.enqueue_indirect_dma source(%arg12 : memref<64x128xf32, #tpu.memory_space<vmem>>) target(%dma_start3A_289 : memref<10112x128xf32, #tpu.memory_space<vmem_shared>>) offsets(%dma_start3A_286 : memref<64xi32, #tpu.memory_space<vmem>>) semaphore(%run_scoped3A : memref<!tpu.dma_semaphore, #tpu.memory_space<semaphore_mem>>) {add = true}
        %dma_wait3A_290 = arith.constant 0 : i32
        %dma_wait3A_291 = tpu.memref_slice %arg8[%add3A_265, %dma_wait3A_290] : memref<40x64xi32, #tpu.memory_space<vmem>> -> memref<1x64xi32, #tpu.memory_space<vmem>>
        %dma_wait3A_292 = tpu.memref_squeeze %dma_wait3A_291 : memref<1x64xi32, #tpu.memory_space<vmem>> -> memref<64xi32, #tpu.memory_space<vmem>>
        %dma_wait3A_293 = arith.constant 0 : i32
        %dma_wait3A_294 = arith.constant 0 : i32
        %dma_wait3A_295 = tpu.memref_slice %arg13[%dma_wait3A_293, %dma_wait3A_294] : memref<10112x128xf32, #tpu.memory_space<vmem_shared>> -> memref<10112x128xf32, #tpu.memory_space<vmem_shared>>
        tpu.wait_indirect_dma semaphore(%run_scoped3A : memref<!tpu.dma_semaphore, #tpu.memory_space<semaphore_mem>>) src(%arg12 : memref<64x128xf32, #tpu.memory_space<vmem>>) dst(%dma_wait3A_295 : memref<10112x128xf32, #tpu.memory_space<vmem_shared>>)
        tpu.yield
      }) : () -> ()
    }
    %scan3A_26 = arith.constant 10 : i32
    %dma_wait3A = arith.constant 39 : i32
    %dma_wait3A_27 = arith.constant 0 : i32
    %dma_wait3A_28 = tpu.memref_slice %arg7[%dma_wait3A, %dma_wait3A_27] : memref<40x64xi32, #tpu.memory_space<vmem>> -> memref<1x64xi32, #tpu.memory_space<vmem>>
    %dma_wait3A_29 = tpu.memref_squeeze %dma_wait3A_28 : memref<1x64xi32, #tpu.memory_space<vmem>> -> memref<64xi32, #tpu.memory_space<vmem>>
    %dma_wait3A_30 = arith.constant 0 : i32
    %dma_wait3A_31 = arith.constant 0 : i32
    %dma_wait3A_32 = tpu.memref_slice %arg2[%dma_wait3A_30, %dma_wait3A_31] : memref<10000x128xf32, #tpu.memory_space<hbm>> -> memref<10000x128xf32, #tpu.memory_space<hbm>>
    tpu.wait_indirect_dma semaphore(%arg14 : memref<!tpu.dma_semaphore, #tpu.memory_space<semaphore_mem>>) src(%dma_wait3A_32 : memref<10000x128xf32, #tpu.memory_space<hbm>>) dst(%arg9 : memref<64x128xf32, #tpu.memory_space<vmem>>)
    %dma_wait3A_33 = arith.constant 39 : i32
    %dma_wait3A_34 = arith.constant 0 : i32
    %dma_wait3A_35 = tpu.memref_slice %arg7[%dma_wait3A_33, %dma_wait3A_34] : memref<40x64xi32, #tpu.memory_space<vmem>> -> memref<1x64xi32, #tpu.memory_space<vmem>>
    %dma_wait3A_36 = tpu.memref_squeeze %dma_wait3A_35 : memref<1x64xi32, #tpu.memory_space<vmem>> -> memref<64xi32, #tpu.memory_space<vmem>>
    %dma_wait3A_37 = arith.constant 0 : i32
    %dma_wait3A_38 = arith.constant 0 : i32
    %dma_wait3A_39 = tpu.memref_slice %arg2[%dma_wait3A_37, %dma_wait3A_38] : memref<10000x128xf32, #tpu.memory_space<hbm>> -> memref<10000x128xf32, #tpu.memory_space<hbm>>
    tpu.wait_indirect_dma semaphore(%arg15 : memref<!tpu.dma_semaphore, #tpu.memory_space<semaphore_mem>>) src(%dma_wait3A_39 : memref<10000x128xf32, #tpu.memory_space<hbm>>) dst(%arg10 : memref<64x128xf32, #tpu.memory_space<vmem>>)
    %dma_wait3A_40 = arith.constant 39 : i32
    %dma_wait3A_41 = arith.constant 0 : i32
    %dma_wait3A_42 = tpu.memref_slice %arg7[%dma_wait3A_40, %dma_wait3A_41] : memref<40x64xi32, #tpu.memory_space<vmem>> -> memref<1x64xi32, #tpu.memory_space<vmem>>
    %dma_wait3A_43 = tpu.memref_squeeze %dma_wait3A_42 : memref<1x64xi32, #tpu.memory_space<vmem>> -> memref<64xi32, #tpu.memory_space<vmem>>
    %dma_wait3A_44 = arith.constant 0 : i32
    %dma_wait3A_45 = arith.constant 0 : i32
    %dma_wait3A_46 = tpu.memref_slice %arg2[%dma_wait3A_44, %dma_wait3A_45] : memref<10000x128xf32, #tpu.memory_space<hbm>> -> memref<10000x128xf32, #tpu.memory_space<hbm>>
    tpu.wait_indirect_dma semaphore(%arg16 : memref<!tpu.dma_semaphore, #tpu.memory_space<semaphore_mem>>) src(%dma_wait3A_46 : memref<10000x128xf32, #tpu.memory_space<hbm>>) dst(%arg11 : memref<64x128xf32, #tpu.memory_space<vmem>>)
    "tpu.region"() ({
      %run_scoped3A = tpu.sem_alloc : memref<!tpu.dma_semaphore, #tpu.memory_space<semaphore_mem>>
      %dma_start3A_193 = arith.constant 40 : i32
      %dma_start3A_194 = arith.constant 0 : i32
      %dma_start3A_195 = tpu.memref_slice %arg3[%add3A, %dma_start3A_193, %dma_start3A_194] : memref<32x160x64xi32, #tpu.memory_space<hbm>> -> memref<1x40x64xi32, #tpu.memory_space<hbm>>
      %dma_start3A_196 = tpu.memref_squeeze %dma_start3A_195 : memref<1x40x64xi32, #tpu.memory_space<hbm>> -> memref<40x64xi32, #tpu.memory_space<hbm>>
      %dma_start3A_197 = arith.constant 40 : i32
      %dma_start3A_198 = arith.constant 0 : i32
      %dma_start3A_199 = tpu.memref_slice %arg3[%add3A, %dma_start3A_197, %dma_start3A_198] : memref<32x160x64xi32, #tpu.memory_space<hbm>> -> memref<1x40x64xi32, #tpu.memory_space<hbm>>
      %dma_start3A_200 = tpu.memref_squeeze %dma_start3A_199 : memref<1x40x64xi32, #tpu.memory_space<hbm>> -> memref<40x64xi32, #tpu.memory_space<hbm>>
      tpu.enqueue_dma source(%dma_start3A_200 : memref<40x64xi32, #tpu.memory_space<hbm>>) target(%arg7 : memref<40x64xi32, #tpu.memory_space<vmem>>) target_semaphore(%run_scoped3A : memref<!tpu.dma_semaphore, #tpu.memory_space<semaphore_mem>>)
      %dma_wait3A_201 = arith.constant 40 : i32
      %dma_wait3A_202 = arith.constant 0 : i32
      %dma_wait3A_203 = tpu.memref_slice %arg3[%add3A, %dma_wait3A_201, %dma_wait3A_202] : memref<32x160x64xi32, #tpu.memory_space<hbm>> -> memref<1x40x64xi32, #tpu.memory_space<hbm>>
      %dma_wait3A_204 = tpu.memref_squeeze %dma_wait3A_203 : memref<1x40x64xi32, #tpu.memory_space<hbm>> -> memref<40x64xi32, #tpu.memory_space<hbm>>
      %dma_wait3A_205 = arith.constant 40 : i32
      %dma_wait3A_206 = arith.constant 0 : i32
      %dma_wait3A_207 = tpu.memref_slice %arg3[%add3A, %dma_wait3A_205, %dma_wait3A_206] : memref<32x160x64xi32, #tpu.memory_space<hbm>> -> memref<1x40x64xi32, #tpu.memory_space<hbm>>
      %dma_wait3A_208 = tpu.memref_squeeze %dma_wait3A_207 : memref<1x40x64xi32, #tpu.memory_space<hbm>> -> memref<40x64xi32, #tpu.memory_space<hbm>>
      tpu.wait_dma2 semaphore(%run_scoped3A : memref<!tpu.dma_semaphore, #tpu.memory_space<semaphore_mem>>) src(%dma_wait3A_208 : memref<40x64xi32, #tpu.memory_space<hbm>>) dst(%arg7 : memref<40x64xi32, #tpu.memory_space<vmem>>)
      tpu.yield
    }) : () -> ()
    "tpu.region"() ({
      %run_scoped3A = tpu.sem_alloc : memref<!tpu.dma_semaphore, #tpu.memory_space<semaphore_mem>>
      %dma_start3A_193 = arith.constant 40 : i32
      %dma_start3A_194 = arith.constant 0 : i32
      %dma_start3A_195 = tpu.memref_slice %arg4[%add3A, %dma_start3A_193, %dma_start3A_194] : memref<32x160x64xi32, #tpu.memory_space<hbm>> -> memref<1x40x64xi32, #tpu.memory_space<hbm>>
      %dma_start3A_196 = tpu.memref_squeeze %dma_start3A_195 : memref<1x40x64xi32, #tpu.memory_space<hbm>> -> memref<40x64xi32, #tpu.memory_space<hbm>>
      %dma_start3A_197 = arith.constant 40 : i32
      %dma_start3A_198 = arith.constant 0 : i32
      %dma_start3A_199 = tpu.memref_slice %arg4[%add3A, %dma_start3A_197, %dma_start3A_198] : memref<32x160x64xi32, #tpu.memory_space<hbm>> -> memref<1x40x64xi32, #tpu.memory_space<hbm>>
      %dma_start3A_200 = tpu.memref_squeeze %dma_start3A_199 : memref<1x40x64xi32, #tpu.memory_space<hbm>> -> memref<40x64xi32, #tpu.memory_space<hbm>>
      tpu.enqueue_dma source(%dma_start3A_200 : memref<40x64xi32, #tpu.memory_space<hbm>>) target(%arg8 : memref<40x64xi32, #tpu.memory_space<vmem>>) target_semaphore(%run_scoped3A : memref<!tpu.dma_semaphore, #tpu.memory_space<semaphore_mem>>)
      %dma_wait3A_201 = arith.constant 40 : i32
      %dma_wait3A_202 = arith.constant 0 : i32
      %dma_wait3A_203 = tpu.memref_slice %arg4[%add3A, %dma_wait3A_201, %dma_wait3A_202] : memref<32x160x64xi32, #tpu.memory_space<hbm>> -> memref<1x40x64xi32, #tpu.memory_space<hbm>>
      %dma_wait3A_204 = tpu.memref_squeeze %dma_wait3A_203 : memref<1x40x64xi32, #tpu.memory_space<hbm>> -> memref<40x64xi32, #tpu.memory_space<hbm>>
      %dma_wait3A_205 = arith.constant 40 : i32
      %dma_wait3A_206 = arith.constant 0 : i32
      %dma_wait3A_207 = tpu.memref_slice %arg4[%add3A, %dma_wait3A_205, %dma_wait3A_206] : memref<32x160x64xi32, #tpu.memory_space<hbm>> -> memref<1x40x64xi32, #tpu.memory_space<hbm>>
      %dma_wait3A_208 = tpu.memref_squeeze %dma_wait3A_207 : memref<1x40x64xi32, #tpu.memory_space<hbm>> -> memref<40x64xi32, #tpu.memory_space<hbm>>
      tpu.wait_dma2 semaphore(%run_scoped3A : memref<!tpu.dma_semaphore, #tpu.memory_space<semaphore_mem>>) src(%dma_wait3A_208 : memref<40x64xi32, #tpu.memory_space<hbm>>) dst(%arg8 : memref<40x64xi32, #tpu.memory_space<vmem>>)
      tpu.yield
    }) : () -> ()
    %dma_start3A_47 = arith.constant 0 : i32
    %dma_start3A_48 = arith.constant 0 : i32
    %dma_start3A_49 = tpu.memref_slice %arg7[%dma_start3A_47, %dma_start3A_48] : memref<40x64xi32, #tpu.memory_space<vmem>> -> memref<1x64xi32, #tpu.memory_space<vmem>>
    %dma_start3A_50 = tpu.memref_squeeze %dma_start3A_49 : memref<1x64xi32, #tpu.memory_space<vmem>> -> memref<64xi32, #tpu.memory_space<vmem>>
    %dma_start3A_51 = arith.constant 0 : i32
    %dma_start3A_52 = arith.constant 0 : i32
    %dma_start3A_53 = tpu.memref_slice %arg2[%dma_start3A_51, %dma_start3A_52] : memref<10000x128xf32, #tpu.memory_space<hbm>> -> memref<10000x128xf32, #tpu.memory_space<hbm>>
    tpu.enqueue_indirect_dma source(%dma_start3A_53 : memref<10000x128xf32, #tpu.memory_space<hbm>>) target(%arg9 : memref<64x128xf32, #tpu.memory_space<vmem>>) offsets(%dma_start3A_50 : memref<64xi32, #tpu.memory_space<vmem>>) semaphore(%arg14 : memref<!tpu.dma_semaphore, #tpu.memory_space<semaphore_mem>>)
    %dma_start3A_54 = arith.constant 1 : i32
    %dma_start3A_55 = arith.constant 0 : i32
    %dma_start3A_56 = tpu.memref_slice %arg7[%dma_start3A_54, %dma_start3A_55] : memref<40x64xi32, #tpu.memory_space<vmem>> -> memref<1x64xi32, #tpu.memory_space<vmem>>
    %dma_start3A_57 = tpu.memref_squeeze %dma_start3A_56 : memref<1x64xi32, #tpu.memory_space<vmem>> -> memref<64xi32, #tpu.memory_space<vmem>>
    %dma_start3A_58 = arith.constant 0 : i32
    %dma_start3A_59 = arith.constant 0 : i32
    %dma_start3A_60 = tpu.memref_slice %arg2[%dma_start3A_58, %dma_start3A_59] : memref<10000x128xf32, #tpu.memory_space<hbm>> -> memref<10000x128xf32, #tpu.memory_space<hbm>>
    tpu.enqueue_indirect_dma source(%dma_start3A_60 : memref<10000x128xf32, #tpu.memory_space<hbm>>) target(%arg10 : memref<64x128xf32, #tpu.memory_space<vmem>>) offsets(%dma_start3A_57 : memref<64xi32, #tpu.memory_space<vmem>>) semaphore(%arg15 : memref<!tpu.dma_semaphore, #tpu.memory_space<semaphore_mem>>)
    %dma_start3A_61 = arith.constant 2 : i32
    %dma_start3A_62 = arith.constant 0 : i32
    %dma_start3A_63 = tpu.memref_slice %arg7[%dma_start3A_61, %dma_start3A_62] : memref<40x64xi32, #tpu.memory_space<vmem>> -> memref<1x64xi32, #tpu.memory_space<vmem>>
    %dma_start3A_64 = tpu.memref_squeeze %dma_start3A_63 : memref<1x64xi32, #tpu.memory_space<vmem>> -> memref<64xi32, #tpu.memory_space<vmem>>
    %dma_start3A_65 = arith.constant 0 : i32
    %dma_start3A_66 = arith.constant 0 : i32
    %dma_start3A_67 = tpu.memref_slice %arg2[%dma_start3A_65, %dma_start3A_66] : memref<10000x128xf32, #tpu.memory_space<hbm>> -> memref<10000x128xf32, #tpu.memory_space<hbm>>
    tpu.enqueue_indirect_dma source(%dma_start3A_67 : memref<10000x128xf32, #tpu.memory_space<hbm>>) target(%arg11 : memref<64x128xf32, #tpu.memory_space<vmem>>) offsets(%dma_start3A_64 : memref<64xi32, #tpu.memory_space<vmem>>) semaphore(%arg16 : memref<!tpu.dma_semaphore, #tpu.memory_space<semaphore_mem>>)
    %scan3A_68 = arith.constant 0 : i32
    %scan3A_69 = arith.constant 10 : i32
    %scan3A_70 = arith.addi %scan3A_68, %scan3A_69 : i32
    %scan3A_71 = arith.constant 1 : i32
    scf.for %scan3A_193 = %scan3A_68 to %scan3A_70 step %scan3A_71  : i32 {
      %mul3A_194 = arith.constant 1 : i32
      %mul3A_195 = arith.muli %scan3A_193, %mul3A_194 : i32
      %add3A_196 = arith.constant 0 : i32
      %add3A_197 = arith.addi %add3A_196, %mul3A_195 : i32
      %mul3A_198 = arith.constant 4 : i32
      %mul3A_199 = arith.muli %add3A_197, %mul3A_198 : i32
      %add3A_200 = arith.constant 0 : i32
      %add3A_201 = arith.addi %mul3A_199, %add3A_200 : i32
      %add3A_202 = arith.constant 4 : i32
      %add3A_203 = arith.addi %add3A_201, %add3A_202 : i32
      %sub3A = arith.constant 1 : i32
      %sub3A_204 = arith.subi %add3A_203, %sub3A : i32
      %min3A = arith.constant 39 : i32
      %min3A_205 = arith.minsi %sub3A_204, %min3A : i32
      %dma_start3A_206 = arith.constant 0 : i32
      %dma_start3A_207 = tpu.memref_slice %arg7[%min3A_205, %dma_start3A_206] : memref<40x64xi32, #tpu.memory_space<vmem>> -> memref<1x64xi32, #tpu.memory_space<vmem>>
      %dma_start3A_208 = tpu.memref_squeeze %dma_start3A_207 : memref<1x64xi32, #tpu.memory_space<vmem>> -> memref<64xi32, #tpu.memory_space<vmem>>
      %dma_start3A_209 = arith.constant 0 : i32
      %dma_start3A_210 = arith.constant 0 : i32
      %dma_start3A_211 = tpu.memref_slice %arg2[%dma_start3A_209, %dma_start3A_210] : memref<10000x128xf32, #tpu.memory_space<hbm>> -> memref<10000x128xf32, #tpu.memory_space<hbm>>
      tpu.enqueue_indirect_dma source(%dma_start3A_211 : memref<10000x128xf32, #tpu.memory_space<hbm>>) target(%arg12 : memref<64x128xf32, #tpu.memory_space<vmem>>) offsets(%dma_start3A_208 : memref<64xi32, #tpu.memory_space<vmem>>) semaphore(%arg17 : memref<!tpu.dma_semaphore, #tpu.memory_space<semaphore_mem>>)
      %dma_wait3A_212 = arith.constant 0 : i32
      %dma_wait3A_213 = tpu.memref_slice %arg7[%add3A_201, %dma_wait3A_212] : memref<40x64xi32, #tpu.memory_space<vmem>> -> memref<1x64xi32, #tpu.memory_space<vmem>>
      %dma_wait3A_214 = tpu.memref_squeeze %dma_wait3A_213 : memref<1x64xi32, #tpu.memory_space<vmem>> -> memref<64xi32, #tpu.memory_space<vmem>>
      %dma_wait3A_215 = arith.constant 0 : i32
      %dma_wait3A_216 = arith.constant 0 : i32
      %dma_wait3A_217 = tpu.memref_slice %arg2[%dma_wait3A_215, %dma_wait3A_216] : memref<10000x128xf32, #tpu.memory_space<hbm>> -> memref<10000x128xf32, #tpu.memory_space<hbm>>
      tpu.wait_indirect_dma semaphore(%arg14 : memref<!tpu.dma_semaphore, #tpu.memory_space<semaphore_mem>>) src(%dma_wait3A_217 : memref<10000x128xf32, #tpu.memory_space<hbm>>) dst(%arg9 : memref<64x128xf32, #tpu.memory_space<vmem>>)
      "tpu.region"() ({
        %run_scoped3A = tpu.sem_alloc : memref<!tpu.dma_semaphore, #tpu.memory_space<semaphore_mem>>
        %dma_start3A_284 = arith.constant 0 : i32
        %dma_start3A_285 = tpu.memref_slice %arg8[%add3A_201, %dma_start3A_284] : memref<40x64xi32, #tpu.memory_space<vmem>> -> memref<1x64xi32, #tpu.memory_space<vmem>>
        %dma_start3A_286 = tpu.memref_squeeze %dma_start3A_285 : memref<1x64xi32, #tpu.memory_space<vmem>> -> memref<64xi32, #tpu.memory_space<vmem>>
        %dma_start3A_287 = arith.constant 0 : i32
        %dma_start3A_288 = arith.constant 0 : i32
        %dma_start3A_289 = tpu.memref_slice %arg13[%dma_start3A_287, %dma_start3A_288] : memref<10112x128xf32, #tpu.memory_space<vmem_shared>> -> memref<10112x128xf32, #tpu.memory_space<vmem_shared>>
        tpu.enqueue_indirect_dma source(%arg9 : memref<64x128xf32, #tpu.memory_space<vmem>>) target(%dma_start3A_289 : memref<10112x128xf32, #tpu.memory_space<vmem_shared>>) offsets(%dma_start3A_286 : memref<64xi32, #tpu.memory_space<vmem>>) semaphore(%run_scoped3A : memref<!tpu.dma_semaphore, #tpu.memory_space<semaphore_mem>>) {add = true}
        %dma_wait3A_290 = arith.constant 0 : i32
        %dma_wait3A_291 = tpu.memref_slice %arg8[%add3A_201, %dma_wait3A_290] : memref<40x64xi32, #tpu.memory_space<vmem>> -> memref<1x64xi32, #tpu.memory_space<vmem>>
        %dma_wait3A_292 = tpu.memref_squeeze %dma_wait3A_291 : memref<1x64xi32, #tpu.memory_space<vmem>> -> memref<64xi32, #tpu.memory_space<vmem>>
        %dma_wait3A_293 = arith.constant 0 : i32
        %dma_wait3A_294 = arith.constant 0 : i32
        %dma_wait3A_295 = tpu.memref_slice %arg13[%dma_wait3A_293, %dma_wait3A_294] : memref<10112x128xf32, #tpu.memory_space<vmem_shared>> -> memref<10112x128xf32, #tpu.memory_space<vmem_shared>>
        tpu.wait_indirect_dma semaphore(%run_scoped3A : memref<!tpu.dma_semaphore, #tpu.memory_space<semaphore_mem>>) src(%arg9 : memref<64x128xf32, #tpu.memory_space<vmem>>) dst(%dma_wait3A_295 : memref<10112x128xf32, #tpu.memory_space<vmem_shared>>)
        tpu.yield
      }) : () -> ()
      %mul3A_218 = arith.constant 4 : i32
      %mul3A_219 = arith.muli %add3A_197, %mul3A_218 : i32
      %add3A_220 = arith.constant 1 : i32
      %add3A_221 = arith.addi %mul3A_219, %add3A_220 : i32
      %add3A_222 = arith.constant 4 : i32
      %add3A_223 = arith.addi %add3A_221, %add3A_222 : i32
      %sub3A_224 = arith.constant 1 : i32
      %sub3A_225 = arith.subi %add3A_223, %sub3A_224 : i32
      %min3A_226 = arith.constant 39 : i32
      %min3A_227 = arith.minsi %sub3A_225, %min3A_226 : i32
      %dma_start3A_228 = arith.constant 0 : i32
      %dma_start3A_229 = tpu.memref_slice %arg7[%min3A_227, %dma_start3A_228] : memref<40x64xi32, #tpu.memory_space<vmem>> -> memref<1x64xi32, #tpu.memory_space<vmem>>
      %dma_start3A_230 = tpu.memref_squeeze %dma_start3A_229 : memref<1x64xi32, #tpu.memory_space<vmem>> -> memref<64xi32, #tpu.memory_space<vmem>>
      %dma_start3A_231 = arith.constant 0 : i32
      %dma_start3A_232 = arith.constant 0 : i32
      %dma_start3A_233 = tpu.memref_slice %arg2[%dma_start3A_231, %dma_start3A_232] : memref<10000x128xf32, #tpu.memory_space<hbm>> -> memref<10000x128xf32, #tpu.memory_space<hbm>>
      tpu.enqueue_indirect_dma source(%dma_start3A_233 : memref<10000x128xf32, #tpu.memory_space<hbm>>) target(%arg9 : memref<64x128xf32, #tpu.memory_space<vmem>>) offsets(%dma_start3A_230 : memref<64xi32, #tpu.memory_space<vmem>>) semaphore(%arg14 : memref<!tpu.dma_semaphore, #tpu.memory_space<semaphore_mem>>)
      %dma_wait3A_234 = arith.constant 0 : i32
      %dma_wait3A_235 = tpu.memref_slice %arg7[%add3A_221, %dma_wait3A_234] : memref<40x64xi32, #tpu.memory_space<vmem>> -> memref<1x64xi32, #tpu.memory_space<vmem>>
      %dma_wait3A_236 = tpu.memref_squeeze %dma_wait3A_235 : memref<1x64xi32, #tpu.memory_space<vmem>> -> memref<64xi32, #tpu.memory_space<vmem>>
      %dma_wait3A_237 = arith.constant 0 : i32
      %dma_wait3A_238 = arith.constant 0 : i32
      %dma_wait3A_239 = tpu.memref_slice %arg2[%dma_wait3A_237, %dma_wait3A_238] : memref<10000x128xf32, #tpu.memory_space<hbm>> -> memref<10000x128xf32, #tpu.memory_space<hbm>>
      tpu.wait_indirect_dma semaphore(%arg15 : memref<!tpu.dma_semaphore, #tpu.memory_space<semaphore_mem>>) src(%dma_wait3A_239 : memref<10000x128xf32, #tpu.memory_space<hbm>>) dst(%arg10 : memref<64x128xf32, #tpu.memory_space<vmem>>)
      "tpu.region"() ({
        %run_scoped3A = tpu.sem_alloc : memref<!tpu.dma_semaphore, #tpu.memory_space<semaphore_mem>>
        %dma_start3A_284 = arith.constant 0 : i32
        %dma_start3A_285 = tpu.memref_slice %arg8[%add3A_221, %dma_start3A_284] : memref<40x64xi32, #tpu.memory_space<vmem>> -> memref<1x64xi32, #tpu.memory_space<vmem>>
        %dma_start3A_286 = tpu.memref_squeeze %dma_start3A_285 : memref<1x64xi32, #tpu.memory_space<vmem>> -> memref<64xi32, #tpu.memory_space<vmem>>
        %dma_start3A_287 = arith.constant 0 : i32
        %dma_start3A_288 = arith.constant 0 : i32
        %dma_start3A_289 = tpu.memref_slice %arg13[%dma_start3A_287, %dma_start3A_288] : memref<10112x128xf32, #tpu.memory_space<vmem_shared>> -> memref<10112x128xf32, #tpu.memory_space<vmem_shared>>
        tpu.enqueue_indirect_dma source(%arg10 : memref<64x128xf32, #tpu.memory_space<vmem>>) target(%dma_start3A_289 : memref<10112x128xf32, #tpu.memory_space<vmem_shared>>) offsets(%dma_start3A_286 : memref<64xi32, #tpu.memory_space<vmem>>) semaphore(%run_scoped3A : memref<!tpu.dma_semaphore, #tpu.memory_space<semaphore_mem>>) {add = true}
        %dma_wait3A_290 = arith.constant 0 : i32
        %dma_wait3A_291 = tpu.memref_slice %arg8[%add3A_221, %dma_wait3A_290] : memref<40x64xi32, #tpu.memory_space<vmem>> -> memref<1x64xi32, #tpu.memory_space<vmem>>
        %dma_wait3A_292 = tpu.memref_squeeze %dma_wait3A_291 : memref<1x64xi32, #tpu.memory_space<vmem>> -> memref<64xi32, #tpu.memory_space<vmem>>
        %dma_wait3A_293 = arith.constant 0 : i32
        %dma_wait3A_294 = arith.constant 0 : i32
        %dma_wait3A_295 = tpu.memref_slice %arg13[%dma_wait3A_293, %dma_wait3A_294] : memref<10112x128xf32, #tpu.memory_space<vmem_shared>> -> memref<10112x128xf32, #tpu.memory_space<vmem_shared>>
        tpu.wait_indirect_dma semaphore(%run_scoped3A : memref<!tpu.dma_semaphore, #tpu.memory_space<semaphore_mem>>) src(%arg10 : memref<64x128xf32, #tpu.memory_space<vmem>>) dst(%dma_wait3A_295 : memref<10112x128xf32, #tpu.memory_space<vmem_shared>>)
        tpu.yield
      }) : () -> ()
      %mul3A_240 = arith.constant 4 : i32
      %mul3A_241 = arith.muli %add3A_197, %mul3A_240 : i32
      %add3A_242 = arith.constant 2 : i32
      %add3A_243 = arith.addi %mul3A_241, %add3A_242 : i32
      %add3A_244 = arith.constant 4 : i32
      %add3A_245 = arith.addi %add3A_243, %add3A_244 : i32
      %sub3A_246 = arith.constant 1 : i32
      %sub3A_247 = arith.subi %add3A_245, %sub3A_246 : i32
      %min3A_248 = arith.constant 39 : i32
      %min3A_249 = arith.minsi %sub3A_247, %min3A_248 : i32
      %dma_start3A_250 = arith.constant 0 : i32
      %dma_start3A_251 = tpu.memref_slice %arg7[%min3A_249, %dma_start3A_250] : memref<40x64xi32, #tpu.memory_space<vmem>> -> memref<1x64xi32, #tpu.memory_space<vmem>>
      %dma_start3A_252 = tpu.memref_squeeze %dma_start3A_251 : memref<1x64xi32, #tpu.memory_space<vmem>> -> memref<64xi32, #tpu.memory_space<vmem>>
      %dma_start3A_253 = arith.constant 0 : i32
      %dma_start3A_254 = arith.constant 0 : i32
      %dma_start3A_255 = tpu.memref_slice %arg2[%dma_start3A_253, %dma_start3A_254] : memref<10000x128xf32, #tpu.memory_space<hbm>> -> memref<10000x128xf32, #tpu.memory_space<hbm>>
      tpu.enqueue_indirect_dma source(%dma_start3A_255 : memref<10000x128xf32, #tpu.memory_space<hbm>>) target(%arg10 : memref<64x128xf32, #tpu.memory_space<vmem>>) offsets(%dma_start3A_252 : memref<64xi32, #tpu.memory_space<vmem>>) semaphore(%arg15 : memref<!tpu.dma_semaphore, #tpu.memory_space<semaphore_mem>>)
      %dma_wait3A_256 = arith.constant 0 : i32
      %dma_wait3A_257 = tpu.memref_slice %arg7[%add3A_243, %dma_wait3A_256] : memref<40x64xi32, #tpu.memory_space<vmem>> -> memref<1x64xi32, #tpu.memory_space<vmem>>
      %dma_wait3A_258 = tpu.memref_squeeze %dma_wait3A_257 : memref<1x64xi32, #tpu.memory_space<vmem>> -> memref<64xi32, #tpu.memory_space<vmem>>
      %dma_wait3A_259 = arith.constant 0 : i32
      %dma_wait3A_260 = arith.constant 0 : i32
      %dma_wait3A_261 = tpu.memref_slice %arg2[%dma_wait3A_259, %dma_wait3A_260] : memref<10000x128xf32, #tpu.memory_space<hbm>> -> memref<10000x128xf32, #tpu.memory_space<hbm>>
      tpu.wait_indirect_dma semaphore(%arg16 : memref<!tpu.dma_semaphore, #tpu.memory_space<semaphore_mem>>) src(%dma_wait3A_261 : memref<10000x128xf32, #tpu.memory_space<hbm>>) dst(%arg11 : memref<64x128xf32, #tpu.memory_space<vmem>>)
      "tpu.region"() ({
        %run_scoped3A = tpu.sem_alloc : memref<!tpu.dma_semaphore, #tpu.memory_space<semaphore_mem>>
        %dma_start3A_284 = arith.constant 0 : i32
        %dma_start3A_285 = tpu.memref_slice %arg8[%add3A_243, %dma_start3A_284] : memref<40x64xi32, #tpu.memory_space<vmem>> -> memref<1x64xi32, #tpu.memory_space<vmem>>
        %dma_start3A_286 = tpu.memref_squeeze %dma_start3A_285 : memref<1x64xi32, #tpu.memory_space<vmem>> -> memref<64xi32, #tpu.memory_space<vmem>>
        %dma_start3A_287 = arith.constant 0 : i32
        %dma_start3A_288 = arith.constant 0 : i32
        %dma_start3A_289 = tpu.memref_slice %arg13[%dma_start3A_287, %dma_start3A_288] : memref<10112x128xf32, #tpu.memory_space<vmem_shared>> -> memref<10112x128xf32, #tpu.memory_space<vmem_shared>>
        tpu.enqueue_indirect_dma source(%arg11 : memref<64x128xf32, #tpu.memory_space<vmem>>) target(%dma_start3A_289 : memref<10112x128xf32, #tpu.memory_space<vmem_shared>>) offsets(%dma_start3A_286 : memref<64xi32, #tpu.memory_space<vmem>>) semaphore(%run_scoped3A : memref<!tpu.dma_semaphore, #tpu.memory_space<semaphore_mem>>) {add = true}
        %dma_wait3A_290 = arith.constant 0 : i32
        %dma_wait3A_291 = tpu.memref_slice %arg8[%add3A_243, %dma_wait3A_290] : memref<40x64xi32, #tpu.memory_space<vmem>> -> memref<1x64xi32, #tpu.memory_space<vmem>>
        %dma_wait3A_292 = tpu.memref_squeeze %dma_wait3A_291 : memref<1x64xi32, #tpu.memory_space<vmem>> -> memref<64xi32, #tpu.memory_space<vmem>>
        %dma_wait3A_293 = arith.constant 0 : i32
        %dma_wait3A_294 = arith.constant 0 : i32
        %dma_wait3A_295 = tpu.memref_slice %arg13[%dma_wait3A_293, %dma_wait3A_294] : memref<10112x128xf32, #tpu.memory_space<vmem_shared>> -> memref<10112x128xf32, #tpu.memory_space<vmem_shared>>
        tpu.wait_indirect_dma semaphore(%run_scoped3A : memref<!tpu.dma_semaphore, #tpu.memory_space<semaphore_mem>>) src(%arg11 : memref<64x128xf32, #tpu.memory_space<vmem>>) dst(%dma_wait3A_295 : memref<10112x128xf32, #tpu.memory_space<vmem_shared>>)
        tpu.yield
      }) : () -> ()
      %mul3A_262 = arith.constant 4 : i32
      %mul3A_263 = arith.muli %add3A_197, %mul3A_262 : i32
      %add3A_264 = arith.constant 3 : i32
      %add3A_265 = arith.addi %mul3A_263, %add3A_264 : i32
      %add3A_266 = arith.constant 4 : i32
      %add3A_267 = arith.addi %add3A_265, %add3A_266 : i32
      %sub3A_268 = arith.constant 1 : i32
      %sub3A_269 = arith.subi %add3A_267, %sub3A_268 : i32
      %min3A_270 = arith.constant 39 : i32
      %min3A_271 = arith.minsi %sub3A_269, %min3A_270 : i32
      %dma_start3A_272 = arith.constant 0 : i32
      %dma_start3A_273 = tpu.memref_slice %arg7[%min3A_271, %dma_start3A_272] : memref<40x64xi32, #tpu.memory_space<vmem>> -> memref<1x64xi32, #tpu.memory_space<vmem>>
      %dma_start3A_274 = tpu.memref_squeeze %dma_start3A_273 : memref<1x64xi32, #tpu.memory_space<vmem>> -> memref<64xi32, #tpu.memory_space<vmem>>
      %dma_start3A_275 = arith.constant 0 : i32
      %dma_start3A_276 = arith.constant 0 : i32
      %dma_start3A_277 = tpu.memref_slice %arg2[%dma_start3A_275, %dma_start3A_276] : memref<10000x128xf32, #tpu.memory_space<hbm>> -> memref<10000x128xf32, #tpu.memory_space<hbm>>
      tpu.enqueue_indirect_dma source(%dma_start3A_277 : memref<10000x128xf32, #tpu.memory_space<hbm>>) target(%arg11 : memref<64x128xf32, #tpu.memory_space<vmem>>) offsets(%dma_start3A_274 : memref<64xi32, #tpu.memory_space<vmem>>) semaphore(%arg16 : memref<!tpu.dma_semaphore, #tpu.memory_space<semaphore_mem>>)
      %dma_wait3A_278 = arith.constant 0 : i32
      %dma_wait3A_279 = tpu.memref_slice %arg7[%add3A_265, %dma_wait3A_278] : memref<40x64xi32, #tpu.memory_space<vmem>> -> memref<1x64xi32, #tpu.memory_space<vmem>>
      %dma_wait3A_280 = tpu.memref_squeeze %dma_wait3A_279 : memref<1x64xi32, #tpu.memory_space<vmem>> -> memref<64xi32, #tpu.memory_space<vmem>>
      %dma_wait3A_281 = arith.constant 0 : i32
      %dma_wait3A_282 = arith.constant 0 : i32
      %dma_wait3A_283 = tpu.memref_slice %arg2[%dma_wait3A_281, %dma_wait3A_282] : memref<10000x128xf32, #tpu.memory_space<hbm>> -> memref<10000x128xf32, #tpu.memory_space<hbm>>
      tpu.wait_indirect_dma semaphore(%arg17 : memref<!tpu.dma_semaphore, #tpu.memory_space<semaphore_mem>>) src(%dma_wait3A_283 : memref<10000x128xf32, #tpu.memory_space<hbm>>) dst(%arg12 : memref<64x128xf32, #tpu.memory_space<vmem>>)
      "tpu.region"() ({
        %run_scoped3A = tpu.sem_alloc : memref<!tpu.dma_semaphore, #tpu.memory_space<semaphore_mem>>
        %dma_start3A_284 = arith.constant 0 : i32
        %dma_start3A_285 = tpu.memref_slice %arg8[%add3A_265, %dma_start3A_284] : memref<40x64xi32, #tpu.memory_space<vmem>> -> memref<1x64xi32, #tpu.memory_space<vmem>>
        %dma_start3A_286 = tpu.memref_squeeze %dma_start3A_285 : memref<1x64xi32, #tpu.memory_space<vmem>> -> memref<64xi32, #tpu.memory_space<vmem>>
        %dma_start3A_287 = arith.constant 0 : i32
        %dma_start3A_288 = arith.constant 0 : i32
        %dma_start3A_289 = tpu.memref_slice %arg13[%dma_start3A_287, %dma_start3A_288] : memref<10112x128xf32, #tpu.memory_space<vmem_shared>> -> memref<10112x128xf32, #tpu.memory_space<vmem_shared>>
        tpu.enqueue_indirect_dma source(%arg12 : memref<64x128xf32, #tpu.memory_space<vmem>>) target(%dma_start3A_289 : memref<10112x128xf32, #tpu.memory_space<vmem_shared>>) offsets(%dma_start3A_286 : memref<64xi32, #tpu.memory_space<vmem>>) semaphore(%run_scoped3A : memref<!tpu.dma_semaphore, #tpu.memory_space<semaphore_mem>>) {add = true}
        %dma_wait3A_290 = arith.constant 0 : i32
        %dma_wait3A_291 = tpu.memref_slice %arg8[%add3A_265, %dma_wait3A_290] : memref<40x64xi32, #tpu.memory_space<vmem>> -> memref<1x64xi32, #tpu.memory_space<vmem>>
        %dma_wait3A_292 = tpu.memref_squeeze %dma_wait3A_291 : memref<1x64xi32, #tpu.memory_space<vmem>> -> memref<64xi32, #tpu.memory_space<vmem>>
        %dma_wait3A_293 = arith.constant 0 : i32
        %dma_wait3A_294 = arith.constant 0 : i32
        %dma_wait3A_295 = tpu.memref_slice %arg13[%dma_wait3A_293, %dma_wait3A_294] : memref<10112x128xf32, #tpu.memory_space<vmem_shared>> -> memref<10112x128xf32, #tpu.memory_space<vmem_shared>>
        tpu.wait_indirect_dma semaphore(%run_scoped3A : memref<!tpu.dma_semaphore, #tpu.memory_space<semaphore_mem>>) src(%arg12 : memref<64x128xf32, #tpu.memory_space<vmem>>) dst(%dma_wait3A_295 : memref<10112x128xf32, #tpu.memory_space<vmem_shared>>)
        tpu.yield
      }) : () -> ()
    }
    %scan3A_72 = arith.constant 10 : i32
    %dma_wait3A_73 = arith.constant 39 : i32
    %dma_wait3A_74 = arith.constant 0 : i32
    %dma_wait3A_75 = tpu.memref_slice %arg7[%dma_wait3A_73, %dma_wait3A_74] : memref<40x64xi32, #tpu.memory_space<vmem>> -> memref<1x64xi32, #tpu.memory_space<vmem>>
    %dma_wait3A_76 = tpu.memref_squeeze %dma_wait3A_75 : memref<1x64xi32, #tpu.memory_space<vmem>> -> memref<64xi32, #tpu.memory_space<vmem>>
    %dma_wait3A_77 = arith.constant 0 : i32
    %dma_wait3A_78 = arith.constant 0 : i32
    %dma_wait3A_79 = tpu.memref_slice %arg2[%dma_wait3A_77, %dma_wait3A_78] : memref<10000x128xf32, #tpu.memory_space<hbm>> -> memref<10000x128xf32, #tpu.memory_space<hbm>>
    tpu.wait_indirect_dma semaphore(%arg14 : memref<!tpu.dma_semaphore, #tpu.memory_space<semaphore_mem>>) src(%dma_wait3A_79 : memref<10000x128xf32, #tpu.memory_space<hbm>>) dst(%arg9 : memref<64x128xf32, #tpu.memory_space<vmem>>)
    %dma_wait3A_80 = arith.constant 39 : i32
    %dma_wait3A_81 = arith.constant 0 : i32
    %dma_wait3A_82 = tpu.memref_slice %arg7[%dma_wait3A_80, %dma_wait3A_81] : memref<40x64xi32, #tpu.memory_space<vmem>> -> memref<1x64xi32, #tpu.memory_space<vmem>>
    %dma_wait3A_83 = tpu.memref_squeeze %dma_wait3A_82 : memref<1x64xi32, #tpu.memory_space<vmem>> -> memref<64xi32, #tpu.memory_space<vmem>>
    %dma_wait3A_84 = arith.constant 0 : i32
    %dma_wait3A_85 = arith.constant 0 : i32
    %dma_wait3A_86 = tpu.memref_slice %arg2[%dma_wait3A_84, %dma_wait3A_85] : memref<10000x128xf32, #tpu.memory_space<hbm>> -> memref<10000x128xf32, #tpu.memory_space<hbm>>
    tpu.wait_indirect_dma semaphore(%arg15 : memref<!tpu.dma_semaphore, #tpu.memory_space<semaphore_mem>>) src(%dma_wait3A_86 : memref<10000x128xf32, #tpu.memory_space<hbm>>) dst(%arg10 : memref<64x128xf32, #tpu.memory_space<vmem>>)
    %dma_wait3A_87 = arith.constant 39 : i32
    %dma_wait3A_88 = arith.constant 0 : i32
    %dma_wait3A_89 = tpu.memref_slice %arg7[%dma_wait3A_87, %dma_wait3A_88] : memref<40x64xi32, #tpu.memory_space<vmem>> -> memref<1x64xi32, #tpu.memory_space<vmem>>
    %dma_wait3A_90 = tpu.memref_squeeze %dma_wait3A_89 : memref<1x64xi32, #tpu.memory_space<vmem>> -> memref<64xi32, #tpu.memory_space<vmem>>
    %dma_wait3A_91 = arith.constant 0 : i32
    %dma_wait3A_92 = arith.constant 0 : i32
    %dma_wait3A_93 = tpu.memref_slice %arg2[%dma_wait3A_91, %dma_wait3A_92] : memref<10000x128xf32, #tpu.memory_space<hbm>> -> memref<10000x128xf32, #tpu.memory_space<hbm>>
    tpu.wait_indirect_dma semaphore(%arg16 : memref<!tpu.dma_semaphore, #tpu.memory_space<semaphore_mem>>) src(%dma_wait3A_93 : memref<10000x128xf32, #tpu.memory_space<hbm>>) dst(%arg11 : memref<64x128xf32, #tpu.memory_space<vmem>>)
    "tpu.region"() ({
      %run_scoped3A = tpu.sem_alloc : memref<!tpu.dma_semaphore, #tpu.memory_space<semaphore_mem>>
      %dma_start3A_193 = arith.constant 80 : i32
      %dma_start3A_194 = arith.constant 0 : i32
      %dma_start3A_195 = tpu.memref_slice %arg3[%add3A, %dma_start3A_193, %dma_start3A_194] : memref<32x160x64xi32, #tpu.memory_space<hbm>> -> memref<1x40x64xi32, #tpu.memory_space<hbm>>
      %dma_start3A_196 = tpu.memref_squeeze %dma_start3A_195 : memref<1x40x64xi32, #tpu.memory_space<hbm>> -> memref<40x64xi32, #tpu.memory_space<hbm>>
      %dma_start3A_197 = arith.constant 80 : i32
      %dma_start3A_198 = arith.constant 0 : i32
      %dma_start3A_199 = tpu.memref_slice %arg3[%add3A, %dma_start3A_197, %dma_start3A_198] : memref<32x160x64xi32, #tpu.memory_space<hbm>> -> memref<1x40x64xi32, #tpu.memory_space<hbm>>
      %dma_start3A_200 = tpu.memref_squeeze %dma_start3A_199 : memref<1x40x64xi32, #tpu.memory_space<hbm>> -> memref<40x64xi32, #tpu.memory_space<hbm>>
      tpu.enqueue_dma source(%dma_start3A_200 : memref<40x64xi32, #tpu.memory_space<hbm>>) target(%arg7 : memref<40x64xi32, #tpu.memory_space<vmem>>) target_semaphore(%run_scoped3A : memref<!tpu.dma_semaphore, #tpu.memory_space<semaphore_mem>>)
      %dma_wait3A_201 = arith.constant 80 : i32
      %dma_wait3A_202 = arith.constant 0 : i32
      %dma_wait3A_203 = tpu.memref_slice %arg3[%add3A, %dma_wait3A_201, %dma_wait3A_202] : memref<32x160x64xi32, #tpu.memory_space<hbm>> -> memref<1x40x64xi32, #tpu.memory_space<hbm>>
      %dma_wait3A_204 = tpu.memref_squeeze %dma_wait3A_203 : memref<1x40x64xi32, #tpu.memory_space<hbm>> -> memref<40x64xi32, #tpu.memory_space<hbm>>
      %dma_wait3A_205 = arith.constant 80 : i32
      %dma_wait3A_206 = arith.constant 0 : i32
      %dma_wait3A_207 = tpu.memref_slice %arg3[%add3A, %dma_wait3A_205, %dma_wait3A_206] : memref<32x160x64xi32, #tpu.memory_space<hbm>> -> memref<1x40x64xi32, #tpu.memory_space<hbm>>
      %dma_wait3A_208 = tpu.memref_squeeze %dma_wait3A_207 : memref<1x40x64xi32, #tpu.memory_space<hbm>> -> memref<40x64xi32, #tpu.memory_space<hbm>>
      tpu.wait_dma2 semaphore(%run_scoped3A : memref<!tpu.dma_semaphore, #tpu.memory_space<semaphore_mem>>) src(%dma_wait3A_208 : memref<40x64xi32, #tpu.memory_space<hbm>>) dst(%arg7 : memref<40x64xi32, #tpu.memory_space<vmem>>)
      tpu.yield
    }) : () -> ()
    "tpu.region"() ({
      %run_scoped3A = tpu.sem_alloc : memref<!tpu.dma_semaphore, #tpu.memory_space<semaphore_mem>>
      %dma_start3A_193 = arith.constant 80 : i32
      %dma_start3A_194 = arith.constant 0 : i32
      %dma_start3A_195 = tpu.memref_slice %arg4[%add3A, %dma_start3A_193, %dma_start3A_194] : memref<32x160x64xi32, #tpu.memory_space<hbm>> -> memref<1x40x64xi32, #tpu.memory_space<hbm>>
      %dma_start3A_196 = tpu.memref_squeeze %dma_start3A_195 : memref<1x40x64xi32, #tpu.memory_space<hbm>> -> memref<40x64xi32, #tpu.memory_space<hbm>>
      %dma_start3A_197 = arith.constant 80 : i32
      %dma_start3A_198 = arith.constant 0 : i32
      %dma_start3A_199 = tpu.memref_slice %arg4[%add3A, %dma_start3A_197, %dma_start3A_198] : memref<32x160x64xi32, #tpu.memory_space<hbm>> -> memref<1x40x64xi32, #tpu.memory_space<hbm>>
      %dma_start3A_200 = tpu.memref_squeeze %dma_start3A_199 : memref<1x40x64xi32, #tpu.memory_space<hbm>> -> memref<40x64xi32, #tpu.memory_space<hbm>>
      tpu.enqueue_dma source(%dma_start3A_200 : memref<40x64xi32, #tpu.memory_space<hbm>>) target(%arg8 : memref<40x64xi32, #tpu.memory_space<vmem>>) target_semaphore(%run_scoped3A : memref<!tpu.dma_semaphore, #tpu.memory_space<semaphore_mem>>)
      %dma_wait3A_201 = arith.constant 80 : i32
      %dma_wait3A_202 = arith.constant 0 : i32
      %dma_wait3A_203 = tpu.memref_slice %arg4[%add3A, %dma_wait3A_201, %dma_wait3A_202] : memref<32x160x64xi32, #tpu.memory_space<hbm>> -> memref<1x40x64xi32, #tpu.memory_space<hbm>>
      %dma_wait3A_204 = tpu.memref_squeeze %dma_wait3A_203 : memref<1x40x64xi32, #tpu.memory_space<hbm>> -> memref<40x64xi32, #tpu.memory_space<hbm>>
      %dma_wait3A_205 = arith.constant 80 : i32
      %dma_wait3A_206 = arith.constant 0 : i32
      %dma_wait3A_207 = tpu.memref_slice %arg4[%add3A, %dma_wait3A_205, %dma_wait3A_206] : memref<32x160x64xi32, #tpu.memory_space<hbm>> -> memref<1x40x64xi32, #tpu.memory_space<hbm>>
      %dma_wait3A_208 = tpu.memref_squeeze %dma_wait3A_207 : memref<1x40x64xi32, #tpu.memory_space<hbm>> -> memref<40x64xi32, #tpu.memory_space<hbm>>
      tpu.wait_dma2 semaphore(%run_scoped3A : memref<!tpu.dma_semaphore, #tpu.memory_space<semaphore_mem>>) src(%dma_wait3A_208 : memref<40x64xi32, #tpu.memory_space<hbm>>) dst(%arg8 : memref<40x64xi32, #tpu.memory_space<vmem>>)
      tpu.yield
    }) : () -> ()
    %dma_start3A_94 = arith.constant 0 : i32
    %dma_start3A_95 = arith.constant 0 : i32
    %dma_start3A_96 = tpu.memref_slice %arg7[%dma_start3A_94, %dma_start3A_95] : memref<40x64xi32, #tpu.memory_space<vmem>> -> memref<1x64xi32, #tpu.memory_space<vmem>>
    %dma_start3A_97 = tpu.memref_squeeze %dma_start3A_96 : memref<1x64xi32, #tpu.memory_space<vmem>> -> memref<64xi32, #tpu.memory_space<vmem>>
    %dma_start3A_98 = arith.constant 0 : i32
    %dma_start3A_99 = arith.constant 0 : i32
    %dma_start3A_100 = tpu.memref_slice %arg2[%dma_start3A_98, %dma_start3A_99] : memref<10000x128xf32, #tpu.memory_space<hbm>> -> memref<10000x128xf32, #tpu.memory_space<hbm>>
    tpu.enqueue_indirect_dma source(%dma_start3A_100 : memref<10000x128xf32, #tpu.memory_space<hbm>>) target(%arg9 : memref<64x128xf32, #tpu.memory_space<vmem>>) offsets(%dma_start3A_97 : memref<64xi32, #tpu.memory_space<vmem>>) semaphore(%arg14 : memref<!tpu.dma_semaphore, #tpu.memory_space<semaphore_mem>>)
    %dma_start3A_101 = arith.constant 1 : i32
    %dma_start3A_102 = arith.constant 0 : i32
    %dma_start3A_103 = tpu.memref_slice %arg7[%dma_start3A_101, %dma_start3A_102] : memref<40x64xi32, #tpu.memory_space<vmem>> -> memref<1x64xi32, #tpu.memory_space<vmem>>
    %dma_start3A_104 = tpu.memref_squeeze %dma_start3A_103 : memref<1x64xi32, #tpu.memory_space<vmem>> -> memref<64xi32, #tpu.memory_space<vmem>>
    %dma_start3A_105 = arith.constant 0 : i32
    %dma_start3A_106 = arith.constant 0 : i32
    %dma_start3A_107 = tpu.memref_slice %arg2[%dma_start3A_105, %dma_start3A_106] : memref<10000x128xf32, #tpu.memory_space<hbm>> -> memref<10000x128xf32, #tpu.memory_space<hbm>>
    tpu.enqueue_indirect_dma source(%dma_start3A_107 : memref<10000x128xf32, #tpu.memory_space<hbm>>) target(%arg10 : memref<64x128xf32, #tpu.memory_space<vmem>>) offsets(%dma_start3A_104 : memref<64xi32, #tpu.memory_space<vmem>>) semaphore(%arg15 : memref<!tpu.dma_semaphore, #tpu.memory_space<semaphore_mem>>)
    %dma_start3A_108 = arith.constant 2 : i32
    %dma_start3A_109 = arith.constant 0 : i32
    %dma_start3A_110 = tpu.memref_slice %arg7[%dma_start3A_108, %dma_start3A_109] : memref<40x64xi32, #tpu.memory_space<vmem>> -> memref<1x64xi32, #tpu.memory_space<vmem>>
    %dma_start3A_111 = tpu.memref_squeeze %dma_start3A_110 : memref<1x64xi32, #tpu.memory_space<vmem>> -> memref<64xi32, #tpu.memory_space<vmem>>
    %dma_start3A_112 = arith.constant 0 : i32
    %dma_start3A_113 = arith.constant 0 : i32
    %dma_start3A_114 = tpu.memref_slice %arg2[%dma_start3A_112, %dma_start3A_113] : memref<10000x128xf32, #tpu.memory_space<hbm>> -> memref<10000x128xf32, #tpu.memory_space<hbm>>
    tpu.enqueue_indirect_dma source(%dma_start3A_114 : memref<10000x128xf32, #tpu.memory_space<hbm>>) target(%arg11 : memref<64x128xf32, #tpu.memory_space<vmem>>) offsets(%dma_start3A_111 : memref<64xi32, #tpu.memory_space<vmem>>) semaphore(%arg16 : memref<!tpu.dma_semaphore, #tpu.memory_space<semaphore_mem>>)
    %scan3A_115 = arith.constant 0 : i32
    %scan3A_116 = arith.constant 10 : i32
    %scan3A_117 = arith.addi %scan3A_115, %scan3A_116 : i32
    %scan3A_118 = arith.constant 1 : i32
    scf.for %scan3A_193 = %scan3A_115 to %scan3A_117 step %scan3A_118  : i32 {
      %mul3A_194 = arith.constant 1 : i32
      %mul3A_195 = arith.muli %scan3A_193, %mul3A_194 : i32
      %add3A_196 = arith.constant 0 : i32
      %add3A_197 = arith.addi %add3A_196, %mul3A_195 : i32
      %mul3A_198 = arith.constant 4 : i32
      %mul3A_199 = arith.muli %add3A_197, %mul3A_198 : i32
      %add3A_200 = arith.constant 0 : i32
      %add3A_201 = arith.addi %mul3A_199, %add3A_200 : i32
      %add3A_202 = arith.constant 4 : i32
      %add3A_203 = arith.addi %add3A_201, %add3A_202 : i32
      %sub3A = arith.constant 1 : i32
      %sub3A_204 = arith.subi %add3A_203, %sub3A : i32
      %min3A = arith.constant 39 : i32
      %min3A_205 = arith.minsi %sub3A_204, %min3A : i32
      %dma_start3A_206 = arith.constant 0 : i32
      %dma_start3A_207 = tpu.memref_slice %arg7[%min3A_205, %dma_start3A_206] : memref<40x64xi32, #tpu.memory_space<vmem>> -> memref<1x64xi32, #tpu.memory_space<vmem>>
      %dma_start3A_208 = tpu.memref_squeeze %dma_start3A_207 : memref<1x64xi32, #tpu.memory_space<vmem>> -> memref<64xi32, #tpu.memory_space<vmem>>
      %dma_start3A_209 = arith.constant 0 : i32
      %dma_start3A_210 = arith.constant 0 : i32
      %dma_start3A_211 = tpu.memref_slice %arg2[%dma_start3A_209, %dma_start3A_210] : memref<10000x128xf32, #tpu.memory_space<hbm>> -> memref<10000x128xf32, #tpu.memory_space<hbm>>
      tpu.enqueue_indirect_dma source(%dma_start3A_211 : memref<10000x128xf32, #tpu.memory_space<hbm>>) target(%arg12 : memref<64x128xf32, #tpu.memory_space<vmem>>) offsets(%dma_start3A_208 : memref<64xi32, #tpu.memory_space<vmem>>) semaphore(%arg17 : memref<!tpu.dma_semaphore, #tpu.memory_space<semaphore_mem>>)
      %dma_wait3A_212 = arith.constant 0 : i32
      %dma_wait3A_213 = tpu.memref_slice %arg7[%add3A_201, %dma_wait3A_212] : memref<40x64xi32, #tpu.memory_space<vmem>> -> memref<1x64xi32, #tpu.memory_space<vmem>>
      %dma_wait3A_214 = tpu.memref_squeeze %dma_wait3A_213 : memref<1x64xi32, #tpu.memory_space<vmem>> -> memref<64xi32, #tpu.memory_space<vmem>>
      %dma_wait3A_215 = arith.constant 0 : i32
      %dma_wait3A_216 = arith.constant 0 : i32
      %dma_wait3A_217 = tpu.memref_slice %arg2[%dma_wait3A_215, %dma_wait3A_216] : memref<10000x128xf32, #tpu.memory_space<hbm>> -> memref<10000x128xf32, #tpu.memory_space<hbm>>
      tpu.wait_indirect_dma semaphore(%arg14 : memref<!tpu.dma_semaphore, #tpu.memory_space<semaphore_mem>>) src(%dma_wait3A_217 : memref<10000x128xf32, #tpu.memory_space<hbm>>) dst(%arg9 : memref<64x128xf32, #tpu.memory_space<vmem>>)
      "tpu.region"() ({
        %run_scoped3A = tpu.sem_alloc : memref<!tpu.dma_semaphore, #tpu.memory_space<semaphore_mem>>
        %dma_start3A_284 = arith.constant 0 : i32
        %dma_start3A_285 = tpu.memref_slice %arg8[%add3A_201, %dma_start3A_284] : memref<40x64xi32, #tpu.memory_space<vmem>> -> memref<1x64xi32, #tpu.memory_space<vmem>>
        %dma_start3A_286 = tpu.memref_squeeze %dma_start3A_285 : memref<1x64xi32, #tpu.memory_space<vmem>> -> memref<64xi32, #tpu.memory_space<vmem>>
        %dma_start3A_287 = arith.constant 0 : i32
        %dma_start3A_288 = arith.constant 0 : i32
        %dma_start3A_289 = tpu.memref_slice %arg13[%dma_start3A_287, %dma_start3A_288] : memref<10112x128xf32, #tpu.memory_space<vmem_shared>> -> memref<10112x128xf32, #tpu.memory_space<vmem_shared>>
        tpu.enqueue_indirect_dma source(%arg9 : memref<64x128xf32, #tpu.memory_space<vmem>>) target(%dma_start3A_289 : memref<10112x128xf32, #tpu.memory_space<vmem_shared>>) offsets(%dma_start3A_286 : memref<64xi32, #tpu.memory_space<vmem>>) semaphore(%run_scoped3A : memref<!tpu.dma_semaphore, #tpu.memory_space<semaphore_mem>>) {add = true}
        %dma_wait3A_290 = arith.constant 0 : i32
        %dma_wait3A_291 = tpu.memref_slice %arg8[%add3A_201, %dma_wait3A_290] : memref<40x64xi32, #tpu.memory_space<vmem>> -> memref<1x64xi32, #tpu.memory_space<vmem>>
        %dma_wait3A_292 = tpu.memref_squeeze %dma_wait3A_291 : memref<1x64xi32, #tpu.memory_space<vmem>> -> memref<64xi32, #tpu.memory_space<vmem>>
        %dma_wait3A_293 = arith.constant 0 : i32
        %dma_wait3A_294 = arith.constant 0 : i32
        %dma_wait3A_295 = tpu.memref_slice %arg13[%dma_wait3A_293, %dma_wait3A_294] : memref<10112x128xf32, #tpu.memory_space<vmem_shared>> -> memref<10112x128xf32, #tpu.memory_space<vmem_shared>>
        tpu.wait_indirect_dma semaphore(%run_scoped3A : memref<!tpu.dma_semaphore, #tpu.memory_space<semaphore_mem>>) src(%arg9 : memref<64x128xf32, #tpu.memory_space<vmem>>) dst(%dma_wait3A_295 : memref<10112x128xf32, #tpu.memory_space<vmem_shared>>)
        tpu.yield
      }) : () -> ()
      %mul3A_218 = arith.constant 4 : i32
      %mul3A_219 = arith.muli %add3A_197, %mul3A_218 : i32
      %add3A_220 = arith.constant 1 : i32
      %add3A_221 = arith.addi %mul3A_219, %add3A_220 : i32
      %add3A_222 = arith.constant 4 : i32
      %add3A_223 = arith.addi %add3A_221, %add3A_222 : i32
      %sub3A_224 = arith.constant 1 : i32
      %sub3A_225 = arith.subi %add3A_223, %sub3A_224 : i32
      %min3A_226 = arith.constant 39 : i32
      %min3A_227 = arith.minsi %sub3A_225, %min3A_226 : i32
      %dma_start3A_228 = arith.constant 0 : i32
      %dma_start3A_229 = tpu.memref_slice %arg7[%min3A_227, %dma_start3A_228] : memref<40x64xi32, #tpu.memory_space<vmem>> -> memref<1x64xi32, #tpu.memory_space<vmem>>
      %dma_start3A_230 = tpu.memref_squeeze %dma_start3A_229 : memref<1x64xi32, #tpu.memory_space<vmem>> -> memref<64xi32, #tpu.memory_space<vmem>>
      %dma_start3A_231 = arith.constant 0 : i32
      %dma_start3A_232 = arith.constant 0 : i32
      %dma_start3A_233 = tpu.memref_slice %arg2[%dma_start3A_231, %dma_start3A_232] : memref<10000x128xf32, #tpu.memory_space<hbm>> -> memref<10000x128xf32, #tpu.memory_space<hbm>>
      tpu.enqueue_indirect_dma source(%dma_start3A_233 : memref<10000x128xf32, #tpu.memory_space<hbm>>) target(%arg9 : memref<64x128xf32, #tpu.memory_space<vmem>>) offsets(%dma_start3A_230 : memref<64xi32, #tpu.memory_space<vmem>>) semaphore(%arg14 : memref<!tpu.dma_semaphore, #tpu.memory_space<semaphore_mem>>)
      %dma_wait3A_234 = arith.constant 0 : i32
      %dma_wait3A_235 = tpu.memref_slice %arg7[%add3A_221, %dma_wait3A_234] : memref<40x64xi32, #tpu.memory_space<vmem>> -> memref<1x64xi32, #tpu.memory_space<vmem>>
      %dma_wait3A_236 = tpu.memref_squeeze %dma_wait3A_235 : memref<1x64xi32, #tpu.memory_space<vmem>> -> memref<64xi32, #tpu.memory_space<vmem>>
      %dma_wait3A_237 = arith.constant 0 : i32
      %dma_wait3A_238 = arith.constant 0 : i32
      %dma_wait3A_239 = tpu.memref_slice %arg2[%dma_wait3A_237, %dma_wait3A_238] : memref<10000x128xf32, #tpu.memory_space<hbm>> -> memref<10000x128xf32, #tpu.memory_space<hbm>>
      tpu.wait_indirect_dma semaphore(%arg15 : memref<!tpu.dma_semaphore, #tpu.memory_space<semaphore_mem>>) src(%dma_wait3A_239 : memref<10000x128xf32, #tpu.memory_space<hbm>>) dst(%arg10 : memref<64x128xf32, #tpu.memory_space<vmem>>)
      "tpu.region"() ({
        %run_scoped3A = tpu.sem_alloc : memref<!tpu.dma_semaphore, #tpu.memory_space<semaphore_mem>>
        %dma_start3A_284 = arith.constant 0 : i32
        %dma_start3A_285 = tpu.memref_slice %arg8[%add3A_221, %dma_start3A_284] : memref<40x64xi32, #tpu.memory_space<vmem>> -> memref<1x64xi32, #tpu.memory_space<vmem>>
        %dma_start3A_286 = tpu.memref_squeeze %dma_start3A_285 : memref<1x64xi32, #tpu.memory_space<vmem>> -> memref<64xi32, #tpu.memory_space<vmem>>
        %dma_start3A_287 = arith.constant 0 : i32
        %dma_start3A_288 = arith.constant 0 : i32
        %dma_start3A_289 = tpu.memref_slice %arg13[%dma_start3A_287, %dma_start3A_288] : memref<10112x128xf32, #tpu.memory_space<vmem_shared>> -> memref<10112x128xf32, #tpu.memory_space<vmem_shared>>
        tpu.enqueue_indirect_dma source(%arg10 : memref<64x128xf32, #tpu.memory_space<vmem>>) target(%dma_start3A_289 : memref<10112x128xf32, #tpu.memory_space<vmem_shared>>) offsets(%dma_start3A_286 : memref<64xi32, #tpu.memory_space<vmem>>) semaphore(%run_scoped3A : memref<!tpu.dma_semaphore, #tpu.memory_space<semaphore_mem>>) {add = true}
        %dma_wait3A_290 = arith.constant 0 : i32
        %dma_wait3A_291 = tpu.memref_slice %arg8[%add3A_221, %dma_wait3A_290] : memref<40x64xi32, #tpu.memory_space<vmem>> -> memref<1x64xi32, #tpu.memory_space<vmem>>
        %dma_wait3A_292 = tpu.memref_squeeze %dma_wait3A_291 : memref<1x64xi32, #tpu.memory_space<vmem>> -> memref<64xi32, #tpu.memory_space<vmem>>
        %dma_wait3A_293 = arith.constant 0 : i32
        %dma_wait3A_294 = arith.constant 0 : i32
        %dma_wait3A_295 = tpu.memref_slice %arg13[%dma_wait3A_293, %dma_wait3A_294] : memref<10112x128xf32, #tpu.memory_space<vmem_shared>> -> memref<10112x128xf32, #tpu.memory_space<vmem_shared>>
        tpu.wait_indirect_dma semaphore(%run_scoped3A : memref<!tpu.dma_semaphore, #tpu.memory_space<semaphore_mem>>) src(%arg10 : memref<64x128xf32, #tpu.memory_space<vmem>>) dst(%dma_wait3A_295 : memref<10112x128xf32, #tpu.memory_space<vmem_shared>>)
        tpu.yield
      }) : () -> ()
      %mul3A_240 = arith.constant 4 : i32
      %mul3A_241 = arith.muli %add3A_197, %mul3A_240 : i32
      %add3A_242 = arith.constant 2 : i32
      %add3A_243 = arith.addi %mul3A_241, %add3A_242 : i32
      %add3A_244 = arith.constant 4 : i32
      %add3A_245 = arith.addi %add3A_243, %add3A_244 : i32
      %sub3A_246 = arith.constant 1 : i32
      %sub3A_247 = arith.subi %add3A_245, %sub3A_246 : i32
      %min3A_248 = arith.constant 39 : i32
      %min3A_249 = arith.minsi %sub3A_247, %min3A_248 : i32
      %dma_start3A_250 = arith.constant 0 : i32
      %dma_start3A_251 = tpu.memref_slice %arg7[%min3A_249, %dma_start3A_250] : memref<40x64xi32, #tpu.memory_space<vmem>> -> memref<1x64xi32, #tpu.memory_space<vmem>>
      %dma_start3A_252 = tpu.memref_squeeze %dma_start3A_251 : memref<1x64xi32, #tpu.memory_space<vmem>> -> memref<64xi32, #tpu.memory_space<vmem>>
      %dma_start3A_253 = arith.constant 0 : i32
      %dma_start3A_254 = arith.constant 0 : i32
      %dma_start3A_255 = tpu.memref_slice %arg2[%dma_start3A_253, %dma_start3A_254] : memref<10000x128xf32, #tpu.memory_space<hbm>> -> memref<10000x128xf32, #tpu.memory_space<hbm>>
      tpu.enqueue_indirect_dma source(%dma_start3A_255 : memref<10000x128xf32, #tpu.memory_space<hbm>>) target(%arg10 : memref<64x128xf32, #tpu.memory_space<vmem>>) offsets(%dma_start3A_252 : memref<64xi32, #tpu.memory_space<vmem>>) semaphore(%arg15 : memref<!tpu.dma_semaphore, #tpu.memory_space<semaphore_mem>>)
      %dma_wait3A_256 = arith.constant 0 : i32
      %dma_wait3A_257 = tpu.memref_slice %arg7[%add3A_243, %dma_wait3A_256] : memref<40x64xi32, #tpu.memory_space<vmem>> -> memref<1x64xi32, #tpu.memory_space<vmem>>
      %dma_wait3A_258 = tpu.memref_squeeze %dma_wait3A_257 : memref<1x64xi32, #tpu.memory_space<vmem>> -> memref<64xi32, #tpu.memory_space<vmem>>
      %dma_wait3A_259 = arith.constant 0 : i32
      %dma_wait3A_260 = arith.constant 0 : i32
      %dma_wait3A_261 = tpu.memref_slice %arg2[%dma_wait3A_259, %dma_wait3A_260] : memref<10000x128xf32, #tpu.memory_space<hbm>> -> memref<10000x128xf32, #tpu.memory_space<hbm>>
      tpu.wait_indirect_dma semaphore(%arg16 : memref<!tpu.dma_semaphore, #tpu.memory_space<semaphore_mem>>) src(%dma_wait3A_261 : memref<10000x128xf32, #tpu.memory_space<hbm>>) dst(%arg11 : memref<64x128xf32, #tpu.memory_space<vmem>>)
      "tpu.region"() ({
        %run_scoped3A = tpu.sem_alloc : memref<!tpu.dma_semaphore, #tpu.memory_space<semaphore_mem>>
        %dma_start3A_284 = arith.constant 0 : i32
        %dma_start3A_285 = tpu.memref_slice %arg8[%add3A_243, %dma_start3A_284] : memref<40x64xi32, #tpu.memory_space<vmem>> -> memref<1x64xi32, #tpu.memory_space<vmem>>
        %dma_start3A_286 = tpu.memref_squeeze %dma_start3A_285 : memref<1x64xi32, #tpu.memory_space<vmem>> -> memref<64xi32, #tpu.memory_space<vmem>>
        %dma_start3A_287 = arith.constant 0 : i32
        %dma_start3A_288 = arith.constant 0 : i32
        %dma_start3A_289 = tpu.memref_slice %arg13[%dma_start3A_287, %dma_start3A_288] : memref<10112x128xf32, #tpu.memory_space<vmem_shared>> -> memref<10112x128xf32, #tpu.memory_space<vmem_shared>>
        tpu.enqueue_indirect_dma source(%arg11 : memref<64x128xf32, #tpu.memory_space<vmem>>) target(%dma_start3A_289 : memref<10112x128xf32, #tpu.memory_space<vmem_shared>>) offsets(%dma_start3A_286 : memref<64xi32, #tpu.memory_space<vmem>>) semaphore(%run_scoped3A : memref<!tpu.dma_semaphore, #tpu.memory_space<semaphore_mem>>) {add = true}
        %dma_wait3A_290 = arith.constant 0 : i32
        %dma_wait3A_291 = tpu.memref_slice %arg8[%add3A_243, %dma_wait3A_290] : memref<40x64xi32, #tpu.memory_space<vmem>> -> memref<1x64xi32, #tpu.memory_space<vmem>>
        %dma_wait3A_292 = tpu.memref_squeeze %dma_wait3A_291 : memref<1x64xi32, #tpu.memory_space<vmem>> -> memref<64xi32, #tpu.memory_space<vmem>>
        %dma_wait3A_293 = arith.constant 0 : i32
        %dma_wait3A_294 = arith.constant 0 : i32
        %dma_wait3A_295 = tpu.memref_slice %arg13[%dma_wait3A_293, %dma_wait3A_294] : memref<10112x128xf32, #tpu.memory_space<vmem_shared>> -> memref<10112x128xf32, #tpu.memory_space<vmem_shared>>
        tpu.wait_indirect_dma semaphore(%run_scoped3A : memref<!tpu.dma_semaphore, #tpu.memory_space<semaphore_mem>>) src(%arg11 : memref<64x128xf32, #tpu.memory_space<vmem>>) dst(%dma_wait3A_295 : memref<10112x128xf32, #tpu.memory_space<vmem_shared>>)
        tpu.yield
      }) : () -> ()
      %mul3A_262 = arith.constant 4 : i32
      %mul3A_263 = arith.muli %add3A_197, %mul3A_262 : i32
      %add3A_264 = arith.constant 3 : i32
      %add3A_265 = arith.addi %mul3A_263, %add3A_264 : i32
      %add3A_266 = arith.constant 4 : i32
      %add3A_267 = arith.addi %add3A_265, %add3A_266 : i32
      %sub3A_268 = arith.constant 1 : i32
      %sub3A_269 = arith.subi %add3A_267, %sub3A_268 : i32
      %min3A_270 = arith.constant 39 : i32
      %min3A_271 = arith.minsi %sub3A_269, %min3A_270 : i32
      %dma_start3A_272 = arith.constant 0 : i32
      %dma_start3A_273 = tpu.memref_slice %arg7[%min3A_271, %dma_start3A_272] : memref<40x64xi32, #tpu.memory_space<vmem>> -> memref<1x64xi32, #tpu.memory_space<vmem>>
      %dma_start3A_274 = tpu.memref_squeeze %dma_start3A_273 : memref<1x64xi32, #tpu.memory_space<vmem>> -> memref<64xi32, #tpu.memory_space<vmem>>
      %dma_start3A_275 = arith.constant 0 : i32
      %dma_start3A_276 = arith.constant 0 : i32
      %dma_start3A_277 = tpu.memref_slice %arg2[%dma_start3A_275, %dma_start3A_276] : memref<10000x128xf32, #tpu.memory_space<hbm>> -> memref<10000x128xf32, #tpu.memory_space<hbm>>
      tpu.enqueue_indirect_dma source(%dma_start3A_277 : memref<10000x128xf32, #tpu.memory_space<hbm>>) target(%arg11 : memref<64x128xf32, #tpu.memory_space<vmem>>) offsets(%dma_start3A_274 : memref<64xi32, #tpu.memory_space<vmem>>) semaphore(%arg16 : memref<!tpu.dma_semaphore, #tpu.memory_space<semaphore_mem>>)
      %dma_wait3A_278 = arith.constant 0 : i32
      %dma_wait3A_279 = tpu.memref_slice %arg7[%add3A_265, %dma_wait3A_278] : memref<40x64xi32, #tpu.memory_space<vmem>> -> memref<1x64xi32, #tpu.memory_space<vmem>>
      %dma_wait3A_280 = tpu.memref_squeeze %dma_wait3A_279 : memref<1x64xi32, #tpu.memory_space<vmem>> -> memref<64xi32, #tpu.memory_space<vmem>>
      %dma_wait3A_281 = arith.constant 0 : i32
      %dma_wait3A_282 = arith.constant 0 : i32
      %dma_wait3A_283 = tpu.memref_slice %arg2[%dma_wait3A_281, %dma_wait3A_282] : memref<10000x128xf32, #tpu.memory_space<hbm>> -> memref<10000x128xf32, #tpu.memory_space<hbm>>
      tpu.wait_indirect_dma semaphore(%arg17 : memref<!tpu.dma_semaphore, #tpu.memory_space<semaphore_mem>>) src(%dma_wait3A_283 : memref<10000x128xf32, #tpu.memory_space<hbm>>) dst(%arg12 : memref<64x128xf32, #tpu.memory_space<vmem>>)
      "tpu.region"() ({
        %run_scoped3A = tpu.sem_alloc : memref<!tpu.dma_semaphore, #tpu.memory_space<semaphore_mem>>
        %dma_start3A_284 = arith.constant 0 : i32
        %dma_start3A_285 = tpu.memref_slice %arg8[%add3A_265, %dma_start3A_284] : memref<40x64xi32, #tpu.memory_space<vmem>> -> memref<1x64xi32, #tpu.memory_space<vmem>>
        %dma_start3A_286 = tpu.memref_squeeze %dma_start3A_285 : memref<1x64xi32, #tpu.memory_space<vmem>> -> memref<64xi32, #tpu.memory_space<vmem>>
        %dma_start3A_287 = arith.constant 0 : i32
        %dma_start3A_288 = arith.constant 0 : i32
        %dma_start3A_289 = tpu.memref_slice %arg13[%dma_start3A_287, %dma_start3A_288] : memref<10112x128xf32, #tpu.memory_space<vmem_shared>> -> memref<10112x128xf32, #tpu.memory_space<vmem_shared>>
        tpu.enqueue_indirect_dma source(%arg12 : memref<64x128xf32, #tpu.memory_space<vmem>>) target(%dma_start3A_289 : memref<10112x128xf32, #tpu.memory_space<vmem_shared>>) offsets(%dma_start3A_286 : memref<64xi32, #tpu.memory_space<vmem>>) semaphore(%run_scoped3A : memref<!tpu.dma_semaphore, #tpu.memory_space<semaphore_mem>>) {add = true}
        %dma_wait3A_290 = arith.constant 0 : i32
        %dma_wait3A_291 = tpu.memref_slice %arg8[%add3A_265, %dma_wait3A_290] : memref<40x64xi32, #tpu.memory_space<vmem>> -> memref<1x64xi32, #tpu.memory_space<vmem>>
        %dma_wait3A_292 = tpu.memref_squeeze %dma_wait3A_291 : memref<1x64xi32, #tpu.memory_space<vmem>> -> memref<64xi32, #tpu.memory_space<vmem>>
        %dma_wait3A_293 = arith.constant 0 : i32
        %dma_wait3A_294 = arith.constant 0 : i32
        %dma_wait3A_295 = tpu.memref_slice %arg13[%dma_wait3A_293, %dma_wait3A_294] : memref<10112x128xf32, #tpu.memory_space<vmem_shared>> -> memref<10112x128xf32, #tpu.memory_space<vmem_shared>>
        tpu.wait_indirect_dma semaphore(%run_scoped3A : memref<!tpu.dma_semaphore, #tpu.memory_space<semaphore_mem>>) src(%arg12 : memref<64x128xf32, #tpu.memory_space<vmem>>) dst(%dma_wait3A_295 : memref<10112x128xf32, #tpu.memory_space<vmem_shared>>)
        tpu.yield
      }) : () -> ()
    }
    %scan3A_119 = arith.constant 10 : i32
    %dma_wait3A_120 = arith.constant 39 : i32
    %dma_wait3A_121 = arith.constant 0 : i32
    %dma_wait3A_122 = tpu.memref_slice %arg7[%dma_wait3A_120, %dma_wait3A_121] : memref<40x64xi32, #tpu.memory_space<vmem>> -> memref<1x64xi32, #tpu.memory_space<vmem>>
    %dma_wait3A_123 = tpu.memref_squeeze %dma_wait3A_122 : memref<1x64xi32, #tpu.memory_space<vmem>> -> memref<64xi32, #tpu.memory_space<vmem>>
    %dma_wait3A_124 = arith.constant 0 : i32
    %dma_wait3A_125 = arith.constant 0 : i32
    %dma_wait3A_126 = tpu.memref_slice %arg2[%dma_wait3A_124, %dma_wait3A_125] : memref<10000x128xf32, #tpu.memory_space<hbm>> -> memref<10000x128xf32, #tpu.memory_space<hbm>>
    tpu.wait_indirect_dma semaphore(%arg14 : memref<!tpu.dma_semaphore, #tpu.memory_space<semaphore_mem>>) src(%dma_wait3A_126 : memref<10000x128xf32, #tpu.memory_space<hbm>>) dst(%arg9 : memref<64x128xf32, #tpu.memory_space<vmem>>)
    %dma_wait3A_127 = arith.constant 39 : i32
    %dma_wait3A_128 = arith.constant 0 : i32
    %dma_wait3A_129 = tpu.memref_slice %arg7[%dma_wait3A_127, %dma_wait3A_128] : memref<40x64xi32, #tpu.memory_space<vmem>> -> memref<1x64xi32, #tpu.memory_space<vmem>>
    %dma_wait3A_130 = tpu.memref_squeeze %dma_wait3A_129 : memref<1x64xi32, #tpu.memory_space<vmem>> -> memref<64xi32, #tpu.memory_space<vmem>>
    %dma_wait3A_131 = arith.constant 0 : i32
    %dma_wait3A_132 = arith.constant 0 : i32
    %dma_wait3A_133 = tpu.memref_slice %arg2[%dma_wait3A_131, %dma_wait3A_132] : memref<10000x128xf32, #tpu.memory_space<hbm>> -> memref<10000x128xf32, #tpu.memory_space<hbm>>
    tpu.wait_indirect_dma semaphore(%arg15 : memref<!tpu.dma_semaphore, #tpu.memory_space<semaphore_mem>>) src(%dma_wait3A_133 : memref<10000x128xf32, #tpu.memory_space<hbm>>) dst(%arg10 : memref<64x128xf32, #tpu.memory_space<vmem>>)
    %dma_wait3A_134 = arith.constant 39 : i32
    %dma_wait3A_135 = arith.constant 0 : i32
    %dma_wait3A_136 = tpu.memref_slice %arg7[%dma_wait3A_134, %dma_wait3A_135] : memref<40x64xi32, #tpu.memory_space<vmem>> -> memref<1x64xi32, #tpu.memory_space<vmem>>
    %dma_wait3A_137 = tpu.memref_squeeze %dma_wait3A_136 : memref<1x64xi32, #tpu.memory_space<vmem>> -> memref<64xi32, #tpu.memory_space<vmem>>
    %dma_wait3A_138 = arith.constant 0 : i32
    %dma_wait3A_139 = arith.constant 0 : i32
    %dma_wait3A_140 = tpu.memref_slice %arg2[%dma_wait3A_138, %dma_wait3A_139] : memref<10000x128xf32, #tpu.memory_space<hbm>> -> memref<10000x128xf32, #tpu.memory_space<hbm>>
    tpu.wait_indirect_dma semaphore(%arg16 : memref<!tpu.dma_semaphore, #tpu.memory_space<semaphore_mem>>) src(%dma_wait3A_140 : memref<10000x128xf32, #tpu.memory_space<hbm>>) dst(%arg11 : memref<64x128xf32, #tpu.memory_space<vmem>>)
    "tpu.region"() ({
      %run_scoped3A = tpu.sem_alloc : memref<!tpu.dma_semaphore, #tpu.memory_space<semaphore_mem>>
      %dma_start3A_193 = arith.constant 120 : i32
      %dma_start3A_194 = arith.constant 0 : i32
      %dma_start3A_195 = tpu.memref_slice %arg3[%add3A, %dma_start3A_193, %dma_start3A_194] : memref<32x160x64xi32, #tpu.memory_space<hbm>> -> memref<1x40x64xi32, #tpu.memory_space<hbm>>
      %dma_start3A_196 = tpu.memref_squeeze %dma_start3A_195 : memref<1x40x64xi32, #tpu.memory_space<hbm>> -> memref<40x64xi32, #tpu.memory_space<hbm>>
      %dma_start3A_197 = arith.constant 120 : i32
      %dma_start3A_198 = arith.constant 0 : i32
      %dma_start3A_199 = tpu.memref_slice %arg3[%add3A, %dma_start3A_197, %dma_start3A_198] : memref<32x160x64xi32, #tpu.memory_space<hbm>> -> memref<1x40x64xi32, #tpu.memory_space<hbm>>
      %dma_start3A_200 = tpu.memref_squeeze %dma_start3A_199 : memref<1x40x64xi32, #tpu.memory_space<hbm>> -> memref<40x64xi32, #tpu.memory_space<hbm>>
      tpu.enqueue_dma source(%dma_start3A_200 : memref<40x64xi32, #tpu.memory_space<hbm>>) target(%arg7 : memref<40x64xi32, #tpu.memory_space<vmem>>) target_semaphore(%run_scoped3A : memref<!tpu.dma_semaphore, #tpu.memory_space<semaphore_mem>>)
      %dma_wait3A_201 = arith.constant 120 : i32
      %dma_wait3A_202 = arith.constant 0 : i32
      %dma_wait3A_203 = tpu.memref_slice %arg3[%add3A, %dma_wait3A_201, %dma_wait3A_202] : memref<32x160x64xi32, #tpu.memory_space<hbm>> -> memref<1x40x64xi32, #tpu.memory_space<hbm>>
      %dma_wait3A_204 = tpu.memref_squeeze %dma_wait3A_203 : memref<1x40x64xi32, #tpu.memory_space<hbm>> -> memref<40x64xi32, #tpu.memory_space<hbm>>
      %dma_wait3A_205 = arith.constant 120 : i32
      %dma_wait3A_206 = arith.constant 0 : i32
      %dma_wait3A_207 = tpu.memref_slice %arg3[%add3A, %dma_wait3A_205, %dma_wait3A_206] : memref<32x160x64xi32, #tpu.memory_space<hbm>> -> memref<1x40x64xi32, #tpu.memory_space<hbm>>
      %dma_wait3A_208 = tpu.memref_squeeze %dma_wait3A_207 : memref<1x40x64xi32, #tpu.memory_space<hbm>> -> memref<40x64xi32, #tpu.memory_space<hbm>>
      tpu.wait_dma2 semaphore(%run_scoped3A : memref<!tpu.dma_semaphore, #tpu.memory_space<semaphore_mem>>) src(%dma_wait3A_208 : memref<40x64xi32, #tpu.memory_space<hbm>>) dst(%arg7 : memref<40x64xi32, #tpu.memory_space<vmem>>)
      tpu.yield
    }) : () -> ()
    "tpu.region"() ({
      %run_scoped3A = tpu.sem_alloc : memref<!tpu.dma_semaphore, #tpu.memory_space<semaphore_mem>>
      %dma_start3A_193 = arith.constant 120 : i32
      %dma_start3A_194 = arith.constant 0 : i32
      %dma_start3A_195 = tpu.memref_slice %arg4[%add3A, %dma_start3A_193, %dma_start3A_194] : memref<32x160x64xi32, #tpu.memory_space<hbm>> -> memref<1x40x64xi32, #tpu.memory_space<hbm>>
      %dma_start3A_196 = tpu.memref_squeeze %dma_start3A_195 : memref<1x40x64xi32, #tpu.memory_space<hbm>> -> memref<40x64xi32, #tpu.memory_space<hbm>>
      %dma_start3A_197 = arith.constant 120 : i32
      %dma_start3A_198 = arith.constant 0 : i32
      %dma_start3A_199 = tpu.memref_slice %arg4[%add3A, %dma_start3A_197, %dma_start3A_198] : memref<32x160x64xi32, #tpu.memory_space<hbm>> -> memref<1x40x64xi32, #tpu.memory_space<hbm>>
      %dma_start3A_200 = tpu.memref_squeeze %dma_start3A_199 : memref<1x40x64xi32, #tpu.memory_space<hbm>> -> memref<40x64xi32, #tpu.memory_space<hbm>>
      tpu.enqueue_dma source(%dma_start3A_200 : memref<40x64xi32, #tpu.memory_space<hbm>>) target(%arg8 : memref<40x64xi32, #tpu.memory_space<vmem>>) target_semaphore(%run_scoped3A : memref<!tpu.dma_semaphore, #tpu.memory_space<semaphore_mem>>)
      %dma_wait3A_201 = arith.constant 120 : i32
      %dma_wait3A_202 = arith.constant 0 : i32
      %dma_wait3A_203 = tpu.memref_slice %arg4[%add3A, %dma_wait3A_201, %dma_wait3A_202] : memref<32x160x64xi32, #tpu.memory_space<hbm>> -> memref<1x40x64xi32, #tpu.memory_space<hbm>>
      %dma_wait3A_204 = tpu.memref_squeeze %dma_wait3A_203 : memref<1x40x64xi32, #tpu.memory_space<hbm>> -> memref<40x64xi32, #tpu.memory_space<hbm>>
      %dma_wait3A_205 = arith.constant 120 : i32
      %dma_wait3A_206 = arith.constant 0 : i32
      %dma_wait3A_207 = tpu.memref_slice %arg4[%add3A, %dma_wait3A_205, %dma_wait3A_206] : memref<32x160x64xi32, #tpu.memory_space<hbm>> -> memref<1x40x64xi32, #tpu.memory_space<hbm>>
      %dma_wait3A_208 = tpu.memref_squeeze %dma_wait3A_207 : memref<1x40x64xi32, #tpu.memory_space<hbm>> -> memref<40x64xi32, #tpu.memory_space<hbm>>
      tpu.wait_dma2 semaphore(%run_scoped3A : memref<!tpu.dma_semaphore, #tpu.memory_space<semaphore_mem>>) src(%dma_wait3A_208 : memref<40x64xi32, #tpu.memory_space<hbm>>) dst(%arg8 : memref<40x64xi32, #tpu.memory_space<vmem>>)
      tpu.yield
    }) : () -> ()
    %dma_start3A_141 = arith.constant 0 : i32
    %dma_start3A_142 = arith.constant 0 : i32
    %dma_start3A_143 = tpu.memref_slice %arg7[%dma_start3A_141, %dma_start3A_142] : memref<40x64xi32, #tpu.memory_space<vmem>> -> memref<1x64xi32, #tpu.memory_space<vmem>>
    %dma_start3A_144 = tpu.memref_squeeze %dma_start3A_143 : memref<1x64xi32, #tpu.memory_space<vmem>> -> memref<64xi32, #tpu.memory_space<vmem>>
    %dma_start3A_145 = arith.constant 0 : i32
    %dma_start3A_146 = arith.constant 0 : i32
    %dma_start3A_147 = tpu.memref_slice %arg2[%dma_start3A_145, %dma_start3A_146] : memref<10000x128xf32, #tpu.memory_space<hbm>> -> memref<10000x128xf32, #tpu.memory_space<hbm>>
    tpu.enqueue_indirect_dma source(%dma_start3A_147 : memref<10000x128xf32, #tpu.memory_space<hbm>>) target(%arg9 : memref<64x128xf32, #tpu.memory_space<vmem>>) offsets(%dma_start3A_144 : memref<64xi32, #tpu.memory_space<vmem>>) semaphore(%arg14 : memref<!tpu.dma_semaphore, #tpu.memory_space<semaphore_mem>>)
    %dma_start3A_148 = arith.constant 1 : i32
    %dma_start3A_149 = arith.constant 0 : i32
    %dma_start3A_150 = tpu.memref_slice %arg7[%dma_start3A_148, %dma_start3A_149] : memref<40x64xi32, #tpu.memory_space<vmem>> -> memref<1x64xi32, #tpu.memory_space<vmem>>
    %dma_start3A_151 = tpu.memref_squeeze %dma_start3A_150 : memref<1x64xi32, #tpu.memory_space<vmem>> -> memref<64xi32, #tpu.memory_space<vmem>>
    %dma_start3A_152 = arith.constant 0 : i32
    %dma_start3A_153 = arith.constant 0 : i32
    %dma_start3A_154 = tpu.memref_slice %arg2[%dma_start3A_152, %dma_start3A_153] : memref<10000x128xf32, #tpu.memory_space<hbm>> -> memref<10000x128xf32, #tpu.memory_space<hbm>>
    tpu.enqueue_indirect_dma source(%dma_start3A_154 : memref<10000x128xf32, #tpu.memory_space<hbm>>) target(%arg10 : memref<64x128xf32, #tpu.memory_space<vmem>>) offsets(%dma_start3A_151 : memref<64xi32, #tpu.memory_space<vmem>>) semaphore(%arg15 : memref<!tpu.dma_semaphore, #tpu.memory_space<semaphore_mem>>)
    %dma_start3A_155 = arith.constant 2 : i32
    %dma_start3A_156 = arith.constant 0 : i32
    %dma_start3A_157 = tpu.memref_slice %arg7[%dma_start3A_155, %dma_start3A_156] : memref<40x64xi32, #tpu.memory_space<vmem>> -> memref<1x64xi32, #tpu.memory_space<vmem>>
    %dma_start3A_158 = tpu.memref_squeeze %dma_start3A_157 : memref<1x64xi32, #tpu.memory_space<vmem>> -> memref<64xi32, #tpu.memory_space<vmem>>
    %dma_start3A_159 = arith.constant 0 : i32
    %dma_start3A_160 = arith.constant 0 : i32
    %dma_start3A_161 = tpu.memref_slice %arg2[%dma_start3A_159, %dma_start3A_160] : memref<10000x128xf32, #tpu.memory_space<hbm>> -> memref<10000x128xf32, #tpu.memory_space<hbm>>
    tpu.enqueue_indirect_dma source(%dma_start3A_161 : memref<10000x128xf32, #tpu.memory_space<hbm>>) target(%arg11 : memref<64x128xf32, #tpu.memory_space<vmem>>) offsets(%dma_start3A_158 : memref<64xi32, #tpu.memory_space<vmem>>) semaphore(%arg16 : memref<!tpu.dma_semaphore, #tpu.memory_space<semaphore_mem>>)
    %scan3A_162 = arith.constant 0 : i32
    %scan3A_163 = arith.constant 10 : i32
    %scan3A_164 = arith.addi %scan3A_162, %scan3A_163 : i32
    %scan3A_165 = arith.constant 1 : i32
    scf.for %scan3A_193 = %scan3A_162 to %scan3A_164 step %scan3A_165  : i32 {
      %mul3A_194 = arith.constant 1 : i32
      %mul3A_195 = arith.muli %scan3A_193, %mul3A_194 : i32
      %add3A_196 = arith.constant 0 : i32
      %add3A_197 = arith.addi %add3A_196, %mul3A_195 : i32
      %mul3A_198 = arith.constant 4 : i32
      %mul3A_199 = arith.muli %add3A_197, %mul3A_198 : i32
      %add3A_200 = arith.constant 0 : i32
      %add3A_201 = arith.addi %mul3A_199, %add3A_200 : i32
      %add3A_202 = arith.constant 4 : i32
      %add3A_203 = arith.addi %add3A_201, %add3A_202 : i32
      %sub3A = arith.constant 1 : i32
      %sub3A_204 = arith.subi %add3A_203, %sub3A : i32
      %min3A = arith.constant 39 : i32
      %min3A_205 = arith.minsi %sub3A_204, %min3A : i32
      %dma_start3A_206 = arith.constant 0 : i32
      %dma_start3A_207 = tpu.memref_slice %arg7[%min3A_205, %dma_start3A_206] : memref<40x64xi32, #tpu.memory_space<vmem>> -> memref<1x64xi32, #tpu.memory_space<vmem>>
      %dma_start3A_208 = tpu.memref_squeeze %dma_start3A_207 : memref<1x64xi32, #tpu.memory_space<vmem>> -> memref<64xi32, #tpu.memory_space<vmem>>
      %dma_start3A_209 = arith.constant 0 : i32
      %dma_start3A_210 = arith.constant 0 : i32
      %dma_start3A_211 = tpu.memref_slice %arg2[%dma_start3A_209, %dma_start3A_210] : memref<10000x128xf32, #tpu.memory_space<hbm>> -> memref<10000x128xf32, #tpu.memory_space<hbm>>
      tpu.enqueue_indirect_dma source(%dma_start3A_211 : memref<10000x128xf32, #tpu.memory_space<hbm>>) target(%arg12 : memref<64x128xf32, #tpu.memory_space<vmem>>) offsets(%dma_start3A_208 : memref<64xi32, #tpu.memory_space<vmem>>) semaphore(%arg17 : memref<!tpu.dma_semaphore, #tpu.memory_space<semaphore_mem>>)
      %dma_wait3A_212 = arith.constant 0 : i32
      %dma_wait3A_213 = tpu.memref_slice %arg7[%add3A_201, %dma_wait3A_212] : memref<40x64xi32, #tpu.memory_space<vmem>> -> memref<1x64xi32, #tpu.memory_space<vmem>>
      %dma_wait3A_214 = tpu.memref_squeeze %dma_wait3A_213 : memref<1x64xi32, #tpu.memory_space<vmem>> -> memref<64xi32, #tpu.memory_space<vmem>>
      %dma_wait3A_215 = arith.constant 0 : i32
      %dma_wait3A_216 = arith.constant 0 : i32
      %dma_wait3A_217 = tpu.memref_slice %arg2[%dma_wait3A_215, %dma_wait3A_216] : memref<10000x128xf32, #tpu.memory_space<hbm>> -> memref<10000x128xf32, #tpu.memory_space<hbm>>
      tpu.wait_indirect_dma semaphore(%arg14 : memref<!tpu.dma_semaphore, #tpu.memory_space<semaphore_mem>>) src(%dma_wait3A_217 : memref<10000x128xf32, #tpu.memory_space<hbm>>) dst(%arg9 : memref<64x128xf32, #tpu.memory_space<vmem>>)
      "tpu.region"() ({
        %run_scoped3A = tpu.sem_alloc : memref<!tpu.dma_semaphore, #tpu.memory_space<semaphore_mem>>
        %dma_start3A_284 = arith.constant 0 : i32
        %dma_start3A_285 = tpu.memref_slice %arg8[%add3A_201, %dma_start3A_284] : memref<40x64xi32, #tpu.memory_space<vmem>> -> memref<1x64xi32, #tpu.memory_space<vmem>>
        %dma_start3A_286 = tpu.memref_squeeze %dma_start3A_285 : memref<1x64xi32, #tpu.memory_space<vmem>> -> memref<64xi32, #tpu.memory_space<vmem>>
        %dma_start3A_287 = arith.constant 0 : i32
        %dma_start3A_288 = arith.constant 0 : i32
        %dma_start3A_289 = tpu.memref_slice %arg13[%dma_start3A_287, %dma_start3A_288] : memref<10112x128xf32, #tpu.memory_space<vmem_shared>> -> memref<10112x128xf32, #tpu.memory_space<vmem_shared>>
        tpu.enqueue_indirect_dma source(%arg9 : memref<64x128xf32, #tpu.memory_space<vmem>>) target(%dma_start3A_289 : memref<10112x128xf32, #tpu.memory_space<vmem_shared>>) offsets(%dma_start3A_286 : memref<64xi32, #tpu.memory_space<vmem>>) semaphore(%run_scoped3A : memref<!tpu.dma_semaphore, #tpu.memory_space<semaphore_mem>>) {add = true}
        %dma_wait3A_290 = arith.constant 0 : i32
        %dma_wait3A_291 = tpu.memref_slice %arg8[%add3A_201, %dma_wait3A_290] : memref<40x64xi32, #tpu.memory_space<vmem>> -> memref<1x64xi32, #tpu.memory_space<vmem>>
        %dma_wait3A_292 = tpu.memref_squeeze %dma_wait3A_291 : memref<1x64xi32, #tpu.memory_space<vmem>> -> memref<64xi32, #tpu.memory_space<vmem>>
        %dma_wait3A_293 = arith.constant 0 : i32
        %dma_wait3A_294 = arith.constant 0 : i32
        %dma_wait3A_295 = tpu.memref_slice %arg13[%dma_wait3A_293, %dma_wait3A_294] : memref<10112x128xf32, #tpu.memory_space<vmem_shared>> -> memref<10112x128xf32, #tpu.memory_space<vmem_shared>>
        tpu.wait_indirect_dma semaphore(%run_scoped3A : memref<!tpu.dma_semaphore, #tpu.memory_space<semaphore_mem>>) src(%arg9 : memref<64x128xf32, #tpu.memory_space<vmem>>) dst(%dma_wait3A_295 : memref<10112x128xf32, #tpu.memory_space<vmem_shared>>)
        tpu.yield
      }) : () -> ()
      %mul3A_218 = arith.constant 4 : i32
      %mul3A_219 = arith.muli %add3A_197, %mul3A_218 : i32
      %add3A_220 = arith.constant 1 : i32
      %add3A_221 = arith.addi %mul3A_219, %add3A_220 : i32
      %add3A_222 = arith.constant 4 : i32
      %add3A_223 = arith.addi %add3A_221, %add3A_222 : i32
      %sub3A_224 = arith.constant 1 : i32
      %sub3A_225 = arith.subi %add3A_223, %sub3A_224 : i32
      %min3A_226 = arith.constant 39 : i32
      %min3A_227 = arith.minsi %sub3A_225, %min3A_226 : i32
      %dma_start3A_228 = arith.constant 0 : i32
      %dma_start3A_229 = tpu.memref_slice %arg7[%min3A_227, %dma_start3A_228] : memref<40x64xi32, #tpu.memory_space<vmem>> -> memref<1x64xi32, #tpu.memory_space<vmem>>
      %dma_start3A_230 = tpu.memref_squeeze %dma_start3A_229 : memref<1x64xi32, #tpu.memory_space<vmem>> -> memref<64xi32, #tpu.memory_space<vmem>>
      %dma_start3A_231 = arith.constant 0 : i32
      %dma_start3A_232 = arith.constant 0 : i32
      %dma_start3A_233 = tpu.memref_slice %arg2[%dma_start3A_231, %dma_start3A_232] : memref<10000x128xf32, #tpu.memory_space<hbm>> -> memref<10000x128xf32, #tpu.memory_space<hbm>>
      tpu.enqueue_indirect_dma source(%dma_start3A_233 : memref<10000x128xf32, #tpu.memory_space<hbm>>) target(%arg9 : memref<64x128xf32, #tpu.memory_space<vmem>>) offsets(%dma_start3A_230 : memref<64xi32, #tpu.memory_space<vmem>>) semaphore(%arg14 : memref<!tpu.dma_semaphore, #tpu.memory_space<semaphore_mem>>)
      %dma_wait3A_234 = arith.constant 0 : i32
      %dma_wait3A_235 = tpu.memref_slice %arg7[%add3A_221, %dma_wait3A_234] : memref<40x64xi32, #tpu.memory_space<vmem>> -> memref<1x64xi32, #tpu.memory_space<vmem>>
      %dma_wait3A_236 = tpu.memref_squeeze %dma_wait3A_235 : memref<1x64xi32, #tpu.memory_space<vmem>> -> memref<64xi32, #tpu.memory_space<vmem>>
      %dma_wait3A_237 = arith.constant 0 : i32
      %dma_wait3A_238 = arith.constant 0 : i32
      %dma_wait3A_239 = tpu.memref_slice %arg2[%dma_wait3A_237, %dma_wait3A_238] : memref<10000x128xf32, #tpu.memory_space<hbm>> -> memref<10000x128xf32, #tpu.memory_space<hbm>>
      tpu.wait_indirect_dma semaphore(%arg15 : memref<!tpu.dma_semaphore, #tpu.memory_space<semaphore_mem>>) src(%dma_wait3A_239 : memref<10000x128xf32, #tpu.memory_space<hbm>>) dst(%arg10 : memref<64x128xf32, #tpu.memory_space<vmem>>)
      "tpu.region"() ({
        %run_scoped3A = tpu.sem_alloc : memref<!tpu.dma_semaphore, #tpu.memory_space<semaphore_mem>>
        %dma_start3A_284 = arith.constant 0 : i32
        %dma_start3A_285 = tpu.memref_slice %arg8[%add3A_221, %dma_start3A_284] : memref<40x64xi32, #tpu.memory_space<vmem>> -> memref<1x64xi32, #tpu.memory_space<vmem>>
        %dma_start3A_286 = tpu.memref_squeeze %dma_start3A_285 : memref<1x64xi32, #tpu.memory_space<vmem>> -> memref<64xi32, #tpu.memory_space<vmem>>
        %dma_start3A_287 = arith.constant 0 : i32
        %dma_start3A_288 = arith.constant 0 : i32
        %dma_start3A_289 = tpu.memref_slice %arg13[%dma_start3A_287, %dma_start3A_288] : memref<10112x128xf32, #tpu.memory_space<vmem_shared>> -> memref<10112x128xf32, #tpu.memory_space<vmem_shared>>
        tpu.enqueue_indirect_dma source(%arg10 : memref<64x128xf32, #tpu.memory_space<vmem>>) target(%dma_start3A_289 : memref<10112x128xf32, #tpu.memory_space<vmem_shared>>) offsets(%dma_start3A_286 : memref<64xi32, #tpu.memory_space<vmem>>) semaphore(%run_scoped3A : memref<!tpu.dma_semaphore, #tpu.memory_space<semaphore_mem>>) {add = true}
        %dma_wait3A_290 = arith.constant 0 : i32
        %dma_wait3A_291 = tpu.memref_slice %arg8[%add3A_221, %dma_wait3A_290] : memref<40x64xi32, #tpu.memory_space<vmem>> -> memref<1x64xi32, #tpu.memory_space<vmem>>
        %dma_wait3A_292 = tpu.memref_squeeze %dma_wait3A_291 : memref<1x64xi32, #tpu.memory_space<vmem>> -> memref<64xi32, #tpu.memory_space<vmem>>
        %dma_wait3A_293 = arith.constant 0 : i32
        %dma_wait3A_294 = arith.constant 0 : i32
        %dma_wait3A_295 = tpu.memref_slice %arg13[%dma_wait3A_293, %dma_wait3A_294] : memref<10112x128xf32, #tpu.memory_space<vmem_shared>> -> memref<10112x128xf32, #tpu.memory_space<vmem_shared>>
        tpu.wait_indirect_dma semaphore(%run_scoped3A : memref<!tpu.dma_semaphore, #tpu.memory_space<semaphore_mem>>) src(%arg10 : memref<64x128xf32, #tpu.memory_space<vmem>>) dst(%dma_wait3A_295 : memref<10112x128xf32, #tpu.memory_space<vmem_shared>>)
        tpu.yield
      }) : () -> ()
      %mul3A_240 = arith.constant 4 : i32
      %mul3A_241 = arith.muli %add3A_197, %mul3A_240 : i32
      %add3A_242 = arith.constant 2 : i32
      %add3A_243 = arith.addi %mul3A_241, %add3A_242 : i32
      %add3A_244 = arith.constant 4 : i32
      %add3A_245 = arith.addi %add3A_243, %add3A_244 : i32
      %sub3A_246 = arith.constant 1 : i32
      %sub3A_247 = arith.subi %add3A_245, %sub3A_246 : i32
      %min3A_248 = arith.constant 39 : i32
      %min3A_249 = arith.minsi %sub3A_247, %min3A_248 : i32
      %dma_start3A_250 = arith.constant 0 : i32
      %dma_start3A_251 = tpu.memref_slice %arg7[%min3A_249, %dma_start3A_250] : memref<40x64xi32, #tpu.memory_space<vmem>> -> memref<1x64xi32, #tpu.memory_space<vmem>>
      %dma_start3A_252 = tpu.memref_squeeze %dma_start3A_251 : memref<1x64xi32, #tpu.memory_space<vmem>> -> memref<64xi32, #tpu.memory_space<vmem>>
      %dma_start3A_253 = arith.constant 0 : i32
      %dma_start3A_254 = arith.constant 0 : i32
      %dma_start3A_255 = tpu.memref_slice %arg2[%dma_start3A_253, %dma_start3A_254] : memref<10000x128xf32, #tpu.memory_space<hbm>> -> memref<10000x128xf32, #tpu.memory_space<hbm>>
      tpu.enqueue_indirect_dma source(%dma_start3A_255 : memref<10000x128xf32, #tpu.memory_space<hbm>>) target(%arg10 : memref<64x128xf32, #tpu.memory_space<vmem>>) offsets(%dma_start3A_252 : memref<64xi32, #tpu.memory_space<vmem>>) semaphore(%arg15 : memref<!tpu.dma_semaphore, #tpu.memory_space<semaphore_mem>>)
      %dma_wait3A_256 = arith.constant 0 : i32
      %dma_wait3A_257 = tpu.memref_slice %arg7[%add3A_243, %dma_wait3A_256] : memref<40x64xi32, #tpu.memory_space<vmem>> -> memref<1x64xi32, #tpu.memory_space<vmem>>
      %dma_wait3A_258 = tpu.memref_squeeze %dma_wait3A_257 : memref<1x64xi32, #tpu.memory_space<vmem>> -> memref<64xi32, #tpu.memory_space<vmem>>
      %dma_wait3A_259 = arith.constant 0 : i32
      %dma_wait3A_260 = arith.constant 0 : i32
      %dma_wait3A_261 = tpu.memref_slice %arg2[%dma_wait3A_259, %dma_wait3A_260] : memref<10000x128xf32, #tpu.memory_space<hbm>> -> memref<10000x128xf32, #tpu.memory_space<hbm>>
      tpu.wait_indirect_dma semaphore(%arg16 : memref<!tpu.dma_semaphore, #tpu.memory_space<semaphore_mem>>) src(%dma_wait3A_261 : memref<10000x128xf32, #tpu.memory_space<hbm>>) dst(%arg11 : memref<64x128xf32, #tpu.memory_space<vmem>>)
      "tpu.region"() ({
        %run_scoped3A = tpu.sem_alloc : memref<!tpu.dma_semaphore, #tpu.memory_space<semaphore_mem>>
        %dma_start3A_284 = arith.constant 0 : i32
        %dma_start3A_285 = tpu.memref_slice %arg8[%add3A_243, %dma_start3A_284] : memref<40x64xi32, #tpu.memory_space<vmem>> -> memref<1x64xi32, #tpu.memory_space<vmem>>
        %dma_start3A_286 = tpu.memref_squeeze %dma_start3A_285 : memref<1x64xi32, #tpu.memory_space<vmem>> -> memref<64xi32, #tpu.memory_space<vmem>>
        %dma_start3A_287 = arith.constant 0 : i32
        %dma_start3A_288 = arith.constant 0 : i32
        %dma_start3A_289 = tpu.memref_slice %arg13[%dma_start3A_287, %dma_start3A_288] : memref<10112x128xf32, #tpu.memory_space<vmem_shared>> -> memref<10112x128xf32, #tpu.memory_space<vmem_shared>>
        tpu.enqueue_indirect_dma source(%arg11 : memref<64x128xf32, #tpu.memory_space<vmem>>) target(%dma_start3A_289 : memref<10112x128xf32, #tpu.memory_space<vmem_shared>>) offsets(%dma_start3A_286 : memref<64xi32, #tpu.memory_space<vmem>>) semaphore(%run_scoped3A : memref<!tpu.dma_semaphore, #tpu.memory_space<semaphore_mem>>) {add = true}
        %dma_wait3A_290 = arith.constant 0 : i32
        %dma_wait3A_291 = tpu.memref_slice %arg8[%add3A_243, %dma_wait3A_290] : memref<40x64xi32, #tpu.memory_space<vmem>> -> memref<1x64xi32, #tpu.memory_space<vmem>>
        %dma_wait3A_292 = tpu.memref_squeeze %dma_wait3A_291 : memref<1x64xi32, #tpu.memory_space<vmem>> -> memref<64xi32, #tpu.memory_space<vmem>>
        %dma_wait3A_293 = arith.constant 0 : i32
        %dma_wait3A_294 = arith.constant 0 : i32
        %dma_wait3A_295 = tpu.memref_slice %arg13[%dma_wait3A_293, %dma_wait3A_294] : memref<10112x128xf32, #tpu.memory_space<vmem_shared>> -> memref<10112x128xf32, #tpu.memory_space<vmem_shared>>
        tpu.wait_indirect_dma semaphore(%run_scoped3A : memref<!tpu.dma_semaphore, #tpu.memory_space<semaphore_mem>>) src(%arg11 : memref<64x128xf32, #tpu.memory_space<vmem>>) dst(%dma_wait3A_295 : memref<10112x128xf32, #tpu.memory_space<vmem_shared>>)
        tpu.yield
      }) : () -> ()
      %mul3A_262 = arith.constant 4 : i32
      %mul3A_263 = arith.muli %add3A_197, %mul3A_262 : i32
      %add3A_264 = arith.constant 3 : i32
      %add3A_265 = arith.addi %mul3A_263, %add3A_264 : i32
      %add3A_266 = arith.constant 4 : i32
      %add3A_267 = arith.addi %add3A_265, %add3A_266 : i32
      %sub3A_268 = arith.constant 1 : i32
      %sub3A_269 = arith.subi %add3A_267, %sub3A_268 : i32
      %min3A_270 = arith.constant 39 : i32
      %min3A_271 = arith.minsi %sub3A_269, %min3A_270 : i32
      %dma_start3A_272 = arith.constant 0 : i32
      %dma_start3A_273 = tpu.memref_slice %arg7[%min3A_271, %dma_start3A_272] : memref<40x64xi32, #tpu.memory_space<vmem>> -> memref<1x64xi32, #tpu.memory_space<vmem>>
      %dma_start3A_274 = tpu.memref_squeeze %dma_start3A_273 : memref<1x64xi32, #tpu.memory_space<vmem>> -> memref<64xi32, #tpu.memory_space<vmem>>
      %dma_start3A_275 = arith.constant 0 : i32
      %dma_start3A_276 = arith.constant 0 : i32
      %dma_start3A_277 = tpu.memref_slice %arg2[%dma_start3A_275, %dma_start3A_276] : memref<10000x128xf32, #tpu.memory_space<hbm>> -> memref<10000x128xf32, #tpu.memory_space<hbm>>
      tpu.enqueue_indirect_dma source(%dma_start3A_277 : memref<10000x128xf32, #tpu.memory_space<hbm>>) target(%arg11 : memref<64x128xf32, #tpu.memory_space<vmem>>) offsets(%dma_start3A_274 : memref<64xi32, #tpu.memory_space<vmem>>) semaphore(%arg16 : memref<!tpu.dma_semaphore, #tpu.memory_space<semaphore_mem>>)
      %dma_wait3A_278 = arith.constant 0 : i32
      %dma_wait3A_279 = tpu.memref_slice %arg7[%add3A_265, %dma_wait3A_278] : memref<40x64xi32, #tpu.memory_space<vmem>> -> memref<1x64xi32, #tpu.memory_space<vmem>>
      %dma_wait3A_280 = tpu.memref_squeeze %dma_wait3A_279 : memref<1x64xi32, #tpu.memory_space<vmem>> -> memref<64xi32, #tpu.memory_space<vmem>>
      %dma_wait3A_281 = arith.constant 0 : i32
      %dma_wait3A_282 = arith.constant 0 : i32
      %dma_wait3A_283 = tpu.memref_slice %arg2[%dma_wait3A_281, %dma_wait3A_282] : memref<10000x128xf32, #tpu.memory_space<hbm>> -> memref<10000x128xf32, #tpu.memory_space<hbm>>
      tpu.wait_indirect_dma semaphore(%arg17 : memref<!tpu.dma_semaphore, #tpu.memory_space<semaphore_mem>>) src(%dma_wait3A_283 : memref<10000x128xf32, #tpu.memory_space<hbm>>) dst(%arg12 : memref<64x128xf32, #tpu.memory_space<vmem>>)
      "tpu.region"() ({
        %run_scoped3A = tpu.sem_alloc : memref<!tpu.dma_semaphore, #tpu.memory_space<semaphore_mem>>
        %dma_start3A_284 = arith.constant 0 : i32
        %dma_start3A_285 = tpu.memref_slice %arg8[%add3A_265, %dma_start3A_284] : memref<40x64xi32, #tpu.memory_space<vmem>> -> memref<1x64xi32, #tpu.memory_space<vmem>>
        %dma_start3A_286 = tpu.memref_squeeze %dma_start3A_285 : memref<1x64xi32, #tpu.memory_space<vmem>> -> memref<64xi32, #tpu.memory_space<vmem>>
        %dma_start3A_287 = arith.constant 0 : i32
        %dma_start3A_288 = arith.constant 0 : i32
        %dma_start3A_289 = tpu.memref_slice %arg13[%dma_start3A_287, %dma_start3A_288] : memref<10112x128xf32, #tpu.memory_space<vmem_shared>> -> memref<10112x128xf32, #tpu.memory_space<vmem_shared>>
        tpu.enqueue_indirect_dma source(%arg12 : memref<64x128xf32, #tpu.memory_space<vmem>>) target(%dma_start3A_289 : memref<10112x128xf32, #tpu.memory_space<vmem_shared>>) offsets(%dma_start3A_286 : memref<64xi32, #tpu.memory_space<vmem>>) semaphore(%run_scoped3A : memref<!tpu.dma_semaphore, #tpu.memory_space<semaphore_mem>>) {add = true}
        %dma_wait3A_290 = arith.constant 0 : i32
        %dma_wait3A_291 = tpu.memref_slice %arg8[%add3A_265, %dma_wait3A_290] : memref<40x64xi32, #tpu.memory_space<vmem>> -> memref<1x64xi32, #tpu.memory_space<vmem>>
        %dma_wait3A_292 = tpu.memref_squeeze %dma_wait3A_291 : memref<1x64xi32, #tpu.memory_space<vmem>> -> memref<64xi32, #tpu.memory_space<vmem>>
        %dma_wait3A_293 = arith.constant 0 : i32
        %dma_wait3A_294 = arith.constant 0 : i32
        %dma_wait3A_295 = tpu.memref_slice %arg13[%dma_wait3A_293, %dma_wait3A_294] : memref<10112x128xf32, #tpu.memory_space<vmem_shared>> -> memref<10112x128xf32, #tpu.memory_space<vmem_shared>>
        tpu.wait_indirect_dma semaphore(%run_scoped3A : memref<!tpu.dma_semaphore, #tpu.memory_space<semaphore_mem>>) src(%arg12 : memref<64x128xf32, #tpu.memory_space<vmem>>) dst(%dma_wait3A_295 : memref<10112x128xf32, #tpu.memory_space<vmem_shared>>)
        tpu.yield
      }) : () -> ()
    }
    %scan3A_166 = arith.constant 10 : i32
    %dma_wait3A_167 = arith.constant 39 : i32
    %dma_wait3A_168 = arith.constant 0 : i32
    %dma_wait3A_169 = tpu.memref_slice %arg7[%dma_wait3A_167, %dma_wait3A_168] : memref<40x64xi32, #tpu.memory_space<vmem>> -> memref<1x64xi32, #tpu.memory_space<vmem>>
    %dma_wait3A_170 = tpu.memref_squeeze %dma_wait3A_169 : memref<1x64xi32, #tpu.memory_space<vmem>> -> memref<64xi32, #tpu.memory_space<vmem>>
    %dma_wait3A_171 = arith.constant 0 : i32
    %dma_wait3A_172 = arith.constant 0 : i32
    %dma_wait3A_173 = tpu.memref_slice %arg2[%dma_wait3A_171, %dma_wait3A_172] : memref<10000x128xf32, #tpu.memory_space<hbm>> -> memref<10000x128xf32, #tpu.memory_space<hbm>>
    tpu.wait_indirect_dma semaphore(%arg14 : memref<!tpu.dma_semaphore, #tpu.memory_space<semaphore_mem>>) src(%dma_wait3A_173 : memref<10000x128xf32, #tpu.memory_space<hbm>>) dst(%arg9 : memref<64x128xf32, #tpu.memory_space<vmem>>)
    %dma_wait3A_174 = arith.constant 39 : i32
    %dma_wait3A_175 = arith.constant 0 : i32
    %dma_wait3A_176 = tpu.memref_slice %arg7[%dma_wait3A_174, %dma_wait3A_175] : memref<40x64xi32, #tpu.memory_space<vmem>> -> memref<1x64xi32, #tpu.memory_space<vmem>>
    %dma_wait3A_177 = tpu.memref_squeeze %dma_wait3A_176 : memref<1x64xi32, #tpu.memory_space<vmem>> -> memref<64xi32, #tpu.memory_space<vmem>>
    %dma_wait3A_178 = arith.constant 0 : i32
    %dma_wait3A_179 = arith.constant 0 : i32
    %dma_wait3A_180 = tpu.memref_slice %arg2[%dma_wait3A_178, %dma_wait3A_179] : memref<10000x128xf32, #tpu.memory_space<hbm>> -> memref<10000x128xf32, #tpu.memory_space<hbm>>
    tpu.wait_indirect_dma semaphore(%arg15 : memref<!tpu.dma_semaphore, #tpu.memory_space<semaphore_mem>>) src(%dma_wait3A_180 : memref<10000x128xf32, #tpu.memory_space<hbm>>) dst(%arg10 : memref<64x128xf32, #tpu.memory_space<vmem>>)
    %dma_wait3A_181 = arith.constant 39 : i32
    %dma_wait3A_182 = arith.constant 0 : i32
    %dma_wait3A_183 = tpu.memref_slice %arg7[%dma_wait3A_181, %dma_wait3A_182] : memref<40x64xi32, #tpu.memory_space<vmem>> -> memref<1x64xi32, #tpu.memory_space<vmem>>
    %dma_wait3A_184 = tpu.memref_squeeze %dma_wait3A_183 : memref<1x64xi32, #tpu.memory_space<vmem>> -> memref<64xi32, #tpu.memory_space<vmem>>
    %dma_wait3A_185 = arith.constant 0 : i32
    %dma_wait3A_186 = arith.constant 0 : i32
    %dma_wait3A_187 = tpu.memref_slice %arg2[%dma_wait3A_185, %dma_wait3A_186] : memref<10000x128xf32, #tpu.memory_space<hbm>> -> memref<10000x128xf32, #tpu.memory_space<hbm>>
    tpu.wait_indirect_dma semaphore(%arg16 : memref<!tpu.dma_semaphore, #tpu.memory_space<semaphore_mem>>) src(%dma_wait3A_187 : memref<10000x128xf32, #tpu.memory_space<hbm>>) dst(%arg11 : memref<64x128xf32, #tpu.memory_space<vmem>>)
    %barrier3A_188 = arith.constant 0 : index
    tpu.barrier barrier_id(%barrier3A_188)
    %mul3A_189 = arith.constant 632 : i32
    %mul3A_190 = arith.muli %arg1, %mul3A_189 : i32
    %mul3A_191 = arith.constant 632 : i32
    %mul3A_192 = arith.muli %arg1, %mul3A_191 : i32
    "tpu.region"() ({
      %run_scoped3A = tpu.sem_alloc : memref<!tpu.dma_semaphore, #tpu.memory_space<semaphore_mem>>
      %dma_start3A_193 = arith.constant 0 : i32
      %dma_start3A_194 = tpu.memref_slice %arg6[%arg0, %mul3A_192, %dma_start3A_193] : memref<2x10112x128xf32, #tpu.memory_space<hbm>> -> memref<1x632x128xf32, #tpu.memory_space<hbm>>
      %dma_start3A_195 = tpu.memref_squeeze %dma_start3A_194 : memref<1x632x128xf32, #tpu.memory_space<hbm>> -> memref<632x128xf32, #tpu.memory_space<hbm>>
      %dma_start3A_196 = arith.constant 0 : i32
      %dma_start3A_197 = tpu.memref_slice %arg13[%mul3A_190, %dma_start3A_196] : memref<10112x128xf32, #tpu.memory_space<vmem_shared>> -> memref<632x128xf32, #tpu.memory_space<vmem_shared>>
      tpu.enqueue_dma source(%dma_start3A_197 : memref<632x128xf32, #tpu.memory_space<vmem_shared>>) target(%dma_start3A_195 : memref<632x128xf32, #tpu.memory_space<hbm>>) target_semaphore(%run_scoped3A : memref<!tpu.dma_semaphore, #tpu.memory_space<semaphore_mem>>)
      %dma_wait3A_198 = arith.constant 0 : i32
      %dma_wait3A_199 = tpu.memref_slice %arg6[%arg0, %mul3A_192, %dma_wait3A_198] : memref<2x10112x128xf32, #tpu.memory_space<hbm>> -> memref<1x632x128xf32, #tpu.memory_space<hbm>>
      %dma_wait3A_200 = tpu.memref_squeeze %dma_wait3A_199 : memref<1x632x128xf32, #tpu.memory_space<hbm>> -> memref<632x128xf32, #tpu.memory_space<hbm>>
      %dma_wait3A_201 = arith.constant 0 : i32
      %dma_wait3A_202 = tpu.memref_slice %arg13[%mul3A_190, %dma_wait3A_201] : memref<10112x128xf32, #tpu.memory_space<vmem_shared>> -> memref<632x128xf32, #tpu.memory_space<vmem_shared>>
      tpu.wait_dma2 semaphore(%run_scoped3A : memref<!tpu.dma_semaphore, #tpu.memory_space<semaphore_mem>>) src(%dma_wait3A_202 : memref<632x128xf32, #tpu.memory_space<vmem_shared>>) dst(%dma_wait3A_200 : memref<632x128xf32, #tpu.memory_space<hbm>>)
      tpu.yield
    }) : () -> ()
    return
  }
}

module attributes {stable_mosaic.version = 14 : i64} {
  func.func @body(%arg0: memref<32x10000xf32, #tpu.memory_space<vmem>>, %arg1: memref<10000x128xf32, #tpu.memory_space<vmem>>, %arg2: memref<10000x128xf32, #tpu.memory_space<vmem>>) attributes {dimension_semantics = [], scalar_prefetch = 0 : i64, scratch_operands = 0 : i64, tpu.core_type = #tpu.core_type<tc>} {
    %get3A = arith.constant 0 : index
    %get3A_0 = arith.constant 0 : index
    %get3A_1 = vector.load %arg0[%get3A, %get3A_0] : memref<32x10000xf32, #tpu.memory_space<vmem>>, vector<32x10000xf32>
    %reduce_sum3A = arith.constant dense<0.000000e+00> : vector<10000xf32>
    %reduce_sum3A_2 = vector.multi_reduction <add>, %get3A_1, %reduce_sum3A [0] : vector<32x10000xf32> to vector<10000xf32>
    %add3A = arith.constant 1.000000e+00 : f32
    %add3A_3 = vector.broadcast %add3A : f32 to vector<10000xf32>
    %add3A_4 = arith.addf %reduce_sum3A_2, %add3A_3 : vector<10000xf32>
    %rsqrt3A = math.rsqrt %add3A_4 : vector<10000xf32>
    %get3A_5 = arith.constant 0 : index
    %get3A_6 = arith.constant 0 : index
    %get3A_7 = vector.load %arg1[%get3A_5, %get3A_6] : memref<10000x128xf32, #tpu.memory_space<vmem>>, vector<10000x128xf32>
    %broadcast_in_dim3A = vector.shape_cast %rsqrt3A : vector<10000xf32> to vector<10000x1xf32>
    %mul3A = vector.broadcast %broadcast_in_dim3A : vector<10000x1xf32> to vector<10000x128xf32>
    %mul3A_8 = arith.mulf %get3A_7, %mul3A : vector<10000x128xf32>
    %swap3A = arith.constant 0 : index
    %swap3A_9 = arith.constant 0 : index
    %swap3A_10 = vector.load %arg2[%swap3A, %swap3A_9] : memref<10000x128xf32, #tpu.memory_space<vmem>>, vector<10000x128xf32>
    tpu.vector_store %arg2[%swap3A, %swap3A_9], %mul3A_8 {strides = array<i32>} : memref<10000x128xf32, #tpu.memory_space<vmem>>, vector<10000x128xf32>,
    return
  }
}

module attributes {stable_mosaic.version = 14 : i64} {
  func.func @body(%arg0: memref<32x10000xf32, #tpu.memory_space<vmem>>, %arg1: memref<2x10112x128xf32, #tpu.memory_space<vmem>>, %arg2: memref<10000x128xf32, #tpu.memory_space<vmem>>, %arg3: memref<10000x128xf32, #tpu.memory_space<vmem>>) attributes {dimension_semantics = [], scalar_prefetch = 0 : i64, scratch_operands = 0 : i64, tpu.core_type = #tpu.core_type<tc>} {
    %get3A = arith.constant 0 : index
    %get3A_0 = arith.constant 0 : index
    %get3A_1 = vector.load %arg0[%get3A, %get3A_0] : memref<32x10000xf32, #tpu.memory_space<vmem>>, vector<32x10000xf32>
    %reduce_sum3A = arith.constant dense<0.000000e+00> : vector<10000xf32>
    %reduce_sum3A_2 = vector.multi_reduction <add>, %get3A_1, %reduce_sum3A [0] : vector<32x10000xf32> to vector<10000xf32>
    %add3A = arith.constant 1.000000e+00 : f32
    %add3A_3 = vector.broadcast %add3A : f32 to vector<10000xf32>
    %add3A_4 = arith.addf %reduce_sum3A_2, %add3A_3 : vector<10000xf32>
    %get3A_5 = arith.constant 0 : index
    %get3A_6 = arith.constant 0 : index
    %get3A_7 = arith.constant 0 : index
    %get3A_8 = vector.load %arg1[%get3A_5, %get3A_6, %get3A_7] : memref<2x10112x128xf32, #tpu.memory_space<vmem>>, vector<1x10000x128xf32>
    %get3A_9 = vector.shape_cast %get3A_8 : vector<1x10000x128xf32> to vector<10000x128xf32>
    %get3A_10 = arith.constant 1 : index
    %get3A_11 = arith.constant 0 : index
    %get3A_12 = arith.constant 0 : index
    %get3A_13 = vector.load %arg1[%get3A_10, %get3A_11, %get3A_12] : memref<2x10112x128xf32, #tpu.memory_space<vmem>>, vector<1x10000x128xf32>
    %get3A_14 = vector.shape_cast %get3A_13 : vector<1x10000x128xf32> to vector<10000x128xf32>
    %add3A_15 = arith.addf %get3A_9, %get3A_14 : vector<10000x128xf32>
    %get3A_16 = arith.constant 0 : index
    %get3A_17 = arith.constant 0 : index
    %get3A_18 = vector.load %arg2[%get3A_16, %get3A_17] : memref<10000x128xf32, #tpu.memory_space<vmem>>, vector<10000x128xf32>
    %add3A_19 = arith.addf %add3A_15, %get3A_18 : vector<10000x128xf32>
    %div3A = arith.constant 1.000000e+00 : f32
    %div3A_20 = vector.broadcast %div3A : f32 to vector<10000xf32>
    %div3A_21 = arith.divf %div3A_20, %add3A_4 : vector<10000xf32>
    %broadcast_in_dim3A = vector.shape_cast %div3A_21 : vector<10000xf32> to vector<10000x1xf32>
    %mul3A = vector.broadcast %broadcast_in_dim3A : vector<10000x1xf32> to vector<10000x128xf32>
    %mul3A_22 = arith.mulf %add3A_19, %mul3A : vector<10000x128xf32>
    %swap3A = arith.constant 0 : index
    %swap3A_23 = arith.constant 0 : index
    %swap3A_24 = vector.load %arg3[%swap3A, %swap3A_23] : memref<10000x128xf32, #tpu.memory_space<vmem>>, vector<10000x128xf32>
    tpu.vector_store %arg3[%swap3A, %swap3A_23], %mul3A_22 {strides = array<i32>} : memref<10000x128xf32, #tpu.memory_space<vmem>>, vector<10000x128xf32>,
    return
  }
}

module attributes {stable_mosaic.version = 14 : i64} {
  func.func @body(%arg0: memref<32x10000xf32, #tpu.memory_space<vmem>>, %arg1: memref<2x10112x128xf32, #tpu.memory_space<vmem>>, %arg2: memref<10000x128xf32, #tpu.memory_space<vmem>>, %arg3: memref<128x128xf32, #tpu.memory_space<vmem>>, %arg4: memref<128xf32, #tpu.memory_space<vmem>>, %arg5: memref<10000x128xf32, #tpu.memory_space<vmem>>) attributes {dimension_semantics = [], scalar_prefetch = 0 : i64, scratch_operands = 0 : i64, tpu.core_type = #tpu.core_type<tc>} {
    %get3A = arith.constant 0 : index
    %get3A_0 = arith.constant 0 : index
    %get3A_1 = vector.load %arg0[%get3A, %get3A_0] : memref<32x10000xf32, #tpu.memory_space<vmem>>, vector<32x10000xf32>
    %reduce_sum3A = arith.constant dense<0.000000e+00> : vector<10000xf32>
    %reduce_sum3A_2 = vector.multi_reduction <add>, %get3A_1, %reduce_sum3A [0] : vector<32x10000xf32> to vector<10000xf32>
    %add3A = arith.constant 1.000000e+00 : f32
    %add3A_3 = vector.broadcast %add3A : f32 to vector<10000xf32>
    %add3A_4 = arith.addf %reduce_sum3A_2, %add3A_3 : vector<10000xf32>
    %rsqrt3A = math.rsqrt %add3A_4 : vector<10000xf32>
    %get3A_5 = arith.constant 0 : index
    %get3A_6 = arith.constant 0 : index
    %get3A_7 = arith.constant 0 : index
    %get3A_8 = vector.load %arg1[%get3A_5, %get3A_6, %get3A_7] : memref<2x10112x128xf32, #tpu.memory_space<vmem>>, vector<1x10000x128xf32>
    %get3A_9 = vector.shape_cast %get3A_8 : vector<1x10000x128xf32> to vector<10000x128xf32>
    %get3A_10 = arith.constant 1 : index
    %get3A_11 = arith.constant 0 : index
    %get3A_12 = arith.constant 0 : index
    %get3A_13 = vector.load %arg1[%get3A_10, %get3A_11, %get3A_12] : memref<2x10112x128xf32, #tpu.memory_space<vmem>>, vector<1x10000x128xf32>
    %get3A_14 = vector.shape_cast %get3A_13 : vector<1x10000x128xf32> to vector<10000x128xf32>
    %add3A_15 = arith.addf %get3A_9, %get3A_14 : vector<10000x128xf32>
    %get3A_16 = arith.constant 0 : index
    %get3A_17 = arith.constant 0 : index
    %get3A_18 = vector.load %arg2[%get3A_16, %get3A_17] : memref<10000x128xf32, #tpu.memory_space<vmem>>, vector<10000x128xf32>
    %add3A_19 = arith.addf %add3A_15, %get3A_18 : vector<10000x128xf32>
    %broadcast_in_dim3A = vector.shape_cast %rsqrt3A : vector<10000xf32> to vector<10000x1xf32>
    %mul3A = vector.broadcast %broadcast_in_dim3A : vector<10000x1xf32> to vector<10000x128xf32>
    %mul3A_20 = arith.mulf %add3A_19, %mul3A : vector<10000x128xf32>
    %get3A_21 = arith.constant 0 : index
    %get3A_22 = arith.constant 0 : index
    %get3A_23 = vector.load %arg3[%get3A_21, %get3A_22] : memref<128x128xf32, #tpu.memory_space<vmem>>, vector<128x128xf32>
    %dot_general3A = arith.constant dense<0.000000e+00> : vector<10000x128xf32>
    %dot_general3A_24 = tpu.matmul %mul3A_20, %get3A_23, %dot_general3A {dimension_numbers = #tpu.dot_dimension_numbers<[1], [1], [0], [0], [0, 0, 1, 0], [], []>, transpose_lhs_hint = false} : vector<10000x128xf32>, vector<128x128xf32>, vector<10000x128xf32> -> vector<10000x128xf32>
    %get3A_25 = arith.constant 0 : index
    %get3A_26 = vector.load %arg4[%get3A_25] : memref<128xf32, #tpu.memory_space<vmem>>, vector<128xf32>
    %broadcast_in_dim3A_27 = vector.shape_cast %get3A_26 : vector<128xf32> to vector<1x128xf32>
    %add3A_28 = vector.broadcast %broadcast_in_dim3A_27 : vector<1x128xf32> to vector<10000x128xf32>
    %add3A_29 = arith.addf %dot_general3A_24, %add3A_28 : vector<10000x128xf32>
    %swap3A = arith.constant 0 : index
    %swap3A_30 = arith.constant 0 : index
    %swap3A_31 = vector.load %arg5[%swap3A, %swap3A_30] : memref<10000x128xf32, #tpu.memory_space<vmem>>, vector<10000x128xf32>
    tpu.vector_store %arg5[%swap3A, %swap3A_30], %add3A_29 {strides = array<i32>} : memref<10000x128xf32, #tpu.memory_space<vmem>>, vector<10000x128xf32>,
    return
  }
}

</mosaic_0001>

<sc_bundles>
// kernel: kernel.11.cloned.1.call-start
scs
__scs_entry_jumppad:
0x0: {  	(pc) =	sbr.rel $0x88, $3  }
0x1: {  	(tag) =	ssettag $0x0;
	lr =	simm.s32 $0x1  }
0x2: {  	[smem:$0x3F9D] =	sst lr;
	_ =	strace $0xD0000000  }
0x3: {  	_ = 	snop  }
0x4: {  	_ = 	snop  }
0x5: {  	_ = 	snop  }
0x6: {  	_ = 	snop  }
0x7: {  	_ = 	snop  }
__scs_overlays_trampoline_lowered:
0x8: {  	[smem:$0x3FAC] =	sst s0  }
0x9: {  	[smem:$0x3FAD] =	sst s1  }
0xa: {  	[smem:$0x3FAE] =	sst s2  }
0xb: {  	[smem:$0x3FAF] =	sst s3  }
0xc: {  	[smem:$0x3FB0] =	sst s4  }
0xd: {  	[smem:$0x3FB1] =	sst s5  }
0xe: {  	[smem:$0x3FB2] =	sst s6  }
0xf: {  	[smem:$0x3FB3] =	sst s7  }
0x10: {  	[smem:$0x3FB4] =	sst s8  }
0x11: {  	[smem:$0x3FB5] =	sst s9;
	s0 =	simm.s32 @!p0 $0x0  }
0x12: {  	s1 =	sld [smem:$0x3F9B];
	s0 =	simm.s32 @p0 $0x1  }
0x13: {  	[smem:$0x3FB6] =	sst s0;
	s0 =	simm.s32 @!p1 $0x0  }
0x14: {  	s2 =	sld [smem:$0x3F9A];
	s0 =	simm.s32 @p1 $0x1  }
0x15: {  	[smem:$0x3FB7] =	sst s0;
	s0 =	simm.s32 @!p2 $0x0  }
0x16: {  	s3 =	sld [smem:$0x3FDB];
	s0 =	simm.s32 @p2 $0x1  }
0x17: {  	s4 =	simm.s32 $0x1BF5;
	[smem:$0x3FB9] =	sst s0  }
0x18: {  	s0 =	sld [smem:$0x3F9C];
	_ =	swait.ge [sflag:s4], $0x0  }
0x19: {  	s7 =	sld [smem:$0x3F9D]  }
0x1a: {  	s8 =	sadd.s32 $0xFFFFE003, lr  }
0x1b: {  	s9 =	sadd.s32 $0xFFFFFEF7, lr;
	s5 =	simm.s32 $0xFFFFFFFF;
	p2 =	slt.u32 s8, $0xFFFFF086  }
0x1c: {  	p1 =	slt.u32 s9, $0xF7A;
	s5 =	simm.s32 @!p2 $0x0  }
0x1d: {  	s5 =	simm.s32 @p1 $0x1;
	p0 =	seq.s32 s7, s2  }
0x1e: {  	s7 =	smul.u32 @!p0 $0xF7A, s2;
	p2 =	seq.s32 @!p0 s5, $0x0  }
0x1f: {  	s9 =	smul.u32 $0xF7A, s1;
	s8 =	simm.s32 @!p0 $0x1BF5;
	p2 =	por !p2, p0  }
0x20: {  	[sflag:s8] =	ssyncset.s32 @!p0 $0xFFFFF086;
	s6 =	sadd.s32 @!p0 s3, s7;
	s7 =	simm.s32 @!p0 $0x108  }
0x21: {  	s3 =	sadd.s32 s3, s9;
	s6 =	sadd.s32 @!p0 $0x88, s6;
	s7 =	simm.s32 @p2 $0x1082  }
0x22: {  	[simem:s7], [sflag:s8] =	dma.local @!p0 [hbm:s6], $0xF7A  }
0x23: {  	s9 =	sor.u32 $0xD0000000, s2;
	s6 =	simm.s32 $0x108;
	_ =	swait.ge @!p0 [sflag:s8], $0x0  }
0x24: {  	s3 =	sadd.s32 $0x88, s3;
	s6 =	simm.s32 @!p1 $0x1082;
	[sflag:s4] =	ssyncset.s32 $0xFFFFF086  }
0x25: {  	[simem:s6], [sflag:s4] =	dma.local [hbm:s3], $0xF7A  }
0x26: {  	[smem:$0x3F9D] =	sst s1;
	(tag) =	ssettag s2;
	_ =	strace s9  }
0x27: {  	s1 =	sld [smem:$0x3FAD]  }
0x28: {  	s2 =	sld [smem:$0x3FAE]  }
0x29: {  	s4 =	sld [smem:$0x3FB0]  }
0x2a: {  	p0 =	seq.s32 s5, $0x0;
	s5 =	sld [smem:$0x3FB1]  }
0x2b: {  	s6 =	sld [smem:$0x3FB2]  }
0x2c: {  	s7 =	sld [smem:$0x3FB3]  }
0x2d: {  	s3 =	simm.s32 $0x108;
	s8 =	sld [smem:$0x3FB4]  }
0x2e: {  	s3 =	simm.s32 @!p0 $0x1082;
	s9 =	sld [smem:$0x3FB5]  }
0x2f: {  	lr =	sadd.s32 s0, s3;
	s0 =	sld [smem:$0x3FAC]  }
0x30: {  	s3 =	sld [smem:$0x3FAF]  }
0x31: {  	[smem:$0x3FB8] =	sst s10  }
0x32: {  	s10 =	sld [smem:$0x3FB6];
	_ =	sdelay $0x3  }
0x33: {  	p0 =	seq.s32 s10, $0x1;
	s10 =	sld [smem:$0x3FB8];
	_ =	sdelay $0x3  }
0x34: {  	[smem:$0x3FB8] =	sst s10  }
0x35: {  	s10 =	sld [smem:$0x3FB7];
	_ =	sdelay $0x3  }
0x36: {  	p1 =	seq.s32 s10, $0x1;
	s10 =	sld [smem:$0x3FB8];
	_ =	sdelay $0x3  }
0x37: {  	[smem:$0x3FB8] =	sst s10  }
0x38: {  	s10 =	sld [smem:$0x3FB9]  }
0x39: {  	_ = 	snop;
	(pc) =	sbr.ind lr, $3  }
0x3a: {  	_ = 	snop  }
0x3b: {  	_ = 	snop  }
0x3c: {  	p2 =	seq.s32 s10, $0x1;
	s10 =	sld [smem:$0x3FB8]  }
0x3d: {  	_ =	shalt  }
0x3e: {  	_ =	shalt  }
0x3f: {  	_ =	shalt  }
0x40: {  	_ =	shalt  }
0x41: {  	_ =	shalt  }
0x42: {  	_ =	shalt  }
0x43: {  	_ =	shalt  }
0x44: {  	_ =	shalt  }
0x45: {  	_ =	shalt  }
0x46: {  	_ =	shalt  }
0x47: {  	_ =	shalt  }
0x48: {  	_ =	shalt  }
0x49: {  	_ =	shalt  }
0x4a: {  	_ =	shalt  }
0x4b: {  	_ =	shalt  }
0x4c: {  	_ =	shalt  }
0x4d: {  	_ =	shalt  }
0x4e: {  	_ =	shalt  }
0x4f: {  	_ =	shalt  }
0x50: {  	_ =	shalt  }
0x51: {  	_ =	shalt  }
0x52: {  	_ =	shalt  }
0x53: {  	_ =	shalt  }
0x54: {  	_ =	shalt  }
0x55: {  	_ =	shalt  }
0x56: {  	_ =	shalt  }
0x57: {  	_ =	shalt  }
0x58: {  	_ =	shalt  }
0x59: {  	_ =	shalt  }
0x5a: {  	_ =	shalt  }
0x5b: {  	_ =	shalt  }
0x5c: {  	_ =	shalt  }
0x5d: {  	_ =	shalt  }
0x5e: {  	_ =	shalt  }
0x5f: {  	_ =	shalt  }
0x60: {  	_ =	shalt  }
0x61: {  	_ =	shalt  }
0x62: {  	_ =	shalt  }
0x63: {  	_ =	shalt  }
0x64: {  	_ =	shalt  }
0x65: {  	_ =	shalt  }
0x66: {  	_ =	shalt  }
0x67: {  	_ =	shalt  }
0x68: {  	_ =	shalt  }
0x69: {  	_ =	shalt  }
0x6a: {  	_ =	shalt  }
0x6b: {  	_ =	shalt  }
0x6c: {  	_ =	shalt  }
0x6d: {  	_ =	shalt  }
0x6e: {  	_ =	shalt  }
0x6f: {  	_ =	shalt  }
0x70: {  	_ =	shalt  }
0x71: {  	_ =	shalt  }
0x72: {  	_ =	shalt  }
0x73: {  	_ =	shalt  }
0x74: {  	_ =	shalt  }
0x75: {  	_ =	shalt  }
0x76: {  	_ =	shalt  }
0x77: {  	_ =	shalt  }
0x78: {  	_ =	shalt  }
0x79: {  	_ =	shalt  }
0x7a: {  	_ =	shalt  }
0x7b: {  	_ =	shalt  }
0x7c: {  	_ =	shalt  }
0x7d: {  	_ =	shalt  }
0x7e: {  	_ =	shalt  }
0x7f: {  	_ =	shalt  }
0x80: {  	_ =	shalt  }
0x81: {  	_ =	shalt  }
0x82: {  	_ =	shalt  }
0x83: {  	_ =	shalt  }
0x84: {  	_ =	shalt  }
0x85: {  	_ =	shalt  }
0x86: {  	_ =	shalt  }
0x87: {  	_ =	shalt  }
.Lfunc_end0:
.L_simem_size_0:
called_computation.1_lowered:
.L_overlay_start_0:
0x88: {  	s2 =	sld [smem:$0x3FD9]  }
0x89: {  	s3 =	sld [smem:$0x3FFE];
	_ =	sdelay $0x1  }
0x8a: {  	s1 =	srdreg.scid  }
0x8b: {  	s0 =	sand.u32 $0x1, s1  }
0x8c: {  	s17 =	sshll.u32 s0, $0xA;
	s2 =	sadd.s32 s3, s2  }
0x8d: {  	s2 =	sadd.s32 s2, s17  }
0x8e: {  	[smem:$0x3FC4] =	sst s2  }
0x8f: {  	_ = 	snop  }
0x90: {  	s2 =	sld [smem:$0x3FD0];
	(tm) =	ssettm $0x1  }
0x91: {  	s18 =	sld [smem:$0x3FFB];
	_ =	sdelay $0x3  }
0x92: {  	_ =	strace s18  }
0x93: {  	s3 =	sld [smem:$0x3FFC];
	_ =	sdelay $0x3  }
0x94: {  	_ =	strace s3  }
0x95: {  	s3 =	sld [smem:$0x3FFD];
	_ =	sdelay $0x3  }
0x96: {  	_ =	strace s3  }
0x97: {  	_ =	strace $0x8FFFFFFF  }
0x98: {  	s19 =	sld [smem:$0x3FDB];
	_ =	sdelay $0x1  }
0x99: {  	s4 =	simm.s32 $_scs_section_size  }
0x9a: {  	s5 =	simm.s32 $_size__tile_overlayer_lowered;
	s6 =	simm.s32 $_tile_overlayer_lowered  }
0x9b: {  	s22 =	simm.s32 $0x1BFF;
	s21 =	sshll.u32 s6, $0x1;
	s3 =	sadd.s32 s4, s19  }
0x9c: {  	s7 =	simm.s32 $0x0;
	s20 =	sshll.u32 s5, $0x1;
	s5 =	sadd.s32 s21, s3  }
0x9d: {  	[timem:s7], [sflag:s22] =	dma.local [hbm:s5], s20  }
0x9e: {  	_ =	swait.ge [sflag:s22], s20  }
0x9f: {  	s4 =	ssub.s32 $0x0, s20;
	[sflag:s22] =	ssyncset.done $0x0  }
0xa0: {  	[sflag:s22] =	ssyncadd.s32 s4;
	_ =	sdelay $0x1  }
0xa1: {  	s23 =	simm.s32 $0x1B8B  }
0xa2: {  	_ =	swait.ge [sflag:s23], $0x1  }
0xa3: {  	[sflag:s23] =	ssyncset.done $0x0  }
0xa4: {  	s25 =	simm.s32 $0x1B8E;
	s24 =	sld [smem:$0x3FFE];
	[sflag:s23] =	ssyncadd.s32 $0xFFFFFFFF  }
0xa5: {  	s26 =	simm.s32 $execute0_lowered;
	[smem:$0x3FD2] =	sst s25  }
0xa6: {  	s5 =	sshll.u32 s26, $0x1;
	_ =	strace $0x80000049;
	[dreg:$0x1] =	wrdreg $0xFFFFFFFF  }
0xa7: {  	s28 =	simm.s32 $_size_execute0_lowered;
	s3 =	sadd.s32 s3, s5;
	[dreg:$0x0] =	wrdreg $0x0  }
0xa8: {  	s5 =	sshll.u32 s28, $0x1;
	[dreg:$0x2] =	wrdreg s3  }
0xa9: {  	[dreg:$0x3] =	wrdreg s5  }
0xaa: {  	[dreg:$0x4] =	wrdreg $0xC0  }
0xab: {  	_ =	task [dreg:s7], $0x5FFFF  }
0xac: {  	[dreg:$0x1] =	wrdreg $0xFFFFFFFF  }
0xad: {  	[dreg:$0x0] =	wrdreg $0x60  }
0xae: {  	[dreg:$0x2] =	wrdreg s2  }
0xaf: {  	[dreg:$0x3] =	wrdreg s24  }
0xb0: {  	[dreg:$0x4] =	wrdreg $0xA8000  }
0xb1: {  	[dreg:$0x5] =	wrdreg $0x9  }
0xb2: {  	_ =	task.clear_ibuf [dreg:s7], $0x6FFFF;
	_ =	strace $0x90000049  }
0xb3: {  	s29 =	simm.s32 $0x9;
	_ =	strace $0x8000004B  }
0xb4: {  	_ =	swait.ge [sflag:s29], $0x1  }
0xb5: {  	[sflag:s29] =	ssyncadd.s32 $0xFFFFFFFF  }
0xb6: {  	_ =	strace $0x9000004B  }
0xb7: {  	_ =	sfence  }
0xb8: {  	s30 =	sld [smem:$0x0];
	_ =	sdelay $0x2  }
0xb9: {  	s31 =	sshll.u32 s1, $0xD;
	s1 =	sshrl.u32 s1, $0x2  }
0xba: {  	s3 =	sand.u32 $0x4000, s31;
	s1 =	sadd.s32 s1, s30  }
0xbb: {  	s0 =	sor.u32 s3, s0;
	s1 =	sshll.u32 s1, $0x11  }
0xbc: {  	s0 =	sor.u32 s1, s0  }
0xbd: {  	s0 =	sadd.s32 $0x8F2B, s0  }
0xbe: {  	[sflag:s0] =	ssyncadd.remote.s32 $0x1  }
0xbf: {  	_ =	sfence.sel $0xFFFF  }
0xc0: {  	[dreg:$0x0] =	wrdreg $0xFFFFFFFF;
	(pc) =	sbr.abs _section_cstart, $3  }
0xc1: {  	[dreg:$0x1] =	wrdreg $0xFFFFFFFF  }
0xc2: {  	_ =	task.clear_ibuf [dreg:s7], $0x2FFFF;
	_ =	strace $0x9FFFFFFF  }
0xc3: {  	(tm) =	ssettm $0x7FFFFFFF  }
tec
execute0_lowered:
.L_overlay_start_1:
0x0: {  	(tag) =	ssettag $0x1  }
0x1: {  	s1 =	rddreg [dreg:$0x0]  }
0x2: {  	s0 =	rddreg [dreg:$0x1]  }
0x3: {  	s2 =	rddreg [dreg:$0x2];
	s3 =	srdreg.scid;
	s4 =	simm.s32 $0x0  }
0x4: {  	s10 =	stileid.u32;
	s28 =	simm.s32 $0x1;
	s29 =	simm.s32 $0x2  }
0x5: {  	s30 =	simm.s32 $0x3;
	s31 =	simm.s32 $0x4;
	s3 =	sand.u32 $0x1, s3  }
0x6: {  	[smem:$0x7FF] =	sst s4;
	s6 =	smul.u32 $0x13C00, s10;
	s7 =	sadd.s32 $0x16400, s0  }
0x7: {  	s8 =	sadd.s32 $0x2400, s0;
	s16 =	sadd.s32 $0x2A400, s0;
	s18 =	smul.u32 $0x4F000, s10  }
0x8: {  	s17 =	sshll.u32 s10, $0x1;
	s20 =	sshll.u32 s10, $0x6;
	s5 =	smul.u32 $0x13C000, s3  }
0x9: {  	_ =	strace $0x8000004A;
	s9 =	ssub.s32 $0x2, s3;
	s3 =	sor.u32 s3, s17  }
0xa: {  	[dreg:$0x4] =	wrdreg s16;
	s19 =	sshrl.u32 s9, $0x1;
	s3 =	smul.u32 $0x5000, s3  }
0xb: {  	s5 =	sadd.s32 s6, s5;
	s6 =	sshrl.u32 s18, $0x2;
	s18 =	simm.s32 $0x5  }
0xc: {  	s5 =	sshrl.u32 s5, $0x3;
	s21 =	sadd.s32 s6, s2;
	s6 =	sor.u32 $0x1C05, s20  }
0xd: {  	s3 =	sshrl.u32 s3, $0x3;
	s20 =	simm.s32 $0x40;
	s0 =	sadd.s32 s5, s0  }
0xe: {  	s5 =	ssub.s32 s9, s19;
	s22 =	sadd.s32 s7, s3;
	s23 =	sadd.s32 s8, s3  }
0xf: {  	s24 =	sadd.s32 $0x280, s3;
	s25 =	sadd.s32 $0x500, s3;
	s3 =	sadd.s32 $0x780, s3  }
0x10: {  	s17 =	sshrl.u32 s21, $0x3;
	s19 =	simm.s32 $0x1400;
	[dreg:$0x5] =	wrdreg s22  }
0x11: {  	s21 =	simm.s32 $0x2800;
	[dreg:$0x6] =	wrdreg s23;
	s11 =	sadd.s32 s7, s24  }
0x12: {  	s9 =	sadd.s32 s8, s24;
	s26 =	sadd.s32 s7, s25;
	s7 =	sadd.s32 s7, s3  }
0x13: {  	s3 =	sadd.s32 s8, s3;
	s15 =	sadd.s32 $0x2CC00, s0;
	[dreg:$0x7] =	wrdreg s11  }
0x14: {  	s16 =	smax.u32 s5, $0x1;
	s22 =	simm.s32 $0x80;
	[dreg:$0x8] =	wrdreg s9  }
0x15: {  	s23 =	simm.s32 $0x4800;
	s24 =	simm.s32 $0x100;
	[dreg:$0x9] =	wrdreg s26  }
0x16: {  	s0 =	simm.s32 $0x1380;
	s5 =	simm.s32 $0x2680;
	[dreg:$0xb] =	wrdreg s7  }
0x17: {  	s9 =	sadd.s32 s8, s25;
	[dreg:$0xc] =	wrdreg s3;
	s25 =	simm.s32 $0x6800  }
0x18: {  	s26 =	simm.s32 $0x8800;
	s3 =	simm.s32 $0x2600;
	s7 =	simm.s32 $0x2700  }
0x19: {  	s8 =	simm.s32 $0x2780;
	[dreg:$0xa] =	wrdreg s9;
	s9 =	simm.s32 $0x0  }
.LBB2_1:
0x1a: {  	s10 =	rddreg [dreg:$0x4]  }
0x1b: {  	[spmem:s17], [sflag:s6] =	dma.local [hbm:s10], $0x2780  }
0x1c: {  	_ =	swait.ge [sflag:s18], $0x2780  }
0x1d: {  	[sflag:s18] =	ssyncset.done $0x0  }
0x1e: {  	[sflag:s18] =	ssyncadd.s32 $0xFFFFD880  }
0x1f: {  	[bflag:$0x0] =	sbarrier.arrive $0xFFFF  }
0x20: {  	s13 =	rddreg [dreg:$0x5]  }
0x21: {  	[tilespmem:s4], [sflag:$0x5] =	stream.linear.gather [hbm4b:s13+s4], $0x1400, $0x38;
	[tilespmem:$0x1E400] =	vst v63  }
0x22: {  	_ =	swait.ge [sflag:s18], $0x1400  }
0x23: {  	[sflag:s18] =	ssyncset.done $0x0  }
0x24: {  	s14 =	rddreg [dreg:$0x6];
	[sflag:s18] =	ssyncadd.s32 $0xFFFFEC00  }
0x25: {  	[tilespmem:s19], [sflag:$0x5] =	stream.linear.gather [hbm4b:s14+s4], $0x1400, $0x38;
	[tilespmem:$0x1E400] =	vst v63  }
0x26: {  	_ =	swait.ge [sflag:s18], $0x1400  }
0x27: {  	[sflag:s18] =	ssyncset.done $0x0  }
0x28: {  	[sflag:s18] =	ssyncadd.s32 $0xFFFFEC00  }
0x29: {  	[tilespmem:s21], [sflag:$0x1] =	stream.indirect.gather [hbm4b:s1+s20], $0x80, s4, s20, $0xb8;
	[tilespmem:$0x1E400] =	vst v63  }
0x2a: {  	_ = 	snop  }
0x2b: {  	[tilespmem:s23], [sflag:$0x2] =	stream.indirect.gather [hbm4b:s1+s20], $0x80, s22, s20, $0xb8;
	[tilespmem:$0x1E400] =	vst v63  }
0x2c: {  	_ = 	snop  }
0x2d: {  	[tilespmem:s25], [sflag:$0x3] =	stream.indirect.gather [hbm4b:s1+s20], $0x80, s24, s20, $0xb8;
	[tilespmem:$0x1E400] =	vst v63  }
0x2e: {  	s11 =	simm.s32 $0x180  }
0x2f: {  	[tilespmem:s26], [sflag:$0x4] =	stream.indirect.gather [hbm4b:s1+s20], $0x80, s11, s20, $0xb8;
	[tilespmem:$0x1E400] =	vst v63  }
0x30: {  	_ =	swait.ge [sflag:s28], $0x2000  }
0x31: {  	[sflag:s28] =	ssyncset.done $0x0  }
0x32: {  	s12 =	simm.s32 $0x1400;
	[sflag:s28] =	ssyncadd.s32 $0xFFFFE000  }
0x33: {  	[spmem:s2] =	stream.indirect.scatter.add.f32 [tilespmem:s21], [sflag:$0x5], $0x80, s12, s20, $0xb8;
	[tilespmem:$0x1E400] =	vst v63  }
0x34: {  	_ =	swait.ge [sflag:s18], $0x2000  }
0x35: {  	[sflag:s18] =	ssyncset.done $0x0  }
0x36: {  	s13 =	simm.s32 $0x200;
	[sflag:s18] =	ssyncadd.s32 $0xFFFFE000  }
0x37: {  	[tilespmem:s21], [sflag:$0x1] =	stream.indirect.gather [hbm4b:s1+s20], $0x80, s13, s20, $0xb8;
	[tilespmem:$0x1E400] =	vst v63  }
0x38: {  	_ =	swait.ge [sflag:s29], $0x2000  }
0x39: {  	[sflag:s29] =	ssyncset.done $0x0  }
0x3a: {  	s14 =	simm.s32 $0x1480;
	[sflag:s29] =	ssyncadd.s32 $0xFFFFE000  }
0x3b: {  	[spmem:s2] =	stream.indirect.scatter.add.f32 [tilespmem:s23], [sflag:$0x5], $0x80, s14, s20, $0xb8;
	[tilespmem:$0x1E400] =	vst v63  }
0x3c: {  	_ =	swait.ge [sflag:s18], $0x2000  }
0x3d: {  	[sflag:s18] =	ssyncset.done $0x0  }
0x3e: {  	s11 =	simm.s32 $0x280;
	[sflag:s18] =	ssyncadd.s32 $0xFFFFE000  }
0x3f: {  	[tilespmem:s23], [sflag:$0x2] =	stream.indirect.gather [hbm4b:s1+s20], $0x80, s11, s20, $0xb8;
	[tilespmem:$0x1E400] =	vst v63  }
0x40: {  	_ =	swait.ge [sflag:s30], $0x2000  }
0x41: {  	[sflag:s30] =	ssyncset.done $0x0  }
0x42: {  	s12 =	simm.s32 $0x1500;
	[sflag:s30] =	ssyncadd.s32 $0xFFFFE000  }
0x43: {  	[spmem:s2] =	stream.indirect.scatter.add.f32 [tilespmem:s25], [sflag:$0x5], $0x80, s12, s20, $0xb8;
	[tilespmem:$0x1E400] =	vst v63  }
0x44: {  	_ =	swait.ge [sflag:s18], $0x2000  }
0x45: {  	[sflag:s18] =	ssyncset.done $0x0  }
0x46: {  	s13 =	simm.s32 $0x300;
	[sflag:s18] =	ssyncadd.s32 $0xFFFFE000  }
0x47: {  	[tilespmem:s25], [sflag:$0x3] =	stream.indirect.gather [hbm4b:s1+s20], $0x80, s13, s20, $0xb8;
	[tilespmem:$0x1E400] =	vst v63  }
0x48: {  	_ =	swait.ge [sflag:s31], $0x2000  }
0x49: {  	[sflag:s31] =	ssyncset.done $0x0  }
0x4a: {  	s14 =	simm.s32 $0x1580;
	[sflag:s31] =	ssyncadd.s32 $0xFFFFE000  }
0x4b: {  	[spmem:s2] =	stream.indirect.scatter.add.f32 [tilespmem:s26], [sflag:$0x5], $0x80, s14, s20, $0xb8;
	[tilespmem:$0x1E400] =	vst v63  }
0x4c: {  	_ =	swait.ge [sflag:s18], $0x2000  }
0x4d: {  	s10 =	simm.s32 $0x200;
	s11 =	simm.s32 $0x1000;
	[sflag:s18] =	ssyncset.done $0x0  }
.LBB2_2:
0x4e: {  	s14 =	sadd.s32 $0x180, s10  }
0x4f: {  	[sflag:s18] =	ssyncadd.s32 $0xFFFFE000;
	s12 =	smov.u32 s11;
	s13 =	sadd.s32 $0x800, s11  }
0x50: {  	[tilespmem:s26], [sflag:$0x4] =	stream.indirect.gather [hbm4b:s1+s20], $0x80, s14, s20, $0xb8;
	[tilespmem:$0x1E400] =	vst v63  }
0x51: {  	p0 =	sne.s32 s11, $0x4000;
	_ =	swait.ge [sflag:s28], $0x2000  }
0x52: {  	[sflag:s28] =	ssyncset.done $0x0  }
0x53: {  	s11 =	sadd.s32 $0x1400, s10;
	[sflag:s28] =	ssyncadd.s32 $0xFFFFE000  }
0x54: {  	[spmem:s2] =	stream.indirect.scatter.add.f32 [tilespmem:s21], [sflag:$0x5], $0x80, s11, s20, $0xb8;
	[tilespmem:$0x1E400] =	vst v63  }
0x55: {  	_ =	swait.ge [sflag:s18], $0x2000  }
0x56: {  	[sflag:s18] =	ssyncset.done $0x0  }
0x57: {  	s11 =	sadd.s32 $0x200, s10;
	[sflag:s18] =	ssyncadd.s32 $0xFFFFE000  }
0x58: {  	[tilespmem:s21], [sflag:$0x1] =	stream.indirect.gather [hbm4b:s1+s20], $0x80, s11, s20, $0xb8;
	[tilespmem:$0x1E400] =	vst v63  }
0x59: {  	_ =	swait.ge [sflag:s29], $0x2000  }
0x5a: {  	[sflag:s29] =	ssyncset.done $0x0  }
0x5b: {  	s11 =	sadd.s32 $0x1480, s10;
	[sflag:s29] =	ssyncadd.s32 $0xFFFFE000  }
0x5c: {  	[spmem:s2] =	stream.indirect.scatter.add.f32 [tilespmem:s23], [sflag:$0x5], $0x80, s11, s20, $0xb8;
	[tilespmem:$0x1E400] =	vst v63  }
0x5d: {  	_ =	swait.ge [sflag:s18], $0x2000  }
0x5e: {  	[sflag:s18] =	ssyncset.done $0x0  }
0x5f: {  	s11 =	sadd.s32 $0x280, s10;
	[sflag:s18] =	ssyncadd.s32 $0xFFFFE000  }
0x60: {  	[tilespmem:s23], [sflag:$0x2] =	stream.indirect.gather [hbm4b:s1+s20], $0x80, s11, s20, $0xb8;
	[tilespmem:$0x1E400] =	vst v63  }
0x61: {  	_ =	swait.ge [sflag:s30], $0x2000  }
0x62: {  	[sflag:s30] =	ssyncset.done $0x0  }
0x63: {  	s11 =	sadd.s32 $0x1500, s10;
	[sflag:s30] =	ssyncadd.s32 $0xFFFFE000  }
0x64: {  	[spmem:s2] =	stream.indirect.scatter.add.f32 [tilespmem:s25], [sflag:$0x5], $0x80, s11, s20, $0xb8;
	[tilespmem:$0x1E400] =	vst v63  }
0x65: {  	_ =	swait.ge [sflag:s18], $0x2000  }
0x66: {  	[sflag:s18] =	ssyncset.done $0x0  }
0x67: {  	s11 =	sadd.s32 $0x300, s10;
	[sflag:s18] =	ssyncadd.s32 $0xFFFFE000  }
0x68: {  	[tilespmem:s25], [sflag:$0x3] =	stream.indirect.gather [hbm4b:s1+s20], $0x80, s11, s20, $0xb8;
	[tilespmem:$0x1E400] =	vst v63  }
0x69: {  	_ =	swait.ge [sflag:s31], $0x2000  }
.Ltmp0:
0x6a: {  	[sflag:s31] =	ssyncset.done $0x0;
	(pc) =	sbr.rel @p0 .LBB2_2-.Ltmp0, $4  }
0x6b: {  	s10 =	sadd.s32 $0x1580, s10;
	[sflag:s31] =	ssyncadd.s32 $0xFFFFE000  }
0x6c: {  	[spmem:s2] =	stream.indirect.scatter.add.f32 [tilespmem:s26], [sflag:$0x5], $0x80, s10, s20, $0xb8;
	[tilespmem:$0x1E400] =	vst v63  }
0x6d: {  	_ =	swait.ge [sflag:s18], $0x2000  }
0x6e: {  	s11 =	smov.u32 s13;
	s10 =	sshra.s32 s12, $0x2;
	[sflag:s18] =	ssyncset.done $0x0  }
0x6f: {  	s11 =	sadd.s32 $0x180, s10;
	[sflag:s18] =	ssyncadd.s32 $0xFFFFE000  }
0x70: {  	[tilespmem:s26], [sflag:$0x4] =	stream.indirect.gather [hbm4b:s1+s20], $0x80, s11, s20, $0xb8;
	[tilespmem:$0x1E400] =	vst v63  }
0x71: {  	_ =	swait.ge [sflag:s28], $0x2000  }
0x72: {  	[sflag:s28] =	ssyncset.done $0x0  }
0x73: {  	s12 =	sadd.s32 $0x1400, s10;
	[sflag:s28] =	ssyncadd.s32 $0xFFFFE000  }
0x74: {  	[spmem:s2] =	stream.indirect.scatter.add.f32 [tilespmem:s21], [sflag:$0x5], $0x80, s12, s20, $0xb8;
	[tilespmem:$0x1E400] =	vst v63  }
0x75: {  	_ =	swait.ge [sflag:s18], $0x2000  }
0x76: {  	[sflag:s18] =	ssyncset.done $0x0  }
0x77: {  	s13 =	sadd.s32 $0x200, s10;
	[sflag:s18] =	ssyncadd.s32 $0xFFFFE000  }
0x78: {  	[tilespmem:s21], [sflag:$0x1] =	stream.indirect.gather [hbm4b:s1+s20], $0x80, s13, s20, $0xb8;
	[tilespmem:$0x1E400] =	vst v63  }
0x79: {  	_ =	swait.ge [sflag:s29], $0x2000  }
0x7a: {  	[sflag:s29] =	ssyncset.done $0x0  }
0x7b: {  	s14 =	sadd.s32 $0x1480, s10;
	[sflag:s29] =	ssyncadd.s32 $0xFFFFE000  }
0x7c: {  	[spmem:s2] =	stream.indirect.scatter.add.f32 [tilespmem:s23], [sflag:$0x5], $0x80, s14, s20, $0xb8;
	[tilespmem:$0x1E400] =	vst v63  }
0x7d: {  	_ =	swait.ge [sflag:s18], $0x2000  }
0x7e: {  	[sflag:s18] =	ssyncset.done $0x0  }
0x7f: {  	s12 =	sadd.s32 $0x280, s10;
	[sflag:s18] =	ssyncadd.s32 $0xFFFFE000  }
0x80: {  	[tilespmem:s23], [sflag:$0x2] =	stream.indirect.gather [hbm4b:s1+s20], $0x80, s12, s20, $0xb8;
	[tilespmem:$0x1E400] =	vst v63  }
0x81: {  	_ =	swait.ge [sflag:s30], $0x2000  }
0x82: {  	[sflag:s30] =	ssyncset.done $0x0  }
0x83: {  	s13 =	sadd.s32 $0x1500, s10;
	[sflag:s30] =	ssyncadd.s32 $0xFFFFE000  }
0x84: {  	[spmem:s2] =	stream.indirect.scatter.add.f32 [tilespmem:s25], [sflag:$0x5], $0x80, s13, s20, $0xb8;
	[tilespmem:$0x1E400] =	vst v63  }
0x85: {  	_ =	swait.ge [sflag:s18], $0x2000  }
0x86: {  	[sflag:s18] =	ssyncset.done $0x0  }
0x87: {  	s14 =	sadd.s32 $0x300, s10;
	[sflag:s18] =	ssyncadd.s32 $0xFFFFE000  }
0x88: {  	[tilespmem:s25], [sflag:$0x3] =	stream.indirect.gather [hbm4b:s1+s20], $0x80, s14, s20, $0xb8;
	[tilespmem:$0x1E400] =	vst v63  }
0x89: {  	_ =	swait.ge [sflag:s31], $0x2000  }
0x8a: {  	[sflag:s31] =	ssyncset.done $0x0  }
0x8b: {  	s11 =	sadd.s32 $0x1580, s10;
	[sflag:s31] =	ssyncadd.s32 $0xFFFFE000  }
0x8c: {  	[spmem:s2] =	stream.indirect.scatter.add.f32 [tilespmem:s26], [sflag:$0x5], $0x80, s11, s20, $0xb8;
	[tilespmem:$0x1E400] =	vst v63  }
0x8d: {  	_ =	swait.ge [sflag:s18], $0x2000  }
0x8e: {  	[sflag:s18] =	ssyncset.done $0x0  }
0x8f: {  	[sflag:s18] =	ssyncadd.s32 $0xFFFFE000  }
0x90: {  	[tilespmem:s26], [sflag:$0x4] =	stream.indirect.gather [hbm4b:s1+s20], $0x80, s0, s20, $0xb8;
	[tilespmem:$0x1E400] =	vst v63  }
0x91: {  	_ =	swait.ge [sflag:s28], $0x2000  }
0x92: {  	[sflag:s28] =	ssyncset.done $0x0  }
0x93: {  	[sflag:s28] =	ssyncadd.s32 $0xFFFFE000  }
0x94: {  	[spmem:s2] =	stream.indirect.scatter.add.f32 [tilespmem:s21], [sflag:$0x5], $0x80, s3, s20, $0xb8;
	[tilespmem:$0x1E400] =	vst v63  }
0x95: {  	_ =	swait.ge [sflag:s18], $0x2000  }
0x96: {  	[sflag:s18] =	ssyncset.done $0x0  }
0x97: {  	[sflag:s18] =	ssyncadd.s32 $0xFFFFE000  }
0x98: {  	[tilespmem:s21], [sflag:$0x1] =	stream.indirect.gather [hbm4b:s1+s20], $0x80, s0, s20, $0xb8;
	[tilespmem:$0x1E400] =	vst v63  }
0x99: {  	_ =	swait.ge [sflag:s29], $0x2000  }
0x9a: {  	[sflag:s29] =	ssyncset.done $0x0  }
0x9b: {  	[sflag:s29] =	ssyncadd.s32 $0xFFFFE000  }
0x9c: {  	[spmem:s2] =	stream.indirect.scatter.add.f32 [tilespmem:s23], [sflag:$0x5], $0x80, s5, s20, $0xb8;
	[tilespmem:$0x1E400] =	vst v63  }
0x9d: {  	_ =	swait.ge [sflag:s18], $0x2000  }
0x9e: {  	[sflag:s18] =	ssyncset.done $0x0  }
0x9f: {  	[sflag:s18] =	ssyncadd.s32 $0xFFFFE000  }
0xa0: {  	[tilespmem:s23], [sflag:$0x2] =	stream.indirect.gather [hbm4b:s1+s20], $0x80, s0, s20, $0xb8;
	[tilespmem:$0x1E400] =	vst v63  }
0xa1: {  	_ =	swait.ge [sflag:s30], $0x2000  }
0xa2: {  	[sflag:s30] =	ssyncset.done $0x0  }
0xa3: {  	[sflag:s30] =	ssyncadd.s32 $0xFFFFE000  }
0xa4: {  	[spmem:s2] =	stream.indirect.scatter.add.f32 [tilespmem:s25], [sflag:$0x5], $0x80, s7, s20, $0xb8;
	[tilespmem:$0x1E400] =	vst v63  }
0xa5: {  	_ =	swait.ge [sflag:s18], $0x2000  }
0xa6: {  	[sflag:s18] =	ssyncset.done $0x0  }
0xa7: {  	[sflag:s18] =	ssyncadd.s32 $0xFFFFE000  }
0xa8: {  	[tilespmem:s25], [sflag:$0x3] =	stream.indirect.gather [hbm4b:s1+s20], $0x80, s0, s20, $0xb8;
	[tilespmem:$0x1E400] =	vst v63  }
0xa9: {  	_ =	swait.ge [sflag:s31], $0x2000  }
0xaa: {  	[sflag:s31] =	ssyncset.done $0x0  }
0xab: {  	[sflag:s31] =	ssyncadd.s32 $0xFFFFE000  }
0xac: {  	[spmem:s2] =	stream.indirect.scatter.add.f32 [tilespmem:s26], [sflag:$0x5], $0x80, s8, s20, $0xb8;
	[tilespmem:$0x1E400] =	vst v63  }
0xad: {  	_ =	swait.ge [sflag:s18], $0x2000  }
0xae: {  	[sflag:s18] =	ssyncset.done $0x0  }
0xaf: {  	[sflag:s18] =	ssyncadd.s32 $0xFFFFE000  }
0xb0: {  	_ =	swait.ge [sflag:s28], $0x2000  }
0xb1: {  	[sflag:s28] =	ssyncset.done $0x0  }
0xb2: {  	[sflag:s28] =	ssyncadd.s32 $0xFFFFE000  }
0xb3: {  	_ =	swait.ge [sflag:s29], $0x2000  }
0xb4: {  	[sflag:s29] =	ssyncset.done $0x0  }
0xb5: {  	[sflag:s29] =	ssyncadd.s32 $0xFFFFE000  }
0xb6: {  	_ =	swait.ge [sflag:s30], $0x2000  }
0xb7: {  	[sflag:s30] =	ssyncset.done $0x0  }
0xb8: {  	s12 =	simm.s32 $0x0;
	s13 =	rddreg [dreg:$0x7];
	[sflag:s30] =	ssyncadd.s32 $0xFFFFE000  }
0xb9: {  	[tilespmem:s12], [sflag:$0x5] =	stream.linear.gather [hbm4b:s13+s12], $0x1400, $0x38;
	[tilespmem:$0x1E400] =	vst v63  }
0xba: {  	_ =	swait.ge [sflag:s18], $0x1400  }
0xbb: {  	[sflag:s18] =	ssyncset.done $0x0  }
0xbc: {  	s14 =	rddreg [dreg:$0x8];
	[sflag:s18] =	ssyncadd.s32 $0xFFFFEC00  }
0xbd: {  	[tilespmem:s19], [sflag:$0x5] =	stream.linear.gather [hbm4b:s14+s12], $0x1400, $0x38;
	[tilespmem:$0x1E400] =	vst v63  }
0xbe: {  	_ =	swait.ge [sflag:s18], $0x1400  }
0xbf: {  	[sflag:s18] =	ssyncset.done $0x0  }
0xc0: {  	[sflag:s18] =	ssyncadd.s32 $0xFFFFEC00  }
0xc1: {  	[tilespmem:s21], [sflag:$0x1] =	stream.indirect.gather [hbm4b:s1+s20], $0x80, s12, s20, $0xb8;
	[tilespmem:$0x1E400] =	vst v63  }
0xc2: {  	_ = 	snop  }
0xc3: {  	[tilespmem:s23], [sflag:$0x2] =	stream.indirect.gather [hbm4b:s1+s20], $0x80, s22, s20, $0xb8;
	[tilespmem:$0x1E400] =	vst v63  }
0xc4: {  	_ = 	snop  }
0xc5: {  	[tilespmem:s25], [sflag:$0x3] =	stream.indirect.gather [hbm4b:s1+s20], $0x80, s24, s20, $0xb8;
	[tilespmem:$0x1E400] =	vst v63  }
0xc6: {  	s11 =	simm.s32 $0x180  }
0xc7: {  	[tilespmem:s26], [sflag:$0x4] =	stream.indirect.gather [hbm4b:s1+s20], $0x80, s11, s20, $0xb8;
	[tilespmem:$0x1E400] =	vst v63  }
0xc8: {  	_ =	swait.ge [sflag:s28], $0x2000  }
0xc9: {  	[sflag:s28] =	ssyncset.done $0x0  }
0xca: {  	s12 =	simm.s32 $0x1400;
	[sflag:s28] =	ssyncadd.s32 $0xFFFFE000  }
0xcb: {  	[spmem:s2] =	stream.indirect.scatter.add.f32 [tilespmem:s21], [sflag:$0x5], $0x80, s12, s20, $0xb8;
	[tilespmem:$0x1E400] =	vst v63  }
0xcc: {  	_ =	swait.ge [sflag:s18], $0x2000  }
0xcd: {  	[sflag:s18] =	ssyncset.done $0x0  }
0xce: {  	s13 =	simm.s32 $0x200;
	[sflag:s18] =	ssyncadd.s32 $0xFFFFE000  }
0xcf: {  	[tilespmem:s21], [sflag:$0x1] =	stream.indirect.gather [hbm4b:s1+s20], $0x80, s13, s20, $0xb8;
	[tilespmem:$0x1E400] =	vst v63  }
0xd0: {  	_ =	swait.ge [sflag:s29], $0x2000  }
0xd1: {  	[sflag:s29] =	ssyncset.done $0x0  }
0xd2: {  	s14 =	simm.s32 $0x1480;
	[sflag:s29] =	ssyncadd.s32 $0xFFFFE000  }
0xd3: {  	[spmem:s2] =	stream.indirect.scatter.add.f32 [tilespmem:s23], [sflag:$0x5], $0x80, s14, s20, $0xb8;
	[tilespmem:$0x1E400] =	vst v63  }
0xd4: {  	_ =	swait.ge [sflag:s18], $0x2000  }
0xd5: {  	[sflag:s18] =	ssyncset.done $0x0  }
0xd6: {  	s11 =	simm.s32 $0x280;
	[sflag:s18] =	ssyncadd.s32 $0xFFFFE000  }
0xd7: {  	[tilespmem:s23], [sflag:$0x2] =	stream.indirect.gather [hbm4b:s1+s20], $0x80, s11, s20, $0xb8;
	[tilespmem:$0x1E400] =	vst v63  }
0xd8: {  	_ =	swait.ge [sflag:s30], $0x2000  }
0xd9: {  	[sflag:s30] =	ssyncset.done $0x0  }
0xda: {  	s12 =	simm.s32 $0x1500;
	[sflag:s30] =	ssyncadd.s32 $0xFFFFE000  }
0xdb: {  	[spmem:s2] =	stream.indirect.scatter.add.f32 [tilespmem:s25], [sflag:$0x5], $0x80, s12, s20, $0xb8;
	[tilespmem:$0x1E400] =	vst v63  }
0xdc: {  	_ =	swait.ge [sflag:s18], $0x2000  }
0xdd: {  	[sflag:s18] =	ssyncset.done $0x0  }
0xde: {  	s13 =	simm.s32 $0x300;
	[sflag:s18] =	ssyncadd.s32 $0xFFFFE000  }
0xdf: {  	[tilespmem:s25], [sflag:$0x3] =	stream.indirect.gather [hbm4b:s1+s20], $0x80, s13, s20, $0xb8;
	[tilespmem:$0x1E400] =	vst v63  }
0xe0: {  	_ =	swait.ge [sflag:s31], $0x2000  }
0xe1: {  	[sflag:s31] =	ssyncset.done $0x0  }
0xe2: {  	s14 =	simm.s32 $0x1580;
	[sflag:s31] =	ssyncadd.s32 $0xFFFFE000  }
0xe3: {  	[spmem:s2] =	stream.indirect.scatter.add.f32 [tilespmem:s26], [sflag:$0x5], $0x80, s14, s20, $0xb8;
	[tilespmem:$0x1E400] =	vst v63  }
0xe4: {  	_ =	swait.ge [sflag:s18], $0x2000  }
0xe5: {  	s10 =	simm.s32 $0x200;
	s13 =	simm.s32 $0x1000;
	[sflag:s18] =	ssyncset.done $0x0  }
.LBB2_4:
0xe6: {  	s14 =	sadd.s32 $0x180, s10  }
0xe7: {  	[sflag:s18] =	ssyncadd.s32 $0xFFFFE000;
	s12 =	smov.u32 s13;
	s11 =	sadd.s32 $0x800, s13  }
0xe8: {  	[tilespmem:s26], [sflag:$0x4] =	stream.indirect.gather [hbm4b:s1+s20], $0x80, s14, s20, $0xb8;
	[tilespmem:$0x1E400] =	vst v63  }
0xe9: {  	p0 =	sne.s32 s13, $0x4000;
	_ =	swait.ge [sflag:s28], $0x2000  }
0xea: {  	[sflag:s28] =	ssyncset.done $0x0  }
0xeb: {  	s13 =	sadd.s32 $0x1400, s10;
	[sflag:s28] =	ssyncadd.s32 $0xFFFFE000  }
0xec: {  	[spmem:s2] =	stream.indirect.scatter.add.f32 [tilespmem:s21], [sflag:$0x5], $0x80, s13, s20, $0xb8;
	[tilespmem:$0x1E400] =	vst v63  }
0xed: {  	_ =	swait.ge [sflag:s18], $0x2000  }
0xee: {  	[sflag:s18] =	ssyncset.done $0x0  }
0xef: {  	s13 =	sadd.s32 $0x200, s10;
	[sflag:s18] =	ssyncadd.s32 $0xFFFFE000  }
0xf0: {  	[tilespmem:s21], [sflag:$0x1] =	stream.indirect.gather [hbm4b:s1+s20], $0x80, s13, s20, $0xb8;
	[tilespmem:$0x1E400] =	vst v63  }
0xf1: {  	_ =	swait.ge [sflag:s29], $0x2000  }
0xf2: {  	[sflag:s29] =	ssyncset.done $0x0  }
0xf3: {  	s13 =	sadd.s32 $0x1480, s10;
	[sflag:s29] =	ssyncadd.s32 $0xFFFFE000  }
0xf4: {  	[spmem:s2] =	stream.indirect.scatter.add.f32 [tilespmem:s23], [sflag:$0x5], $0x80, s13, s20, $0xb8;
	[tilespmem:$0x1E400] =	vst v63  }
0xf5: {  	_ =	swait.ge [sflag:s18], $0x2000  }
0xf6: {  	[sflag:s18] =	ssyncset.done $0x0  }
0xf7: {  	s13 =	sadd.s32 $0x280, s10;
	[sflag:s18] =	ssyncadd.s32 $0xFFFFE000  }
0xf8: {  	[tilespmem:s23], [sflag:$0x2] =	stream.indirect.gather [hbm4b:s1+s20], $0x80, s13, s20, $0xb8;
	[tilespmem:$0x1E400] =	vst v63  }
0xf9: {  	_ =	swait.ge [sflag:s30], $0x2000  }
0xfa: {  	[sflag:s30] =	ssyncset.done $0x0  }
0xfb: {  	s13 =	sadd.s32 $0x1500, s10;
	[sflag:s30] =	ssyncadd.s32 $0xFFFFE000  }
0xfc: {  	[spmem:s2] =	stream.indirect.scatter.add.f32 [tilespmem:s25], [sflag:$0x5], $0x80, s13, s20, $0xb8;
	[tilespmem:$0x1E400] =	vst v63  }
0xfd: {  	_ =	swait.ge [sflag:s18], $0x2000  }
0xfe: {  	[sflag:s18] =	ssyncset.done $0x0  }
0xff: {  	s13 =	sadd.s32 $0x300, s10;
	[sflag:s18] =	ssyncadd.s32 $0xFFFFE000  }
0x100: {  	[tilespmem:s25], [sflag:$0x3] =	stream.indirect.gather [hbm4b:s1+s20], $0x80, s13, s20, $0xb8;
	[tilespmem:$0x1E400] =	vst v63  }
0x101: {  	_ =	swait.ge [sflag:s31], $0x2000  }
.Ltmp1:
0x102: {  	[sflag:s31] =	ssyncset.done $0x0;
	(pc) =	sbr.rel @p0 .LBB2_4-.Ltmp1, $4  }
0x103: {  	s10 =	sadd.s32 $0x1580, s10;
	[sflag:s31] =	ssyncadd.s32 $0xFFFFE000  }
0x104: {  	[spmem:s2] =	stream.indirect.scatter.add.f32 [tilespmem:s26], [sflag:$0x5], $0x80, s10, s20, $0xb8;
	[tilespmem:$0x1E400] =	vst v63  }
0x105: {  	_ =	swait.ge [sflag:s18], $0x2000  }
0x106: {  	s13 =	smov.u32 s11;
	s10 =	sshra.s32 s12, $0x2;
	[sflag:s18] =	ssyncset.done $0x0  }
0x107: {  	s11 =	sadd.s32 $0x180, s10;
	[sflag:s18] =	ssyncadd.s32 $0xFFFFE000  }
0x108: {  	[tilespmem:s26], [sflag:$0x4] =	stream.indirect.gather [hbm4b:s1+s20], $0x80, s11, s20, $0xb8;
	[tilespmem:$0x1E400] =	vst v63  }
0x109: {  	_ =	swait.ge [sflag:s28], $0x2000  }
0x10a: {  	[sflag:s28] =	ssyncset.done $0x0  }
0x10b: {  	s12 =	sadd.s32 $0x1400, s10;
	[sflag:s28] =	ssyncadd.s32 $0xFFFFE000  }
0x10c: {  	[spmem:s2] =	stream.indirect.scatter.add.f32 [tilespmem:s21], [sflag:$0x5], $0x80, s12, s20, $0xb8;
	[tilespmem:$0x1E400] =	vst v63  }
0x10d: {  	_ =	swait.ge [sflag:s18], $0x2000  }
0x10e: {  	[sflag:s18] =	ssyncset.done $0x0  }
0x10f: {  	s13 =	sadd.s32 $0x200, s10;
	[sflag:s18] =	ssyncadd.s32 $0xFFFFE000  }
0x110: {  	[tilespmem:s21], [sflag:$0x1] =	stream.indirect.gather [hbm4b:s1+s20], $0x80, s13, s20, $0xb8;
	[tilespmem:$0x1E400] =	vst v63  }
0x111: {  	_ =	swait.ge [sflag:s29], $0x2000  }
0x112: {  	[sflag:s29] =	ssyncset.done $0x0  }
0x113: {  	s14 =	sadd.s32 $0x1480, s10;
	[sflag:s29] =	ssyncadd.s32 $0xFFFFE000  }
0x114: {  	[spmem:s2] =	stream.indirect.scatter.add.f32 [tilespmem:s23], [sflag:$0x5], $0x80, s14, s20, $0xb8;
	[tilespmem:$0x1E400] =	vst v63  }
0x115: {  	_ =	swait.ge [sflag:s18], $0x2000  }
0x116: {  	[sflag:s18] =	ssyncset.done $0x0  }
0x117: {  	s12 =	sadd.s32 $0x280, s10;
	[sflag:s18] =	ssyncadd.s32 $0xFFFFE000  }
0x118: {  	[tilespmem:s23], [sflag:$0x2] =	stream.indirect.gather [hbm4b:s1+s20], $0x80, s12, s20, $0xb8;
	[tilespmem:$0x1E400] =	vst v63  }
0x119: {  	_ =	swait.ge [sflag:s30], $0x2000  }
0x11a: {  	[sflag:s30] =	ssyncset.done $0x0  }
0x11b: {  	s13 =	sadd.s32 $0x1500, s10;
	[sflag:s30] =	ssyncadd.s32 $0xFFFFE000  }
0x11c: {  	[spmem:s2] =	stream.indirect.scatter.add.f32 [tilespmem:s25], [sflag:$0x5], $0x80, s13, s20, $0xb8;
	[tilespmem:$0x1E400] =	vst v63  }
0x11d: {  	_ =	swait.ge [sflag:s18], $0x2000  }
0x11e: {  	[sflag:s18] =	ssyncset.done $0x0  }
0x11f: {  	s14 =	sadd.s32 $0x300, s10;
	[sflag:s18] =	ssyncadd.s32 $0xFFFFE000  }
0x120: {  	[tilespmem:s25], [sflag:$0x3] =	stream.indirect.gather [hbm4b:s1+s20], $0x80, s14, s20, $0xb8;
	[tilespmem:$0x1E400] =	vst v63  }
0x121: {  	_ =	swait.ge [sflag:s31], $0x2000  }
0x122: {  	[sflag:s31] =	ssyncset.done $0x0  }
0x123: {  	s11 =	sadd.s32 $0x1580, s10;
	[sflag:s31] =	ssyncadd.s32 $0xFFFFE000  }
0x124: {  	[spmem:s2] =	stream.indirect.scatter.add.f32 [tilespmem:s26], [sflag:$0x5], $0x80, s11, s20, $0xb8;
	[tilespmem:$0x1E400] =	vst v63  }
0x125: {  	_ =	swait.ge [sflag:s18], $0x2000  }
0x126: {  	[sflag:s18] =	ssyncset.done $0x0  }
0x127: {  	[sflag:s18] =	ssyncadd.s32 $0xFFFFE000  }
0x128: {  	[tilespmem:s26], [sflag:$0x4] =	stream.indirect.gather [hbm4b:s1+s20], $0x80, s0, s20, $0xb8;
	[tilespmem:$0x1E400] =	vst v63  }
0x129: {  	_ =	swait.ge [sflag:s28], $0x2000  }
0x12a: {  	[sflag:s28] =	ssyncset.done $0x0  }
0x12b: {  	[sflag:s28] =	ssyncadd.s32 $0xFFFFE000  }
0x12c: {  	[spmem:s2] =	stream.indirect.scatter.add.f32 [tilespmem:s21], [sflag:$0x5], $0x80, s3, s20, $0xb8;
	[tilespmem:$0x1E400] =	vst v63  }
0x12d: {  	_ =	swait.ge [sflag:s18], $0x2000  }
0x12e: {  	[sflag:s18] =	ssyncset.done $0x0  }
0x12f: {  	[sflag:s18] =	ssyncadd.s32 $0xFFFFE000  }
0x130: {  	[tilespmem:s21], [sflag:$0x1] =	stream.indirect.gather [hbm4b:s1+s20], $0x80, s0, s20, $0xb8;
	[tilespmem:$0x1E400] =	vst v63  }
0x131: {  	_ =	swait.ge [sflag:s29], $0x2000  }
0x132: {  	[sflag:s29] =	ssyncset.done $0x0  }
0x133: {  	[sflag:s29] =	ssyncadd.s32 $0xFFFFE000  }
0x134: {  	[spmem:s2] =	stream.indirect.scatter.add.f32 [tilespmem:s23], [sflag:$0x5], $0x80, s5, s20, $0xb8;
	[tilespmem:$0x1E400] =	vst v63  }
0x135: {  	_ =	swait.ge [sflag:s18], $0x2000  }
0x136: {  	[sflag:s18] =	ssyncset.done $0x0  }
0x137: {  	[sflag:s18] =	ssyncadd.s32 $0xFFFFE000  }
0x138: {  	[tilespmem:s23], [sflag:$0x2] =	stream.indirect.gather [hbm4b:s1+s20], $0x80, s0, s20, $0xb8;
	[tilespmem:$0x1E400] =	vst v63  }
0x139: {  	_ =	swait.ge [sflag:s30], $0x2000  }
0x13a: {  	[sflag:s30] =	ssyncset.done $0x0  }
0x13b: {  	[sflag:s30] =	ssyncadd.s32 $0xFFFFE000  }
0x13c: {  	[spmem:s2] =	stream.indirect.scatter.add.f32 [tilespmem:s25], [sflag:$0x5], $0x80, s7, s20, $0xb8;
	[tilespmem:$0x1E400] =	vst v63  }
0x13d: {  	_ =	swait.ge [sflag:s18], $0x2000  }
0x13e: {  	[sflag:s18] =	ssyncset.done $0x0  }
0x13f: {  	[sflag:s18] =	ssyncadd.s32 $0xFFFFE000  }
0x140: {  	[tilespmem:s25], [sflag:$0x3] =	stream.indirect.gather [hbm4b:s1+s20], $0x80, s0, s20, $0xb8;
	[tilespmem:$0x1E400] =	vst v63  }
0x141: {  	_ =	swait.ge [sflag:s31], $0x2000  }
0x142: {  	[sflag:s31] =	ssyncset.done $0x0  }
0x143: {  	[sflag:s31] =	ssyncadd.s32 $0xFFFFE000  }
0x144: {  	[spmem:s2] =	stream.indirect.scatter.add.f32 [tilespmem:s26], [sflag:$0x5], $0x80, s8, s20, $0xb8;
	[tilespmem:$0x1E400] =	vst v63  }
0x145: {  	_ =	swait.ge [sflag:s18], $0x2000  }
0x146: {  	[sflag:s18] =	ssyncset.done $0x0  }
0x147: {  	[sflag:s18] =	ssyncadd.s32 $0xFFFFE000  }
0x148: {  	_ =	swait.ge [sflag:s28], $0x2000  }
0x149: {  	[sflag:s28] =	ssyncset.done $0x0  }
0x14a: {  	[sflag:s28] =	ssyncadd.s32 $0xFFFFE000  }
0x14b: {  	_ =	swait.ge [sflag:s29], $0x2000  }
0x14c: {  	[sflag:s29] =	ssyncset.done $0x0  }
0x14d: {  	[sflag:s29] =	ssyncadd.s32 $0xFFFFE000  }
0x14e: {  	_ =	swait.ge [sflag:s30], $0x2000  }
0x14f: {  	[sflag:s30] =	ssyncset.done $0x0  }
0x150: {  	s12 =	simm.s32 $0x0;
	s13 =	rddreg [dreg:$0x9];
	[sflag:s30] =	ssyncadd.s32 $0xFFFFE000  }
0x151: {  	[tilespmem:s12], [sflag:$0x5] =	stream.linear.gather [hbm4b:s13+s12], $0x1400, $0x38;
	[tilespmem:$0x1E400] =	vst v63  }
0x152: {  	_ =	swait.ge [sflag:s18], $0x1400  }
0x153: {  	[sflag:s18] =	ssyncset.done $0x0  }
0x154: {  	s14 =	rddreg [dreg:$0xa];
	[sflag:s18] =	ssyncadd.s32 $0xFFFFEC00  }
0x155: {  	[tilespmem:s19], [sflag:$0x5] =	stream.linear.gather [hbm4b:s14+s12], $0x1400, $0x38;
	[tilespmem:$0x1E400] =	vst v63  }
0x156: {  	_ =	swait.ge [sflag:s18], $0x1400  }
0x157: {  	[sflag:s18] =	ssyncset.done $0x0  }
0x158: {  	[sflag:s18] =	ssyncadd.s32 $0xFFFFEC00  }
0x159: {  	[tilespmem:s21], [sflag:$0x1] =	stream.indirect.gather [hbm4b:s1+s20], $0x80, s12, s20, $0xb8;
	[tilespmem:$0x1E400] =	vst v63  }
0x15a: {  	_ = 	snop  }
0x15b: {  	[tilespmem:s23], [sflag:$0x2] =	stream.indirect.gather [hbm4b:s1+s20], $0x80, s22, s20, $0xb8;
	[tilespmem:$0x1E400] =	vst v63  }
0x15c: {  	_ = 	snop  }
0x15d: {  	[tilespmem:s25], [sflag:$0x3] =	stream.indirect.gather [hbm4b:s1+s20], $0x80, s24, s20, $0xb8;
	[tilespmem:$0x1E400] =	vst v63  }
0x15e: {  	s11 =	simm.s32 $0x180  }
0x15f: {  	[tilespmem:s26], [sflag:$0x4] =	stream.indirect.gather [hbm4b:s1+s20], $0x80, s11, s20, $0xb8;
	[tilespmem:$0x1E400] =	vst v63  }
0x160: {  	_ =	swait.ge [sflag:s28], $0x2000  }
0x161: {  	[sflag:s28] =	ssyncset.done $0x0  }
0x162: {  	s12 =	simm.s32 $0x1400;
	[sflag:s28] =	ssyncadd.s32 $0xFFFFE000  }
0x163: {  	[spmem:s2] =	stream.indirect.scatter.add.f32 [tilespmem:s21], [sflag:$0x5], $0x80, s12, s20, $0xb8;
	[tilespmem:$0x1E400] =	vst v63  }
0x164: {  	_ =	swait.ge [sflag:s18], $0x2000  }
0x165: {  	[sflag:s18] =	ssyncset.done $0x0  }
0x166: {  	s13 =	simm.s32 $0x200;
	[sflag:s18] =	ssyncadd.s32 $0xFFFFE000  }
0x167: {  	[tilespmem:s21], [sflag:$0x1] =	stream.indirect.gather [hbm4b:s1+s20], $0x80, s13, s20, $0xb8;
	[tilespmem:$0x1E400] =	vst v63  }
0x168: {  	_ =	swait.ge [sflag:s29], $0x2000  }
0x169: {  	[sflag:s29] =	ssyncset.done $0x0  }
0x16a: {  	s14 =	simm.s32 $0x1480;
	[sflag:s29] =	ssyncadd.s32 $0xFFFFE000  }
0x16b: {  	[spmem:s2] =	stream.indirect.scatter.add.f32 [tilespmem:s23], [sflag:$0x5], $0x80, s14, s20, $0xb8;
	[tilespmem:$0x1E400] =	vst v63  }
0x16c: {  	_ =	swait.ge [sflag:s18], $0x2000  }
0x16d: {  	[sflag:s18] =	ssyncset.done $0x0  }
0x16e: {  	s11 =	simm.s32 $0x280;
	[sflag:s18] =	ssyncadd.s32 $0xFFFFE000  }
0x16f: {  	[tilespmem:s23], [sflag:$0x2] =	stream.indirect.gather [hbm4b:s1+s20], $0x80, s11, s20, $0xb8;
	[tilespmem:$0x1E400] =	vst v63  }
0x170: {  	_ =	swait.ge [sflag:s30], $0x2000  }
0x171: {  	[sflag:s30] =	ssyncset.done $0x0  }
0x172: {  	s12 =	simm.s32 $0x1500;
	[sflag:s30] =	ssyncadd.s32 $0xFFFFE000  }
0x173: {  	[spmem:s2] =	stream.indirect.scatter.add.f32 [tilespmem:s25], [sflag:$0x5], $0x80, s12, s20, $0xb8;
	[tilespmem:$0x1E400] =	vst v63  }
0x174: {  	_ =	swait.ge [sflag:s18], $0x2000  }
0x175: {  	[sflag:s18] =	ssyncset.done $0x0  }
0x176: {  	s13 =	simm.s32 $0x300;
	[sflag:s18] =	ssyncadd.s32 $0xFFFFE000  }
0x177: {  	[tilespmem:s25], [sflag:$0x3] =	stream.indirect.gather [hbm4b:s1+s20], $0x80, s13, s20, $0xb8;
	[tilespmem:$0x1E400] =	vst v63  }
0x178: {  	_ =	swait.ge [sflag:s31], $0x2000  }
0x179: {  	[sflag:s31] =	ssyncset.done $0x0  }
0x17a: {  	s14 =	simm.s32 $0x1580;
	[sflag:s31] =	ssyncadd.s32 $0xFFFFE000  }
0x17b: {  	[spmem:s2] =	stream.indirect.scatter.add.f32 [tilespmem:s26], [sflag:$0x5], $0x80, s14, s20, $0xb8;
	[tilespmem:$0x1E400] =	vst v63  }
0x17c: {  	_ =	swait.ge [sflag:s18], $0x2000  }
0x17d: {  	s10 =	simm.s32 $0x200;
	s13 =	simm.s32 $0x1000;
	[sflag:s18] =	ssyncset.done $0x0  }
.LBB2_6:
0x17e: {  	s14 =	sadd.s32 $0x180, s10  }
0x17f: {  	[sflag:s18] =	ssyncadd.s32 $0xFFFFE000;
	s12 =	smov.u32 s13;
	s11 =	sadd.s32 $0x800, s13  }
0x180: {  	[tilespmem:s26], [sflag:$0x4] =	stream.indirect.gather [hbm4b:s1+s20], $0x80, s14, s20, $0xb8;
	[tilespmem:$0x1E400] =	vst v63  }
0x181: {  	p0 =	sne.s32 s13, $0x4000;
	_ =	swait.ge [sflag:s28], $0x2000  }
0x182: {  	[sflag:s28] =	ssyncset.done $0x0  }
0x183: {  	s13 =	sadd.s32 $0x1400, s10;
	[sflag:s28] =	ssyncadd.s32 $0xFFFFE000  }
0x184: {  	[spmem:s2] =	stream.indirect.scatter.add.f32 [tilespmem:s21], [sflag:$0x5], $0x80, s13, s20, $0xb8;
	[tilespmem:$0x1E400] =	vst v63  }
0x185: {  	_ =	swait.ge [sflag:s18], $0x2000  }
0x186: {  	[sflag:s18] =	ssyncset.done $0x0  }
0x187: {  	s13 =	sadd.s32 $0x200, s10;
	[sflag:s18] =	ssyncadd.s32 $0xFFFFE000  }
0x188: {  	[tilespmem:s21], [sflag:$0x1] =	stream.indirect.gather [hbm4b:s1+s20], $0x80, s13, s20, $0xb8;
	[tilespmem:$0x1E400] =	vst v63  }
0x189: {  	_ =	swait.ge [sflag:s29], $0x2000  }
0x18a: {  	[sflag:s29] =	ssyncset.done $0x0  }
0x18b: {  	s13 =	sadd.s32 $0x1480, s10;
	[sflag:s29] =	ssyncadd.s32 $0xFFFFE000  }
0x18c: {  	[spmem:s2] =	stream.indirect.scatter.add.f32 [tilespmem:s23], [sflag:$0x5], $0x80, s13, s20, $0xb8;
	[tilespmem:$0x1E400] =	vst v63  }
0x18d: {  	_ =	swait.ge [sflag:s18], $0x2000  }
0x18e: {  	[sflag:s18] =	ssyncset.done $0x0  }
0x18f: {  	s13 =	sadd.s32 $0x280, s10;
	[sflag:s18] =	ssyncadd.s32 $0xFFFFE000  }
0x190: {  	[tilespmem:s23], [sflag:$0x2] =	stream.indirect.gather [hbm4b:s1+s20], $0x80, s13, s20, $0xb8;
	[tilespmem:$0x1E400] =	vst v63  }
0x191: {  	_ =	swait.ge [sflag:s30], $0x2000  }
0x192: {  	[sflag:s30] =	ssyncset.done $0x0  }
0x193: {  	s13 =	sadd.s32 $0x1500, s10;
	[sflag:s30] =	ssyncadd.s32 $0xFFFFE000  }
0x194: {  	[spmem:s2] =	stream.indirect.scatter.add.f32 [tilespmem:s25], [sflag:$0x5], $0x80, s13, s20, $0xb8;
	[tilespmem:$0x1E400] =	vst v63  }
0x195: {  	_ =	swait.ge [sflag:s18], $0x2000  }
0x196: {  	[sflag:s18] =	ssyncset.done $0x0  }
0x197: {  	s13 =	sadd.s32 $0x300, s10;
	[sflag:s18] =	ssyncadd.s32 $0xFFFFE000  }
0x198: {  	[tilespmem:s25], [sflag:$0x3] =	stream.indirect.gather [hbm4b:s1+s20], $0x80, s13, s20, $0xb8;
	[tilespmem:$0x1E400] =	vst v63  }
0x199: {  	_ =	swait.ge [sflag:s31], $0x2000  }
.Ltmp2:
0x19a: {  	[sflag:s31] =	ssyncset.done $0x0;
	(pc) =	sbr.rel @p0 .LBB2_6-.Ltmp2, $4  }
0x19b: {  	s10 =	sadd.s32 $0x1580, s10;
	[sflag:s31] =	ssyncadd.s32 $0xFFFFE000  }
0x19c: {  	[spmem:s2] =	stream.indirect.scatter.add.f32 [tilespmem:s26], [sflag:$0x5], $0x80, s10, s20, $0xb8;
	[tilespmem:$0x1E400] =	vst v63  }
0x19d: {  	_ =	swait.ge [sflag:s18], $0x2000  }
0x19e: {  	s13 =	smov.u32 s11;
	s10 =	sshra.s32 s12, $0x2;
	[sflag:s18] =	ssyncset.done $0x0  }
0x19f: {  	s11 =	sadd.s32 $0x180, s10;
	[sflag:s18] =	ssyncadd.s32 $0xFFFFE000  }
0x1a0: {  	[tilespmem:s26], [sflag:$0x4] =	stream.indirect.gather [hbm4b:s1+s20], $0x80, s11, s20, $0xb8;
	[tilespmem:$0x1E400] =	vst v63  }
0x1a1: {  	_ =	swait.ge [sflag:s28], $0x2000  }
0x1a2: {  	[sflag:s28] =	ssyncset.done $0x0  }
0x1a3: {  	s12 =	sadd.s32 $0x1400, s10;
	[sflag:s28] =	ssyncadd.s32 $0xFFFFE000  }
0x1a4: {  	[spmem:s2] =	stream.indirect.scatter.add.f32 [tilespmem:s21], [sflag:$0x5], $0x80, s12, s20, $0xb8;
	[tilespmem:$0x1E400] =	vst v63  }
0x1a5: {  	_ =	swait.ge [sflag:s18], $0x2000  }
0x1a6: {  	[sflag:s18] =	ssyncset.done $0x0  }
0x1a7: {  	s13 =	sadd.s32 $0x200, s10;
	[sflag:s18] =	ssyncadd.s32 $0xFFFFE000  }
0x1a8: {  	[tilespmem:s21], [sflag:$0x1] =	stream.indirect.gather [hbm4b:s1+s20], $0x80, s13, s20, $0xb8;
	[tilespmem:$0x1E400] =	vst v63  }
0x1a9: {  	_ =	swait.ge [sflag:s29], $0x2000  }
0x1aa: {  	[sflag:s29] =	ssyncset.done $0x0  }
0x1ab: {  	s14 =	sadd.s32 $0x1480, s10;
	[sflag:s29] =	ssyncadd.s32 $0xFFFFE000  }
0x1ac: {  	[spmem:s2] =	stream.indirect.scatter.add.f32 [tilespmem:s23], [sflag:$0x5], $0x80, s14, s20, $0xb8;
	[tilespmem:$0x1E400] =	vst v63  }
0x1ad: {  	_ =	swait.ge [sflag:s18], $0x2000  }
0x1ae: {  	[sflag:s18] =	ssyncset.done $0x0  }
0x1af: {  	s12 =	sadd.s32 $0x280, s10;
	[sflag:s18] =	ssyncadd.s32 $0xFFFFE000  }
0x1b0: {  	[tilespmem:s23], [sflag:$0x2] =	stream.indirect.gather [hbm4b:s1+s20], $0x80, s12, s20, $0xb8;
	[tilespmem:$0x1E400] =	vst v63  }
0x1b1: {  	_ =	swait.ge [sflag:s30], $0x2000  }
0x1b2: {  	[sflag:s30] =	ssyncset.done $0x0  }
0x1b3: {  	s13 =	sadd.s32 $0x1500, s10;
	[sflag:s30] =	ssyncadd.s32 $0xFFFFE000  }
0x1b4: {  	[spmem:s2] =	stream.indirect.scatter.add.f32 [tilespmem:s25], [sflag:$0x5], $0x80, s13, s20, $0xb8;
	[tilespmem:$0x1E400] =	vst v63  }
0x1b5: {  	_ =	swait.ge [sflag:s18], $0x2000  }
0x1b6: {  	[sflag:s18] =	ssyncset.done $0x0  }
0x1b7: {  	s14 =	sadd.s32 $0x300, s10;
	[sflag:s18] =	ssyncadd.s32 $0xFFFFE000  }
0x1b8: {  	[tilespmem:s25], [sflag:$0x3] =	stream.indirect.gather [hbm4b:s1+s20], $0x80, s14, s20, $0xb8;
	[tilespmem:$0x1E400] =	vst v63  }
0x1b9: {  	_ =	swait.ge [sflag:s31], $0x2000  }
0x1ba: {  	[sflag:s31] =	ssyncset.done $0x0  }
0x1bb: {  	s11 =	sadd.s32 $0x1580, s10;
	[sflag:s31] =	ssyncadd.s32 $0xFFFFE000  }
0x1bc: {  	[spmem:s2] =	stream.indirect.scatter.add.f32 [tilespmem:s26], [sflag:$0x5], $0x80, s11, s20, $0xb8;
	[tilespmem:$0x1E400] =	vst v63  }
0x1bd: {  	_ =	swait.ge [sflag:s18], $0x2000  }
0x1be: {  	[sflag:s18] =	ssyncset.done $0x0  }
0x1bf: {  	[sflag:s18] =	ssyncadd.s32 $0xFFFFE000  }
0x1c0: {  	[tilespmem:s26], [sflag:$0x4] =	stream.indirect.gather [hbm4b:s1+s20], $0x80, s0, s20, $0xb8;
	[tilespmem:$0x1E400] =	vst v63  }
0x1c1: {  	_ =	swait.ge [sflag:s28], $0x2000  }
0x1c2: {  	[sflag:s28] =	ssyncset.done $0x0  }
0x1c3: {  	[sflag:s28] =	ssyncadd.s32 $0xFFFFE000  }
0x1c4: {  	[spmem:s2] =	stream.indirect.scatter.add.f32 [tilespmem:s21], [sflag:$0x5], $0x80, s3, s20, $0xb8;
	[tilespmem:$0x1E400] =	vst v63  }
0x1c5: {  	_ =	swait.ge [sflag:s18], $0x2000  }
0x1c6: {  	[sflag:s18] =	ssyncset.done $0x0  }
0x1c7: {  	[sflag:s18] =	ssyncadd.s32 $0xFFFFE000  }
0x1c8: {  	[tilespmem:s21], [sflag:$0x1] =	stream.indirect.gather [hbm4b:s1+s20], $0x80, s0, s20, $0xb8;
	[tilespmem:$0x1E400] =	vst v63  }
0x1c9: {  	_ =	swait.ge [sflag:s29], $0x2000  }
0x1ca: {  	[sflag:s29] =	ssyncset.done $0x0  }
0x1cb: {  	[sflag:s29] =	ssyncadd.s32 $0xFFFFE000  }
0x1cc: {  	[spmem:s2] =	stream.indirect.scatter.add.f32 [tilespmem:s23], [sflag:$0x5], $0x80, s5, s20, $0xb8;
	[tilespmem:$0x1E400] =	vst v63  }
0x1cd: {  	_ =	swait.ge [sflag:s18], $0x2000  }
0x1ce: {  	[sflag:s18] =	ssyncset.done $0x0  }
0x1cf: {  	[sflag:s18] =	ssyncadd.s32 $0xFFFFE000  }
0x1d0: {  	[tilespmem:s23], [sflag:$0x2] =	stream.indirect.gather [hbm4b:s1+s20], $0x80, s0, s20, $0xb8;
	[tilespmem:$0x1E400] =	vst v63  }
0x1d1: {  	_ =	swait.ge [sflag:s30], $0x2000  }
0x1d2: {  	[sflag:s30] =	ssyncset.done $0x0  }
0x1d3: {  	[sflag:s30] =	ssyncadd.s32 $0xFFFFE000  }
0x1d4: {  	[spmem:s2] =	stream.indirect.scatter.add.f32 [tilespmem:s25], [sflag:$0x5], $0x80, s7, s20, $0xb8;
	[tilespmem:$0x1E400] =	vst v63  }
0x1d5: {  	_ =	swait.ge [sflag:s18], $0x2000  }
0x1d6: {  	[sflag:s18] =	ssyncset.done $0x0  }
0x1d7: {  	[sflag:s18] =	ssyncadd.s32 $0xFFFFE000  }
0x1d8: {  	[tilespmem:s25], [sflag:$0x3] =	stream.indirect.gather [hbm4b:s1+s20], $0x80, s0, s20, $0xb8;
	[tilespmem:$0x1E400] =	vst v63  }
0x1d9: {  	_ =	swait.ge [sflag:s31], $0x2000  }
0x1da: {  	[sflag:s31] =	ssyncset.done $0x0  }
0x1db: {  	[sflag:s31] =	ssyncadd.s32 $0xFFFFE000  }
0x1dc: {  	[spmem:s2] =	stream.indirect.scatter.add.f32 [tilespmem:s26], [sflag:$0x5], $0x80, s8, s20, $0xb8;
	[tilespmem:$0x1E400] =	vst v63  }
0x1dd: {  	_ =	swait.ge [sflag:s18], $0x2000  }
0x1de: {  	[sflag:s18] =	ssyncset.done $0x0  }
0x1df: {  	[sflag:s18] =	ssyncadd.s32 $0xFFFFE000  }
0x1e0: {  	_ =	swait.ge [sflag:s28], $0x2000  }
0x1e1: {  	[sflag:s28] =	ssyncset.done $0x0  }
0x1e2: {  	[sflag:s28] =	ssyncadd.s32 $0xFFFFE000  }
0x1e3: {  	_ =	swait.ge [sflag:s29], $0x2000  }
0x1e4: {  	[sflag:s29] =	ssyncset.done $0x0  }
0x1e5: {  	[sflag:s29] =	ssyncadd.s32 $0xFFFFE000  }
0x1e6: {  	_ =	swait.ge [sflag:s30], $0x2000  }
0x1e7: {  	[sflag:s30] =	ssyncset.done $0x0  }
0x1e8: {  	s12 =	simm.s32 $0x0;
	s13 =	rddreg [dreg:$0xb];
	[sflag:s30] =	ssyncadd.s32 $0xFFFFE000  }
0x1e9: {  	[tilespmem:s12], [sflag:$0x5] =	stream.linear.gather [hbm4b:s13+s12], $0x1400, $0x38;
	[tilespmem:$0x1E400] =	vst v63  }
0x1ea: {  	_ =	swait.ge [sflag:s18], $0x1400  }
0x1eb: {  	[sflag:s18] =	ssyncset.done $0x0  }
0x1ec: {  	s14 =	rddreg [dreg:$0xc];
	[sflag:s18] =	ssyncadd.s32 $0xFFFFEC00  }
0x1ed: {  	[tilespmem:s19], [sflag:$0x5] =	stream.linear.gather [hbm4b:s14+s12], $0x1400, $0x38;
	[tilespmem:$0x1E400] =	vst v63  }
0x1ee: {  	_ =	swait.ge [sflag:s18], $0x1400  }
0x1ef: {  	[sflag:s18] =	ssyncset.done $0x0  }
0x1f0: {  	[sflag:s18] =	ssyncadd.s32 $0xFFFFEC00  }
0x1f1: {  	[tilespmem:s21], [sflag:$0x1] =	stream.indirect.gather [hbm4b:s1+s20], $0x80, s12, s20, $0xb8;
	[tilespmem:$0x1E400] =	vst v63  }
0x1f2: {  	_ = 	snop  }
0x1f3: {  	[tilespmem:s23], [sflag:$0x2] =	stream.indirect.gather [hbm4b:s1+s20], $0x80, s22, s20, $0xb8;
	[tilespmem:$0x1E400] =	vst v63  }
0x1f4: {  	_ = 	snop  }
0x1f5: {  	[tilespmem:s25], [sflag:$0x3] =	stream.indirect.gather [hbm4b:s1+s20], $0x80, s24, s20, $0xb8;
	[tilespmem:$0x1E400] =	vst v63  }
0x1f6: {  	s11 =	simm.s32 $0x180  }
0x1f7: {  	[tilespmem:s26], [sflag:$0x4] =	stream.indirect.gather [hbm4b:s1+s20], $0x80, s11, s20, $0xb8;
	[tilespmem:$0x1E400] =	vst v63  }
0x1f8: {  	_ =	swait.ge [sflag:s28], $0x2000  }
0x1f9: {  	[sflag:s28] =	ssyncset.done $0x0  }
0x1fa: {  	s12 =	simm.s32 $0x1400;
	[sflag:s28] =	ssyncadd.s32 $0xFFFFE000  }
0x1fb: {  	[spmem:s2] =	stream.indirect.scatter.add.f32 [tilespmem:s21], [sflag:$0x5], $0x80, s12, s20, $0xb8;
	[tilespmem:$0x1E400] =	vst v63  }
0x1fc: {  	_ =	swait.ge [sflag:s18], $0x2000  }
0x1fd: {  	[sflag:s18] =	ssyncset.done $0x0  }
0x1fe: {  	s13 =	simm.s32 $0x200;
	[sflag:s18] =	ssyncadd.s32 $0xFFFFE000  }
0x1ff: {  	[tilespmem:s21], [sflag:$0x1] =	stream.indirect.gather [hbm4b:s1+s20], $0x80, s13, s20, $0xb8;
	[tilespmem:$0x1E400] =	vst v63  }
0x200: {  	_ =	swait.ge [sflag:s29], $0x2000  }
0x201: {  	[sflag:s29] =	ssyncset.done $0x0  }
0x202: {  	s14 =	simm.s32 $0x1480;
	[sflag:s29] =	ssyncadd.s32 $0xFFFFE000  }
0x203: {  	[spmem:s2] =	stream.indirect.scatter.add.f32 [tilespmem:s23], [sflag:$0x5], $0x80, s14, s20, $0xb8;
	[tilespmem:$0x1E400] =	vst v63  }
0x204: {  	_ =	swait.ge [sflag:s18], $0x2000  }
0x205: {  	[sflag:s18] =	ssyncset.done $0x0  }
0x206: {  	s11 =	simm.s32 $0x280;
	[sflag:s18] =	ssyncadd.s32 $0xFFFFE000  }
0x207: {  	[tilespmem:s23], [sflag:$0x2] =	stream.indirect.gather [hbm4b:s1+s20], $0x80, s11, s20, $0xb8;
	[tilespmem:$0x1E400] =	vst v63  }
0x208: {  	_ =	swait.ge [sflag:s30], $0x2000  }
0x209: {  	[sflag:s30] =	ssyncset.done $0x0  }
0x20a: {  	s12 =	simm.s32 $0x1500;
	[sflag:s30] =	ssyncadd.s32 $0xFFFFE000  }
0x20b: {  	[spmem:s2] =	stream.indirect.scatter.add.f32 [tilespmem:s25], [sflag:$0x5], $0x80, s12, s20, $0xb8;
	[tilespmem:$0x1E400] =	vst v63  }
0x20c: {  	_ =	swait.ge [sflag:s18], $0x2000  }
0x20d: {  	[sflag:s18] =	ssyncset.done $0x0  }
0x20e: {  	s13 =	simm.s32 $0x300;
	[sflag:s18] =	ssyncadd.s32 $0xFFFFE000  }
0x20f: {  	[tilespmem:s25], [sflag:$0x3] =	stream.indirect.gather [hbm4b:s1+s20], $0x80, s13, s20, $0xb8;
	[tilespmem:$0x1E400] =	vst v63  }
0x210: {  	_ =	swait.ge [sflag:s31], $0x2000  }
0x211: {  	[sflag:s31] =	ssyncset.done $0x0  }
0x212: {  	s14 =	simm.s32 $0x1580;
	[sflag:s31] =	ssyncadd.s32 $0xFFFFE000  }
0x213: {  	[spmem:s2] =	stream.indirect.scatter.add.f32 [tilespmem:s26], [sflag:$0x5], $0x80, s14, s20, $0xb8;
	[tilespmem:$0x1E400] =	vst v63  }
0x214: {  	_ =	swait.ge [sflag:s18], $0x2000  }
0x215: {  	s10 =	simm.s32 $0x200;
	s13 =	simm.s32 $0x1000;
	[sflag:s18] =	ssyncset.done $0x0  }
.LBB2_8:
0x216: {  	s14 =	sadd.s32 $0x180, s10  }
0x217: {  	[sflag:s18] =	ssyncadd.s32 $0xFFFFE000;
	s12 =	smov.u32 s13;
	s11 =	sadd.s32 $0x800, s13  }
0x218: {  	[tilespmem:s26], [sflag:$0x4] =	stream.indirect.gather [hbm4b:s1+s20], $0x80, s14, s20, $0xb8;
	[tilespmem:$0x1E400] =	vst v63  }
0x219: {  	p0 =	sne.s32 s13, $0x4000;
	_ =	swait.ge [sflag:s28], $0x2000  }
0x21a: {  	[sflag:s28] =	ssyncset.done $0x0  }
0x21b: {  	s13 =	sadd.s32 $0x1400, s10;
	[sflag:s28] =	ssyncadd.s32 $0xFFFFE000  }
0x21c: {  	[spmem:s2] =	stream.indirect.scatter.add.f32 [tilespmem:s21], [sflag:$0x5], $0x80, s13, s20, $0xb8;
	[tilespmem:$0x1E400] =	vst v63  }
0x21d: {  	_ =	swait.ge [sflag:s18], $0x2000  }
0x21e: {  	[sflag:s18] =	ssyncset.done $0x0  }
0x21f: {  	s13 =	sadd.s32 $0x200, s10;
	[sflag:s18] =	ssyncadd.s32 $0xFFFFE000  }
0x220: {  	[tilespmem:s21], [sflag:$0x1] =	stream.indirect.gather [hbm4b:s1+s20], $0x80, s13, s20, $0xb8;
	[tilespmem:$0x1E400] =	vst v63  }
0x221: {  	_ =	swait.ge [sflag:s29], $0x2000  }
0x222: {  	[sflag:s29] =	ssyncset.done $0x0  }
0x223: {  	s13 =	sadd.s32 $0x1480, s10;
	[sflag:s29] =	ssyncadd.s32 $0xFFFFE000  }
0x224: {  	[spmem:s2] =	stream.indirect.scatter.add.f32 [tilespmem:s23], [sflag:$0x5], $0x80, s13, s20, $0xb8;
	[tilespmem:$0x1E400] =	vst v63  }
0x225: {  	_ =	swait.ge [sflag:s18], $0x2000  }
0x226: {  	[sflag:s18] =	ssyncset.done $0x0  }
0x227: {  	s13 =	sadd.s32 $0x280, s10;
	[sflag:s18] =	ssyncadd.s32 $0xFFFFE000  }
0x228: {  	[tilespmem:s23], [sflag:$0x2] =	stream.indirect.gather [hbm4b:s1+s20], $0x80, s13, s20, $0xb8;
	[tilespmem:$0x1E400] =	vst v63  }
0x229: {  	_ =	swait.ge [sflag:s30], $0x2000  }
0x22a: {  	[sflag:s30] =	ssyncset.done $0x0  }
0x22b: {  	s13 =	sadd.s32 $0x1500, s10;
	[sflag:s30] =	ssyncadd.s32 $0xFFFFE000  }
0x22c: {  	[spmem:s2] =	stream.indirect.scatter.add.f32 [tilespmem:s25], [sflag:$0x5], $0x80, s13, s20, $0xb8;
	[tilespmem:$0x1E400] =	vst v63  }
0x22d: {  	_ =	swait.ge [sflag:s18], $0x2000  }
0x22e: {  	[sflag:s18] =	ssyncset.done $0x0  }
0x22f: {  	s13 =	sadd.s32 $0x300, s10;
	[sflag:s18] =	ssyncadd.s32 $0xFFFFE000  }
0x230: {  	[tilespmem:s25], [sflag:$0x3] =	stream.indirect.gather [hbm4b:s1+s20], $0x80, s13, s20, $0xb8;
	[tilespmem:$0x1E400] =	vst v63  }
0x231: {  	_ =	swait.ge [sflag:s31], $0x2000  }
.Ltmp3:
0x232: {  	[sflag:s31] =	ssyncset.done $0x0;
	(pc) =	sbr.rel @p0 .LBB2_8-.Ltmp3, $4  }
0x233: {  	s10 =	sadd.s32 $0x1580, s10;
	[sflag:s31] =	ssyncadd.s32 $0xFFFFE000  }
0x234: {  	[spmem:s2] =	stream.indirect.scatter.add.f32 [tilespmem:s26], [sflag:$0x5], $0x80, s10, s20, $0xb8;
	[tilespmem:$0x1E400] =	vst v63  }
0x235: {  	_ =	swait.ge [sflag:s18], $0x2000  }
0x236: {  	s13 =	smov.u32 s11;
	s10 =	sshra.s32 s12, $0x2;
	[sflag:s18] =	ssyncset.done $0x0  }
0x237: {  	s11 =	sadd.s32 $0x180, s10;
	[sflag:s18] =	ssyncadd.s32 $0xFFFFE000  }
0x238: {  	[tilespmem:s26], [sflag:$0x4] =	stream.indirect.gather [hbm4b:s1+s20], $0x80, s11, s20, $0xb8;
	[tilespmem:$0x1E400] =	vst v63  }
0x239: {  	_ =	swait.ge [sflag:s28], $0x2000  }
0x23a: {  	[sflag:s28] =	ssyncset.done $0x0  }
0x23b: {  	s14 =	sadd.s32 $0x1400, s10;
	[sflag:s28] =	ssyncadd.s32 $0xFFFFE000  }
0x23c: {  	[spmem:s2] =	stream.indirect.scatter.add.f32 [tilespmem:s21], [sflag:$0x5], $0x80, s14, s20, $0xb8;
	[tilespmem:$0x1E400] =	vst v63  }
0x23d: {  	_ =	swait.ge [sflag:s18], $0x2000  }
0x23e: {  	[sflag:s18] =	ssyncset.done $0x0  }
0x23f: {  	s12 =	sadd.s32 $0x200, s10;
	[sflag:s18] =	ssyncadd.s32 $0xFFFFE000  }
0x240: {  	[tilespmem:s21], [sflag:$0x1] =	stream.indirect.gather [hbm4b:s1+s20], $0x80, s12, s20, $0xb8;
	[tilespmem:$0x1E400] =	vst v63  }
0x241: {  	_ =	swait.ge [sflag:s29], $0x2000  }
0x242: {  	[sflag:s29] =	ssyncset.done $0x0  }
0x243: {  	s13 =	sadd.s32 $0x1480, s10;
	[sflag:s29] =	ssyncadd.s32 $0xFFFFE000  }
0x244: {  	[spmem:s2] =	stream.indirect.scatter.add.f32 [tilespmem:s23], [sflag:$0x5], $0x80, s13, s20, $0xb8;
	[tilespmem:$0x1E400] =	vst v63  }
0x245: {  	_ =	swait.ge [sflag:s18], $0x2000  }
0x246: {  	[sflag:s18] =	ssyncset.done $0x0  }
0x247: {  	s14 =	sadd.s32 $0x280, s10;
	[sflag:s18] =	ssyncadd.s32 $0xFFFFE000  }
0x248: {  	[tilespmem:s23], [sflag:$0x2] =	stream.indirect.gather [hbm4b:s1+s20], $0x80, s14, s20, $0xb8;
	[tilespmem:$0x1E400] =	vst v63  }
0x249: {  	_ =	swait.ge [sflag:s30], $0x2000  }
0x24a: {  	[sflag:s30] =	ssyncset.done $0x0  }
0x24b: {  	s12 =	sadd.s32 $0x1500, s10;
	[sflag:s30] =	ssyncadd.s32 $0xFFFFE000  }
0x24c: {  	[spmem:s2] =	stream.indirect.scatter.add.f32 [tilespmem:s25], [sflag:$0x5], $0x80, s12, s20, $0xb8;
	[tilespmem:$0x1E400] =	vst v63  }
0x24d: {  	_ =	swait.ge [sflag:s18], $0x2000  }
0x24e: {  	[sflag:s18] =	ssyncset.done $0x0  }
0x24f: {  	s13 =	sadd.s32 $0x300, s10;
	[sflag:s18] =	ssyncadd.s32 $0xFFFFE000  }
0x250: {  	[tilespmem:s25], [sflag:$0x3] =	stream.indirect.gather [hbm4b:s1+s20], $0x80, s13, s20, $0xb8;
	[tilespmem:$0x1E400] =	vst v63  }
0x251: {  	_ =	swait.ge [sflag:s31], $0x2000  }
0x252: {  	[sflag:s31] =	ssyncset.done $0x0  }
0x253: {  	s14 =	sadd.s32 $0x1580, s10;
	[sflag:s31] =	ssyncadd.s32 $0xFFFFE000  }
0x254: {  	[spmem:s2] =	stream.indirect.scatter.add.f32 [tilespmem:s26], [sflag:$0x5], $0x80, s14, s20, $0xb8;
	[tilespmem:$0x1E400] =	vst v63  }
0x255: {  	_ =	swait.ge [sflag:s18], $0x2000  }
0x256: {  	[sflag:s18] =	ssyncset.done $0x0  }
0x257: {  	[sflag:s18] =	ssyncadd.s32 $0xFFFFE000  }
0x258: {  	[tilespmem:s26], [sflag:$0x4] =	stream.indirect.gather [hbm4b:s1+s20], $0x80, s0, s20, $0xb8;
	[tilespmem:$0x1E400] =	vst v63  }
0x259: {  	_ =	swait.ge [sflag:s28], $0x2000  }
0x25a: {  	[sflag:s28] =	ssyncset.done $0x0  }
0x25b: {  	[sflag:s28] =	ssyncadd.s32 $0xFFFFE000  }
0x25c: {  	[spmem:s2] =	stream.indirect.scatter.add.f32 [tilespmem:s21], [sflag:$0x5], $0x80, s3, s20, $0xb8;
	[tilespmem:$0x1E400] =	vst v63  }
0x25d: {  	_ =	swait.ge [sflag:s18], $0x2000  }
0x25e: {  	[sflag:s18] =	ssyncset.done $0x0  }
0x25f: {  	[sflag:s18] =	ssyncadd.s32 $0xFFFFE000  }
0x260: {  	[tilespmem:s21], [sflag:$0x1] =	stream.indirect.gather [hbm4b:s1+s20], $0x80, s0, s20, $0xb8;
	[tilespmem:$0x1E400] =	vst v63  }
0x261: {  	_ =	swait.ge [sflag:s29], $0x2000  }
0x262: {  	[sflag:s29] =	ssyncset.done $0x0  }
0x263: {  	[sflag:s29] =	ssyncadd.s32 $0xFFFFE000  }
0x264: {  	[spmem:s2] =	stream.indirect.scatter.add.f32 [tilespmem:s23], [sflag:$0x5], $0x80, s5, s20, $0xb8;
	[tilespmem:$0x1E400] =	vst v63  }
0x265: {  	_ =	swait.ge [sflag:s18], $0x2000  }
0x266: {  	[sflag:s18] =	ssyncset.done $0x0  }
0x267: {  	[sflag:s18] =	ssyncadd.s32 $0xFFFFE000  }
0x268: {  	[tilespmem:s23], [sflag:$0x2] =	stream.indirect.gather [hbm4b:s1+s20], $0x80, s0, s20, $0xb8;
	[tilespmem:$0x1E400] =	vst v63  }
0x269: {  	_ =	swait.ge [sflag:s30], $0x2000  }
0x26a: {  	[sflag:s30] =	ssyncset.done $0x0  }
0x26b: {  	[sflag:s30] =	ssyncadd.s32 $0xFFFFE000  }
0x26c: {  	[spmem:s2] =	stream.indirect.scatter.add.f32 [tilespmem:s25], [sflag:$0x5], $0x80, s7, s20, $0xb8;
	[tilespmem:$0x1E400] =	vst v63  }
0x26d: {  	_ =	swait.ge [sflag:s18], $0x2000  }
0x26e: {  	[sflag:s18] =	ssyncset.done $0x0  }
0x26f: {  	[sflag:s18] =	ssyncadd.s32 $0xFFFFE000  }
0x270: {  	[tilespmem:s25], [sflag:$0x3] =	stream.indirect.gather [hbm4b:s1+s20], $0x80, s0, s20, $0xb8;
	[tilespmem:$0x1E400] =	vst v63  }
0x271: {  	_ =	swait.ge [sflag:s31], $0x2000  }
0x272: {  	[sflag:s31] =	ssyncset.done $0x0  }
0x273: {  	[sflag:s31] =	ssyncadd.s32 $0xFFFFE000  }
0x274: {  	[spmem:s2] =	stream.indirect.scatter.add.f32 [tilespmem:s26], [sflag:$0x5], $0x80, s8, s20, $0xb8;
	[tilespmem:$0x1E400] =	vst v63  }
0x275: {  	_ =	swait.ge [sflag:s18], $0x2000  }
0x276: {  	[sflag:s18] =	ssyncset.done $0x0  }
0x277: {  	[sflag:s18] =	ssyncadd.s32 $0xFFFFE000  }
0x278: {  	_ =	swait.ge [sflag:s28], $0x2000  }
0x279: {  	[sflag:s28] =	ssyncset.done $0x0  }
0x27a: {  	[sflag:s28] =	ssyncadd.s32 $0xFFFFE000  }
0x27b: {  	_ =	swait.ge [sflag:s29], $0x2000  }
0x27c: {  	[sflag:s29] =	ssyncset.done $0x0  }
0x27d: {  	[sflag:s29] =	ssyncadd.s32 $0xFFFFE000  }
0x27e: {  	_ =	swait.ge [sflag:s30], $0x2000  }
0x27f: {  	s9 =	sadd.s32 $0x1, s9;
	[sflag:s30] =	ssyncset.done $0x0  }
0x280: {  	p0 =	sne.s32 s9, s16;
	[sflag:s30] =	ssyncadd.s32 $0xFFFFE000  }
.Ltmp4:
0x281: {  	[bflag:$0x0] =	sbarrier.arrive $0xFFFF;
	(pc) =	sbr.rel @p0 .LBB2_1-.Ltmp4, $4  }
0x282: {  	[hbm:s15], [sflag:s6] =	dma.local [spmem:s17], $0x2780  }
0x283: {  	_ =	swait.ge [sflag:s18], $0x2780  }
0x284: {  	[sflag:s18] =	ssyncset.done $0x0  }
0x285: {  	[sflag:s18] =	ssyncadd.s32 $0xFFFFD880  }
0x286: {  	_ =	sfence.sel $0x180000  }
0x287: {  	[bflag:$0x0] =	sbarrier.arrive $0xFFFF  }
0x288: {  	_ =	strace $0x9000004A  }
0x289: {  	s0 =	stileid.u32;
	[bflag:$0x2] =	sbarrier.arrive $0xFFFF  }
0x28a: {  	p0 =	sne.s32 s0, $0x0;
	s0 =	rddreg [dreg:$0x3]  }
0x28b: {  	s0 =	sadd.s32 @!p0 $0x100000, s0  }
0x28c: {  	[sflag:s0] =	ssyncadd.tile.s32 @!p0 $0x1;
	_ =	shalt  }
.Lfunc_end2:
_tile_overlayer_lowered:
.L_overlay_start_2:
0x28d: {  	(tag) =	ssettag $0x2  }
0x28e: {  	s0 =	rddreg [dreg:$0x0];
	s2 =	stileid.u32  }
0x28f: {  	s1 =	rddreg [dreg:$0x1];
	p0 =	sne.s32 s2, $0x0  }
0x290: {  	s3 =	rddreg [dreg:$0x2];
	[bflag:$0x3] =	sbarrier.arrive $0xFFFF;
	s2 =	simm.s32 @!p0 $0x1C05  }
0x291: {  	[timem:s3], [sflag:s2] =	dma.local @!p0 [hbm:s0], s1  }
0x292: {  	s0 =	simm.s32 @!p0 $0x5  }
0x293: {  	_ =	swait.ge @!p0 [sflag:s0], s1  }
0x294: {  	s1 =	ssub.s32 @!p0 $0x0, s1;
	[sflag:s0] =	ssyncset.done @!p0 $0x0  }
0x295: {  	[sflag:s0] =	ssyncadd.s32 @!p0 s1  }
0x296: {  	[bflag:$0x3] =	sbarrier.arrive $0xFFFF  }
0x297: {  	_ =	shalt  }

// kernel: kernel.14.cloned.1.call-start
scs
__scs_entry_jumppad:
0x0: {  	(pc) =	sbr.rel $0x88, $3  }
0x1: {  	(tag) =	ssettag $0x0;
	lr =	simm.s32 $0x1  }
0x2: {  	[smem:$0x3F9D] =	sst lr;
	_ =	strace $0xD0000000  }
0x3: {  	_ = 	snop  }
0x4: {  	_ = 	snop  }
0x5: {  	_ = 	snop  }
0x6: {  	_ = 	snop  }
0x7: {  	_ = 	snop  }
__scs_overlays_trampoline_lowered:
0x8: {  	[smem:$0x3FAC] =	sst s0  }
0x9: {  	[smem:$0x3FAD] =	sst s1  }
0xa: {  	[smem:$0x3FAE] =	sst s2  }
0xb: {  	[smem:$0x3FAF] =	sst s3  }
0xc: {  	[smem:$0x3FB0] =	sst s4  }
0xd: {  	[smem:$0x3FB1] =	sst s5  }
0xe: {  	[smem:$0x3FB2] =	sst s6  }
0xf: {  	[smem:$0x3FB3] =	sst s7  }
0x10: {  	[smem:$0x3FB4] =	sst s8  }
0x11: {  	[smem:$0x3FB5] =	sst s9;
	s0 =	simm.s32 @!p0 $0x0  }
0x12: {  	s1 =	sld [smem:$0x3F9B];
	s0 =	simm.s32 @p0 $0x1  }
0x13: {  	[smem:$0x3FB6] =	sst s0;
	s0 =	simm.s32 @!p1 $0x0  }
0x14: {  	s2 =	sld [smem:$0x3F9A];
	s0 =	simm.s32 @p1 $0x1  }
0x15: {  	[smem:$0x3FB7] =	sst s0;
	s0 =	simm.s32 @!p2 $0x0  }
0x16: {  	s3 =	sld [smem:$0x3FDB];
	s0 =	simm.s32 @p2 $0x1  }
0x17: {  	s4 =	simm.s32 $0x1BF5;
	[smem:$0x3FB9] =	sst s0  }
0x18: {  	s0 =	sld [smem:$0x3F9C];
	_ =	swait.ge [sflag:s4], $0x0  }
0x19: {  	s7 =	sld [smem:$0x3F9D]  }
0x1a: {  	s8 =	sadd.s32 $0xFFFFE003, lr  }
0x1b: {  	s9 =	sadd.s32 $0xFFFFFEF7, lr;
	s5 =	simm.s32 $0xFFFFFFFF;
	p2 =	slt.u32 s8, $0xFFFFF086  }
0x1c: {  	p1 =	slt.u32 s9, $0xF7A;
	s5 =	simm.s32 @!p2 $0x0  }
0x1d: {  	s5 =	simm.s32 @p1 $0x1;
	p0 =	seq.s32 s7, s2  }
0x1e: {  	s7 =	smul.u32 @!p0 $0xF7A, s2;
	p2 =	seq.s32 @!p0 s5, $0x0  }
0x1f: {  	s9 =	smul.u32 $0xF7A, s1;
	s8 =	simm.s32 @!p0 $0x1BF5;
	p2 =	por !p2, p0  }
0x20: {  	[sflag:s8] =	ssyncset.s32 @!p0 $0xFFFFF086;
	s6 =	sadd.s32 @!p0 s3, s7;
	s7 =	simm.s32 @!p0 $0x108  }
0x21: {  	s3 =	sadd.s32 s3, s9;
	s6 =	sadd.s32 @!p0 $0x88, s6;
	s7 =	simm.s32 @p2 $0x1082  }
0x22: {  	[simem:s7], [sflag:s8] =	dma.local @!p0 [hbm:s6], $0xF7A  }
0x23: {  	s9 =	sor.u32 $0xD0000000, s2;
	s6 =	simm.s32 $0x108;
	_ =	swait.ge @!p0 [sflag:s8], $0x0  }
0x24: {  	s3 =	sadd.s32 $0x88, s3;
	s6 =	simm.s32 @!p1 $0x1082;
	[sflag:s4] =	ssyncset.s32 $0xFFFFF086  }
0x25: {  	[simem:s6], [sflag:s4] =	dma.local [hbm:s3], $0xF7A  }
0x26: {  	[smem:$0x3F9D] =	sst s1;
	(tag) =	ssettag s2;
	_ =	strace s9  }
0x27: {  	s1 =	sld [smem:$0x3FAD]  }
0x28: {  	s2 =	sld [smem:$0x3FAE]  }
0x29: {  	s4 =	sld [smem:$0x3FB0]  }
0x2a: {  	p0 =	seq.s32 s5, $0x0;
	s5 =	sld [smem:$0x3FB1]  }
0x2b: {  	s6 =	sld [smem:$0x3FB2]  }
0x2c: {  	s7 =	sld [smem:$0x3FB3]  }
0x2d: {  	s3 =	simm.s32 $0x108;
	s8 =	sld [smem:$0x3FB4]  }
0x2e: {  	s3 =	simm.s32 @!p0 $0x1082;
	s9 =	sld [smem:$0x3FB5]  }
0x2f: {  	lr =	sadd.s32 s0, s3;
	s0 =	sld [smem:$0x3FAC]  }
0x30: {  	s3 =	sld [smem:$0x3FAF]  }
0x31: {  	[smem:$0x3FB8] =	sst s10  }
0x32: {  	s10 =	sld [smem:$0x3FB6];
	_ =	sdelay $0x3  }
0x33: {  	p0 =	seq.s32 s10, $0x1;
	s10 =	sld [smem:$0x3FB8];
	_ =	sdelay $0x3  }
0x34: {  	[smem:$0x3FB8] =	sst s10  }
0x35: {  	s10 =	sld [smem:$0x3FB7];
	_ =	sdelay $0x3  }
0x36: {  	p1 =	seq.s32 s10, $0x1;
	s10 =	sld [smem:$0x3FB8];
	_ =	sdelay $0x3  }
0x37: {  	[smem:$0x3FB8] =	sst s10  }
0x38: {  	s10 =	sld [smem:$0x3FB9]  }
0x39: {  	_ = 	snop;
	(pc) =	sbr.ind lr, $3  }
0x3a: {  	_ = 	snop  }
0x3b: {  	_ = 	snop  }
0x3c: {  	p2 =	seq.s32 s10, $0x1;
	s10 =	sld [smem:$0x3FB8]  }
0x3d: {  	_ =	shalt  }
0x3e: {  	_ =	shalt  }
0x3f: {  	_ =	shalt  }
0x40: {  	_ =	shalt  }
0x41: {  	_ =	shalt  }
0x42: {  	_ =	shalt  }
0x43: {  	_ =	shalt  }
0x44: {  	_ =	shalt  }
0x45: {  	_ =	shalt  }
0x46: {  	_ =	shalt  }
0x47: {  	_ =	shalt  }
0x48: {  	_ =	shalt  }
0x49: {  	_ =	shalt  }
0x4a: {  	_ =	shalt  }
0x4b: {  	_ =	shalt  }
0x4c: {  	_ =	shalt  }
0x4d: {  	_ =	shalt  }
0x4e: {  	_ =	shalt  }
0x4f: {  	_ =	shalt  }
0x50: {  	_ =	shalt  }
0x51: {  	_ =	shalt  }
0x52: {  	_ =	shalt  }
0x53: {  	_ =	shalt  }
0x54: {  	_ =	shalt  }
0x55: {  	_ =	shalt  }
0x56: {  	_ =	shalt  }
0x57: {  	_ =	shalt  }
0x58: {  	_ =	shalt  }
0x59: {  	_ =	shalt  }
0x5a: {  	_ =	shalt  }
0x5b: {  	_ =	shalt  }
0x5c: {  	_ =	shalt  }
0x5d: {  	_ =	shalt  }
0x5e: {  	_ =	shalt  }
0x5f: {  	_ =	shalt  }
0x60: {  	_ =	shalt  }
0x61: {  	_ =	shalt  }
0x62: {  	_ =	shalt  }
0x63: {  	_ =	shalt  }
0x64: {  	_ =	shalt  }
0x65: {  	_ =	shalt  }
0x66: {  	_ =	shalt  }
0x67: {  	_ =	shalt  }
0x68: {  	_ =	shalt  }
0x69: {  	_ =	shalt  }
0x6a: {  	_ =	shalt  }
0x6b: {  	_ =	shalt  }
0x6c: {  	_ =	shalt  }
0x6d: {  	_ =	shalt  }
0x6e: {  	_ =	shalt  }
0x6f: {  	_ =	shalt  }
0x70: {  	_ =	shalt  }
0x71: {  	_ =	shalt  }
0x72: {  	_ =	shalt  }
0x73: {  	_ =	shalt  }
0x74: {  	_ =	shalt  }
0x75: {  	_ =	shalt  }
0x76: {  	_ =	shalt  }
0x77: {  	_ =	shalt  }
0x78: {  	_ =	shalt  }
0x79: {  	_ =	shalt  }
0x7a: {  	_ =	shalt  }
0x7b: {  	_ =	shalt  }
0x7c: {  	_ =	shalt  }
0x7d: {  	_ =	shalt  }
0x7e: {  	_ =	shalt  }
0x7f: {  	_ =	shalt  }
0x80: {  	_ =	shalt  }
0x81: {  	_ =	shalt  }
0x82: {  	_ =	shalt  }
0x83: {  	_ =	shalt  }
0x84: {  	_ =	shalt  }
0x85: {  	_ =	shalt  }
0x86: {  	_ =	shalt  }
0x87: {  	_ =	shalt  }
.Lfunc_end0:
.L_simem_size_0:
called_computation.2_lowered:
.L_overlay_start_0:
0x88: {  	s2 =	sld [smem:$0x3FD9]  }
0x89: {  	s3 =	sld [smem:$0x3FFE];
	_ =	sdelay $0x1  }
0x8a: {  	s1 =	srdreg.scid  }
0x8b: {  	s0 =	sand.u32 $0x1, s1  }
0x8c: {  	s17 =	sshll.u32 s0, $0xA;
	s2 =	sadd.s32 s3, s2  }
0x8d: {  	s2 =	sadd.s32 s2, s17  }
0x8e: {  	[smem:$0x3FC4] =	sst s2  }
0x8f: {  	_ = 	snop  }
0x90: {  	s2 =	sld [smem:$0x3FD0];
	(tm) =	ssettm $0x1  }
0x91: {  	s18 =	sld [smem:$0x3FFB];
	_ =	sdelay $0x3  }
0x92: {  	_ =	strace s18  }
0x93: {  	s3 =	sld [smem:$0x3FFC];
	_ =	sdelay $0x3  }
0x94: {  	_ =	strace s3  }
0x95: {  	s3 =	sld [smem:$0x3FFD];
	_ =	sdelay $0x3  }
0x96: {  	_ =	strace s3  }
0x97: {  	_ =	strace $0x8FFFFFFF  }
0x98: {  	s19 =	sld [smem:$0x3FDB];
	_ =	sdelay $0x1  }
0x99: {  	s4 =	simm.s32 $_scs_section_size  }
0x9a: {  	s5 =	simm.s32 $_size__tile_overlayer_lowered;
	s6 =	simm.s32 $_tile_overlayer_lowered  }
0x9b: {  	s22 =	simm.s32 $0x1BFF;
	s21 =	sshll.u32 s6, $0x1;
	s3 =	sadd.s32 s4, s19  }
0x9c: {  	s7 =	simm.s32 $0x0;
	s20 =	sshll.u32 s5, $0x1;
	s5 =	sadd.s32 s21, s3  }
0x9d: {  	[timem:s7], [sflag:s22] =	dma.local [hbm:s5], s20  }
0x9e: {  	_ =	swait.ge [sflag:s22], s20  }
0x9f: {  	s4 =	ssub.s32 $0x0, s20;
	[sflag:s22] =	ssyncset.done $0x0  }
0xa0: {  	[sflag:s22] =	ssyncadd.s32 s4;
	_ =	sdelay $0x1  }
0xa1: {  	s23 =	simm.s32 $0x1B8B  }
0xa2: {  	_ =	swait.ge [sflag:s23], $0x1  }
0xa3: {  	[sflag:s23] =	ssyncset.done $0x0  }
0xa4: {  	s25 =	simm.s32 $0x1B8E;
	s24 =	sld [smem:$0x3FFE];
	[sflag:s23] =	ssyncadd.s32 $0xFFFFFFFF  }
0xa5: {  	s26 =	simm.s32 $execute0_lowered;
	[smem:$0x3FD2] =	sst s25  }
0xa6: {  	s5 =	sshll.u32 s26, $0x1;
	_ =	strace $0x8000004C;
	[dreg:$0x1] =	wrdreg $0xFFFFFFFF  }
0xa7: {  	s28 =	simm.s32 $_size_execute0_lowered;
	s3 =	sadd.s32 s3, s5;
	[dreg:$0x0] =	wrdreg $0x0  }
0xa8: {  	s5 =	sshll.u32 s28, $0x1;
	[dreg:$0x2] =	wrdreg s3  }
0xa9: {  	[dreg:$0x3] =	wrdreg s5  }
0xaa: {  	[dreg:$0x4] =	wrdreg $0xC0  }
0xab: {  	_ =	task [dreg:s7], $0x5FFFF  }
0xac: {  	[dreg:$0x1] =	wrdreg $0xFFFFFFFF  }
0xad: {  	[dreg:$0x0] =	wrdreg $0x60  }
0xae: {  	[dreg:$0x2] =	wrdreg s2  }
0xaf: {  	[dreg:$0x3] =	wrdreg s24  }
0xb0: {  	[dreg:$0x4] =	wrdreg $0xA8000  }
0xb1: {  	[dreg:$0x5] =	wrdreg $0x9  }
0xb2: {  	_ =	task.clear_ibuf [dreg:s7], $0x6FFFF;
	_ =	strace $0x9000004C  }
0xb3: {  	s29 =	simm.s32 $0x9;
	_ =	strace $0x8000004E  }
0xb4: {  	_ =	swait.ge [sflag:s29], $0x1  }
0xb5: {  	[sflag:s29] =	ssyncadd.s32 $0xFFFFFFFF  }
0xb6: {  	_ =	strace $0x9000004E  }
0xb7: {  	_ =	sfence  }
0xb8: {  	s30 =	sld [smem:$0x0];
	_ =	sdelay $0x2  }
0xb9: {  	s31 =	sshll.u32 s1, $0xD;
	s1 =	sshrl.u32 s1, $0x2  }
0xba: {  	s3 =	sand.u32 $0x4000, s31;
	s1 =	sadd.s32 s1, s30  }
0xbb: {  	s0 =	sor.u32 s3, s0;
	s1 =	sshll.u32 s1, $0x11  }
0xbc: {  	s0 =	sor.u32 s1, s0  }
0xbd: {  	s0 =	sadd.s32 $0x8F2B, s0  }
0xbe: {  	[sflag:s0] =	ssyncadd.remote.s32 $0x1  }
0xbf: {  	_ =	sfence.sel $0xFFFF  }
0xc0: {  	[dreg:$0x0] =	wrdreg $0xFFFFFFFF;
	(pc) =	sbr.abs _section_cstart, $3  }
0xc1: {  	[dreg:$0x1] =	wrdreg $0xFFFFFFFF  }
0xc2: {  	_ =	task.clear_ibuf [dreg:s7], $0x2FFFF;
	_ =	strace $0x9FFFFFFF  }
0xc3: {  	(tm) =	ssettm $0x7FFFFFFF  }
tec
execute0_lowered:
.L_overlay_start_1:
0x0: {  	(tag) =	ssettag $0x1  }
0x1: {  	s1 =	rddreg [dreg:$0x0]  }
0x2: {  	s0 =	rddreg [dreg:$0x1]  }
0x3: {  	s2 =	rddreg [dreg:$0x2];
	s3 =	srdreg.scid;
	s4 =	simm.s32 $0x0  }
0x4: {  	s10 =	stileid.u32;
	s28 =	simm.s32 $0x1;
	s29 =	simm.s32 $0x2  }
0x5: {  	s30 =	simm.s32 $0x3;
	s31 =	simm.s32 $0x4;
	s3 =	sand.u32 $0x1, s3  }
0x6: {  	[smem:$0x7FF] =	sst s4;
	s6 =	smul.u32 $0x13C00, s10;
	s7 =	sadd.s32 $0x16400, s0  }
0x7: {  	s8 =	sadd.s32 $0x2400, s0;
	s16 =	sadd.s32 $0x2A400, s0;
	s18 =	smul.u32 $0x4F000, s10  }
0x8: {  	s17 =	sshll.u32 s10, $0x1;
	s20 =	sshll.u32 s10, $0x6;
	s5 =	smul.u32 $0x13C000, s3  }
0x9: {  	_ =	strace $0x8000004D;
	s9 =	ssub.s32 $0x2, s3;
	s3 =	sor.u32 s3, s17  }
0xa: {  	[dreg:$0x4] =	wrdreg s16;
	s19 =	sshrl.u32 s9, $0x1;
	s3 =	smul.u32 $0x5000, s3  }
0xb: {  	s5 =	sadd.s32 s6, s5;
	s6 =	sshrl.u32 s18, $0x2;
	s18 =	simm.s32 $0x5  }
0xc: {  	s5 =	sshrl.u32 s5, $0x3;
	s21 =	sadd.s32 s6, s2;
	s6 =	sor.u32 $0x1C05, s20  }
0xd: {  	s3 =	sshrl.u32 s3, $0x3;
	s20 =	simm.s32 $0x40;
	s0 =	sadd.s32 s5, s0  }
0xe: {  	s5 =	ssub.s32 s9, s19;
	s22 =	sadd.s32 s7, s3;
	s23 =	sadd.s32 s8, s3  }
0xf: {  	s24 =	sadd.s32 $0x280, s3;
	s25 =	sadd.s32 $0x500, s3;
	s3 =	sadd.s32 $0x780, s3  }
0x10: {  	s17 =	sshrl.u32 s21, $0x3;
	s19 =	simm.s32 $0x1400;
	[dreg:$0x5] =	wrdreg s22  }
0x11: {  	s21 =	simm.s32 $0x2800;
	[dreg:$0x6] =	wrdreg s23;
	s11 =	sadd.s32 s7, s24  }
0x12: {  	s9 =	sadd.s32 s8, s24;
	s26 =	sadd.s32 s7, s25;
	s7 =	sadd.s32 s7, s3  }
0x13: {  	s3 =	sadd.s32 s8, s3;
	s15 =	sadd.s32 $0x2CC00, s0;
	[dreg:$0x7] =	wrdreg s11  }
0x14: {  	s16 =	smax.u32 s5, $0x1;
	s22 =	simm.s32 $0x80;
	[dreg:$0x8] =	wrdreg s9  }
0x15: {  	s23 =	simm.s32 $0x4800;
	s24 =	simm.s32 $0x100;
	[dreg:$0x9] =	wrdreg s26  }
0x16: {  	s0 =	simm.s32 $0x1380;
	s5 =	simm.s32 $0x2680;
	[dreg:$0xb] =	wrdreg s7  }
0x17: {  	s9 =	sadd.s32 s8, s25;
	[dreg:$0xc] =	wrdreg s3;
	s25 =	simm.s32 $0x6800  }
0x18: {  	s26 =	simm.s32 $0x8800;
	s3 =	simm.s32 $0x2600;
	s7 =	simm.s32 $0x2700  }
0x19: {  	s8 =	simm.s32 $0x2780;
	[dreg:$0xa] =	wrdreg s9;
	s9 =	simm.s32 $0x0  }
.LBB2_1:
0x1a: {  	s10 =	rddreg [dreg:$0x4]  }
0x1b: {  	[spmem:s17], [sflag:s6] =	dma.local [hbm:s10], $0x2780  }
0x1c: {  	_ =	swait.ge [sflag:s18], $0x2780  }
0x1d: {  	[sflag:s18] =	ssyncset.done $0x0  }
0x1e: {  	[sflag:s18] =	ssyncadd.s32 $0xFFFFD880  }
0x1f: {  	[bflag:$0x0] =	sbarrier.arrive $0xFFFF  }
0x20: {  	s13 =	rddreg [dreg:$0x5]  }
0x21: {  	[tilespmem:s4], [sflag:$0x5] =	stream.linear.gather [hbm4b:s13+s4], $0x1400, $0x38;
	[tilespmem:$0x1E400] =	vst v63  }
0x22: {  	_ =	swait.ge [sflag:s18], $0x1400  }
0x23: {  	[sflag:s18] =	ssyncset.done $0x0  }
0x24: {  	s14 =	rddreg [dreg:$0x6];
	[sflag:s18] =	ssyncadd.s32 $0xFFFFEC00  }
0x25: {  	[tilespmem:s19], [sflag:$0x5] =	stream.linear.gather [hbm4b:s14+s4], $0x1400, $0x38;
	[tilespmem:$0x1E400] =	vst v63  }
0x26: {  	_ =	swait.ge [sflag:s18], $0x1400  }
0x27: {  	[sflag:s18] =	ssyncset.done $0x0  }
0x28: {  	[sflag:s18] =	ssyncadd.s32 $0xFFFFEC00  }
0x29: {  	[tilespmem:s21], [sflag:$0x1] =	stream.indirect.gather [hbm4b:s1+s20], $0x80, s4, s20, $0xb8;
	[tilespmem:$0x1E400] =	vst v63  }
0x2a: {  	_ = 	snop  }
0x2b: {  	[tilespmem:s23], [sflag:$0x2] =	stream.indirect.gather [hbm4b:s1+s20], $0x80, s22, s20, $0xb8;
	[tilespmem:$0x1E400] =	vst v63  }
0x2c: {  	_ = 	snop  }
0x2d: {  	[tilespmem:s25], [sflag:$0x3] =	stream.indirect.gather [hbm4b:s1+s20], $0x80, s24, s20, $0xb8;
	[tilespmem:$0x1E400] =	vst v63  }
0x2e: {  	s11 =	simm.s32 $0x180  }
0x2f: {  	[tilespmem:s26], [sflag:$0x4] =	stream.indirect.gather [hbm4b:s1+s20], $0x80, s11, s20, $0xb8;
	[tilespmem:$0x1E400] =	vst v63  }
0x30: {  	_ =	swait.ge [sflag:s28], $0x2000  }
0x31: {  	[sflag:s28] =	ssyncset.done $0x0  }
0x32: {  	s12 =	simm.s32 $0x1400;
	[sflag:s28] =	ssyncadd.s32 $0xFFFFE000  }
0x33: {  	[spmem:s2] =	stream.indirect.scatter.add.f32 [tilespmem:s21], [sflag:$0x5], $0x80, s12, s20, $0xb8;
	[tilespmem:$0x1E400] =	vst v63  }
0x34: {  	_ =	swait.ge [sflag:s18], $0x2000  }
0x35: {  	[sflag:s18] =	ssyncset.done $0x0  }
0x36: {  	s13 =	simm.s32 $0x200;
	[sflag:s18] =	ssyncadd.s32 $0xFFFFE000  }
0x37: {  	[tilespmem:s21], [sflag:$0x1] =	stream.indirect.gather [hbm4b:s1+s20], $0x80, s13, s20, $0xb8;
	[tilespmem:$0x1E400] =	vst v63  }
0x38: {  	_ =	swait.ge [sflag:s29], $0x2000  }
0x39: {  	[sflag:s29] =	ssyncset.done $0x0  }
0x3a: {  	s14 =	simm.s32 $0x1480;
	[sflag:s29] =	ssyncadd.s32 $0xFFFFE000  }
0x3b: {  	[spmem:s2] =	stream.indirect.scatter.add.f32 [tilespmem:s23], [sflag:$0x5], $0x80, s14, s20, $0xb8;
	[tilespmem:$0x1E400] =	vst v63  }
0x3c: {  	_ =	swait.ge [sflag:s18], $0x2000  }
0x3d: {  	[sflag:s18] =	ssyncset.done $0x0  }
0x3e: {  	s11 =	simm.s32 $0x280;
	[sflag:s18] =	ssyncadd.s32 $0xFFFFE000  }
0x3f: {  	[tilespmem:s23], [sflag:$0x2] =	stream.indirect.gather [hbm4b:s1+s20], $0x80, s11, s20, $0xb8;
	[tilespmem:$0x1E400] =	vst v63  }
0x40: {  	_ =	swait.ge [sflag:s30], $0x2000  }
0x41: {  	[sflag:s30] =	ssyncset.done $0x0  }
0x42: {  	s12 =	simm.s32 $0x1500;
	[sflag:s30] =	ssyncadd.s32 $0xFFFFE000  }
0x43: {  	[spmem:s2] =	stream.indirect.scatter.add.f32 [tilespmem:s25], [sflag:$0x5], $0x80, s12, s20, $0xb8;
	[tilespmem:$0x1E400] =	vst v63  }
0x44: {  	_ =	swait.ge [sflag:s18], $0x2000  }
0x45: {  	[sflag:s18] =	ssyncset.done $0x0  }
0x46: {  	s13 =	simm.s32 $0x300;
	[sflag:s18] =	ssyncadd.s32 $0xFFFFE000  }
0x47: {  	[tilespmem:s25], [sflag:$0x3] =	stream.indirect.gather [hbm4b:s1+s20], $0x80, s13, s20, $0xb8;
	[tilespmem:$0x1E400] =	vst v63  }
0x48: {  	_ =	swait.ge [sflag:s31], $0x2000  }
0x49: {  	[sflag:s31] =	ssyncset.done $0x0  }
0x4a: {  	s14 =	simm.s32 $0x1580;
	[sflag:s31] =	ssyncadd.s32 $0xFFFFE000  }
0x4b: {  	[spmem:s2] =	stream.indirect.scatter.add.f32 [tilespmem:s26], [sflag:$0x5], $0x80, s14, s20, $0xb8;
	[tilespmem:$0x1E400] =	vst v63  }
0x4c: {  	_ =	swait.ge [sflag:s18], $0x2000  }
0x4d: {  	s10 =	simm.s32 $0x200;
	s11 =	simm.s32 $0x1000;
	[sflag:s18] =	ssyncset.done $0x0  }
.LBB2_2:
0x4e: {  	s14 =	sadd.s32 $0x180, s10  }
0x4f: {  	[sflag:s18] =	ssyncadd.s32 $0xFFFFE000;
	s12 =	smov.u32 s11;
	s13 =	sadd.s32 $0x800, s11  }
0x50: {  	[tilespmem:s26], [sflag:$0x4] =	stream.indirect.gather [hbm4b:s1+s20], $0x80, s14, s20, $0xb8;
	[tilespmem:$0x1E400] =	vst v63  }
0x51: {  	p0 =	sne.s32 s11, $0x4000;
	_ =	swait.ge [sflag:s28], $0x2000  }
0x52: {  	[sflag:s28] =	ssyncset.done $0x0  }
0x53: {  	s11 =	sadd.s32 $0x1400, s10;
	[sflag:s28] =	ssyncadd.s32 $0xFFFFE000  }
0x54: {  	[spmem:s2] =	stream.indirect.scatter.add.f32 [tilespmem:s21], [sflag:$0x5], $0x80, s11, s20, $0xb8;
	[tilespmem:$0x1E400] =	vst v63  }
0x55: {  	_ =	swait.ge [sflag:s18], $0x2000  }
0x56: {  	[sflag:s18] =	ssyncset.done $0x0  }
0x57: {  	s11 =	sadd.s32 $0x200, s10;
	[sflag:s18] =	ssyncadd.s32 $0xFFFFE000  }
0x58: {  	[tilespmem:s21], [sflag:$0x1] =	stream.indirect.gather [hbm4b:s1+s20], $0x80, s11, s20, $0xb8;
	[tilespmem:$0x1E400] =	vst v63  }
0x59: {  	_ =	swait.ge [sflag:s29], $0x2000  }
0x5a: {  	[sflag:s29] =	ssyncset.done $0x0  }
0x5b: {  	s11 =	sadd.s32 $0x1480, s10;
	[sflag:s29] =	ssyncadd.s32 $0xFFFFE000  }
0x5c: {  	[spmem:s2] =	stream.indirect.scatter.add.f32 [tilespmem:s23], [sflag:$0x5], $0x80, s11, s20, $0xb8;
	[tilespmem:$0x1E400] =	vst v63  }
0x5d: {  	_ =	swait.ge [sflag:s18], $0x2000  }
0x5e: {  	[sflag:s18] =	ssyncset.done $0x0  }
0x5f: {  	s11 =	sadd.s32 $0x280, s10;
	[sflag:s18] =	ssyncadd.s32 $0xFFFFE000  }
0x60: {  	[tilespmem:s23], [sflag:$0x2] =	stream.indirect.gather [hbm4b:s1+s20], $0x80, s11, s20, $0xb8;
	[tilespmem:$0x1E400] =	vst v63  }
0x61: {  	_ =	swait.ge [sflag:s30], $0x2000  }
0x62: {  	[sflag:s30] =	ssyncset.done $0x0  }
0x63: {  	s11 =	sadd.s32 $0x1500, s10;
	[sflag:s30] =	ssyncadd.s32 $0xFFFFE000  }
0x64: {  	[spmem:s2] =	stream.indirect.scatter.add.f32 [tilespmem:s25], [sflag:$0x5], $0x80, s11, s20, $0xb8;
	[tilespmem:$0x1E400] =	vst v63  }
0x65: {  	_ =	swait.ge [sflag:s18], $0x2000  }
0x66: {  	[sflag:s18] =	ssyncset.done $0x0  }
0x67: {  	s11 =	sadd.s32 $0x300, s10;
	[sflag:s18] =	ssyncadd.s32 $0xFFFFE000  }
0x68: {  	[tilespmem:s25], [sflag:$0x3] =	stream.indirect.gather [hbm4b:s1+s20], $0x80, s11, s20, $0xb8;
	[tilespmem:$0x1E400] =	vst v63  }
0x69: {  	_ =	swait.ge [sflag:s31], $0x2000  }
.Ltmp0:
0x6a: {  	[sflag:s31] =	ssyncset.done $0x0;
	(pc) =	sbr.rel @p0 .LBB2_2-.Ltmp0, $4  }
0x6b: {  	s10 =	sadd.s32 $0x1580, s10;
	[sflag:s31] =	ssyncadd.s32 $0xFFFFE000  }
0x6c: {  	[spmem:s2] =	stream.indirect.scatter.add.f32 [tilespmem:s26], [sflag:$0x5], $0x80, s10, s20, $0xb8;
	[tilespmem:$0x1E400] =	vst v63  }
0x6d: {  	_ =	swait.ge [sflag:s18], $0x2000  }
0x6e: {  	s11 =	smov.u32 s13;
	s10 =	sshra.s32 s12, $0x2;
	[sflag:s18] =	ssyncset.done $0x0  }
0x6f: {  	s11 =	sadd.s32 $0x180, s10;
	[sflag:s18] =	ssyncadd.s32 $0xFFFFE000  }
0x70: {  	[tilespmem:s26], [sflag:$0x4] =	stream.indirect.gather [hbm4b:s1+s20], $0x80, s11, s20, $0xb8;
	[tilespmem:$0x1E400] =	vst v63  }
0x71: {  	_ =	swait.ge [sflag:s28], $0x2000  }
0x72: {  	[sflag:s28] =	ssyncset.done $0x0  }
0x73: {  	s12 =	sadd.s32 $0x1400, s10;
	[sflag:s28] =	ssyncadd.s32 $0xFFFFE000  }
0x74: {  	[spmem:s2] =	stream.indirect.scatter.add.f32 [tilespmem:s21], [sflag:$0x5], $0x80, s12, s20, $0xb8;
	[tilespmem:$0x1E400] =	vst v63  }
0x75: {  	_ =	swait.ge [sflag:s18], $0x2000  }
0x76: {  	[sflag:s18] =	ssyncset.done $0x0  }
0x77: {  	s13 =	sadd.s32 $0x200, s10;
	[sflag:s18] =	ssyncadd.s32 $0xFFFFE000  }
0x78: {  	[tilespmem:s21], [sflag:$0x1] =	stream.indirect.gather [hbm4b:s1+s20], $0x80, s13, s20, $0xb8;
	[tilespmem:$0x1E400] =	vst v63  }
0x79: {  	_ =	swait.ge [sflag:s29], $0x2000  }
0x7a: {  	[sflag:s29] =	ssyncset.done $0x0  }
0x7b: {  	s14 =	sadd.s32 $0x1480, s10;
	[sflag:s29] =	ssyncadd.s32 $0xFFFFE000  }
0x7c: {  	[spmem:s2] =	stream.indirect.scatter.add.f32 [tilespmem:s23], [sflag:$0x5], $0x80, s14, s20, $0xb8;
	[tilespmem:$0x1E400] =	vst v63  }
0x7d: {  	_ =	swait.ge [sflag:s18], $0x2000  }
0x7e: {  	[sflag:s18] =	ssyncset.done $0x0  }
0x7f: {  	s12 =	sadd.s32 $0x280, s10;
	[sflag:s18] =	ssyncadd.s32 $0xFFFFE000  }
0x80: {  	[tilespmem:s23], [sflag:$0x2] =	stream.indirect.gather [hbm4b:s1+s20], $0x80, s12, s20, $0xb8;
	[tilespmem:$0x1E400] =	vst v63  }
0x81: {  	_ =	swait.ge [sflag:s30], $0x2000  }
0x82: {  	[sflag:s30] =	ssyncset.done $0x0  }
0x83: {  	s13 =	sadd.s32 $0x1500, s10;
	[sflag:s30] =	ssyncadd.s32 $0xFFFFE000  }
0x84: {  	[spmem:s2] =	stream.indirect.scatter.add.f32 [tilespmem:s25], [sflag:$0x5], $0x80, s13, s20, $0xb8;
	[tilespmem:$0x1E400] =	vst v63  }
0x85: {  	_ =	swait.ge [sflag:s18], $0x2000  }
0x86: {  	[sflag:s18] =	ssyncset.done $0x0  }
0x87: {  	s14 =	sadd.s32 $0x300, s10;
	[sflag:s18] =	ssyncadd.s32 $0xFFFFE000  }
0x88: {  	[tilespmem:s25], [sflag:$0x3] =	stream.indirect.gather [hbm4b:s1+s20], $0x80, s14, s20, $0xb8;
	[tilespmem:$0x1E400] =	vst v63  }
0x89: {  	_ =	swait.ge [sflag:s31], $0x2000  }
0x8a: {  	[sflag:s31] =	ssyncset.done $0x0  }
0x8b: {  	s11 =	sadd.s32 $0x1580, s10;
	[sflag:s31] =	ssyncadd.s32 $0xFFFFE000  }
0x8c: {  	[spmem:s2] =	stream.indirect.scatter.add.f32 [tilespmem:s26], [sflag:$0x5], $0x80, s11, s20, $0xb8;
	[tilespmem:$0x1E400] =	vst v63  }
0x8d: {  	_ =	swait.ge [sflag:s18], $0x2000  }
0x8e: {  	[sflag:s18] =	ssyncset.done $0x0  }
0x8f: {  	[sflag:s18] =	ssyncadd.s32 $0xFFFFE000  }
0x90: {  	[tilespmem:s26], [sflag:$0x4] =	stream.indirect.gather [hbm4b:s1+s20], $0x80, s0, s20, $0xb8;
	[tilespmem:$0x1E400] =	vst v63  }
0x91: {  	_ =	swait.ge [sflag:s28], $0x2000  }
0x92: {  	[sflag:s28] =	ssyncset.done $0x0  }
0x93: {  	[sflag:s28] =	ssyncadd.s32 $0xFFFFE000  }
0x94: {  	[spmem:s2] =	stream.indirect.scatter.add.f32 [tilespmem:s21], [sflag:$0x5], $0x80, s3, s20, $0xb8;
	[tilespmem:$0x1E400] =	vst v63  }
0x95: {  	_ =	swait.ge [sflag:s18], $0x2000  }
0x96: {  	[sflag:s18] =	ssyncset.done $0x0  }
0x97: {  	[sflag:s18] =	ssyncadd.s32 $0xFFFFE000  }
0x98: {  	[tilespmem:s21], [sflag:$0x1] =	stream.indirect.gather [hbm4b:s1+s20], $0x80, s0, s20, $0xb8;
	[tilespmem:$0x1E400] =	vst v63  }
0x99: {  	_ =	swait.ge [sflag:s29], $0x2000  }
0x9a: {  	[sflag:s29] =	ssyncset.done $0x0  }
0x9b: {  	[sflag:s29] =	ssyncadd.s32 $0xFFFFE000  }
0x9c: {  	[spmem:s2] =	stream.indirect.scatter.add.f32 [tilespmem:s23], [sflag:$0x5], $0x80, s5, s20, $0xb8;
	[tilespmem:$0x1E400] =	vst v63  }
0x9d: {  	_ =	swait.ge [sflag:s18], $0x2000  }
0x9e: {  	[sflag:s18] =	ssyncset.done $0x0  }
0x9f: {  	[sflag:s18] =	ssyncadd.s32 $0xFFFFE000  }
0xa0: {  	[tilespmem:s23], [sflag:$0x2] =	stream.indirect.gather [hbm4b:s1+s20], $0x80, s0, s20, $0xb8;
	[tilespmem:$0x1E400] =	vst v63  }
0xa1: {  	_ =	swait.ge [sflag:s30], $0x2000  }
0xa2: {  	[sflag:s30] =	ssyncset.done $0x0  }
0xa3: {  	[sflag:s30] =	ssyncadd.s32 $0xFFFFE000  }
0xa4: {  	[spmem:s2] =	stream.indirect.scatter.add.f32 [tilespmem:s25], [sflag:$0x5], $0x80, s7, s20, $0xb8;
	[tilespmem:$0x1E400] =	vst v63  }
0xa5: {  	_ =	swait.ge [sflag:s18], $0x2000  }
0xa6: {  	[sflag:s18] =	ssyncset.done $0x0  }
0xa7: {  	[sflag:s18] =	ssyncadd.s32 $0xFFFFE000  }
0xa8: {  	[tilespmem:s25], [sflag:$0x3] =	stream.indirect.gather [hbm4b:s1+s20], $0x80, s0, s20, $0xb8;
	[tilespmem:$0x1E400] =	vst v63  }
0xa9: {  	_ =	swait.ge [sflag:s31], $0x2000  }
0xaa: {  	[sflag:s31] =	ssyncset.done $0x0  }
0xab: {  	[sflag:s31] =	ssyncadd.s32 $0xFFFFE000  }
0xac: {  	[spmem:s2] =	stream.indirect.scatter.add.f32 [tilespmem:s26], [sflag:$0x5], $0x80, s8, s20, $0xb8;
	[tilespmem:$0x1E400] =	vst v63  }
0xad: {  	_ =	swait.ge [sflag:s18], $0x2000  }
0xae: {  	[sflag:s18] =	ssyncset.done $0x0  }
0xaf: {  	[sflag:s18] =	ssyncadd.s32 $0xFFFFE000  }
0xb0: {  	_ =	swait.ge [sflag:s28], $0x2000  }
0xb1: {  	[sflag:s28] =	ssyncset.done $0x0  }
0xb2: {  	[sflag:s28] =	ssyncadd.s32 $0xFFFFE000  }
0xb3: {  	_ =	swait.ge [sflag:s29], $0x2000  }
0xb4: {  	[sflag:s29] =	ssyncset.done $0x0  }
0xb5: {  	[sflag:s29] =	ssyncadd.s32 $0xFFFFE000  }
0xb6: {  	_ =	swait.ge [sflag:s30], $0x2000  }
0xb7: {  	[sflag:s30] =	ssyncset.done $0x0  }
0xb8: {  	s12 =	simm.s32 $0x0;
	s13 =	rddreg [dreg:$0x7];
	[sflag:s30] =	ssyncadd.s32 $0xFFFFE000  }
0xb9: {  	[tilespmem:s12], [sflag:$0x5] =	stream.linear.gather [hbm4b:s13+s12], $0x1400, $0x38;
	[tilespmem:$0x1E400] =	vst v63  }
0xba: {  	_ =	swait.ge [sflag:s18], $0x1400  }
0xbb: {  	[sflag:s18] =	ssyncset.done $0x0  }
0xbc: {  	s14 =	rddreg [dreg:$0x8];
	[sflag:s18] =	ssyncadd.s32 $0xFFFFEC00  }
0xbd: {  	[tilespmem:s19], [sflag:$0x5] =	stream.linear.gather [hbm4b:s14+s12], $0x1400, $0x38;
	[tilespmem:$0x1E400] =	vst v63  }
0xbe: {  	_ =	swait.ge [sflag:s18], $0x1400  }
0xbf: {  	[sflag:s18] =	ssyncset.done $0x0  }
0xc0: {  	[sflag:s18] =	ssyncadd.s32 $0xFFFFEC00  }
0xc1: {  	[tilespmem:s21], [sflag:$0x1] =	stream.indirect.gather [hbm4b:s1+s20], $0x80, s12, s20, $0xb8;
	[tilespmem:$0x1E400] =	vst v63  }
0xc2: {  	_ = 	snop  }
0xc3: {  	[tilespmem:s23], [sflag:$0x2] =	stream.indirect.gather [hbm4b:s1+s20], $0x80, s22, s20, $0xb8;
	[tilespmem:$0x1E400] =	vst v63  }
0xc4: {  	_ = 	snop  }
0xc5: {  	[tilespmem:s25], [sflag:$0x3] =	stream.indirect.gather [hbm4b:s1+s20], $0x80, s24, s20, $0xb8;
	[tilespmem:$0x1E400] =	vst v63  }
0xc6: {  	s11 =	simm.s32 $0x180  }
0xc7: {  	[tilespmem:s26], [sflag:$0x4] =	stream.indirect.gather [hbm4b:s1+s20], $0x80, s11, s20, $0xb8;
	[tilespmem:$0x1E400] =	vst v63  }
0xc8: {  	_ =	swait.ge [sflag:s28], $0x2000  }
0xc9: {  	[sflag:s28] =	ssyncset.done $0x0  }
0xca: {  	s12 =	simm.s32 $0x1400;
	[sflag:s28] =	ssyncadd.s32 $0xFFFFE000  }
0xcb: {  	[spmem:s2] =	stream.indirect.scatter.add.f32 [tilespmem:s21], [sflag:$0x5], $0x80, s12, s20, $0xb8;
	[tilespmem:$0x1E400] =	vst v63  }
0xcc: {  	_ =	swait.ge [sflag:s18], $0x2000  }
0xcd: {  	[sflag:s18] =	ssyncset.done $0x0  }
0xce: {  	s13 =	simm.s32 $0x200;
	[sflag:s18] =	ssyncadd.s32 $0xFFFFE000  }
0xcf: {  	[tilespmem:s21], [sflag:$0x1] =	stream.indirect.gather [hbm4b:s1+s20], $0x80, s13, s20, $0xb8;
	[tilespmem:$0x1E400] =	vst v63  }
0xd0: {  	_ =	swait.ge [sflag:s29], $0x2000  }
0xd1: {  	[sflag:s29] =	ssyncset.done $0x0  }
0xd2: {  	s14 =	simm.s32 $0x1480;
	[sflag:s29] =	ssyncadd.s32 $0xFFFFE000  }
0xd3: {  	[spmem:s2] =	stream.indirect.scatter.add.f32 [tilespmem:s23], [sflag:$0x5], $0x80, s14, s20, $0xb8;
	[tilespmem:$0x1E400] =	vst v63  }
0xd4: {  	_ =	swait.ge [sflag:s18], $0x2000  }
0xd5: {  	[sflag:s18] =	ssyncset.done $0x0  }
0xd6: {  	s11 =	simm.s32 $0x280;
	[sflag:s18] =	ssyncadd.s32 $0xFFFFE000  }
0xd7: {  	[tilespmem:s23], [sflag:$0x2] =	stream.indirect.gather [hbm4b:s1+s20], $0x80, s11, s20, $0xb8;
	[tilespmem:$0x1E400] =	vst v63  }
0xd8: {  	_ =	swait.ge [sflag:s30], $0x2000  }
0xd9: {  	[sflag:s30] =	ssyncset.done $0x0  }
0xda: {  	s12 =	simm.s32 $0x1500;
	[sflag:s30] =	ssyncadd.s32 $0xFFFFE000  }
0xdb: {  	[spmem:s2] =	stream.indirect.scatter.add.f32 [tilespmem:s25], [sflag:$0x5], $0x80, s12, s20, $0xb8;
	[tilespmem:$0x1E400] =	vst v63  }
0xdc: {  	_ =	swait.ge [sflag:s18], $0x2000  }
0xdd: {  	[sflag:s18] =	ssyncset.done $0x0  }
0xde: {  	s13 =	simm.s32 $0x300;
	[sflag:s18] =	ssyncadd.s32 $0xFFFFE000  }
0xdf: {  	[tilespmem:s25], [sflag:$0x3] =	stream.indirect.gather [hbm4b:s1+s20], $0x80, s13, s20, $0xb8;
	[tilespmem:$0x1E400] =	vst v63  }
0xe0: {  	_ =	swait.ge [sflag:s31], $0x2000  }
0xe1: {  	[sflag:s31] =	ssyncset.done $0x0  }
0xe2: {  	s14 =	simm.s32 $0x1580;
	[sflag:s31] =	ssyncadd.s32 $0xFFFFE000  }
0xe3: {  	[spmem:s2] =	stream.indirect.scatter.add.f32 [tilespmem:s26], [sflag:$0x5], $0x80, s14, s20, $0xb8;
	[tilespmem:$0x1E400] =	vst v63  }
0xe4: {  	_ =	swait.ge [sflag:s18], $0x2000  }
0xe5: {  	s10 =	simm.s32 $0x200;
	s13 =	simm.s32 $0x1000;
	[sflag:s18] =	ssyncset.done $0x0  }
.LBB2_4:
0xe6: {  	s14 =	sadd.s32 $0x180, s10  }
0xe7: {  	[sflag:s18] =	ssyncadd.s32 $0xFFFFE000;
	s12 =	smov.u32 s13;
	s11 =	sadd.s32 $0x800, s13  }
0xe8: {  	[tilespmem:s26], [sflag:$0x4] =	stream.indirect.gather [hbm4b:s1+s20], $0x80, s14, s20, $0xb8;
	[tilespmem:$0x1E400] =	vst v63  }
0xe9: {  	p0 =	sne.s32 s13, $0x4000;
	_ =	swait.ge [sflag:s28], $0x2000  }
0xea: {  	[sflag:s28] =	ssyncset.done $0x0  }
0xeb: {  	s13 =	sadd.s32 $0x1400, s10;
	[sflag:s28] =	ssyncadd.s32 $0xFFFFE000  }
0xec: {  	[spmem:s2] =	stream.indirect.scatter.add.f32 [tilespmem:s21], [sflag:$0x5], $0x80, s13, s20, $0xb8;
	[tilespmem:$0x1E400] =	vst v63  }
0xed: {  	_ =	swait.ge [sflag:s18], $0x2000  }
0xee: {  	[sflag:s18] =	ssyncset.done $0x0  }
0xef: {  	s13 =	sadd.s32 $0x200, s10;
	[sflag:s18] =	ssyncadd.s32 $0xFFFFE000  }
0xf0: {  	[tilespmem:s21], [sflag:$0x1] =	stream.indirect.gather [hbm4b:s1+s20], $0x80, s13, s20, $0xb8;
	[tilespmem:$0x1E400] =	vst v63  }
0xf1: {  	_ =	swait.ge [sflag:s29], $0x2000  }
0xf2: {  	[sflag:s29] =	ssyncset.done $0x0  }
0xf3: {  	s13 =	sadd.s32 $0x1480, s10;
	[sflag:s29] =	ssyncadd.s32 $0xFFFFE000  }
0xf4: {  	[spmem:s2] =	stream.indirect.scatter.add.f32 [tilespmem:s23], [sflag:$0x5], $0x80, s13, s20, $0xb8;
	[tilespmem:$0x1E400] =	vst v63  }
0xf5: {  	_ =	swait.ge [sflag:s18], $0x2000  }
0xf6: {  	[sflag:s18] =	ssyncset.done $0x0  }
0xf7: {  	s13 =	sadd.s32 $0x280, s10;
	[sflag:s18] =	ssyncadd.s32 $0xFFFFE000  }
0xf8: {  	[tilespmem:s23], [sflag:$0x2] =	stream.indirect.gather [hbm4b:s1+s20], $0x80, s13, s20, $0xb8;
	[tilespmem:$0x1E400] =	vst v63  }
0xf9: {  	_ =	swait.ge [sflag:s30], $0x2000  }
0xfa: {  	[sflag:s30] =	ssyncset.done $0x0  }
0xfb: {  	s13 =	sadd.s32 $0x1500, s10;
	[sflag:s30] =	ssyncadd.s32 $0xFFFFE000  }
0xfc: {  	[spmem:s2] =	stream.indirect.scatter.add.f32 [tilespmem:s25], [sflag:$0x5], $0x80, s13, s20, $0xb8;
	[tilespmem:$0x1E400] =	vst v63  }
0xfd: {  	_ =	swait.ge [sflag:s18], $0x2000  }
0xfe: {  	[sflag:s18] =	ssyncset.done $0x0  }
0xff: {  	s13 =	sadd.s32 $0x300, s10;
	[sflag:s18] =	ssyncadd.s32 $0xFFFFE000  }
0x100: {  	[tilespmem:s25], [sflag:$0x3] =	stream.indirect.gather [hbm4b:s1+s20], $0x80, s13, s20, $0xb8;
	[tilespmem:$0x1E400] =	vst v63  }
0x101: {  	_ =	swait.ge [sflag:s31], $0x2000  }
.Ltmp1:
0x102: {  	[sflag:s31] =	ssyncset.done $0x0;
	(pc) =	sbr.rel @p0 .LBB2_4-.Ltmp1, $4  }
0x103: {  	s10 =	sadd.s32 $0x1580, s10;
	[sflag:s31] =	ssyncadd.s32 $0xFFFFE000  }
0x104: {  	[spmem:s2] =	stream.indirect.scatter.add.f32 [tilespmem:s26], [sflag:$0x5], $0x80, s10, s20, $0xb8;
	[tilespmem:$0x1E400] =	vst v63  }
0x105: {  	_ =	swait.ge [sflag:s18], $0x2000  }
0x106: {  	s13 =	smov.u32 s11;
	s10 =	sshra.s32 s12, $0x2;
	[sflag:s18] =	ssyncset.done $0x0  }
0x107: {  	s11 =	sadd.s32 $0x180, s10;
	[sflag:s18] =	ssyncadd.s32 $0xFFFFE000  }
0x108: {  	[tilespmem:s26], [sflag:$0x4] =	stream.indirect.gather [hbm4b:s1+s20], $0x80, s11, s20, $0xb8;
	[tilespmem:$0x1E400] =	vst v63  }
0x109: {  	_ =	swait.ge [sflag:s28], $0x2000  }
0x10a: {  	[sflag:s28] =	ssyncset.done $0x0  }
0x10b: {  	s12 =	sadd.s32 $0x1400, s10;
	[sflag:s28] =	ssyncadd.s32 $0xFFFFE000  }
0x10c: {  	[spmem:s2] =	stream.indirect.scatter.add.f32 [tilespmem:s21], [sflag:$0x5], $0x80, s12, s20, $0xb8;
	[tilespmem:$0x1E400] =	vst v63  }
0x10d: {  	_ =	swait.ge [sflag:s18], $0x2000  }
0x10e: {  	[sflag:s18] =	ssyncset.done $0x0  }
0x10f: {  	s13 =	sadd.s32 $0x200, s10;
	[sflag:s18] =	ssyncadd.s32 $0xFFFFE000  }
0x110: {  	[tilespmem:s21], [sflag:$0x1] =	stream.indirect.gather [hbm4b:s1+s20], $0x80, s13, s20, $0xb8;
	[tilespmem:$0x1E400] =	vst v63  }
0x111: {  	_ =	swait.ge [sflag:s29], $0x2000  }
0x112: {  	[sflag:s29] =	ssyncset.done $0x0  }
0x113: {  	s14 =	sadd.s32 $0x1480, s10;
	[sflag:s29] =	ssyncadd.s32 $0xFFFFE000  }
0x114: {  	[spmem:s2] =	stream.indirect.scatter.add.f32 [tilespmem:s23], [sflag:$0x5], $0x80, s14, s20, $0xb8;
	[tilespmem:$0x1E400] =	vst v63  }
0x115: {  	_ =	swait.ge [sflag:s18], $0x2000  }
0x116: {  	[sflag:s18] =	ssyncset.done $0x0  }
0x117: {  	s12 =	sadd.s32 $0x280, s10;
	[sflag:s18] =	ssyncadd.s32 $0xFFFFE000  }
0x118: {  	[tilespmem:s23], [sflag:$0x2] =	stream.indirect.gather [hbm4b:s1+s20], $0x80, s12, s20, $0xb8;
	[tilespmem:$0x1E400] =	vst v63  }
0x119: {  	_ =	swait.ge [sflag:s30], $0x2000  }
0x11a: {  	[sflag:s30] =	ssyncset.done $0x0  }
0x11b: {  	s13 =	sadd.s32 $0x1500, s10;
	[sflag:s30] =	ssyncadd.s32 $0xFFFFE000  }
0x11c: {  	[spmem:s2] =	stream.indirect.scatter.add.f32 [tilespmem:s25], [sflag:$0x5], $0x80, s13, s20, $0xb8;
	[tilespmem:$0x1E400] =	vst v63  }
0x11d: {  	_ =	swait.ge [sflag:s18], $0x2000  }
0x11e: {  	[sflag:s18] =	ssyncset.done $0x0  }
0x11f: {  	s14 =	sadd.s32 $0x300, s10;
	[sflag:s18] =	ssyncadd.s32 $0xFFFFE000  }
0x120: {  	[tilespmem:s25], [sflag:$0x3] =	stream.indirect.gather [hbm4b:s1+s20], $0x80, s14, s20, $0xb8;
	[tilespmem:$0x1E400] =	vst v63  }
0x121: {  	_ =	swait.ge [sflag:s31], $0x2000  }
0x122: {  	[sflag:s31] =	ssyncset.done $0x0  }
0x123: {  	s11 =	sadd.s32 $0x1580, s10;
	[sflag:s31] =	ssyncadd.s32 $0xFFFFE000  }
0x124: {  	[spmem:s2] =	stream.indirect.scatter.add.f32 [tilespmem:s26], [sflag:$0x5], $0x80, s11, s20, $0xb8;
	[tilespmem:$0x1E400] =	vst v63  }
0x125: {  	_ =	swait.ge [sflag:s18], $0x2000  }
0x126: {  	[sflag:s18] =	ssyncset.done $0x0  }
0x127: {  	[sflag:s18] =	ssyncadd.s32 $0xFFFFE000  }
0x128: {  	[tilespmem:s26], [sflag:$0x4] =	stream.indirect.gather [hbm4b:s1+s20], $0x80, s0, s20, $0xb8;
	[tilespmem:$0x1E400] =	vst v63  }
0x129: {  	_ =	swait.ge [sflag:s28], $0x2000  }
0x12a: {  	[sflag:s28] =	ssyncset.done $0x0  }
0x12b: {  	[sflag:s28] =	ssyncadd.s32 $0xFFFFE000  }
0x12c: {  	[spmem:s2] =	stream.indirect.scatter.add.f32 [tilespmem:s21], [sflag:$0x5], $0x80, s3, s20, $0xb8;
	[tilespmem:$0x1E400] =	vst v63  }
0x12d: {  	_ =	swait.ge [sflag:s18], $0x2000  }
0x12e: {  	[sflag:s18] =	ssyncset.done $0x0  }
0x12f: {  	[sflag:s18] =	ssyncadd.s32 $0xFFFFE000  }
0x130: {  	[tilespmem:s21], [sflag:$0x1] =	stream.indirect.gather [hbm4b:s1+s20], $0x80, s0, s20, $0xb8;
	[tilespmem:$0x1E400] =	vst v63  }
0x131: {  	_ =	swait.ge [sflag:s29], $0x2000  }
0x132: {  	[sflag:s29] =	ssyncset.done $0x0  }
0x133: {  	[sflag:s29] =	ssyncadd.s32 $0xFFFFE000  }
0x134: {  	[spmem:s2] =	stream.indirect.scatter.add.f32 [tilespmem:s23], [sflag:$0x5], $0x80, s5, s20, $0xb8;
	[tilespmem:$0x1E400] =	vst v63  }
0x135: {  	_ =	swait.ge [sflag:s18], $0x2000  }
0x136: {  	[sflag:s18] =	ssyncset.done $0x0  }
0x137: {  	[sflag:s18] =	ssyncadd.s32 $0xFFFFE000  }
0x138: {  	[tilespmem:s23], [sflag:$0x2] =	stream.indirect.gather [hbm4b:s1+s20], $0x80, s0, s20, $0xb8;
	[tilespmem:$0x1E400] =	vst v63  }
0x139: {  	_ =	swait.ge [sflag:s30], $0x2000  }
0x13a: {  	[sflag:s30] =	ssyncset.done $0x0  }
0x13b: {  	[sflag:s30] =	ssyncadd.s32 $0xFFFFE000  }
0x13c: {  	[spmem:s2] =	stream.indirect.scatter.add.f32 [tilespmem:s25], [sflag:$0x5], $0x80, s7, s20, $0xb8;
	[tilespmem:$0x1E400] =	vst v63  }
0x13d: {  	_ =	swait.ge [sflag:s18], $0x2000  }
0x13e: {  	[sflag:s18] =	ssyncset.done $0x0  }
0x13f: {  	[sflag:s18] =	ssyncadd.s32 $0xFFFFE000  }
0x140: {  	[tilespmem:s25], [sflag:$0x3] =	stream.indirect.gather [hbm4b:s1+s20], $0x80, s0, s20, $0xb8;
	[tilespmem:$0x1E400] =	vst v63  }
0x141: {  	_ =	swait.ge [sflag:s31], $0x2000  }
0x142: {  	[sflag:s31] =	ssyncset.done $0x0  }
0x143: {  	[sflag:s31] =	ssyncadd.s32 $0xFFFFE000  }
0x144: {  	[spmem:s2] =	stream.indirect.scatter.add.f32 [tilespmem:s26], [sflag:$0x5], $0x80, s8, s20, $0xb8;
	[tilespmem:$0x1E400] =	vst v63  }
0x145: {  	_ =	swait.ge [sflag:s18], $0x2000  }
0x146: {  	[sflag:s18] =	ssyncset.done $0x0  }
0x147: {  	[sflag:s18] =	ssyncadd.s32 $0xFFFFE000  }
0x148: {  	_ =	swait.ge [sflag:s28], $0x2000  }
0x149: {  	[sflag:s28] =	ssyncset.done $0x0  }
0x14a: {  	[sflag:s28] =	ssyncadd.s32 $0xFFFFE000  }
0x14b: {  	_ =	swait.ge [sflag:s29], $0x2000  }
0x14c: {  	[sflag:s29] =	ssyncset.done $0x0  }
0x14d: {  	[sflag:s29] =	ssyncadd.s32 $0xFFFFE000  }
0x14e: {  	_ =	swait.ge [sflag:s30], $0x2000  }
0x14f: {  	[sflag:s30] =	ssyncset.done $0x0  }
0x150: {  	s12 =	simm.s32 $0x0;
	s13 =	rddreg [dreg:$0x9];
	[sflag:s30] =	ssyncadd.s32 $0xFFFFE000  }
0x151: {  	[tilespmem:s12], [sflag:$0x5] =	stream.linear.gather [hbm4b:s13+s12], $0x1400, $0x38;
	[tilespmem:$0x1E400] =	vst v63  }
0x152: {  	_ =	swait.ge [sflag:s18], $0x1400  }
0x153: {  	[sflag:s18] =	ssyncset.done $0x0  }
0x154: {  	s14 =	rddreg [dreg:$0xa];
	[sflag:s18] =	ssyncadd.s32 $0xFFFFEC00  }
0x155: {  	[tilespmem:s19], [sflag:$0x5] =	stream.linear.gather [hbm4b:s14+s12], $0x1400, $0x38;
	[tilespmem:$0x1E400] =	vst v63  }
0x156: {  	_ =	swait.ge [sflag:s18], $0x1400  }
0x157: {  	[sflag:s18] =	ssyncset.done $0x0  }
0x158: {  	[sflag:s18] =	ssyncadd.s32 $0xFFFFEC00  }
0x159: {  	[tilespmem:s21], [sflag:$0x1] =	stream.indirect.gather [hbm4b:s1+s20], $0x80, s12, s20, $0xb8;
	[tilespmem:$0x1E400] =	vst v63  }
0x15a: {  	_ = 	snop  }
0x15b: {  	[tilespmem:s23], [sflag:$0x2] =	stream.indirect.gather [hbm4b:s1+s20], $0x80, s22, s20, $0xb8;
	[tilespmem:$0x1E400] =	vst v63  }
0x15c: {  	_ = 	snop  }
0x15d: {  	[tilespmem:s25], [sflag:$0x3] =	stream.indirect.gather [hbm4b:s1+s20], $0x80, s24, s20, $0xb8;
	[tilespmem:$0x1E400] =	vst v63  }
0x15e: {  	s11 =	simm.s32 $0x180  }
0x15f: {  	[tilespmem:s26], [sflag:$0x4] =	stream.indirect.gather [hbm4b:s1+s20], $0x80, s11, s20, $0xb8;
	[tilespmem:$0x1E400] =	vst v63  }
0x160: {  	_ =	swait.ge [sflag:s28], $0x2000  }
0x161: {  	[sflag:s28] =	ssyncset.done $0x0  }
0x162: {  	s12 =	simm.s32 $0x1400;
	[sflag:s28] =	ssyncadd.s32 $0xFFFFE000  }
0x163: {  	[spmem:s2] =	stream.indirect.scatter.add.f32 [tilespmem:s21], [sflag:$0x5], $0x80, s12, s20, $0xb8;
	[tilespmem:$0x1E400] =	vst v63  }
0x164: {  	_ =	swait.ge [sflag:s18], $0x2000  }
0x165: {  	[sflag:s18] =	ssyncset.done $0x0  }
0x166: {  	s13 =	simm.s32 $0x200;
	[sflag:s18] =	ssyncadd.s32 $0xFFFFE000  }
0x167: {  	[tilespmem:s21], [sflag:$0x1] =	stream.indirect.gather [hbm4b:s1+s20], $0x80, s13, s20, $0xb8;
	[tilespmem:$0x1E400] =	vst v63  }
0x168: {  	_ =	swait.ge [sflag:s29], $0x2000  }
0x169: {  	[sflag:s29] =	ssyncset.done $0x0  }
0x16a: {  	s14 =	simm.s32 $0x1480;
	[sflag:s29] =	ssyncadd.s32 $0xFFFFE000  }
0x16b: {  	[spmem:s2] =	stream.indirect.scatter.add.f32 [tilespmem:s23], [sflag:$0x5], $0x80, s14, s20, $0xb8;
	[tilespmem:$0x1E400] =	vst v63  }
0x16c: {  	_ =	swait.ge [sflag:s18], $0x2000  }
0x16d: {  	[sflag:s18] =	ssyncset.done $0x0  }
0x16e: {  	s11 =	simm.s32 $0x280;
	[sflag:s18] =	ssyncadd.s32 $0xFFFFE000  }
0x16f: {  	[tilespmem:s23], [sflag:$0x2] =	stream.indirect.gather [hbm4b:s1+s20], $0x80, s11, s20, $0xb8;
	[tilespmem:$0x1E400] =	vst v63  }
0x170: {  	_ =	swait.ge [sflag:s30], $0x2000  }
0x171: {  	[sflag:s30] =	ssyncset.done $0x0  }
0x172: {  	s12 =	simm.s32 $0x1500;
	[sflag:s30] =	ssyncadd.s32 $0xFFFFE000  }
0x173: {  	[spmem:s2] =	stream.indirect.scatter.add.f32 [tilespmem:s25], [sflag:$0x5], $0x80, s12, s20, $0xb8;
	[tilespmem:$0x1E400] =	vst v63  }
0x174: {  	_ =	swait.ge [sflag:s18], $0x2000  }
0x175: {  	[sflag:s18] =	ssyncset.done $0x0  }
0x176: {  	s13 =	simm.s32 $0x300;
	[sflag:s18] =	ssyncadd.s32 $0xFFFFE000  }
0x177: {  	[tilespmem:s25], [sflag:$0x3] =	stream.indirect.gather [hbm4b:s1+s20], $0x80, s13, s20, $0xb8;
	[tilespmem:$0x1E400] =	vst v63  }
0x178: {  	_ =	swait.ge [sflag:s31], $0x2000  }
0x179: {  	[sflag:s31] =	ssyncset.done $0x0  }
0x17a: {  	s14 =	simm.s32 $0x1580;
	[sflag:s31] =	ssyncadd.s32 $0xFFFFE000  }
0x17b: {  	[spmem:s2] =	stream.indirect.scatter.add.f32 [tilespmem:s26], [sflag:$0x5], $0x80, s14, s20, $0xb8;
	[tilespmem:$0x1E400] =	vst v63  }
0x17c: {  	_ =	swait.ge [sflag:s18], $0x2000  }
0x17d: {  	s10 =	simm.s32 $0x200;
	s13 =	simm.s32 $0x1000;
	[sflag:s18] =	ssyncset.done $0x0  }
.LBB2_6:
0x17e: {  	s14 =	sadd.s32 $0x180, s10  }
0x17f: {  	[sflag:s18] =	ssyncadd.s32 $0xFFFFE000;
	s12 =	smov.u32 s13;
	s11 =	sadd.s32 $0x800, s13  }
0x180: {  	[tilespmem:s26], [sflag:$0x4] =	stream.indirect.gather [hbm4b:s1+s20], $0x80, s14, s20, $0xb8;
	[tilespmem:$0x1E400] =	vst v63  }
0x181: {  	p0 =	sne.s32 s13, $0x4000;
	_ =	swait.ge [sflag:s28], $0x2000  }
0x182: {  	[sflag:s28] =	ssyncset.done $0x0  }
0x183: {  	s13 =	sadd.s32 $0x1400, s10;
	[sflag:s28] =	ssyncadd.s32 $0xFFFFE000  }
0x184: {  	[spmem:s2] =	stream.indirect.scatter.add.f32 [tilespmem:s21], [sflag:$0x5], $0x80, s13, s20, $0xb8;
	[tilespmem:$0x1E400] =	vst v63  }
0x185: {  	_ =	swait.ge [sflag:s18], $0x2000  }
0x186: {  	[sflag:s18] =	ssyncset.done $0x0  }
0x187: {  	s13 =	sadd.s32 $0x200, s10;
	[sflag:s18] =	ssyncadd.s32 $0xFFFFE000  }
0x188: {  	[tilespmem:s21], [sflag:$0x1] =	stream.indirect.gather [hbm4b:s1+s20], $0x80, s13, s20, $0xb8;
	[tilespmem:$0x1E400] =	vst v63  }
0x189: {  	_ =	swait.ge [sflag:s29], $0x2000  }
0x18a: {  	[sflag:s29] =	ssyncset.done $0x0  }
0x18b: {  	s13 =	sadd.s32 $0x1480, s10;
	[sflag:s29] =	ssyncadd.s32 $0xFFFFE000  }
0x18c: {  	[spmem:s2] =	stream.indirect.scatter.add.f32 [tilespmem:s23], [sflag:$0x5], $0x80, s13, s20, $0xb8;
	[tilespmem:$0x1E400] =	vst v63  }
0x18d: {  	_ =	swait.ge [sflag:s18], $0x2000  }
0x18e: {  	[sflag:s18] =	ssyncset.done $0x0  }
0x18f: {  	s13 =	sadd.s32 $0x280, s10;
	[sflag:s18] =	ssyncadd.s32 $0xFFFFE000  }
0x190: {  	[tilespmem:s23], [sflag:$0x2] =	stream.indirect.gather [hbm4b:s1+s20], $0x80, s13, s20, $0xb8;
	[tilespmem:$0x1E400] =	vst v63  }
0x191: {  	_ =	swait.ge [sflag:s30], $0x2000  }
0x192: {  	[sflag:s30] =	ssyncset.done $0x0  }
0x193: {  	s13 =	sadd.s32 $0x1500, s10;
	[sflag:s30] =	ssyncadd.s32 $0xFFFFE000  }
0x194: {  	[spmem:s2] =	stream.indirect.scatter.add.f32 [tilespmem:s25], [sflag:$0x5], $0x80, s13, s20, $0xb8;
	[tilespmem:$0x1E400] =	vst v63  }
0x195: {  	_ =	swait.ge [sflag:s18], $0x2000  }
0x196: {  	[sflag:s18] =	ssyncset.done $0x0  }
0x197: {  	s13 =	sadd.s32 $0x300, s10;
	[sflag:s18] =	ssyncadd.s32 $0xFFFFE000  }
0x198: {  	[tilespmem:s25], [sflag:$0x3] =	stream.indirect.gather [hbm4b:s1+s20], $0x80, s13, s20, $0xb8;
	[tilespmem:$0x1E400] =	vst v63  }
0x199: {  	_ =	swait.ge [sflag:s31], $0x2000  }
.Ltmp2:
0x19a: {  	[sflag:s31] =	ssyncset.done $0x0;
	(pc) =	sbr.rel @p0 .LBB2_6-.Ltmp2, $4  }
0x19b: {  	s10 =	sadd.s32 $0x1580, s10;
	[sflag:s31] =	ssyncadd.s32 $0xFFFFE000  }
0x19c: {  	[spmem:s2] =	stream.indirect.scatter.add.f32 [tilespmem:s26], [sflag:$0x5], $0x80, s10, s20, $0xb8;
	[tilespmem:$0x1E400] =	vst v63  }
0x19d: {  	_ =	swait.ge [sflag:s18], $0x2000  }
0x19e: {  	s13 =	smov.u32 s11;
	s10 =	sshra.s32 s12, $0x2;
	[sflag:s18] =	ssyncset.done $0x0  }
0x19f: {  	s11 =	sadd.s32 $0x180, s10;
	[sflag:s18] =	ssyncadd.s32 $0xFFFFE000  }
0x1a0: {  	[tilespmem:s26], [sflag:$0x4] =	stream.indirect.gather [hbm4b:s1+s20], $0x80, s11, s20, $0xb8;
	[tilespmem:$0x1E400] =	vst v63  }
0x1a1: {  	_ =	swait.ge [sflag:s28], $0x2000  }
0x1a2: {  	[sflag:s28] =	ssyncset.done $0x0  }
0x1a3: {  	s12 =	sadd.s32 $0x1400, s10;
	[sflag:s28] =	ssyncadd.s32 $0xFFFFE000  }
0x1a4: {  	[spmem:s2] =	stream.indirect.scatter.add.f32 [tilespmem:s21], [sflag:$0x5], $0x80, s12, s20, $0xb8;
	[tilespmem:$0x1E400] =	vst v63  }
0x1a5: {  	_ =	swait.ge [sflag:s18], $0x2000  }
0x1a6: {  	[sflag:s18] =	ssyncset.done $0x0  }
0x1a7: {  	s13 =	sadd.s32 $0x200, s10;
	[sflag:s18] =	ssyncadd.s32 $0xFFFFE000  }
0x1a8: {  	[tilespmem:s21], [sflag:$0x1] =	stream.indirect.gather [hbm4b:s1+s20], $0x80, s13, s20, $0xb8;
	[tilespmem:$0x1E400] =	vst v63  }
0x1a9: {  	_ =	swait.ge [sflag:s29], $0x2000  }
0x1aa: {  	[sflag:s29] =	ssyncset.done $0x0  }
0x1ab: {  	s14 =	sadd.s32 $0x1480, s10;
	[sflag:s29] =	ssyncadd.s32 $0xFFFFE000  }
0x1ac: {  	[spmem:s2] =	stream.indirect.scatter.add.f32 [tilespmem:s23], [sflag:$0x5], $0x80, s14, s20, $0xb8;
	[tilespmem:$0x1E400] =	vst v63  }
0x1ad: {  	_ =	swait.ge [sflag:s18], $0x2000  }
0x1ae: {  	[sflag:s18] =	ssyncset.done $0x0  }
0x1af: {  	s12 =	sadd.s32 $0x280, s10;
	[sflag:s18] =	ssyncadd.s32 $0xFFFFE000  }
0x1b0: {  	[tilespmem:s23], [sflag:$0x2] =	stream.indirect.gather [hbm4b:s1+s20], $0x80, s12, s20, $0xb8;
	[tilespmem:$0x1E400] =	vst v63  }
0x1b1: {  	_ =	swait.ge [sflag:s30], $0x2000  }
0x1b2: {  	[sflag:s30] =	ssyncset.done $0x0  }
0x1b3: {  	s13 =	sadd.s32 $0x1500, s10;
	[sflag:s30] =	ssyncadd.s32 $0xFFFFE000  }
0x1b4: {  	[spmem:s2] =	stream.indirect.scatter.add.f32 [tilespmem:s25], [sflag:$0x5], $0x80, s13, s20, $0xb8;
	[tilespmem:$0x1E400] =	vst v63  }
0x1b5: {  	_ =	swait.ge [sflag:s18], $0x2000  }
0x1b6: {  	[sflag:s18] =	ssyncset.done $0x0  }
0x1b7: {  	s14 =	sadd.s32 $0x300, s10;
	[sflag:s18] =	ssyncadd.s32 $0xFFFFE000  }
0x1b8: {  	[tilespmem:s25], [sflag:$0x3] =	stream.indirect.gather [hbm4b:s1+s20], $0x80, s14, s20, $0xb8;
	[tilespmem:$0x1E400] =	vst v63  }
0x1b9: {  	_ =	swait.ge [sflag:s31], $0x2000  }
0x1ba: {  	[sflag:s31] =	ssyncset.done $0x0  }
0x1bb: {  	s11 =	sadd.s32 $0x1580, s10;
	[sflag:s31] =	ssyncadd.s32 $0xFFFFE000  }
0x1bc: {  	[spmem:s2] =	stream.indirect.scatter.add.f32 [tilespmem:s26], [sflag:$0x5], $0x80, s11, s20, $0xb8;
	[tilespmem:$0x1E400] =	vst v63  }
0x1bd: {  	_ =	swait.ge [sflag:s18], $0x2000  }
0x1be: {  	[sflag:s18] =	ssyncset.done $0x0  }
0x1bf: {  	[sflag:s18] =	ssyncadd.s32 $0xFFFFE000  }
0x1c0: {  	[tilespmem:s26], [sflag:$0x4] =	stream.indirect.gather [hbm4b:s1+s20], $0x80, s0, s20, $0xb8;
	[tilespmem:$0x1E400] =	vst v63  }
0x1c1: {  	_ =	swait.ge [sflag:s28], $0x2000  }
0x1c2: {  	[sflag:s28] =	ssyncset.done $0x0  }
0x1c3: {  	[sflag:s28] =	ssyncadd.s32 $0xFFFFE000  }
0x1c4: {  	[spmem:s2] =	stream.indirect.scatter.add.f32 [tilespmem:s21], [sflag:$0x5], $0x80, s3, s20, $0xb8;
	[tilespmem:$0x1E400] =	vst v63  }
0x1c5: {  	_ =	swait.ge [sflag:s18], $0x2000  }
0x1c6: {  	[sflag:s18] =	ssyncset.done $0x0  }
0x1c7: {  	[sflag:s18] =	ssyncadd.s32 $0xFFFFE000  }
0x1c8: {  	[tilespmem:s21], [sflag:$0x1] =	stream.indirect.gather [hbm4b:s1+s20], $0x80, s0, s20, $0xb8;
	[tilespmem:$0x1E400] =	vst v63  }
0x1c9: {  	_ =	swait.ge [sflag:s29], $0x2000  }
0x1ca: {  	[sflag:s29] =	ssyncset.done $0x0  }
0x1cb: {  	[sflag:s29] =	ssyncadd.s32 $0xFFFFE000  }
0x1cc: {  	[spmem:s2] =	stream.indirect.scatter.add.f32 [tilespmem:s23], [sflag:$0x5], $0x80, s5, s20, $0xb8;
	[tilespmem:$0x1E400] =	vst v63  }
0x1cd: {  	_ =	swait.ge [sflag:s18], $0x2000  }
0x1ce: {  	[sflag:s18] =	ssyncset.done $0x0  }
0x1cf: {  	[sflag:s18] =	ssyncadd.s32 $0xFFFFE000  }
0x1d0: {  	[tilespmem:s23], [sflag:$0x2] =	stream.indirect.gather [hbm4b:s1+s20], $0x80, s0, s20, $0xb8;
	[tilespmem:$0x1E400] =	vst v63  }
0x1d1: {  	_ =	swait.ge [sflag:s30], $0x2000  }
0x1d2: {  	[sflag:s30] =	ssyncset.done $0x0  }
0x1d3: {  	[sflag:s30] =	ssyncadd.s32 $0xFFFFE000  }
0x1d4: {  	[spmem:s2] =	stream.indirect.scatter.add.f32 [tilespmem:s25], [sflag:$0x5], $0x80, s7, s20, $0xb8;
	[tilespmem:$0x1E400] =	vst v63  }
0x1d5: {  	_ =	swait.ge [sflag:s18], $0x2000  }
0x1d6: {  	[sflag:s18] =	ssyncset.done $0x0  }
0x1d7: {  	[sflag:s18] =	ssyncadd.s32 $0xFFFFE000  }
0x1d8: {  	[tilespmem:s25], [sflag:$0x3] =	stream.indirect.gather [hbm4b:s1+s20], $0x80, s0, s20, $0xb8;
	[tilespmem:$0x1E400] =	vst v63  }
0x1d9: {  	_ =	swait.ge [sflag:s31], $0x2000  }
0x1da: {  	[sflag:s31] =	ssyncset.done $0x0  }
0x1db: {  	[sflag:s31] =	ssyncadd.s32 $0xFFFFE000  }
0x1dc: {  	[spmem:s2] =	stream.indirect.scatter.add.f32 [tilespmem:s26], [sflag:$0x5], $0x80, s8, s20, $0xb8;
	[tilespmem:$0x1E400] =	vst v63  }
0x1dd: {  	_ =	swait.ge [sflag:s18], $0x2000  }
0x1de: {  	[sflag:s18] =	ssyncset.done $0x0  }
0x1df: {  	[sflag:s18] =	ssyncadd.s32 $0xFFFFE000  }
0x1e0: {  	_ =	swait.ge [sflag:s28], $0x2000  }
0x1e1: {  	[sflag:s28] =	ssyncset.done $0x0  }
0x1e2: {  	[sflag:s28] =	ssyncadd.s32 $0xFFFFE000  }
0x1e3: {  	_ =	swait.ge [sflag:s29], $0x2000  }
0x1e4: {  	[sflag:s29] =	ssyncset.done $0x0  }
0x1e5: {  	[sflag:s29] =	ssyncadd.s32 $0xFFFFE000  }
0x1e6: {  	_ =	swait.ge [sflag:s30], $0x2000  }
0x1e7: {  	[sflag:s30] =	ssyncset.done $0x0  }
0x1e8: {  	s12 =	simm.s32 $0x0;
	s13 =	rddreg [dreg:$0xb];
	[sflag:s30] =	ssyncadd.s32 $0xFFFFE000  }
0x1e9: {  	[tilespmem:s12], [sflag:$0x5] =	stream.linear.gather [hbm4b:s13+s12], $0x1400, $0x38;
	[tilespmem:$0x1E400] =	vst v63  }
0x1ea: {  	_ =	swait.ge [sflag:s18], $0x1400  }
0x1eb: {  	[sflag:s18] =	ssyncset.done $0x0  }
0x1ec: {  	s14 =	rddreg [dreg:$0xc];
	[sflag:s18] =	ssyncadd.s32 $0xFFFFEC00  }
0x1ed: {  	[tilespmem:s19], [sflag:$0x5] =	stream.linear.gather [hbm4b:s14+s12], $0x1400, $0x38;
	[tilespmem:$0x1E400] =	vst v63  }
0x1ee: {  	_ =	swait.ge [sflag:s18], $0x1400  }
0x1ef: {  	[sflag:s18] =	ssyncset.done $0x0  }
0x1f0: {  	[sflag:s18] =	ssyncadd.s32 $0xFFFFEC00  }
0x1f1: {  	[tilespmem:s21], [sflag:$0x1] =	stream.indirect.gather [hbm4b:s1+s20], $0x80, s12, s20, $0xb8;
	[tilespmem:$0x1E400] =	vst v63  }
0x1f2: {  	_ = 	snop  }
0x1f3: {  	[tilespmem:s23], [sflag:$0x2] =	stream.indirect.gather [hbm4b:s1+s20], $0x80, s22, s20, $0xb8;
	[tilespmem:$0x1E400] =	vst v63  }
0x1f4: {  	_ = 	snop  }
0x1f5: {  	[tilespmem:s25], [sflag:$0x3] =	stream.indirect.gather [hbm4b:s1+s20], $0x80, s24, s20, $0xb8;
	[tilespmem:$0x1E400] =	vst v63  }
0x1f6: {  	s11 =	simm.s32 $0x180  }
0x1f7: {  	[tilespmem:s26], [sflag:$0x4] =	stream.indirect.gather [hbm4b:s1+s20], $0x80, s11, s20, $0xb8;
	[tilespmem:$0x1E400] =	vst v63  }
0x1f8: {  	_ =	swait.ge [sflag:s28], $0x2000  }
0x1f9: {  	[sflag:s28] =	ssyncset.done $0x0  }
0x1fa: {  	s12 =	simm.s32 $0x1400;
	[sflag:s28] =	ssyncadd.s32 $0xFFFFE000  }
0x1fb: {  	[spmem:s2] =	stream.indirect.scatter.add.f32 [tilespmem:s21], [sflag:$0x5], $0x80, s12, s20, $0xb8;
	[tilespmem:$0x1E400] =	vst v63  }
0x1fc: {  	_ =	swait.ge [sflag:s18], $0x2000  }
0x1fd: {  	[sflag:s18] =	ssyncset.done $0x0  }
0x1fe: {  	s13 =	simm.s32 $0x200;
	[sflag:s18] =	ssyncadd.s32 $0xFFFFE000  }
0x1ff: {  	[tilespmem:s21], [sflag:$0x1] =	stream.indirect.gather [hbm4b:s1+s20], $0x80, s13, s20, $0xb8;
	[tilespmem:$0x1E400] =	vst v63  }
0x200: {  	_ =	swait.ge [sflag:s29], $0x2000  }
0x201: {  	[sflag:s29] =	ssyncset.done $0x0  }
0x202: {  	s14 =	simm.s32 $0x1480;
	[sflag:s29] =	ssyncadd.s32 $0xFFFFE000  }
0x203: {  	[spmem:s2] =	stream.indirect.scatter.add.f32 [tilespmem:s23], [sflag:$0x5], $0x80, s14, s20, $0xb8;
	[tilespmem:$0x1E400] =	vst v63  }
0x204: {  	_ =	swait.ge [sflag:s18], $0x2000  }
0x205: {  	[sflag:s18] =	ssyncset.done $0x0  }
0x206: {  	s11 =	simm.s32 $0x280;
	[sflag:s18] =	ssyncadd.s32 $0xFFFFE000  }
0x207: {  	[tilespmem:s23], [sflag:$0x2] =	stream.indirect.gather [hbm4b:s1+s20], $0x80, s11, s20, $0xb8;
	[tilespmem:$0x1E400] =	vst v63  }
0x208: {  	_ =	swait.ge [sflag:s30], $0x2000  }
0x209: {  	[sflag:s30] =	ssyncset.done $0x0  }
0x20a: {  	s12 =	simm.s32 $0x1500;
	[sflag:s30] =	ssyncadd.s32 $0xFFFFE000  }
0x20b: {  	[spmem:s2] =	stream.indirect.scatter.add.f32 [tilespmem:s25], [sflag:$0x5], $0x80, s12, s20, $0xb8;
	[tilespmem:$0x1E400] =	vst v63  }
0x20c: {  	_ =	swait.ge [sflag:s18], $0x2000  }
0x20d: {  	[sflag:s18] =	ssyncset.done $0x0  }
0x20e: {  	s13 =	simm.s32 $0x300;
	[sflag:s18] =	ssyncadd.s32 $0xFFFFE000  }
0x20f: {  	[tilespmem:s25], [sflag:$0x3] =	stream.indirect.gather [hbm4b:s1+s20], $0x80, s13, s20, $0xb8;
	[tilespmem:$0x1E400] =	vst v63  }
0x210: {  	_ =	swait.ge [sflag:s31], $0x2000  }
0x211: {  	[sflag:s31] =	ssyncset.done $0x0  }
0x212: {  	s14 =	simm.s32 $0x1580;
	[sflag:s31] =	ssyncadd.s32 $0xFFFFE000  }
0x213: {  	[spmem:s2] =	stream.indirect.scatter.add.f32 [tilespmem:s26], [sflag:$0x5], $0x80, s14, s20, $0xb8;
	[tilespmem:$0x1E400] =	vst v63  }
0x214: {  	_ =	swait.ge [sflag:s18], $0x2000  }
0x215: {  	s10 =	simm.s32 $0x200;
	s13 =	simm.s32 $0x1000;
	[sflag:s18] =	ssyncset.done $0x0  }
.LBB2_8:
0x216: {  	s14 =	sadd.s32 $0x180, s10  }
0x217: {  	[sflag:s18] =	ssyncadd.s32 $0xFFFFE000;
	s12 =	smov.u32 s13;
	s11 =	sadd.s32 $0x800, s13  }
0x218: {  	[tilespmem:s26], [sflag:$0x4] =	stream.indirect.gather [hbm4b:s1+s20], $0x80, s14, s20, $0xb8;
	[tilespmem:$0x1E400] =	vst v63  }
0x219: {  	p0 =	sne.s32 s13, $0x4000;
	_ =	swait.ge [sflag:s28], $0x2000  }
0x21a: {  	[sflag:s28] =	ssyncset.done $0x0  }
0x21b: {  	s13 =	sadd.s32 $0x1400, s10;
	[sflag:s28] =	ssyncadd.s32 $0xFFFFE000  }
0x21c: {  	[spmem:s2] =	stream.indirect.scatter.add.f32 [tilespmem:s21], [sflag:$0x5], $0x80, s13, s20, $0xb8;
	[tilespmem:$0x1E400] =	vst v63  }
0x21d: {  	_ =	swait.ge [sflag:s18], $0x2000  }
0x21e: {  	[sflag:s18] =	ssyncset.done $0x0  }
0x21f: {  	s13 =	sadd.s32 $0x200, s10;
	[sflag:s18] =	ssyncadd.s32 $0xFFFFE000  }
0x220: {  	[tilespmem:s21], [sflag:$0x1] =	stream.indirect.gather [hbm4b:s1+s20], $0x80, s13, s20, $0xb8;
	[tilespmem:$0x1E400] =	vst v63  }
0x221: {  	_ =	swait.ge [sflag:s29], $0x2000  }
0x222: {  	[sflag:s29] =	ssyncset.done $0x0  }
0x223: {  	s13 =	sadd.s32 $0x1480, s10;
	[sflag:s29] =	ssyncadd.s32 $0xFFFFE000  }
0x224: {  	[spmem:s2] =	stream.indirect.scatter.add.f32 [tilespmem:s23], [sflag:$0x5], $0x80, s13, s20, $0xb8;
	[tilespmem:$0x1E400] =	vst v63  }
0x225: {  	_ =	swait.ge [sflag:s18], $0x2000  }
0x226: {  	[sflag:s18] =	ssyncset.done $0x0  }
0x227: {  	s13 =	sadd.s32 $0x280, s10;
	[sflag:s18] =	ssyncadd.s32 $0xFFFFE000  }
0x228: {  	[tilespmem:s23], [sflag:$0x2] =	stream.indirect.gather [hbm4b:s1+s20], $0x80, s13, s20, $0xb8;
	[tilespmem:$0x1E400] =	vst v63  }
0x229: {  	_ =	swait.ge [sflag:s30], $0x2000  }
0x22a: {  	[sflag:s30] =	ssyncset.done $0x0  }
0x22b: {  	s13 =	sadd.s32 $0x1500, s10;
	[sflag:s30] =	ssyncadd.s32 $0xFFFFE000  }
0x22c: {  	[spmem:s2] =	stream.indirect.scatter.add.f32 [tilespmem:s25], [sflag:$0x5], $0x80, s13, s20, $0xb8;
	[tilespmem:$0x1E400] =	vst v63  }
0x22d: {  	_ =	swait.ge [sflag:s18], $0x2000  }
0x22e: {  	[sflag:s18] =	ssyncset.done $0x0  }
0x22f: {  	s13 =	sadd.s32 $0x300, s10;
	[sflag:s18] =	ssyncadd.s32 $0xFFFFE000  }
0x230: {  	[tilespmem:s25], [sflag:$0x3] =	stream.indirect.gather [hbm4b:s1+s20], $0x80, s13, s20, $0xb8;
	[tilespmem:$0x1E400] =	vst v63  }
0x231: {  	_ =	swait.ge [sflag:s31], $0x2000  }
.Ltmp3:
0x232: {  	[sflag:s31] =	ssyncset.done $0x0;
	(pc) =	sbr.rel @p0 .LBB2_8-.Ltmp3, $4  }
0x233: {  	s10 =	sadd.s32 $0x1580, s10;
	[sflag:s31] =	ssyncadd.s32 $0xFFFFE000  }
0x234: {  	[spmem:s2] =	stream.indirect.scatter.add.f32 [tilespmem:s26], [sflag:$0x5], $0x80, s10, s20, $0xb8;
	[tilespmem:$0x1E400] =	vst v63  }
0x235: {  	_ =	swait.ge [sflag:s18], $0x2000  }
0x236: {  	s13 =	smov.u32 s11;
	s10 =	sshra.s32 s12, $0x2;
	[sflag:s18] =	ssyncset.done $0x0  }
0x237: {  	s11 =	sadd.s32 $0x180, s10;
	[sflag:s18] =	ssyncadd.s32 $0xFFFFE000  }
0x238: {  	[tilespmem:s26], [sflag:$0x4] =	stream.indirect.gather [hbm4b:s1+s20], $0x80, s11, s20, $0xb8;
	[tilespmem:$0x1E400] =	vst v63  }
0x239: {  	_ =	swait.ge [sflag:s28], $0x2000  }
0x23a: {  	[sflag:s28] =	ssyncset.done $0x0  }
0x23b: {  	s14 =	sadd.s32 $0x1400, s10;
	[sflag:s28] =	ssyncadd.s32 $0xFFFFE000  }
0x23c: {  	[spmem:s2] =	stream.indirect.scatter.add.f32 [tilespmem:s21], [sflag:$0x5], $0x80, s14, s20, $0xb8;
	[tilespmem:$0x1E400] =	vst v63  }
0x23d: {  	_ =	swait.ge [sflag:s18], $0x2000  }
0x23e: {  	[sflag:s18] =	ssyncset.done $0x0  }
0x23f: {  	s12 =	sadd.s32 $0x200, s10;
	[sflag:s18] =	ssyncadd.s32 $0xFFFFE000  }
0x240: {  	[tilespmem:s21], [sflag:$0x1] =	stream.indirect.gather [hbm4b:s1+s20], $0x80, s12, s20, $0xb8;
	[tilespmem:$0x1E400] =	vst v63  }
0x241: {  	_ =	swait.ge [sflag:s29], $0x2000  }
0x242: {  	[sflag:s29] =	ssyncset.done $0x0  }
0x243: {  	s13 =	sadd.s32 $0x1480, s10;
	[sflag:s29] =	ssyncadd.s32 $0xFFFFE000  }
0x244: {  	[spmem:s2] =	stream.indirect.scatter.add.f32 [tilespmem:s23], [sflag:$0x5], $0x80, s13, s20, $0xb8;
	[tilespmem:$0x1E400] =	vst v63  }
0x245: {  	_ =	swait.ge [sflag:s18], $0x2000  }
0x246: {  	[sflag:s18] =	ssyncset.done $0x0  }
0x247: {  	s14 =	sadd.s32 $0x280, s10;
	[sflag:s18] =	ssyncadd.s32 $0xFFFFE000  }
0x248: {  	[tilespmem:s23], [sflag:$0x2] =	stream.indirect.gather [hbm4b:s1+s20], $0x80, s14, s20, $0xb8;
	[tilespmem:$0x1E400] =	vst v63  }
0x249: {  	_ =	swait.ge [sflag:s30], $0x2000  }
0x24a: {  	[sflag:s30] =	ssyncset.done $0x0  }
0x24b: {  	s12 =	sadd.s32 $0x1500, s10;
	[sflag:s30] =	ssyncadd.s32 $0xFFFFE000  }
0x24c: {  	[spmem:s2] =	stream.indirect.scatter.add.f32 [tilespmem:s25], [sflag:$0x5], $0x80, s12, s20, $0xb8;
	[tilespmem:$0x1E400] =	vst v63  }
0x24d: {  	_ =	swait.ge [sflag:s18], $0x2000  }
0x24e: {  	[sflag:s18] =	ssyncset.done $0x0  }
0x24f: {  	s13 =	sadd.s32 $0x300, s10;
	[sflag:s18] =	ssyncadd.s32 $0xFFFFE000  }
0x250: {  	[tilespmem:s25], [sflag:$0x3] =	stream.indirect.gather [hbm4b:s1+s20], $0x80, s13, s20, $0xb8;
	[tilespmem:$0x1E400] =	vst v63  }
0x251: {  	_ =	swait.ge [sflag:s31], $0x2000  }
0x252: {  	[sflag:s31] =	ssyncset.done $0x0  }
0x253: {  	s14 =	sadd.s32 $0x1580, s10;
	[sflag:s31] =	ssyncadd.s32 $0xFFFFE000  }
0x254: {  	[spmem:s2] =	stream.indirect.scatter.add.f32 [tilespmem:s26], [sflag:$0x5], $0x80, s14, s20, $0xb8;
	[tilespmem:$0x1E400] =	vst v63  }
0x255: {  	_ =	swait.ge [sflag:s18], $0x2000  }
0x256: {  	[sflag:s18] =	ssyncset.done $0x0  }
0x257: {  	[sflag:s18] =	ssyncadd.s32 $0xFFFFE000  }
0x258: {  	[tilespmem:s26], [sflag:$0x4] =	stream.indirect.gather [hbm4b:s1+s20], $0x80, s0, s20, $0xb8;
	[tilespmem:$0x1E400] =	vst v63  }
0x259: {  	_ =	swait.ge [sflag:s28], $0x2000  }
0x25a: {  	[sflag:s28] =	ssyncset.done $0x0  }
0x25b: {  	[sflag:s28] =	ssyncadd.s32 $0xFFFFE000  }
0x25c: {  	[spmem:s2] =	stream.indirect.scatter.add.f32 [tilespmem:s21], [sflag:$0x5], $0x80, s3, s20, $0xb8;
	[tilespmem:$0x1E400] =	vst v63  }
0x25d: {  	_ =	swait.ge [sflag:s18], $0x2000  }
0x25e: {  	[sflag:s18] =	ssyncset.done $0x0  }
0x25f: {  	[sflag:s18] =	ssyncadd.s32 $0xFFFFE000  }
0x260: {  	[tilespmem:s21], [sflag:$0x1] =	stream.indirect.gather [hbm4b:s1+s20], $0x80, s0, s20, $0xb8;
	[tilespmem:$0x1E400] =	vst v63  }
0x261: {  	_ =	swait.ge [sflag:s29], $0x2000  }
0x262: {  	[sflag:s29] =	ssyncset.done $0x0  }
0x263: {  	[sflag:s29] =	ssyncadd.s32 $0xFFFFE000  }
0x264: {  	[spmem:s2] =	stream.indirect.scatter.add.f32 [tilespmem:s23], [sflag:$0x5], $0x80, s5, s20, $0xb8;
	[tilespmem:$0x1E400] =	vst v63  }
0x265: {  	_ =	swait.ge [sflag:s18], $0x2000  }
0x266: {  	[sflag:s18] =	ssyncset.done $0x0  }
0x267: {  	[sflag:s18] =	ssyncadd.s32 $0xFFFFE000  }
0x268: {  	[tilespmem:s23], [sflag:$0x2] =	stream.indirect.gather [hbm4b:s1+s20], $0x80, s0, s20, $0xb8;
	[tilespmem:$0x1E400] =	vst v63  }
0x269: {  	_ =	swait.ge [sflag:s30], $0x2000  }
0x26a: {  	[sflag:s30] =	ssyncset.done $0x0  }
0x26b: {  	[sflag:s30] =	ssyncadd.s32 $0xFFFFE000  }
0x26c: {  	[spmem:s2] =	stream.indirect.scatter.add.f32 [tilespmem:s25], [sflag:$0x5], $0x80, s7, s20, $0xb8;
	[tilespmem:$0x1E400] =	vst v63  }
0x26d: {  	_ =	swait.ge [sflag:s18], $0x2000  }
0x26e: {  	[sflag:s18] =	ssyncset.done $0x0  }
0x26f: {  	[sflag:s18] =	ssyncadd.s32 $0xFFFFE000  }
0x270: {  	[tilespmem:s25], [sflag:$0x3] =	stream.indirect.gather [hbm4b:s1+s20], $0x80, s0, s20, $0xb8;
	[tilespmem:$0x1E400] =	vst v63  }
0x271: {  	_ =	swait.ge [sflag:s31], $0x2000  }
0x272: {  	[sflag:s31] =	ssyncset.done $0x0  }
0x273: {  	[sflag:s31] =	ssyncadd.s32 $0xFFFFE000  }
0x274: {  	[spmem:s2] =	stream.indirect.scatter.add.f32 [tilespmem:s26], [sflag:$0x5], $0x80, s8, s20, $0xb8;
	[tilespmem:$0x1E400] =	vst v63  }
0x275: {  	_ =	swait.ge [sflag:s18], $0x2000  }
0x276: {  	[sflag:s18] =	ssyncset.done $0x0  }
0x277: {  	[sflag:s18] =	ssyncadd.s32 $0xFFFFE000  }
0x278: {  	_ =	swait.ge [sflag:s28], $0x2000  }
0x279: {  	[sflag:s28] =	ssyncset.done $0x0  }
0x27a: {  	[sflag:s28] =	ssyncadd.s32 $0xFFFFE000  }
0x27b: {  	_ =	swait.ge [sflag:s29], $0x2000  }
0x27c: {  	[sflag:s29] =	ssyncset.done $0x0  }
0x27d: {  	[sflag:s29] =	ssyncadd.s32 $0xFFFFE000  }
0x27e: {  	_ =	swait.ge [sflag:s30], $0x2000  }
0x27f: {  	s9 =	sadd.s32 $0x1, s9;
	[sflag:s30] =	ssyncset.done $0x0  }
0x280: {  	p0 =	sne.s32 s9, s16;
	[sflag:s30] =	ssyncadd.s32 $0xFFFFE000  }
.Ltmp4:
0x281: {  	[bflag:$0x0] =	sbarrier.arrive $0xFFFF;
	(pc) =	sbr.rel @p0 .LBB2_1-.Ltmp4, $4  }
0x282: {  	[hbm:s15], [sflag:s6] =	dma.local [spmem:s17], $0x2780  }
0x283: {  	_ =	swait.ge [sflag:s18], $0x2780  }
0x284: {  	[sflag:s18] =	ssyncset.done $0x0  }
0x285: {  	[sflag:s18] =	ssyncadd.s32 $0xFFFFD880  }
0x286: {  	_ =	sfence.sel $0x180000  }
0x287: {  	[bflag:$0x0] =	sbarrier.arrive $0xFFFF  }
0x288: {  	_ =	strace $0x9000004D  }
0x289: {  	s0 =	stileid.u32;
	[bflag:$0x2] =	sbarrier.arrive $0xFFFF  }
0x28a: {  	p0 =	sne.s32 s0, $0x0;
	s0 =	rddreg [dreg:$0x3]  }
0x28b: {  	s0 =	sadd.s32 @!p0 $0x100000, s0  }
0x28c: {  	[sflag:s0] =	ssyncadd.tile.s32 @!p0 $0x1;
	_ =	shalt  }
.Lfunc_end2:
_tile_overlayer_lowered:
.L_overlay_start_2:
0x28d: {  	(tag) =	ssettag $0x2  }
0x28e: {  	s0 =	rddreg [dreg:$0x0];
	s2 =	stileid.u32  }
0x28f: {  	s1 =	rddreg [dreg:$0x1];
	p0 =	sne.s32 s2, $0x0  }
0x290: {  	s3 =	rddreg [dreg:$0x2];
	[bflag:$0x3] =	sbarrier.arrive $0xFFFF;
	s2 =	simm.s32 @!p0 $0x1C05  }
0x291: {  	[timem:s3], [sflag:s2] =	dma.local @!p0 [hbm:s0], s1  }
0x292: {  	s0 =	simm.s32 @!p0 $0x5  }
0x293: {  	_ =	swait.ge @!p0 [sflag:s0], s1  }
0x294: {  	s1 =	ssub.s32 @!p0 $0x0, s1;
	[sflag:s0] =	ssyncset.done @!p0 $0x0  }
0x295: {  	[sflag:s0] =	ssyncadd.s32 @!p0 s1  }
0x296: {  	[bflag:$0x3] =	sbarrier.arrive $0xFFFF  }
0x297: {  	_ =	shalt  }

// kernel: kernel.8.cloned.1.call-start
scs
__scs_entry_jumppad:
0x0: {  	(pc) =	sbr.rel $0x88, $3  }
0x1: {  	(tag) =	ssettag $0x0;
	lr =	simm.s32 $0x1  }
0x2: {  	[smem:$0x3F9D] =	sst lr;
	_ =	strace $0xD0000000  }
0x3: {  	_ = 	snop  }
0x4: {  	_ = 	snop  }
0x5: {  	_ = 	snop  }
0x6: {  	_ = 	snop  }
0x7: {  	_ = 	snop  }
__scs_overlays_trampoline_lowered:
0x8: {  	[smem:$0x3FAC] =	sst s0  }
0x9: {  	[smem:$0x3FAD] =	sst s1  }
0xa: {  	[smem:$0x3FAE] =	sst s2  }
0xb: {  	[smem:$0x3FAF] =	sst s3  }
0xc: {  	[smem:$0x3FB0] =	sst s4  }
0xd: {  	[smem:$0x3FB1] =	sst s5  }
0xe: {  	[smem:$0x3FB2] =	sst s6  }
0xf: {  	[smem:$0x3FB3] =	sst s7  }
0x10: {  	[smem:$0x3FB4] =	sst s8  }
0x11: {  	[smem:$0x3FB5] =	sst s9;
	s0 =	simm.s32 @!p0 $0x0  }
0x12: {  	s1 =	sld [smem:$0x3F9B];
	s0 =	simm.s32 @p0 $0x1  }
0x13: {  	[smem:$0x3FB6] =	sst s0;
	s0 =	simm.s32 @!p1 $0x0  }
0x14: {  	s2 =	sld [smem:$0x3F9A];
	s0 =	simm.s32 @p1 $0x1  }
0x15: {  	[smem:$0x3FB7] =	sst s0;
	s0 =	simm.s32 @!p2 $0x0  }
0x16: {  	s3 =	sld [smem:$0x3FDB];
	s0 =	simm.s32 @p2 $0x1  }
0x17: {  	s4 =	simm.s32 $0x1BF5;
	[smem:$0x3FB9] =	sst s0  }
0x18: {  	s0 =	sld [smem:$0x3F9C];
	_ =	swait.ge [sflag:s4], $0x0  }
0x19: {  	s7 =	sld [smem:$0x3F9D]  }
0x1a: {  	s8 =	sadd.s32 $0xFFFFE003, lr  }
0x1b: {  	s9 =	sadd.s32 $0xFFFFFEF7, lr;
	s5 =	simm.s32 $0xFFFFFFFF;
	p2 =	slt.u32 s8, $0xFFFFF086  }
0x1c: {  	p1 =	slt.u32 s9, $0xF7A;
	s5 =	simm.s32 @!p2 $0x0  }
0x1d: {  	s5 =	simm.s32 @p1 $0x1;
	p0 =	seq.s32 s7, s2  }
0x1e: {  	s7 =	smul.u32 @!p0 $0xF7A, s2;
	p2 =	seq.s32 @!p0 s5, $0x0  }
0x1f: {  	s9 =	smul.u32 $0xF7A, s1;
	s8 =	simm.s32 @!p0 $0x1BF5;
	p2 =	por !p2, p0  }
0x20: {  	[sflag:s8] =	ssyncset.s32 @!p0 $0xFFFFF086;
	s6 =	sadd.s32 @!p0 s3, s7;
	s7 =	simm.s32 @!p0 $0x108  }
0x21: {  	s3 =	sadd.s32 s3, s9;
	s6 =	sadd.s32 @!p0 $0x88, s6;
	s7 =	simm.s32 @p2 $0x1082  }
0x22: {  	[simem:s7], [sflag:s8] =	dma.local @!p0 [hbm:s6], $0xF7A  }
0x23: {  	s9 =	sor.u32 $0xD0000000, s2;
	s6 =	simm.s32 $0x108;
	_ =	swait.ge @!p0 [sflag:s8], $0x0  }
0x24: {  	s3 =	sadd.s32 $0x88, s3;
	s6 =	simm.s32 @!p1 $0x1082;
	[sflag:s4] =	ssyncset.s32 $0xFFFFF086  }
0x25: {  	[simem:s6], [sflag:s4] =	dma.local [hbm:s3], $0xF7A  }
0x26: {  	[smem:$0x3F9D] =	sst s1;
	(tag) =	ssettag s2;
	_ =	strace s9  }
0x27: {  	s1 =	sld [smem:$0x3FAD]  }
0x28: {  	s2 =	sld [smem:$0x3FAE]  }
0x29: {  	s4 =	sld [smem:$0x3FB0]  }
0x2a: {  	p0 =	seq.s32 s5, $0x0;
	s5 =	sld [smem:$0x3FB1]  }
0x2b: {  	s6 =	sld [smem:$0x3FB2]  }
0x2c: {  	s7 =	sld [smem:$0x3FB3]  }
0x2d: {  	s3 =	simm.s32 $0x108;
	s8 =	sld [smem:$0x3FB4]  }
0x2e: {  	s3 =	simm.s32 @!p0 $0x1082;
	s9 =	sld [smem:$0x3FB5]  }
0x2f: {  	lr =	sadd.s32 s0, s3;
	s0 =	sld [smem:$0x3FAC]  }
0x30: {  	s3 =	sld [smem:$0x3FAF]  }
0x31: {  	[smem:$0x3FB8] =	sst s10  }
0x32: {  	s10 =	sld [smem:$0x3FB6];
	_ =	sdelay $0x3  }
0x33: {  	p0 =	seq.s32 s10, $0x1;
	s10 =	sld [smem:$0x3FB8];
	_ =	sdelay $0x3  }
0x34: {  	[smem:$0x3FB8] =	sst s10  }
0x35: {  	s10 =	sld [smem:$0x3FB7];
	_ =	sdelay $0x3  }
0x36: {  	p1 =	seq.s32 s10, $0x1;
	s10 =	sld [smem:$0x3FB8];
	_ =	sdelay $0x3  }
0x37: {  	[smem:$0x3FB8] =	sst s10  }
0x38: {  	s10 =	sld [smem:$0x3FB9]  }
0x39: {  	_ = 	snop;
	(pc) =	sbr.ind lr, $3  }
0x3a: {  	_ = 	snop  }
0x3b: {  	_ = 	snop  }
0x3c: {  	p2 =	seq.s32 s10, $0x1;
	s10 =	sld [smem:$0x3FB8]  }
0x3d: {  	_ =	shalt  }
0x3e: {  	_ =	shalt  }
0x3f: {  	_ =	shalt  }
0x40: {  	_ =	shalt  }
0x41: {  	_ =	shalt  }
0x42: {  	_ =	shalt  }
0x43: {  	_ =	shalt  }
0x44: {  	_ =	shalt  }
0x45: {  	_ =	shalt  }
0x46: {  	_ =	shalt  }
0x47: {  	_ =	shalt  }
0x48: {  	_ =	shalt  }
0x49: {  	_ =	shalt  }
0x4a: {  	_ =	shalt  }
0x4b: {  	_ =	shalt  }
0x4c: {  	_ =	shalt  }
0x4d: {  	_ =	shalt  }
0x4e: {  	_ =	shalt  }
0x4f: {  	_ =	shalt  }
0x50: {  	_ =	shalt  }
0x51: {  	_ =	shalt  }
0x52: {  	_ =	shalt  }
0x53: {  	_ =	shalt  }
0x54: {  	_ =	shalt  }
0x55: {  	_ =	shalt  }
0x56: {  	_ =	shalt  }
0x57: {  	_ =	shalt  }
0x58: {  	_ =	shalt  }
0x59: {  	_ =	shalt  }
0x5a: {  	_ =	shalt  }
0x5b: {  	_ =	shalt  }
0x5c: {  	_ =	shalt  }
0x5d: {  	_ =	shalt  }
0x5e: {  	_ =	shalt  }
0x5f: {  	_ =	shalt  }
0x60: {  	_ =	shalt  }
0x61: {  	_ =	shalt  }
0x62: {  	_ =	shalt  }
0x63: {  	_ =	shalt  }
0x64: {  	_ =	shalt  }
0x65: {  	_ =	shalt  }
0x66: {  	_ =	shalt  }
0x67: {  	_ =	shalt  }
0x68: {  	_ =	shalt  }
0x69: {  	_ =	shalt  }
0x6a: {  	_ =	shalt  }
0x6b: {  	_ =	shalt  }
0x6c: {  	_ =	shalt  }
0x6d: {  	_ =	shalt  }
0x6e: {  	_ =	shalt  }
0x6f: {  	_ =	shalt  }
0x70: {  	_ =	shalt  }
0x71: {  	_ =	shalt  }
0x72: {  	_ =	shalt  }
0x73: {  	_ =	shalt  }
0x74: {  	_ =	shalt  }
0x75: {  	_ =	shalt  }
0x76: {  	_ =	shalt  }
0x77: {  	_ =	shalt  }
0x78: {  	_ =	shalt  }
0x79: {  	_ =	shalt  }
0x7a: {  	_ =	shalt  }
0x7b: {  	_ =	shalt  }
0x7c: {  	_ =	shalt  }
0x7d: {  	_ =	shalt  }
0x7e: {  	_ =	shalt  }
0x7f: {  	_ =	shalt  }
0x80: {  	_ =	shalt  }
0x81: {  	_ =	shalt  }
0x82: {  	_ =	shalt  }
0x83: {  	_ =	shalt  }
0x84: {  	_ =	shalt  }
0x85: {  	_ =	shalt  }
0x86: {  	_ =	shalt  }
0x87: {  	_ =	shalt  }
.Lfunc_end0:
.L_simem_size_0:
called_computation_lowered:
.L_overlay_start_0:
0x88: {  	s2 =	sld [smem:$0x3FD9]  }
0x89: {  	s3 =	sld [smem:$0x3FFE];
	_ =	sdelay $0x1  }
0x8a: {  	s1 =	srdreg.scid  }
0x8b: {  	s0 =	sand.u32 $0x1, s1  }
0x8c: {  	s17 =	sshll.u32 s0, $0xA;
	s2 =	sadd.s32 s3, s2  }
0x8d: {  	s2 =	sadd.s32 s2, s17  }
0x8e: {  	[smem:$0x3FC4] =	sst s2  }
0x8f: {  	_ = 	snop  }
0x90: {  	s2 =	sld [smem:$0x3FD0];
	(tm) =	ssettm $0x1  }
0x91: {  	s18 =	sld [smem:$0x3FFB];
	_ =	sdelay $0x3  }
0x92: {  	_ =	strace s18  }
0x93: {  	s3 =	sld [smem:$0x3FFC];
	_ =	sdelay $0x3  }
0x94: {  	_ =	strace s3  }
0x95: {  	s3 =	sld [smem:$0x3FFD];
	_ =	sdelay $0x3  }
0x96: {  	_ =	strace s3  }
0x97: {  	_ =	strace $0x8FFFFFFF  }
0x98: {  	s19 =	sld [smem:$0x3FDB];
	_ =	sdelay $0x1  }
0x99: {  	s4 =	simm.s32 $_scs_section_size  }
0x9a: {  	s5 =	simm.s32 $_size__tile_overlayer_lowered;
	s6 =	simm.s32 $_tile_overlayer_lowered  }
0x9b: {  	s22 =	simm.s32 $0x1BFF;
	s21 =	sshll.u32 s6, $0x1;
	s3 =	sadd.s32 s4, s19  }
0x9c: {  	s7 =	simm.s32 $0x0;
	s20 =	sshll.u32 s5, $0x1;
	s5 =	sadd.s32 s21, s3  }
0x9d: {  	[timem:s7], [sflag:s22] =	dma.local [hbm:s5], s20  }
0x9e: {  	_ =	swait.ge [sflag:s22], s20  }
0x9f: {  	s4 =	ssub.s32 $0x0, s20;
	[sflag:s22] =	ssyncset.done $0x0  }
0xa0: {  	[sflag:s22] =	ssyncadd.s32 s4;
	_ =	sdelay $0x1  }
0xa1: {  	s23 =	simm.s32 $0x1B8B  }
0xa2: {  	_ =	swait.ge [sflag:s23], $0x1  }
0xa3: {  	[sflag:s23] =	ssyncset.done $0x0  }
0xa4: {  	s25 =	simm.s32 $0x1B8E;
	s24 =	sld [smem:$0x3FFE];
	[sflag:s23] =	ssyncadd.s32 $0xFFFFFFFF  }
0xa5: {  	s26 =	simm.s32 $execute0_lowered;
	[smem:$0x3FD2] =	sst s25  }
0xa6: {  	s5 =	sshll.u32 s26, $0x1;
	_ =	strace $0x80000046;
	[dreg:$0x1] =	wrdreg $0xFFFFFFFF  }
0xa7: {  	s28 =	simm.s32 $_size_execute0_lowered;
	s3 =	sadd.s32 s3, s5;
	[dreg:$0x0] =	wrdreg $0x0  }
0xa8: {  	s5 =	sshll.u32 s28, $0x1;
	[dreg:$0x2] =	wrdreg s3  }
0xa9: {  	[dreg:$0x3] =	wrdreg s5  }
0xaa: {  	[dreg:$0x4] =	wrdreg $0xC0  }
0xab: {  	_ =	task [dreg:s7], $0x5FFFF  }
0xac: {  	[dreg:$0x1] =	wrdreg $0xFFFFFFFF  }
0xad: {  	[dreg:$0x0] =	wrdreg $0x60  }
0xae: {  	[dreg:$0x2] =	wrdreg s24  }
0xaf: {  	[dreg:$0x3] =	wrdreg s2  }
0xb0: {  	[dreg:$0x4] =	wrdreg $0x9  }
0xb1: {  	_ =	task.clear_ibuf [dreg:s7], $0x5FFFF;
	_ =	strace $0x90000046  }
0xb2: {  	s29 =	simm.s32 $0x9;
	_ =	strace $0x80000048  }
0xb3: {  	_ =	swait.ge [sflag:s29], $0x1  }
0xb4: {  	[sflag:s29] =	ssyncadd.s32 $0xFFFFFFFF  }
0xb5: {  	_ =	strace $0x90000048  }
0xb6: {  	_ =	sfence  }
0xb7: {  	s30 =	sld [smem:$0x0];
	_ =	sdelay $0x2  }
0xb8: {  	s31 =	sshll.u32 s1, $0xD;
	s1 =	sshrl.u32 s1, $0x2  }
0xb9: {  	s3 =	sand.u32 $0x4000, s31;
	s1 =	sadd.s32 s1, s30  }
0xba: {  	s0 =	sor.u32 s3, s0;
	s1 =	sshll.u32 s1, $0x11  }
0xbb: {  	s0 =	sor.u32 s1, s0  }
0xbc: {  	s0 =	sadd.s32 $0x8F2B, s0  }
0xbd: {  	[sflag:s0] =	ssyncadd.remote.s32 $0x1  }
0xbe: {  	_ =	sfence.sel $0xFFFF  }
0xbf: {  	[dreg:$0x0] =	wrdreg $0xFFFFFFFF;
	(pc) =	sbr.abs _section_cstart, $3  }
0xc0: {  	[dreg:$0x1] =	wrdreg $0xFFFFFFFF  }
0xc1: {  	_ =	task.clear_ibuf [dreg:s7], $0x2FFFF;
	_ =	strace $0x9FFFFFFF  }
0xc2: {  	(tm) =	ssettm $0x7FFFFFFF  }
0xc3: {  	_ =	shalt  }
tec
execute0_lowered:
.L_overlay_start_1:
0x0: {  	(tag) =	ssettag $0x1  }
0x1: {  	s3 =	rddreg [dreg:$0x0]  }
0x2: {  	s1 =	srdreg.scid;
	s0 =	stileid.u32  }
0x3: {  	s4 =	rddreg [dreg:$0x1];
	s5 =	sand.u32 $0x1, s1;
	s2 =	sshll.u32 s0, $0x1  }
0x4: {  	s1 =	rddreg [dreg:$0x2];
	s6 =	sor.u32 s5, s2  }
0x5: {  	s2 =	simm.s32 $0x0;
	s5 =	ssub.s32 $0x2, s5;
	s7 =	smul.u32 $0xA00, s6  }
0x6: {  	[smem:$0x7FF] =	sst s2;
	s8 =	sshrl.u32 s5, $0x1;
	s6 =	smul.u32 $0x4F0, s6  }
0x7: {  	_ =	strace $0x80000047;
	s5 =	ssub.s32 s5, s8;
	s8 =	simm.s32 $0x0  }
0x8: {  	s3 =	sadd.s32 s7, s3;
	s4 =	sadd.s32 s4, s6;
	s5 =	smax.u32 s5, $0x1  }
0x9: {  	v0 =	vimm.f32 $0.0e+00;
	v1 =	vimm.f32 $1.000000000e+00;
	s6 =	simm.s32 $0x1;
	s7 =	simm.s32 $0x5000;
	s3 =	sadd.s32 $0x2400, s3  }
.LBB2_1:
0xa: {  	[tilespmem:s2], [sflag:$0x1] =	stream.linear.gather [hbm4b:s3+s2], $0x5000, $0x38;
	[tilespmem:$0x7780] =	vst v63  }
0xb: {  	_ =	swait.ge [sflag:s6], $0x5000  }
0xc: {  	[sflag:s6] =	ssyncset.done $0x0  }
0xd: {  	s9 =	simm.s32 $0x0;
	[sflag:s6] =	ssyncadd.s32 $0xFFFFB000  }
.LBB2_2:
0xe: {  	p0 =	sne.s32 s9, $0x9D00  }
.Ltmp0:
0xf: {  	s10 =	sshra.s32 s9, $0x2;
	(pc) =	sbr.rel @p0 .LBB2_2-.Ltmp0, $4  }
0x10: {  	[tilespmem:s10+$0x5000] =	vst v0  }
0x11: {  	[tilespmem:s10+$0x5010] =	vst v0  }
0x12: {  	[tilespmem:s10+$0x5020] =	vst v0  }
0x13: {  	s9 =	sadd.s32 $0x100, s9;
	[tilespmem:s10+$0x5030] =	vst v0  }
0x14: {  	s9 =	simm.s32 $0x0  }
.LBB2_4:
0x15: {  	s10 =	sshra.s32 s9, $0x2  }
0x16: {  	v2 =	vld [tilespmem:s10+$0x0];
	_ =	sdelay $0x7  }
0x17: {  	[tilespmem:v2+s7+$0x0] =	vst.idx.add.f32.msk $0xffff, v1  }
0x18: {  	v2 =	vld [tilespmem:s10+$0x10];
	_ =	sdelay $0x7  }
0x19: {  	[tilespmem:v2+s7+$0x0] =	vst.idx.add.f32.msk $0xffff, v1  }
0x1a: {  	v2 =	vld [tilespmem:s10+$0x20];
	_ =	sdelay $0x7  }
0x1b: {  	[tilespmem:v2+s7+$0x0] =	vst.idx.add.f32.msk $0xffff, v1  }
0x1c: {  	v2 =	vld [tilespmem:s10+$0x30];
	_ =	sdelay $0x2  }
0x1d: {  	p0 =	sne.s32 s9, $0x13E00  }
.Ltmp1:
0x1e: {  	_ = 	snop;
	(pc) =	sbr.rel @p0 .LBB2_4-.Ltmp1, $2  }
0x1f: {  	_ =	sdelay $0x2  }
0x20: {  	s9 =	sadd.s32 $0x200, s9;
	[tilespmem:v2+s7+$0x0] =	vst.idx.add.f32.msk $0xffff, v1  }
0x21: {  	s8 =	sadd.s32 $0x1, s8  }
0x22: {  	p0 =	sne.s32 s8, s5  }
.Ltmp2:
0x23: {  	_ = 	snop;
	(pc) =	sbr.rel @p0 .LBB2_1-.Ltmp2, $4  }
0x24: {  	[hbm4b:s4+s2] =	stream.linear.scatter [tilespmem:s7], [sflag:$0x1], $0x2780, $0x38;
	[tilespmem:$0x7780] =	vst v63  }
0x25: {  	_ =	swait.ge [sflag:s6], $0x2780  }
0x26: {  	[sflag:s6] =	ssyncset.done $0x0  }
0x27: {  	[sflag:s6] =	ssyncadd.s32 $0xFFFFD880  }
0x28: {  	_ =	sfence.sel $0x180000  }
0x29: {  	[bflag:$0x0] =	sbarrier.arrive $0xFFFF  }
0x2a: {  	p0 =	sne.s32 s0, $0x0;
	_ =	strace $0x90000047  }
0x2b: {  	s0 =	sadd.s32 @!p0 $0x100000, s1;
	[bflag:$0x2] =	sbarrier.arrive $0xFFFF  }
0x2c: {  	[sflag:s0] =	ssyncadd.tile.s32 @!p0 $0x1;
	_ =	shalt  }
.Lfunc_end2:
_tile_overlayer_lowered:
.L_overlay_start_2:
0x2d: {  	(tag) =	ssettag $0x2  }
0x2e: {  	s0 =	rddreg [dreg:$0x0];
	s2 =	stileid.u32  }
0x2f: {  	s1 =	rddreg [dreg:$0x1];
	p0 =	sne.s32 s2, $0x0  }
0x30: {  	s3 =	rddreg [dreg:$0x2];
	[bflag:$0x3] =	sbarrier.arrive $0xFFFF;
	s2 =	simm.s32 @!p0 $0x1C01  }
0x31: {  	[timem:s3], [sflag:s2] =	dma.local @!p0 [hbm:s0], s1  }
0x32: {  	s0 =	simm.s32 @!p0 $0x1  }
0x33: {  	_ =	swait.ge @!p0 [sflag:s0], s1  }
0x34: {  	s1 =	ssub.s32 @!p0 $0x0, s1;
	[sflag:s0] =	ssyncset.done @!p0 $0x0  }
0x35: {  	[sflag:s0] =	ssyncadd.s32 @!p0 s1  }
0x36: {  	[bflag:$0x3] =	sbarrier.arrive $0xFFFF  }
0x37: {  	_ =	shalt  }

</sc_bundles>
